<compile_context>
chip_gen: v7x
topology: tpu7x:2x2x1
jax: 0.10.2.dev20260603
libtpu: 0.0.44.dev20260713+nightly
codegen_flags: <defaults>
</compile_context>

<pallas_src>
import jax
import jax.numpy as jnp
from jax import lax
from jax.experimental import pallas as pl
from jax.experimental.pallas import tpu as pltpu
from jax.experimental.pallas import tpu_sc as plsc

NC = 2
NS = 16
NW = NC * NS
L = 16

P = 4000


def _sqrt16(x):
    i = lax.bitcast_convert_type(x, jnp.int32)
    i = 0x5F3759DF - lax.shift_right_logical(i, 1)
    y = lax.bitcast_convert_type(i, jnp.float32)
    for _ in range(2):
        y = y * (1.5 - 0.5 * x * y * y)
    return x * y


def _make_body(n_pairs):
    pairs_per_w = n_pairs // NW
    n_chunks = pairs_per_w // P


    def body(tbl_hbm, pairs_hbm, r_hbm, d_hbm,
             a_i, a_j, idx_i0, idx_j0, idx_i1, idx_j1,
             rows_i0, rows_j0, rows_i1, rows_j1,
             out_r0, out_d0,
             sem_i0, sem_j0, sem_i1, sem_j1, sem_out):
        wid = lax.axis_index("s") * NC + lax.axis_index("c")
        w_base = wid * pairs_per_w

        def stage(k, idx_i, idx_j, rows_i, rows_j, sem_i, sem_j):
            base = w_base + k * P
            pltpu.sync_copy(pairs_hbm.at[pl.ds(base, P)], a_i)
            pltpu.sync_copy(pairs_hbm.at[pl.ds(n_pairs + base, P)], a_j)

            def build_idx(v, carry2):
                ai3 = a_i[pl.ds(v * L, L)] * 3
                aj3 = a_j[pl.ds(v * L, L)] * 3
                for c in range(3):
                    idx_i[pl.ds(c * P + v * L, L)] = ai3 + c
                    idx_j[pl.ds(c * P + v * L, L)] = aj3 + c
                return carry2

            lax.fori_loop(0, P // L, build_idx, 0, unroll=4)
            pltpu.async_copy(tbl_hbm.at[idx_i], rows_i, sem_i)
            pltpu.async_copy(tbl_hbm.at[idx_j], rows_j, sem_j)

        def wait_gathers(idx_i, idx_j, rows_i, rows_j, sem_i, sem_j):
            pltpu.make_async_copy(tbl_hbm.at[idx_i], rows_i, sem_i).wait()
            pltpu.make_async_copy(tbl_hbm.at[idx_j], rows_j, sem_j).wait()

        def compute_chunk(k, rows_i, rows_j, out_r, out_d):
            base = w_base + k * P

            def compute(g, carry2):
                o = g * L
                dx = rows_j[pl.ds(o, L)] - rows_i[pl.ds(o, L)]
                dy = rows_j[pl.ds(P + o, L)] - rows_i[pl.ds(P + o, L)]
                dz = rows_j[pl.ds(2 * P + o, L)] - rows_i[pl.ds(2 * P + o, L)]
                out_r[pl.ds(o, L)] = dx
                out_r[pl.ds(P + o, L)] = dy
                out_r[pl.ds(2 * P + o, L)] = dz
                out_d[pl.ds(o, L)] = _sqrt16(dx * dx + dy * dy + dz * dz)
                return carry2

            lax.fori_loop(0, P // L, compute, 0, unroll=4)
            for c in range(3):
                pltpu.sync_copy(out_r.at[pl.ds(c * P, P)],
                                r_hbm.at[pl.ds(c * n_pairs + base, P)])
            pltpu.sync_copy(out_d, d_hbm.at[pl.ds(base, P)])

        ii0, ij0, ri0, rj0, or0, od0, si0, sj0 = (
            idx_i0, idx_j0, rows_i0, rows_j0, out_r0, out_d0, sem_i0, sem_j0)
        ii1, ij1, ri1, rj1, or1, od1, si1, sj1 = (
            idx_i1, idx_j1, rows_i1, rows_j1, out_r0, out_d0, sem_i1, sem_j1)

        stage(0, ii0, ij0, ri0, rj0, si0, sj0)

        def pair_body(m, carry):
            k0 = 2 * m
            stage(k0 + 1, ii1, ij1, ri1, rj1, si1, sj1)
            wait_gathers(ii0, ij0, ri0, rj0, si0, sj0)
            compute_chunk(k0, ri0, rj0, or0, od0)
            nxt = jnp.where(k0 + 2 < n_chunks, k0 + 2, k0)
            stage(nxt, ii0, ij0, ri0, rj0, si0, sj0)
            wait_gathers(ii1, ij1, ri1, rj1, si1, sj1)
            compute_chunk(k0 + 1, ri1, rj1, or1, od1)
            return carry

        lax.fori_loop(0, n_chunks // 2, pair_body, 0, unroll=False)
        wait_gathers(ii0, ij0, ri0, rj0, si0, sj0)
        if n_chunks % 2 == 1:
            compute_chunk(n_chunks - 1, ri0, rj0, or0, od0)

    return body


@jax.jit
def kernel(positions, pair_indices):
    n_pairs = pair_indices.shape[1]
    tbl = positions.reshape(-1)
    pairs_flat = pair_indices.reshape(-1)

    body = _make_body(n_pairs)
    run = pl.kernel(
        body,
        out_type=(
            jax.ShapeDtypeStruct((3 * n_pairs,), jnp.float32),
            jax.ShapeDtypeStruct((n_pairs,), jnp.float32),
        ),
        mesh=plsc.VectorSubcoreMesh(core_axis_name="c", subcore_axis_name="s",
                                    num_cores=NC, num_subcores=NS),
        scratch_types=(
            pltpu.VMEM((P,), jnp.int32),
            pltpu.VMEM((P,), jnp.int32),
            pltpu.VMEM((P * 3,), jnp.int32),
            pltpu.VMEM((P * 3,), jnp.int32),
            pltpu.VMEM((P * 3,), jnp.int32),
            pltpu.VMEM((P * 3,), jnp.int32),
            pltpu.VMEM((P * 3,), jnp.float32),
            pltpu.VMEM((P * 3,), jnp.float32),
            pltpu.VMEM((P * 3,), jnp.float32),
            pltpu.VMEM((P * 3,), jnp.float32),
            pltpu.VMEM((P * 3,), jnp.float32),
            pltpu.VMEM((P,), jnp.float32),
            pltpu.SemaphoreType.DMA,
            pltpu.SemaphoreType.DMA,
            pltpu.SemaphoreType.DMA,
            pltpu.SemaphoreType.DMA,
            pltpu.SemaphoreType.DMA,
        ),
        compiler_params=pltpu.CompilerParams(use_tc_tiling_on_sc=False),
    )
    r_planes, d_flat = run(tbl, pairs_flat)
    r_ij = jnp.stack([r_planes[0:n_pairs],
                      r_planes[n_pairs:2 * n_pairs],
                      r_planes[2 * n_pairs:3 * n_pairs]], axis=1)
    return (d_flat.reshape(n_pairs, 1), r_ij)

# --- scband reference (transcript-rebuilt; emitter-appended) ---
"""Pipeline reference for scband-base-nnp-79405355369112 (READ-ONLY COPY).

The authoritative reference and input builder live on the scoring server;
editing this copy changes nothing except your own understanding.
"""

import jax, jax.numpy as jnp
import numpy as np

N_ATOMS = 100000
N_PAIRS = 3200000


def setup_inputs(seed: int = 0) -> dict:
    key = jax.random.key(seed)
    k1, k2 = jax.random.split(key)
    positions = jax.random.normal(k1, (N_ATOMS, 3), dtype=jnp.float32)
    pair_indices = jax.random.randint(k2, (2, N_PAIRS), 0, N_ATOMS, dtype=jnp.int32)
    return {"positions": positions, "pair_indices": pair_indices}


def reference(positions, pair_indices):
    # Faithful translation of Pairlist.calculate_r_ij + calculate_d_ij:
    #   selected = positions.index_select(0, pair_indices.view(-1)).view(2, -1, 3)
    #   r_ij = selected[1] - selected[0]
    #   d_ij = r_ij.norm(2, -1).unsqueeze(-1)
    selected_positions = jnp.take(positions, pair_indices.reshape(-1), axis=0).reshape(2, -1, 3)
    r_ij = selected_positions[1] - selected_positions[0]
    d_ij = jnp.sqrt(jnp.sum(r_ij * r_ij, axis=-1, keepdims=True))
    return (d_ij, r_ij)

if __name__ == "__main__":
    import jax
    _d = setup_inputs()
    print(jax.jit(kernel)(*tuple(_d.values())))

</pallas_src>

<mosaic_0001>
#map = affine_map<(d0, d1) -> (0)>
module attributes {stable_mosaic.version = 14 : i64} {
  func.func @body(%arg0: i32, %arg1: i32, %arg2: memref<300000xf32, #tpu.memory_space<hbm>>, %arg3: memref<6400000xi32, #tpu.memory_space<hbm>>, %arg4: memref<9600000xf32, #tpu.memory_space<hbm>>, %arg5: memref<3200000xf32, #tpu.memory_space<hbm>>, %arg6: memref<4000xi32, #tpu.memory_space<vmem>>, %arg7: memref<4000xi32, #tpu.memory_space<vmem>>, %arg8: memref<12000xi32, #tpu.memory_space<vmem>>, %arg9: memref<12000xi32, #tpu.memory_space<vmem>>, %arg10: memref<12000xi32, #tpu.memory_space<vmem>>, %arg11: memref<12000xi32, #tpu.memory_space<vmem>>, %arg12: memref<12000xf32, #tpu.memory_space<vmem>>, %arg13: memref<12000xf32, #tpu.memory_space<vmem>>, %arg14: memref<12000xf32, #tpu.memory_space<vmem>>, %arg15: memref<12000xf32, #tpu.memory_space<vmem>>, %arg16: memref<12000xf32, #tpu.memory_space<vmem>>, %arg17: memref<4000xf32, #tpu.memory_space<vmem>>, %arg18: memref<!tpu.dma_semaphore, #tpu.memory_space<semaphore_mem>>, %arg19: memref<!tpu.dma_semaphore, #tpu.memory_space<semaphore_mem>>, %arg20: memref<!tpu.dma_semaphore, #tpu.memory_space<semaphore_mem>>, %arg21: memref<!tpu.dma_semaphore, #tpu.memory_space<semaphore_mem>>, %arg22: memref<!tpu.dma_semaphore, #tpu.memory_space<semaphore_mem>>) attributes {dimension_semantics = [#tpu.dimension_semantics<core_parallel>, #tpu.dimension_semantics<subcore_parallel>], iteration_bounds = array<i64: 2, 16>, scalar_prefetch = 0 : i64, scratch_operands = 17 : i64, tpu.core_type = #tpu.core_type<sc_vector_subcore>, window_params = [{transform_indices = #map}, {transform_indices = #map}, {transform_indices = #map}, {transform_indices = #map}]} {
    %mul3A = arith.constant 2 : i32
    %mul3A_0 = arith.muli %arg1, %mul3A : i32
    %add3A = arith.addi %mul3A_0, %arg0 : i32
    %mul3A_1 = arith.constant 100000 : i32
    %mul3A_2 = arith.muli %add3A, %mul3A_1 : i32
    %add3A_3 = arith.constant 0 : i32
    %add3A_4 = arith.addi %mul3A_2, %add3A_3 : i32
    "tpu.region"() ({
      %run_scoped3A = tpu.sem_alloc : memref<!tpu.dma_semaphore, #tpu.memory_space<semaphore_mem>>
      %dma_start3A_371 = tpu.memref_slice %arg3[%add3A_4] : memref<6400000xi32, #tpu.memory_space<hbm>> -> memref<4000xi32, #tpu.memory_space<hbm>>
      %dma_start3A_372 = tpu.memref_slice %arg3[%add3A_4] : memref<6400000xi32, #tpu.memory_space<hbm>> -> memref<4000xi32, #tpu.memory_space<hbm>>
      tpu.enqueue_dma source(%dma_start3A_372 : memref<4000xi32, #tpu.memory_space<hbm>>) target(%arg6 : memref<4000xi32, #tpu.memory_space<vmem>>) target_semaphore(%run_scoped3A : memref<!tpu.dma_semaphore, #tpu.memory_space<semaphore_mem>>)
      %dma_wait3A_373 = tpu.memref_slice %arg3[%add3A_4] : memref<6400000xi32, #tpu.memory_space<hbm>> -> memref<4000xi32, #tpu.memory_space<hbm>>
      %dma_wait3A_374 = tpu.memref_slice %arg3[%add3A_4] : memref<6400000xi32, #tpu.memory_space<hbm>> -> memref<4000xi32, #tpu.memory_space<hbm>>
      tpu.wait_dma2 semaphore(%run_scoped3A : memref<!tpu.dma_semaphore, #tpu.memory_space<semaphore_mem>>) src(%dma_wait3A_374 : memref<4000xi32, #tpu.memory_space<hbm>>) dst(%arg6 : memref<4000xi32, #tpu.memory_space<vmem>>)
      tpu.yield
    }) : () -> ()
    %add3A_5 = arith.constant 3200000 : i32
    %add3A_6 = arith.addi %add3A_5, %add3A_4 : i32
    "tpu.region"() ({
      %run_scoped3A = tpu.sem_alloc : memref<!tpu.dma_semaphore, #tpu.memory_space<semaphore_mem>>
      %dma_start3A_371 = tpu.memref_slice %arg3[%add3A_6] : memref<6400000xi32, #tpu.memory_space<hbm>> -> memref<4000xi32, #tpu.memory_space<hbm>>
      %dma_start3A_372 = tpu.memref_slice %arg3[%add3A_6] : memref<6400000xi32, #tpu.memory_space<hbm>> -> memref<4000xi32, #tpu.memory_space<hbm>>
      tpu.enqueue_dma source(%dma_start3A_372 : memref<4000xi32, #tpu.memory_space<hbm>>) target(%arg7 : memref<4000xi32, #tpu.memory_space<vmem>>) target_semaphore(%run_scoped3A : memref<!tpu.dma_semaphore, #tpu.memory_space<semaphore_mem>>)
      %dma_wait3A_373 = tpu.memref_slice %arg3[%add3A_6] : memref<6400000xi32, #tpu.memory_space<hbm>> -> memref<4000xi32, #tpu.memory_space<hbm>>
      %dma_wait3A_374 = tpu.memref_slice %arg3[%add3A_6] : memref<6400000xi32, #tpu.memory_space<hbm>> -> memref<4000xi32, #tpu.memory_space<hbm>>
      tpu.wait_dma2 semaphore(%run_scoped3A : memref<!tpu.dma_semaphore, #tpu.memory_space<semaphore_mem>>) src(%dma_wait3A_374 : memref<4000xi32, #tpu.memory_space<hbm>>) dst(%arg7 : memref<4000xi32, #tpu.memory_space<vmem>>)
      tpu.yield
    }) : () -> ()
    %scan3A = arith.constant 0 : i32
    %scan3A_7 = arith.constant 0 : i32
    %scan3A_8 = arith.constant 248 : i32
    %scan3A_9 = arith.addi %scan3A_7, %scan3A_8 : i32
    %scan3A_10 = arith.constant 4 : i32
    scf.for %scan3A_371 = %scan3A_7 to %scan3A_9 step %scan3A_10  : i32 {
      %mul3A_372 = arith.constant 16 : i32
      %mul3A_373 = arith.muli %scan3A_371, %mul3A_372 : i32
      %get3A_374 = arith.index_cast %mul3A_373 : i32 to index
      %get3A_375 = tpu.vector_load %arg6[%get3A_374] {strides = array<i32>} : memref<4000xi32, #tpu.memory_space<vmem>>, vector<16xi32>,
      %get3A_376 = vector.shape_cast %get3A_375 : vector<16xi32> to vector<16xi32>
      %mul3A_377 = arith.constant 3 : i32
      %mul3A_378 = vector.broadcast %mul3A_377 : i32 to vector<16xi32>
      %mul3A_379 = arith.muli %get3A_376, %mul3A_378 : vector<16xi32>
      %mul3A_380 = arith.constant 16 : i32
      %mul3A_381 = arith.muli %scan3A_371, %mul3A_380 : i32
      %get3A_382 = arith.index_cast %mul3A_381 : i32 to index
      %get3A_383 = tpu.vector_load %arg7[%get3A_382] {strides = array<i32>} : memref<4000xi32, #tpu.memory_space<vmem>>, vector<16xi32>,
      %get3A_384 = vector.shape_cast %get3A_383 : vector<16xi32> to vector<16xi32>
      %mul3A_385 = arith.constant 3 : i32
      %mul3A_386 = vector.broadcast %mul3A_385 : i32 to vector<16xi32>
      %mul3A_387 = arith.muli %get3A_384, %mul3A_386 : vector<16xi32>
      %add3A_388 = arith.constant 0 : i32
      %add3A_389 = vector.broadcast %add3A_388 : i32 to vector<16xi32>
      %add3A_390 = arith.addi %mul3A_379, %add3A_389 : vector<16xi32>
      %mul3A_391 = arith.constant 16 : i32
      %mul3A_392 = arith.muli %scan3A_371, %mul3A_391 : i32
      %add3A_393 = arith.constant 0 : i32
      %add3A_394 = arith.addi %add3A_393, %mul3A_392 : i32
      %swap3A_395 = arith.index_cast %add3A_394 : i32 to index
      %swap3A_396 = tpu.vector_load %arg8[%swap3A_395] {strides = array<i32>} : memref<12000xi32, #tpu.memory_space<vmem>>, vector<16xi32>,
      %swap3A_397 = vector.shape_cast %swap3A_396 : vector<16xi32> to vector<16xi32>
      %swap3A_398 = vector.shape_cast %add3A_390 : vector<16xi32> to vector<16xi32>
      tpu.vector_store %arg8[%swap3A_395], %swap3A_398 {strides = array<i32>} : memref<12000xi32, #tpu.memory_space<vmem>>, vector<16xi32>,
      %add3A_399 = arith.constant 0 : i32
      %add3A_400 = vector.broadcast %add3A_399 : i32 to vector<16xi32>
      %add3A_401 = arith.addi %mul3A_387, %add3A_400 : vector<16xi32>
      %mul3A_402 = arith.constant 16 : i32
      %mul3A_403 = arith.muli %scan3A_371, %mul3A_402 : i32
      %add3A_404 = arith.constant 0 : i32
      %add3A_405 = arith.addi %add3A_404, %mul3A_403 : i32
      %swap3A_406 = arith.index_cast %add3A_405 : i32 to index
      %swap3A_407 = tpu.vector_load %arg9[%swap3A_406] {strides = array<i32>} : memref<12000xi32, #tpu.memory_space<vmem>>, vector<16xi32>,
      %swap3A_408 = vector.shape_cast %swap3A_407 : vector<16xi32> to vector<16xi32>
      %swap3A_409 = vector.shape_cast %add3A_401 : vector<16xi32> to vector<16xi32>
      tpu.vector_store %arg9[%swap3A_406], %swap3A_409 {strides = array<i32>} : memref<12000xi32, #tpu.memory_space<vmem>>, vector<16xi32>,
      %add3A_410 = arith.constant 1 : i32
      %add3A_411 = vector.broadcast %add3A_410 : i32 to vector<16xi32>
      %add3A_412 = arith.addi %mul3A_379, %add3A_411 : vector<16xi32>
      %mul3A_413 = arith.constant 16 : i32
      %mul3A_414 = arith.muli %scan3A_371, %mul3A_413 : i32
      %add3A_415 = arith.constant 4000 : i32
      %add3A_416 = arith.addi %add3A_415, %mul3A_414 : i32
      %swap3A_417 = arith.index_cast %add3A_416 : i32 to index
      %swap3A_418 = tpu.vector_load %arg8[%swap3A_417] {strides = array<i32>} : memref<12000xi32, #tpu.memory_space<vmem>>, vector<16xi32>,
      %swap3A_419 = vector.shape_cast %swap3A_418 : vector<16xi32> to vector<16xi32>
      %swap3A_420 = vector.shape_cast %add3A_412 : vector<16xi32> to vector<16xi32>
      tpu.vector_store %arg8[%swap3A_417], %swap3A_420 {strides = array<i32>} : memref<12000xi32, #tpu.memory_space<vmem>>, vector<16xi32>,
      %add3A_421 = arith.constant 1 : i32
      %add3A_422 = vector.broadcast %add3A_421 : i32 to vector<16xi32>
      %add3A_423 = arith.addi %mul3A_387, %add3A_422 : vector<16xi32>
      %mul3A_424 = arith.constant 16 : i32
      %mul3A_425 = arith.muli %scan3A_371, %mul3A_424 : i32
      %add3A_426 = arith.constant 4000 : i32
      %add3A_427 = arith.addi %add3A_426, %mul3A_425 : i32
      %swap3A_428 = arith.index_cast %add3A_427 : i32 to index
      %swap3A_429 = tpu.vector_load %arg9[%swap3A_428] {strides = array<i32>} : memref<12000xi32, #tpu.memory_space<vmem>>, vector<16xi32>,
      %swap3A_430 = vector.shape_cast %swap3A_429 : vector<16xi32> to vector<16xi32>
      %swap3A_431 = vector.shape_cast %add3A_423 : vector<16xi32> to vector<16xi32>
      tpu.vector_store %arg9[%swap3A_428], %swap3A_431 {strides = array<i32>} : memref<12000xi32, #tpu.memory_space<vmem>>, vector<16xi32>,
      %add3A_432 = arith.constant 2 : i32
      %add3A_433 = vector.broadcast %add3A_432 : i32 to vector<16xi32>
      %add3A_434 = arith.addi %mul3A_379, %add3A_433 : vector<16xi32>
      %mul3A_435 = arith.constant 16 : i32
      %mul3A_436 = arith.muli %scan3A_371, %mul3A_435 : i32
      %add3A_437 = arith.constant 8000 : i32
      %add3A_438 = arith.addi %add3A_437, %mul3A_436 : i32
      %swap3A_439 = arith.index_cast %add3A_438 : i32 to index
      %swap3A_440 = tpu.vector_load %arg8[%swap3A_439] {strides = array<i32>} : memref<12000xi32, #tpu.memory_space<vmem>>, vector<16xi32>,
      %swap3A_441 = vector.shape_cast %swap3A_440 : vector<16xi32> to vector<16xi32>
      %swap3A_442 = vector.shape_cast %add3A_434 : vector<16xi32> to vector<16xi32>
      tpu.vector_store %arg8[%swap3A_439], %swap3A_442 {strides = array<i32>} : memref<12000xi32, #tpu.memory_space<vmem>>, vector<16xi32>,
      %add3A_443 = arith.constant 2 : i32
      %add3A_444 = vector.broadcast %add3A_443 : i32 to vector<16xi32>
      %add3A_445 = arith.addi %mul3A_387, %add3A_444 : vector<16xi32>
      %mul3A_446 = arith.constant 16 : i32
      %mul3A_447 = arith.muli %scan3A_371, %mul3A_446 : i32
      %add3A_448 = arith.constant 8000 : i32
      %add3A_449 = arith.addi %add3A_448, %mul3A_447 : i32
      %swap3A_450 = arith.index_cast %add3A_449 : i32 to index
      %swap3A_451 = tpu.vector_load %arg9[%swap3A_450] {strides = array<i32>} : memref<12000xi32, #tpu.memory_space<vmem>>, vector<16xi32>,
      %swap3A_452 = vector.shape_cast %swap3A_451 : vector<16xi32> to vector<16xi32>
      %swap3A_453 = vector.shape_cast %add3A_445 : vector<16xi32> to vector<16xi32>
      tpu.vector_store %arg9[%swap3A_450], %swap3A_453 {strides = array<i32>} : memref<12000xi32, #tpu.memory_space<vmem>>, vector<16xi32>,
      %scan3A_454 = arith.constant 1 : i32
      %scan3A_455 = arith.addi %scan3A_371, %scan3A_454 : i32
      %mul3A_456 = arith.constant 16 : i32
      %mul3A_457 = arith.muli %scan3A_455, %mul3A_456 : i32
      %get3A_458 = arith.index_cast %mul3A_457 : i32 to index
      %get3A_459 = tpu.vector_load %arg6[%get3A_458] {strides = array<i32>} : memref<4000xi32, #tpu.memory_space<vmem>>, vector<16xi32>,
      %get3A_460 = vector.shape_cast %get3A_459 : vector<16xi32> to vector<16xi32>
      %mul3A_461 = arith.constant 3 : i32
      %mul3A_462 = vector.broadcast %mul3A_461 : i32 to vector<16xi32>
      %mul3A_463 = arith.muli %get3A_460, %mul3A_462 : vector<16xi32>
      %mul3A_464 = arith.constant 16 : i32
      %mul3A_465 = arith.muli %scan3A_455, %mul3A_464 : i32
      %get3A_466 = arith.index_cast %mul3A_465 : i32 to index
      %get3A_467 = tpu.vector_load %arg7[%get3A_466] {strides = array<i32>} : memref<4000xi32, #tpu.memory_space<vmem>>, vector<16xi32>,
      %get3A_468 = vector.shape_cast %get3A_467 : vector<16xi32> to vector<16xi32>
      %mul3A_469 = arith.constant 3 : i32
      %mul3A_470 = vector.broadcast %mul3A_469 : i32 to vector<16xi32>
      %mul3A_471 = arith.muli %get3A_468, %mul3A_470 : vector<16xi32>
      %add3A_472 = arith.constant 0 : i32
      %add3A_473 = vector.broadcast %add3A_472 : i32 to vector<16xi32>
      %add3A_474 = arith.addi %mul3A_463, %add3A_473 : vector<16xi32>
      %mul3A_475 = arith.constant 16 : i32
      %mul3A_476 = arith.muli %scan3A_455, %mul3A_475 : i32
      %add3A_477 = arith.constant 0 : i32
      %add3A_478 = arith.addi %add3A_477, %mul3A_476 : i32
      %swap3A_479 = arith.index_cast %add3A_478 : i32 to index
      %swap3A_480 = tpu.vector_load %arg8[%swap3A_479] {strides = array<i32>} : memref<12000xi32, #tpu.memory_space<vmem>>, vector<16xi32>,
      %swap3A_481 = vector.shape_cast %swap3A_480 : vector<16xi32> to vector<16xi32>
      %swap3A_482 = vector.shape_cast %add3A_474 : vector<16xi32> to vector<16xi32>
      tpu.vector_store %arg8[%swap3A_479], %swap3A_482 {strides = array<i32>} : memref<12000xi32, #tpu.memory_space<vmem>>, vector<16xi32>,
      %add3A_483 = arith.constant 0 : i32
      %add3A_484 = vector.broadcast %add3A_483 : i32 to vector<16xi32>
      %add3A_485 = arith.addi %mul3A_471, %add3A_484 : vector<16xi32>
      %mul3A_486 = arith.constant 16 : i32
      %mul3A_487 = arith.muli %scan3A_455, %mul3A_486 : i32
      %add3A_488 = arith.constant 0 : i32
      %add3A_489 = arith.addi %add3A_488, %mul3A_487 : i32
      %swap3A_490 = arith.index_cast %add3A_489 : i32 to index
      %swap3A_491 = tpu.vector_load %arg9[%swap3A_490] {strides = array<i32>} : memref<12000xi32, #tpu.memory_space<vmem>>, vector<16xi32>,
      %swap3A_492 = vector.shape_cast %swap3A_491 : vector<16xi32> to vector<16xi32>
      %swap3A_493 = vector.shape_cast %add3A_485 : vector<16xi32> to vector<16xi32>
      tpu.vector_store %arg9[%swap3A_490], %swap3A_493 {strides = array<i32>} : memref<12000xi32, #tpu.memory_space<vmem>>, vector<16xi32>,
      %add3A_494 = arith.constant 1 : i32
      %add3A_495 = vector.broadcast %add3A_494 : i32 to vector<16xi32>
      %add3A_496 = arith.addi %mul3A_463, %add3A_495 : vector<16xi32>
      %mul3A_497 = arith.constant 16 : i32
      %mul3A_498 = arith.muli %scan3A_455, %mul3A_497 : i32
      %add3A_499 = arith.constant 4000 : i32
      %add3A_500 = arith.addi %add3A_499, %mul3A_498 : i32
      %swap3A_501 = arith.index_cast %add3A_500 : i32 to index
      %swap3A_502 = tpu.vector_load %arg8[%swap3A_501] {strides = array<i32>} : memref<12000xi32, #tpu.memory_space<vmem>>, vector<16xi32>,
      %swap3A_503 = vector.shape_cast %swap3A_502 : vector<16xi32> to vector<16xi32>
      %swap3A_504 = vector.shape_cast %add3A_496 : vector<16xi32> to vector<16xi32>
      tpu.vector_store %arg8[%swap3A_501], %swap3A_504 {strides = array<i32>} : memref<12000xi32, #tpu.memory_space<vmem>>, vector<16xi32>,
      %add3A_505 = arith.constant 1 : i32
      %add3A_506 = vector.broadcast %add3A_505 : i32 to vector<16xi32>
      %add3A_507 = arith.addi %mul3A_471, %add3A_506 : vector<16xi32>
      %mul3A_508 = arith.constant 16 : i32
      %mul3A_509 = arith.muli %scan3A_455, %mul3A_508 : i32
      %add3A_510 = arith.constant 4000 : i32
      %add3A_511 = arith.addi %add3A_510, %mul3A_509 : i32
      %swap3A_512 = arith.index_cast %add3A_511 : i32 to index
      %swap3A_513 = tpu.vector_load %arg9[%swap3A_512] {strides = array<i32>} : memref<12000xi32, #tpu.memory_space<vmem>>, vector<16xi32>,
      %swap3A_514 = vector.shape_cast %swap3A_513 : vector<16xi32> to vector<16xi32>
      %swap3A_515 = vector.shape_cast %add3A_507 : vector<16xi32> to vector<16xi32>
      tpu.vector_store %arg9[%swap3A_512], %swap3A_515 {strides = array<i32>} : memref<12000xi32, #tpu.memory_space<vmem>>, vector<16xi32>,
      %add3A_516 = arith.constant 2 : i32
      %add3A_517 = vector.broadcast %add3A_516 : i32 to vector<16xi32>
      %add3A_518 = arith.addi %mul3A_463, %add3A_517 : vector<16xi32>
      %mul3A_519 = arith.constant 16 : i32
      %mul3A_520 = arith.muli %scan3A_455, %mul3A_519 : i32
      %add3A_521 = arith.constant 8000 : i32
      %add3A_522 = arith.addi %add3A_521, %mul3A_520 : i32
      %swap3A_523 = arith.index_cast %add3A_522 : i32 to index
      %swap3A_524 = tpu.vector_load %arg8[%swap3A_523] {strides = array<i32>} : memref<12000xi32, #tpu.memory_space<vmem>>, vector<16xi32>,
      %swap3A_525 = vector.shape_cast %swap3A_524 : vector<16xi32> to vector<16xi32>
      %swap3A_526 = vector.shape_cast %add3A_518 : vector<16xi32> to vector<16xi32>
      tpu.vector_store %arg8[%swap3A_523], %swap3A_526 {strides = array<i32>} : memref<12000xi32, #tpu.memory_space<vmem>>, vector<16xi32>,
      %add3A_527 = arith.constant 2 : i32
      %add3A_528 = vector.broadcast %add3A_527 : i32 to vector<16xi32>
      %add3A_529 = arith.addi %mul3A_471, %add3A_528 : vector<16xi32>
      %mul3A_530 = arith.constant 16 : i32
      %mul3A_531 = arith.muli %scan3A_455, %mul3A_530 : i32
      %add3A_532 = arith.constant 8000 : i32
      %add3A_533 = arith.addi %add3A_532, %mul3A_531 : i32
      %swap3A_534 = arith.index_cast %add3A_533 : i32 to index
      %swap3A_535 = tpu.vector_load %arg9[%swap3A_534] {strides = array<i32>} : memref<12000xi32, #tpu.memory_space<vmem>>, vector<16xi32>,
      %swap3A_536 = vector.shape_cast %swap3A_535 : vector<16xi32> to vector<16xi32>
      %swap3A_537 = vector.shape_cast %add3A_529 : vector<16xi32> to vector<16xi32>
      tpu.vector_store %arg9[%swap3A_534], %swap3A_537 {strides = array<i32>} : memref<12000xi32, #tpu.memory_space<vmem>>, vector<16xi32>,
      %scan3A_538 = arith.constant 2 : i32
      %scan3A_539 = arith.addi %scan3A_371, %scan3A_538 : i32
      %mul3A_540 = arith.constant 16 : i32
      %mul3A_541 = arith.muli %scan3A_539, %mul3A_540 : i32
      %get3A_542 = arith.index_cast %mul3A_541 : i32 to index
      %get3A_543 = tpu.vector_load %arg6[%get3A_542] {strides = array<i32>} : memref<4000xi32, #tpu.memory_space<vmem>>, vector<16xi32>,
      %get3A_544 = vector.shape_cast %get3A_543 : vector<16xi32> to vector<16xi32>
      %mul3A_545 = arith.constant 3 : i32
      %mul3A_546 = vector.broadcast %mul3A_545 : i32 to vector<16xi32>
      %mul3A_547 = arith.muli %get3A_544, %mul3A_546 : vector<16xi32>
      %mul3A_548 = arith.constant 16 : i32
      %mul3A_549 = arith.muli %scan3A_539, %mul3A_548 : i32
      %get3A_550 = arith.index_cast %mul3A_549 : i32 to index
      %get3A_551 = tpu.vector_load %arg7[%get3A_550] {strides = array<i32>} : memref<4000xi32, #tpu.memory_space<vmem>>, vector<16xi32>,
      %get3A_552 = vector.shape_cast %get3A_551 : vector<16xi32> to vector<16xi32>
      %mul3A_553 = arith.constant 3 : i32
      %mul3A_554 = vector.broadcast %mul3A_553 : i32 to vector<16xi32>
      %mul3A_555 = arith.muli %get3A_552, %mul3A_554 : vector<16xi32>
      %add3A_556 = arith.constant 0 : i32
      %add3A_557 = vector.broadcast %add3A_556 : i32 to vector<16xi32>
      %add3A_558 = arith.addi %mul3A_547, %add3A_557 : vector<16xi32>
      %mul3A_559 = arith.constant 16 : i32
      %mul3A_560 = arith.muli %scan3A_539, %mul3A_559 : i32
      %add3A_561 = arith.constant 0 : i32
      %add3A_562 = arith.addi %add3A_561, %mul3A_560 : i32
      %swap3A_563 = arith.index_cast %add3A_562 : i32 to index
      %swap3A_564 = tpu.vector_load %arg8[%swap3A_563] {strides = array<i32>} : memref<12000xi32, #tpu.memory_space<vmem>>, vector<16xi32>,
      %swap3A_565 = vector.shape_cast %swap3A_564 : vector<16xi32> to vector<16xi32>
      %swap3A_566 = vector.shape_cast %add3A_558 : vector<16xi32> to vector<16xi32>
      tpu.vector_store %arg8[%swap3A_563], %swap3A_566 {strides = array<i32>} : memref<12000xi32, #tpu.memory_space<vmem>>, vector<16xi32>,
      %add3A_567 = arith.constant 0 : i32
      %add3A_568 = vector.broadcast %add3A_567 : i32 to vector<16xi32>
      %add3A_569 = arith.addi %mul3A_555, %add3A_568 : vector<16xi32>
      %mul3A_570 = arith.constant 16 : i32
      %mul3A_571 = arith.muli %scan3A_539, %mul3A_570 : i32
      %add3A_572 = arith.constant 0 : i32
      %add3A_573 = arith.addi %add3A_572, %mul3A_571 : i32
      %swap3A_574 = arith.index_cast %add3A_573 : i32 to index
      %swap3A_575 = tpu.vector_load %arg9[%swap3A_574] {strides = array<i32>} : memref<12000xi32, #tpu.memory_space<vmem>>, vector<16xi32>,
      %swap3A_576 = vector.shape_cast %swap3A_575 : vector<16xi32> to vector<16xi32>
      %swap3A_577 = vector.shape_cast %add3A_569 : vector<16xi32> to vector<16xi32>
      tpu.vector_store %arg9[%swap3A_574], %swap3A_577 {strides = array<i32>} : memref<12000xi32, #tpu.memory_space<vmem>>, vector<16xi32>,
      %add3A_578 = arith.constant 1 : i32
      %add3A_579 = vector.broadcast %add3A_578 : i32 to vector<16xi32>
      %add3A_580 = arith.addi %mul3A_547, %add3A_579 : vector<16xi32>
      %mul3A_581 = arith.constant 16 : i32
      %mul3A_582 = arith.muli %scan3A_539, %mul3A_581 : i32
      %add3A_583 = arith.constant 4000 : i32
      %add3A_584 = arith.addi %add3A_583, %mul3A_582 : i32
      %swap3A_585 = arith.index_cast %add3A_584 : i32 to index
      %swap3A_586 = tpu.vector_load %arg8[%swap3A_585] {strides = array<i32>} : memref<12000xi32, #tpu.memory_space<vmem>>, vector<16xi32>,
      %swap3A_587 = vector.shape_cast %swap3A_586 : vector<16xi32> to vector<16xi32>
      %swap3A_588 = vector.shape_cast %add3A_580 : vector<16xi32> to vector<16xi32>
      tpu.vector_store %arg8[%swap3A_585], %swap3A_588 {strides = array<i32>} : memref<12000xi32, #tpu.memory_space<vmem>>, vector<16xi32>,
      %add3A_589 = arith.constant 1 : i32
      %add3A_590 = vector.broadcast %add3A_589 : i32 to vector<16xi32>
      %add3A_591 = arith.addi %mul3A_555, %add3A_590 : vector<16xi32>
      %mul3A_592 = arith.constant 16 : i32
      %mul3A_593 = arith.muli %scan3A_539, %mul3A_592 : i32
      %add3A_594 = arith.constant 4000 : i32
      %add3A_595 = arith.addi %add3A_594, %mul3A_593 : i32
      %swap3A_596 = arith.index_cast %add3A_595 : i32 to index
      %swap3A_597 = tpu.vector_load %arg9[%swap3A_596] {strides = array<i32>} : memref<12000xi32, #tpu.memory_space<vmem>>, vector<16xi32>,
      %swap3A_598 = vector.shape_cast %swap3A_597 : vector<16xi32> to vector<16xi32>
      %swap3A_599 = vector.shape_cast %add3A_591 : vector<16xi32> to vector<16xi32>
      tpu.vector_store %arg9[%swap3A_596], %swap3A_599 {strides = array<i32>} : memref<12000xi32, #tpu.memory_space<vmem>>, vector<16xi32>,
      %add3A_600 = arith.constant 2 : i32
      %add3A_601 = vector.broadcast %add3A_600 : i32 to vector<16xi32>
      %add3A_602 = arith.addi %mul3A_547, %add3A_601 : vector<16xi32>
      %mul3A_603 = arith.constant 16 : i32
      %mul3A_604 = arith.muli %scan3A_539, %mul3A_603 : i32
      %add3A_605 = arith.constant 8000 : i32
      %add3A_606 = arith.addi %add3A_605, %mul3A_604 : i32
      %swap3A_607 = arith.index_cast %add3A_606 : i32 to index
      %swap3A_608 = tpu.vector_load %arg8[%swap3A_607] {strides = array<i32>} : memref<12000xi32, #tpu.memory_space<vmem>>, vector<16xi32>,
      %swap3A_609 = vector.shape_cast %swap3A_608 : vector<16xi32> to vector<16xi32>
      %swap3A_610 = vector.shape_cast %add3A_602 : vector<16xi32> to vector<16xi32>
      tpu.vector_store %arg8[%swap3A_607], %swap3A_610 {strides = array<i32>} : memref<12000xi32, #tpu.memory_space<vmem>>, vector<16xi32>,
      %add3A_611 = arith.constant 2 : i32
      %add3A_612 = vector.broadcast %add3A_611 : i32 to vector<16xi32>
      %add3A_613 = arith.addi %mul3A_555, %add3A_612 : vector<16xi32>
      %mul3A_614 = arith.constant 16 : i32
      %mul3A_615 = arith.muli %scan3A_539, %mul3A_614 : i32
      %add3A_616 = arith.constant 8000 : i32
      %add3A_617 = arith.addi %add3A_616, %mul3A_615 : i32
      %swap3A_618 = arith.index_cast %add3A_617 : i32 to index
      %swap3A_619 = tpu.vector_load %arg9[%swap3A_618] {strides = array<i32>} : memref<12000xi32, #tpu.memory_space<vmem>>, vector<16xi32>,
      %swap3A_620 = vector.shape_cast %swap3A_619 : vector<16xi32> to vector<16xi32>
      %swap3A_621 = vector.shape_cast %add3A_613 : vector<16xi32> to vector<16xi32>
      tpu.vector_store %arg9[%swap3A_618], %swap3A_621 {strides = array<i32>} : memref<12000xi32, #tpu.memory_space<vmem>>, vector<16xi32>,
      %scan3A_622 = arith.constant 3 : i32
      %scan3A_623 = arith.addi %scan3A_371, %scan3A_622 : i32
      %mul3A_624 = arith.constant 16 : i32
      %mul3A_625 = arith.muli %scan3A_623, %mul3A_624 : i32
      %get3A_626 = arith.index_cast %mul3A_625 : i32 to index
      %get3A_627 = tpu.vector_load %arg6[%get3A_626] {strides = array<i32>} : memref<4000xi32, #tpu.memory_space<vmem>>, vector<16xi32>,
      %get3A_628 = vector.shape_cast %get3A_627 : vector<16xi32> to vector<16xi32>
      %mul3A_629 = arith.constant 3 : i32
      %mul3A_630 = vector.broadcast %mul3A_629 : i32 to vector<16xi32>
      %mul3A_631 = arith.muli %get3A_628, %mul3A_630 : vector<16xi32>
      %mul3A_632 = arith.constant 16 : i32
      %mul3A_633 = arith.muli %scan3A_623, %mul3A_632 : i32
      %get3A_634 = arith.index_cast %mul3A_633 : i32 to index
      %get3A_635 = tpu.vector_load %arg7[%get3A_634] {strides = array<i32>} : memref<4000xi32, #tpu.memory_space<vmem>>, vector<16xi32>,
      %get3A_636 = vector.shape_cast %get3A_635 : vector<16xi32> to vector<16xi32>
      %mul3A_637 = arith.constant 3 : i32
      %mul3A_638 = vector.broadcast %mul3A_637 : i32 to vector<16xi32>
      %mul3A_639 = arith.muli %get3A_636, %mul3A_638 : vector<16xi32>
      %add3A_640 = arith.constant 0 : i32
      %add3A_641 = vector.broadcast %add3A_640 : i32 to vector<16xi32>
      %add3A_642 = arith.addi %mul3A_631, %add3A_641 : vector<16xi32>
      %mul3A_643 = arith.constant 16 : i32
      %mul3A_644 = arith.muli %scan3A_623, %mul3A_643 : i32
      %add3A_645 = arith.constant 0 : i32
      %add3A_646 = arith.addi %add3A_645, %mul3A_644 : i32
      %swap3A_647 = arith.index_cast %add3A_646 : i32 to index
      %swap3A_648 = tpu.vector_load %arg8[%swap3A_647] {strides = array<i32>} : memref<12000xi32, #tpu.memory_space<vmem>>, vector<16xi32>,
      %swap3A_649 = vector.shape_cast %swap3A_648 : vector<16xi32> to vector<16xi32>
      %swap3A_650 = vector.shape_cast %add3A_642 : vector<16xi32> to vector<16xi32>
      tpu.vector_store %arg8[%swap3A_647], %swap3A_650 {strides = array<i32>} : memref<12000xi32, #tpu.memory_space<vmem>>, vector<16xi32>,
      %add3A_651 = arith.constant 0 : i32
      %add3A_652 = vector.broadcast %add3A_651 : i32 to vector<16xi32>
      %add3A_653 = arith.addi %mul3A_639, %add3A_652 : vector<16xi32>
      %mul3A_654 = arith.constant 16 : i32
      %mul3A_655 = arith.muli %scan3A_623, %mul3A_654 : i32
      %add3A_656 = arith.constant 0 : i32
      %add3A_657 = arith.addi %add3A_656, %mul3A_655 : i32
      %swap3A_658 = arith.index_cast %add3A_657 : i32 to index
      %swap3A_659 = tpu.vector_load %arg9[%swap3A_658] {strides = array<i32>} : memref<12000xi32, #tpu.memory_space<vmem>>, vector<16xi32>,
      %swap3A_660 = vector.shape_cast %swap3A_659 : vector<16xi32> to vector<16xi32>
      %swap3A_661 = vector.shape_cast %add3A_653 : vector<16xi32> to vector<16xi32>
      tpu.vector_store %arg9[%swap3A_658], %swap3A_661 {strides = array<i32>} : memref<12000xi32, #tpu.memory_space<vmem>>, vector<16xi32>,
      %add3A_662 = arith.constant 1 : i32
      %add3A_663 = vector.broadcast %add3A_662 : i32 to vector<16xi32>
      %add3A_664 = arith.addi %mul3A_631, %add3A_663 : vector<16xi32>
      %mul3A_665 = arith.constant 16 : i32
      %mul3A_666 = arith.muli %scan3A_623, %mul3A_665 : i32
      %add3A_667 = arith.constant 4000 : i32
      %add3A_668 = arith.addi %add3A_667, %mul3A_666 : i32
      %swap3A_669 = arith.index_cast %add3A_668 : i32 to index
      %swap3A_670 = tpu.vector_load %arg8[%swap3A_669] {strides = array<i32>} : memref<12000xi32, #tpu.memory_space<vmem>>, vector<16xi32>,
      %swap3A_671 = vector.shape_cast %swap3A_670 : vector<16xi32> to vector<16xi32>
      %swap3A_672 = vector.shape_cast %add3A_664 : vector<16xi32> to vector<16xi32>
      tpu.vector_store %arg8[%swap3A_669], %swap3A_672 {strides = array<i32>} : memref<12000xi32, #tpu.memory_space<vmem>>, vector<16xi32>,
      %add3A_673 = arith.constant 1 : i32
      %add3A_674 = vector.broadcast %add3A_673 : i32 to vector<16xi32>
      %add3A_675 = arith.addi %mul3A_639, %add3A_674 : vector<16xi32>
      %mul3A_676 = arith.constant 16 : i32
      %mul3A_677 = arith.muli %scan3A_623, %mul3A_676 : i32
      %add3A_678 = arith.constant 4000 : i32
      %add3A_679 = arith.addi %add3A_678, %mul3A_677 : i32
      %swap3A_680 = arith.index_cast %add3A_679 : i32 to index
      %swap3A_681 = tpu.vector_load %arg9[%swap3A_680] {strides = array<i32>} : memref<12000xi32, #tpu.memory_space<vmem>>, vector<16xi32>,
      %swap3A_682 = vector.shape_cast %swap3A_681 : vector<16xi32> to vector<16xi32>
      %swap3A_683 = vector.shape_cast %add3A_675 : vector<16xi32> to vector<16xi32>
      tpu.vector_store %arg9[%swap3A_680], %swap3A_683 {strides = array<i32>} : memref<12000xi32, #tpu.memory_space<vmem>>, vector<16xi32>,
      %add3A_684 = arith.constant 2 : i32
      %add3A_685 = vector.broadcast %add3A_684 : i32 to vector<16xi32>
      %add3A_686 = arith.addi %mul3A_631, %add3A_685 : vector<16xi32>
      %mul3A_687 = arith.constant 16 : i32
      %mul3A_688 = arith.muli %scan3A_623, %mul3A_687 : i32
      %add3A_689 = arith.constant 8000 : i32
      %add3A_690 = arith.addi %add3A_689, %mul3A_688 : i32
      %swap3A_691 = arith.index_cast %add3A_690 : i32 to index
      %swap3A_692 = tpu.vector_load %arg8[%swap3A_691] {strides = array<i32>} : memref<12000xi32, #tpu.memory_space<vmem>>, vector<16xi32>,
      %swap3A_693 = vector.shape_cast %swap3A_692 : vector<16xi32> to vector<16xi32>
      %swap3A_694 = vector.shape_cast %add3A_686 : vector<16xi32> to vector<16xi32>
      tpu.vector_store %arg8[%swap3A_691], %swap3A_694 {strides = array<i32>} : memref<12000xi32, #tpu.memory_space<vmem>>, vector<16xi32>,
      %add3A_695 = arith.constant 2 : i32
      %add3A_696 = vector.broadcast %add3A_695 : i32 to vector<16xi32>
      %add3A_697 = arith.addi %mul3A_639, %add3A_696 : vector<16xi32>
      %mul3A_698 = arith.constant 16 : i32
      %mul3A_699 = arith.muli %scan3A_623, %mul3A_698 : i32
      %add3A_700 = arith.constant 8000 : i32
      %add3A_701 = arith.addi %add3A_700, %mul3A_699 : i32
      %swap3A_702 = arith.index_cast %add3A_701 : i32 to index
      %swap3A_703 = tpu.vector_load %arg9[%swap3A_702] {strides = array<i32>} : memref<12000xi32, #tpu.memory_space<vmem>>, vector<16xi32>,
      %swap3A_704 = vector.shape_cast %swap3A_703 : vector<16xi32> to vector<16xi32>
      %swap3A_705 = vector.shape_cast %add3A_697 : vector<16xi32> to vector<16xi32>
      tpu.vector_store %arg9[%swap3A_702], %swap3A_705 {strides = array<i32>} : memref<12000xi32, #tpu.memory_space<vmem>>, vector<16xi32>,
    }
    %scan3A_11 = arith.constant 248 : i32
    %scan3A_12 = arith.addi %scan3A_7, %scan3A_11 : i32
    %mul3A_13 = arith.constant 16 : i32
    %mul3A_14 = arith.muli %scan3A_12, %mul3A_13 : i32
    %get3A = arith.index_cast %mul3A_14 : i32 to index
    %get3A_15 = tpu.vector_load %arg6[%get3A] {strides = array<i32>} : memref<4000xi32, #tpu.memory_space<vmem>>, vector<16xi32>,
    %get3A_16 = vector.shape_cast %get3A_15 : vector<16xi32> to vector<16xi32>
    %mul3A_17 = arith.constant 3 : i32
    %mul3A_18 = vector.broadcast %mul3A_17 : i32 to vector<16xi32>
    %mul3A_19 = arith.muli %get3A_16, %mul3A_18 : vector<16xi32>
    %mul3A_20 = arith.constant 16 : i32
    %mul3A_21 = arith.muli %scan3A_12, %mul3A_20 : i32
    %get3A_22 = arith.index_cast %mul3A_21 : i32 to index
    %get3A_23 = tpu.vector_load %arg7[%get3A_22] {strides = array<i32>} : memref<4000xi32, #tpu.memory_space<vmem>>, vector<16xi32>,
    %get3A_24 = vector.shape_cast %get3A_23 : vector<16xi32> to vector<16xi32>
    %mul3A_25 = arith.constant 3 : i32
    %mul3A_26 = vector.broadcast %mul3A_25 : i32 to vector<16xi32>
    %mul3A_27 = arith.muli %get3A_24, %mul3A_26 : vector<16xi32>
    %add3A_28 = arith.constant 0 : i32
    %add3A_29 = vector.broadcast %add3A_28 : i32 to vector<16xi32>
    %add3A_30 = arith.addi %mul3A_19, %add3A_29 : vector<16xi32>
    %mul3A_31 = arith.constant 16 : i32
    %mul3A_32 = arith.muli %scan3A_12, %mul3A_31 : i32
    %add3A_33 = arith.constant 0 : i32
    %add3A_34 = arith.addi %add3A_33, %mul3A_32 : i32
    %swap3A = arith.index_cast %add3A_34 : i32 to index
    %swap3A_35 = tpu.vector_load %arg8[%swap3A] {strides = array<i32>} : memref<12000xi32, #tpu.memory_space<vmem>>, vector<16xi32>,
    %swap3A_36 = vector.shape_cast %swap3A_35 : vector<16xi32> to vector<16xi32>
    %swap3A_37 = vector.shape_cast %add3A_30 : vector<16xi32> to vector<16xi32>
    tpu.vector_store %arg8[%swap3A], %swap3A_37 {strides = array<i32>} : memref<12000xi32, #tpu.memory_space<vmem>>, vector<16xi32>,
    %add3A_38 = arith.constant 0 : i32
    %add3A_39 = vector.broadcast %add3A_38 : i32 to vector<16xi32>
    %add3A_40 = arith.addi %mul3A_27, %add3A_39 : vector<16xi32>
    %mul3A_41 = arith.constant 16 : i32
    %mul3A_42 = arith.muli %scan3A_12, %mul3A_41 : i32
    %add3A_43 = arith.constant 0 : i32
    %add3A_44 = arith.addi %add3A_43, %mul3A_42 : i32
    %swap3A_45 = arith.index_cast %add3A_44 : i32 to index
    %swap3A_46 = tpu.vector_load %arg9[%swap3A_45] {strides = array<i32>} : memref<12000xi32, #tpu.memory_space<vmem>>, vector<16xi32>,
    %swap3A_47 = vector.shape_cast %swap3A_46 : vector<16xi32> to vector<16xi32>
    %swap3A_48 = vector.shape_cast %add3A_40 : vector<16xi32> to vector<16xi32>
    tpu.vector_store %arg9[%swap3A_45], %swap3A_48 {strides = array<i32>} : memref<12000xi32, #tpu.memory_space<vmem>>, vector<16xi32>,
    %add3A_49 = arith.constant 1 : i32
    %add3A_50 = vector.broadcast %add3A_49 : i32 to vector<16xi32>
    %add3A_51 = arith.addi %mul3A_19, %add3A_50 : vector<16xi32>
    %mul3A_52 = arith.constant 16 : i32
    %mul3A_53 = arith.muli %scan3A_12, %mul3A_52 : i32
    %add3A_54 = arith.constant 4000 : i32
    %add3A_55 = arith.addi %add3A_54, %mul3A_53 : i32
    %swap3A_56 = arith.index_cast %add3A_55 : i32 to index
    %swap3A_57 = tpu.vector_load %arg8[%swap3A_56] {strides = array<i32>} : memref<12000xi32, #tpu.memory_space<vmem>>, vector<16xi32>,
    %swap3A_58 = vector.shape_cast %swap3A_57 : vector<16xi32> to vector<16xi32>
    %swap3A_59 = vector.shape_cast %add3A_51 : vector<16xi32> to vector<16xi32>
    tpu.vector_store %arg8[%swap3A_56], %swap3A_59 {strides = array<i32>} : memref<12000xi32, #tpu.memory_space<vmem>>, vector<16xi32>,
    %add3A_60 = arith.constant 1 : i32
    %add3A_61 = vector.broadcast %add3A_60 : i32 to vector<16xi32>
    %add3A_62 = arith.addi %mul3A_27, %add3A_61 : vector<16xi32>
    %mul3A_63 = arith.constant 16 : i32
    %mul3A_64 = arith.muli %scan3A_12, %mul3A_63 : i32
    %add3A_65 = arith.constant 4000 : i32
    %add3A_66 = arith.addi %add3A_65, %mul3A_64 : i32
    %swap3A_67 = arith.index_cast %add3A_66 : i32 to index
    %swap3A_68 = tpu.vector_load %arg9[%swap3A_67] {strides = array<i32>} : memref<12000xi32, #tpu.memory_space<vmem>>, vector<16xi32>,
    %swap3A_69 = vector.shape_cast %swap3A_68 : vector<16xi32> to vector<16xi32>
    %swap3A_70 = vector.shape_cast %add3A_62 : vector<16xi32> to vector<16xi32>
    tpu.vector_store %arg9[%swap3A_67], %swap3A_70 {strides = array<i32>} : memref<12000xi32, #tpu.memory_space<vmem>>, vector<16xi32>,
    %add3A_71 = arith.constant 2 : i32
    %add3A_72 = vector.broadcast %add3A_71 : i32 to vector<16xi32>
    %add3A_73 = arith.addi %mul3A_19, %add3A_72 : vector<16xi32>
    %mul3A_74 = arith.constant 16 : i32
    %mul3A_75 = arith.muli %scan3A_12, %mul3A_74 : i32
    %add3A_76 = arith.constant 8000 : i32
    %add3A_77 = arith.addi %add3A_76, %mul3A_75 : i32
    %swap3A_78 = arith.index_cast %add3A_77 : i32 to index
    %swap3A_79 = tpu.vector_load %arg8[%swap3A_78] {strides = array<i32>} : memref<12000xi32, #tpu.memory_space<vmem>>, vector<16xi32>,
    %swap3A_80 = vector.shape_cast %swap3A_79 : vector<16xi32> to vector<16xi32>
    %swap3A_81 = vector.shape_cast %add3A_73 : vector<16xi32> to vector<16xi32>
    tpu.vector_store %arg8[%swap3A_78], %swap3A_81 {strides = array<i32>} : memref<12000xi32, #tpu.memory_space<vmem>>, vector<16xi32>,
    %add3A_82 = arith.constant 2 : i32
    %add3A_83 = vector.broadcast %add3A_82 : i32 to vector<16xi32>
    %add3A_84 = arith.addi %mul3A_27, %add3A_83 : vector<16xi32>
    %mul3A_85 = arith.constant 16 : i32
    %mul3A_86 = arith.muli %scan3A_12, %mul3A_85 : i32
    %add3A_87 = arith.constant 8000 : i32
    %add3A_88 = arith.addi %add3A_87, %mul3A_86 : i32
    %swap3A_89 = arith.index_cast %add3A_88 : i32 to index
    %swap3A_90 = tpu.vector_load %arg9[%swap3A_89] {strides = array<i32>} : memref<12000xi32, #tpu.memory_space<vmem>>, vector<16xi32>,
    %swap3A_91 = vector.shape_cast %swap3A_90 : vector<16xi32> to vector<16xi32>
    %swap3A_92 = vector.shape_cast %add3A_84 : vector<16xi32> to vector<16xi32>
    tpu.vector_store %arg9[%swap3A_89], %swap3A_92 {strides = array<i32>} : memref<12000xi32, #tpu.memory_space<vmem>>, vector<16xi32>,
    %scan3A_93 = arith.constant 249 : i32
    %scan3A_94 = arith.addi %scan3A_7, %scan3A_93 : i32
    %mul3A_95 = arith.constant 16 : i32
    %mul3A_96 = arith.muli %scan3A_94, %mul3A_95 : i32
    %get3A_97 = arith.index_cast %mul3A_96 : i32 to index
    %get3A_98 = tpu.vector_load %arg6[%get3A_97] {strides = array<i32>} : memref<4000xi32, #tpu.memory_space<vmem>>, vector<16xi32>,
    %get3A_99 = vector.shape_cast %get3A_98 : vector<16xi32> to vector<16xi32>
    %mul3A_100 = arith.constant 3 : i32
    %mul3A_101 = vector.broadcast %mul3A_100 : i32 to vector<16xi32>
    %mul3A_102 = arith.muli %get3A_99, %mul3A_101 : vector<16xi32>
    %mul3A_103 = arith.constant 16 : i32
    %mul3A_104 = arith.muli %scan3A_94, %mul3A_103 : i32
    %get3A_105 = arith.index_cast %mul3A_104 : i32 to index
    %get3A_106 = tpu.vector_load %arg7[%get3A_105] {strides = array<i32>} : memref<4000xi32, #tpu.memory_space<vmem>>, vector<16xi32>,
    %get3A_107 = vector.shape_cast %get3A_106 : vector<16xi32> to vector<16xi32>
    %mul3A_108 = arith.constant 3 : i32
    %mul3A_109 = vector.broadcast %mul3A_108 : i32 to vector<16xi32>
    %mul3A_110 = arith.muli %get3A_107, %mul3A_109 : vector<16xi32>
    %add3A_111 = arith.constant 0 : i32
    %add3A_112 = vector.broadcast %add3A_111 : i32 to vector<16xi32>
    %add3A_113 = arith.addi %mul3A_102, %add3A_112 : vector<16xi32>
    %mul3A_114 = arith.constant 16 : i32
    %mul3A_115 = arith.muli %scan3A_94, %mul3A_114 : i32
    %add3A_116 = arith.constant 0 : i32
    %add3A_117 = arith.addi %add3A_116, %mul3A_115 : i32
    %swap3A_118 = arith.index_cast %add3A_117 : i32 to index
    %swap3A_119 = tpu.vector_load %arg8[%swap3A_118] {strides = array<i32>} : memref<12000xi32, #tpu.memory_space<vmem>>, vector<16xi32>,
    %swap3A_120 = vector.shape_cast %swap3A_119 : vector<16xi32> to vector<16xi32>
    %swap3A_121 = vector.shape_cast %add3A_113 : vector<16xi32> to vector<16xi32>
    tpu.vector_store %arg8[%swap3A_118], %swap3A_121 {strides = array<i32>} : memref<12000xi32, #tpu.memory_space<vmem>>, vector<16xi32>,
    %add3A_122 = arith.constant 0 : i32
    %add3A_123 = vector.broadcast %add3A_122 : i32 to vector<16xi32>
    %add3A_124 = arith.addi %mul3A_110, %add3A_123 : vector<16xi32>
    %mul3A_125 = arith.constant 16 : i32
    %mul3A_126 = arith.muli %scan3A_94, %mul3A_125 : i32
    %add3A_127 = arith.constant 0 : i32
    %add3A_128 = arith.addi %add3A_127, %mul3A_126 : i32
    %swap3A_129 = arith.index_cast %add3A_128 : i32 to index
    %swap3A_130 = tpu.vector_load %arg9[%swap3A_129] {strides = array<i32>} : memref<12000xi32, #tpu.memory_space<vmem>>, vector<16xi32>,
    %swap3A_131 = vector.shape_cast %swap3A_130 : vector<16xi32> to vector<16xi32>
    %swap3A_132 = vector.shape_cast %add3A_124 : vector<16xi32> to vector<16xi32>
    tpu.vector_store %arg9[%swap3A_129], %swap3A_132 {strides = array<i32>} : memref<12000xi32, #tpu.memory_space<vmem>>, vector<16xi32>,
    %add3A_133 = arith.constant 1 : i32
    %add3A_134 = vector.broadcast %add3A_133 : i32 to vector<16xi32>
    %add3A_135 = arith.addi %mul3A_102, %add3A_134 : vector<16xi32>
    %mul3A_136 = arith.constant 16 : i32
    %mul3A_137 = arith.muli %scan3A_94, %mul3A_136 : i32
    %add3A_138 = arith.constant 4000 : i32
    %add3A_139 = arith.addi %add3A_138, %mul3A_137 : i32
    %swap3A_140 = arith.index_cast %add3A_139 : i32 to index
    %swap3A_141 = tpu.vector_load %arg8[%swap3A_140] {strides = array<i32>} : memref<12000xi32, #tpu.memory_space<vmem>>, vector<16xi32>,
    %swap3A_142 = vector.shape_cast %swap3A_141 : vector<16xi32> to vector<16xi32>
    %swap3A_143 = vector.shape_cast %add3A_135 : vector<16xi32> to vector<16xi32>
    tpu.vector_store %arg8[%swap3A_140], %swap3A_143 {strides = array<i32>} : memref<12000xi32, #tpu.memory_space<vmem>>, vector<16xi32>,
    %add3A_144 = arith.constant 1 : i32
    %add3A_145 = vector.broadcast %add3A_144 : i32 to vector<16xi32>
    %add3A_146 = arith.addi %mul3A_110, %add3A_145 : vector<16xi32>
    %mul3A_147 = arith.constant 16 : i32
    %mul3A_148 = arith.muli %scan3A_94, %mul3A_147 : i32
    %add3A_149 = arith.constant 4000 : i32
    %add3A_150 = arith.addi %add3A_149, %mul3A_148 : i32
    %swap3A_151 = arith.index_cast %add3A_150 : i32 to index
    %swap3A_152 = tpu.vector_load %arg9[%swap3A_151] {strides = array<i32>} : memref<12000xi32, #tpu.memory_space<vmem>>, vector<16xi32>,
    %swap3A_153 = vector.shape_cast %swap3A_152 : vector<16xi32> to vector<16xi32>
    %swap3A_154 = vector.shape_cast %add3A_146 : vector<16xi32> to vector<16xi32>
    tpu.vector_store %arg9[%swap3A_151], %swap3A_154 {strides = array<i32>} : memref<12000xi32, #tpu.memory_space<vmem>>, vector<16xi32>,
    %add3A_155 = arith.constant 2 : i32
    %add3A_156 = vector.broadcast %add3A_155 : i32 to vector<16xi32>
    %add3A_157 = arith.addi %mul3A_102, %add3A_156 : vector<16xi32>
    %mul3A_158 = arith.constant 16 : i32
    %mul3A_159 = arith.muli %scan3A_94, %mul3A_158 : i32
    %add3A_160 = arith.constant 8000 : i32
    %add3A_161 = arith.addi %add3A_160, %mul3A_159 : i32
    %swap3A_162 = arith.index_cast %add3A_161 : i32 to index
    %swap3A_163 = tpu.vector_load %arg8[%swap3A_162] {strides = array<i32>} : memref<12000xi32, #tpu.memory_space<vmem>>, vector<16xi32>,
    %swap3A_164 = vector.shape_cast %swap3A_163 : vector<16xi32> to vector<16xi32>
    %swap3A_165 = vector.shape_cast %add3A_157 : vector<16xi32> to vector<16xi32>
    tpu.vector_store %arg8[%swap3A_162], %swap3A_165 {strides = array<i32>} : memref<12000xi32, #tpu.memory_space<vmem>>, vector<16xi32>,
    %add3A_166 = arith.constant 2 : i32
    %add3A_167 = vector.broadcast %add3A_166 : i32 to vector<16xi32>
    %add3A_168 = arith.addi %mul3A_110, %add3A_167 : vector<16xi32>
    %mul3A_169 = arith.constant 16 : i32
    %mul3A_170 = arith.muli %scan3A_94, %mul3A_169 : i32
    %add3A_171 = arith.constant 8000 : i32
    %add3A_172 = arith.addi %add3A_171, %mul3A_170 : i32
    %swap3A_173 = arith.index_cast %add3A_172 : i32 to index
    %swap3A_174 = tpu.vector_load %arg9[%swap3A_173] {strides = array<i32>} : memref<12000xi32, #tpu.memory_space<vmem>>, vector<16xi32>,
    %swap3A_175 = vector.shape_cast %swap3A_174 : vector<16xi32> to vector<16xi32>
    %swap3A_176 = vector.shape_cast %add3A_168 : vector<16xi32> to vector<16xi32>
    tpu.vector_store %arg9[%swap3A_173], %swap3A_176 {strides = array<i32>} : memref<12000xi32, #tpu.memory_space<vmem>>, vector<16xi32>,
    %scan3A_177 = arith.constant 250 : i32
    %dma_start3A = arith.constant 0 : i32
    %dma_start3A_178 = tpu.memref_slice %arg2[%dma_start3A] : memref<300000xf32, #tpu.memory_space<hbm>> -> memref<300000xf32, #tpu.memory_space<hbm>>
    tpu.enqueue_indirect_dma source(%dma_start3A_178 : memref<300000xf32, #tpu.memory_space<hbm>>) target(%arg12 : memref<12000xf32, #tpu.memory_space<vmem>>) offsets(%arg8 : memref<12000xi32, #tpu.memory_space<vmem>>) semaphore(%arg18 : memref<!tpu.dma_semaphore, #tpu.memory_space<semaphore_mem>>)
    %dma_start3A_179 = arith.constant 0 : i32
    %dma_start3A_180 = tpu.memref_slice %arg2[%dma_start3A_179] : memref<300000xf32, #tpu.memory_space<hbm>> -> memref<300000xf32, #tpu.memory_space<hbm>>
    tpu.enqueue_indirect_dma source(%dma_start3A_180 : memref<300000xf32, #tpu.memory_space<hbm>>) target(%arg13 : memref<12000xf32, #tpu.memory_space<vmem>>) offsets(%arg9 : memref<12000xi32, #tpu.memory_space<vmem>>) semaphore(%arg19 : memref<!tpu.dma_semaphore, #tpu.memory_space<semaphore_mem>>)
    %scan3A_181 = arith.constant 0 : i32
    %scan3A_182 = arith.constant 0 : i32
    %scan3A_183 = arith.constant 12 : i32
    %scan3A_184 = arith.addi %scan3A_182, %scan3A_183 : i32
    %scan3A_185 = arith.constant 1 : i32
    scf.for %scan3A_371 = %scan3A_182 to %scan3A_184 step %scan3A_185  : i32 {
      %mul3A_372 = arith.constant 2 : i32
      %mul3A_373 = arith.muli %mul3A_372, %scan3A_371 : i32
      %add3A_374 = arith.constant 1 : i32
      %add3A_375 = arith.addi %mul3A_373, %add3A_374 : i32
      %mul3A_376 = arith.constant 4000 : i32
      %mul3A_377 = arith.muli %add3A_375, %mul3A_376 : i32
      %add3A_378 = arith.addi %mul3A_2, %mul3A_377 : i32
      "tpu.region"() ({
        %run_scoped3A = tpu.sem_alloc : memref<!tpu.dma_semaphore, #tpu.memory_space<semaphore_mem>>
        %dma_start3A_1127 = tpu.memref_slice %arg3[%add3A_378] : memref<6400000xi32, #tpu.memory_space<hbm>> -> memref<4000xi32, #tpu.memory_space<hbm>>
        %dma_start3A_1128 = tpu.memref_slice %arg3[%add3A_378] : memref<6400000xi32, #tpu.memory_space<hbm>> -> memref<4000xi32, #tpu.memory_space<hbm>>
        tpu.enqueue_dma source(%dma_start3A_1128 : memref<4000xi32, #tpu.memory_space<hbm>>) target(%arg6 : memref<4000xi32, #tpu.memory_space<vmem>>) target_semaphore(%run_scoped3A : memref<!tpu.dma_semaphore, #tpu.memory_space<semaphore_mem>>)
        %dma_wait3A_1129 = tpu.memref_slice %arg3[%add3A_378] : memref<6400000xi32, #tpu.memory_space<hbm>> -> memref<4000xi32, #tpu.memory_space<hbm>>
        %dma_wait3A_1130 = tpu.memref_slice %arg3[%add3A_378] : memref<6400000xi32, #tpu.memory_space<hbm>> -> memref<4000xi32, #tpu.memory_space<hbm>>
        tpu.wait_dma2 semaphore(%run_scoped3A : memref<!tpu.dma_semaphore, #tpu.memory_space<semaphore_mem>>) src(%dma_wait3A_1130 : memref<4000xi32, #tpu.memory_space<hbm>>) dst(%arg6 : memref<4000xi32, #tpu.memory_space<vmem>>)
        tpu.yield
      }) : () -> ()
      %add3A_379 = arith.constant 3200000 : i32
      %add3A_380 = arith.addi %add3A_379, %add3A_378 : i32
      "tpu.region"() ({
        %run_scoped3A = tpu.sem_alloc : memref<!tpu.dma_semaphore, #tpu.memory_space<semaphore_mem>>
        %dma_start3A_1127 = tpu.memref_slice %arg3[%add3A_380] : memref<6400000xi32, #tpu.memory_space<hbm>> -> memref<4000xi32, #tpu.memory_space<hbm>>
        %dma_start3A_1128 = tpu.memref_slice %arg3[%add3A_380] : memref<6400000xi32, #tpu.memory_space<hbm>> -> memref<4000xi32, #tpu.memory_space<hbm>>
        tpu.enqueue_dma source(%dma_start3A_1128 : memref<4000xi32, #tpu.memory_space<hbm>>) target(%arg7 : memref<4000xi32, #tpu.memory_space<vmem>>) target_semaphore(%run_scoped3A : memref<!tpu.dma_semaphore, #tpu.memory_space<semaphore_mem>>)
        %dma_wait3A_1129 = tpu.memref_slice %arg3[%add3A_380] : memref<6400000xi32, #tpu.memory_space<hbm>> -> memref<4000xi32, #tpu.memory_space<hbm>>
        %dma_wait3A_1130 = tpu.memref_slice %arg3[%add3A_380] : memref<6400000xi32, #tpu.memory_space<hbm>> -> memref<4000xi32, #tpu.memory_space<hbm>>
        tpu.wait_dma2 semaphore(%run_scoped3A : memref<!tpu.dma_semaphore, #tpu.memory_space<semaphore_mem>>) src(%dma_wait3A_1130 : memref<4000xi32, #tpu.memory_space<hbm>>) dst(%arg7 : memref<4000xi32, #tpu.memory_space<vmem>>)
        tpu.yield
      }) : () -> ()
      %scan3A_381 = arith.constant 0 : i32
      %scan3A_382 = arith.constant 0 : i32
      %scan3A_383 = arith.constant 248 : i32
      %scan3A_384 = arith.addi %scan3A_382, %scan3A_383 : i32
      %scan3A_385 = arith.constant 4 : i32
      scf.for %scan3A_1127 = %scan3A_382 to %scan3A_384 step %scan3A_385  : i32 {
        %mul3A_1128 = arith.constant 16 : i32
        %mul3A_1129 = arith.muli %scan3A_1127, %mul3A_1128 : i32
        %get3A_1130 = arith.index_cast %mul3A_1129 : i32 to index
        %get3A_1131 = tpu.vector_load %arg6[%get3A_1130] {strides = array<i32>} : memref<4000xi32, #tpu.memory_space<vmem>>, vector<16xi32>,
        %get3A_1132 = vector.shape_cast %get3A_1131 : vector<16xi32> to vector<16xi32>
        %mul3A_1133 = arith.constant 3 : i32
        %mul3A_1134 = vector.broadcast %mul3A_1133 : i32 to vector<16xi32>
        %mul3A_1135 = arith.muli %get3A_1132, %mul3A_1134 : vector<16xi32>
        %mul3A_1136 = arith.constant 16 : i32
        %mul3A_1137 = arith.muli %scan3A_1127, %mul3A_1136 : i32
        %get3A_1138 = arith.index_cast %mul3A_1137 : i32 to index
        %get3A_1139 = tpu.vector_load %arg7[%get3A_1138] {strides = array<i32>} : memref<4000xi32, #tpu.memory_space<vmem>>, vector<16xi32>,
        %get3A_1140 = vector.shape_cast %get3A_1139 : vector<16xi32> to vector<16xi32>
        %mul3A_1141 = arith.constant 3 : i32
        %mul3A_1142 = vector.broadcast %mul3A_1141 : i32 to vector<16xi32>
        %mul3A_1143 = arith.muli %get3A_1140, %mul3A_1142 : vector<16xi32>
        %add3A_1144 = arith.constant 0 : i32
        %add3A_1145 = vector.broadcast %add3A_1144 : i32 to vector<16xi32>
        %add3A_1146 = arith.addi %mul3A_1135, %add3A_1145 : vector<16xi32>
        %mul3A_1147 = arith.constant 16 : i32
        %mul3A_1148 = arith.muli %scan3A_1127, %mul3A_1147 : i32
        %add3A_1149 = arith.constant 0 : i32
        %add3A_1150 = arith.addi %add3A_1149, %mul3A_1148 : i32
        %swap3A_1151 = arith.index_cast %add3A_1150 : i32 to index
        %swap3A_1152 = tpu.vector_load %arg10[%swap3A_1151] {strides = array<i32>} : memref<12000xi32, #tpu.memory_space<vmem>>, vector<16xi32>,
        %swap3A_1153 = vector.shape_cast %swap3A_1152 : vector<16xi32> to vector<16xi32>
        %swap3A_1154 = vector.shape_cast %add3A_1146 : vector<16xi32> to vector<16xi32>
        tpu.vector_store %arg10[%swap3A_1151], %swap3A_1154 {strides = array<i32>} : memref<12000xi32, #tpu.memory_space<vmem>>, vector<16xi32>,
        %add3A_1155 = arith.constant 0 : i32
        %add3A_1156 = vector.broadcast %add3A_1155 : i32 to vector<16xi32>
        %add3A_1157 = arith.addi %mul3A_1143, %add3A_1156 : vector<16xi32>
        %mul3A_1158 = arith.constant 16 : i32
        %mul3A_1159 = arith.muli %scan3A_1127, %mul3A_1158 : i32
        %add3A_1160 = arith.constant 0 : i32
        %add3A_1161 = arith.addi %add3A_1160, %mul3A_1159 : i32
        %swap3A_1162 = arith.index_cast %add3A_1161 : i32 to index
        %swap3A_1163 = tpu.vector_load %arg11[%swap3A_1162] {strides = array<i32>} : memref<12000xi32, #tpu.memory_space<vmem>>, vector<16xi32>,
        %swap3A_1164 = vector.shape_cast %swap3A_1163 : vector<16xi32> to vector<16xi32>
        %swap3A_1165 = vector.shape_cast %add3A_1157 : vector<16xi32> to vector<16xi32>
        tpu.vector_store %arg11[%swap3A_1162], %swap3A_1165 {strides = array<i32>} : memref<12000xi32, #tpu.memory_space<vmem>>, vector<16xi32>,
        %add3A_1166 = arith.constant 1 : i32
        %add3A_1167 = vector.broadcast %add3A_1166 : i32 to vector<16xi32>
        %add3A_1168 = arith.addi %mul3A_1135, %add3A_1167 : vector<16xi32>
        %mul3A_1169 = arith.constant 16 : i32
        %mul3A_1170 = arith.muli %scan3A_1127, %mul3A_1169 : i32
        %add3A_1171 = arith.constant 4000 : i32
        %add3A_1172 = arith.addi %add3A_1171, %mul3A_1170 : i32
        %swap3A_1173 = arith.index_cast %add3A_1172 : i32 to index
        %swap3A_1174 = tpu.vector_load %arg10[%swap3A_1173] {strides = array<i32>} : memref<12000xi32, #tpu.memory_space<vmem>>, vector<16xi32>,
        %swap3A_1175 = vector.shape_cast %swap3A_1174 : vector<16xi32> to vector<16xi32>
        %swap3A_1176 = vector.shape_cast %add3A_1168 : vector<16xi32> to vector<16xi32>
        tpu.vector_store %arg10[%swap3A_1173], %swap3A_1176 {strides = array<i32>} : memref<12000xi32, #tpu.memory_space<vmem>>, vector<16xi32>,
        %add3A_1177 = arith.constant 1 : i32
        %add3A_1178 = vector.broadcast %add3A_1177 : i32 to vector<16xi32>
        %add3A_1179 = arith.addi %mul3A_1143, %add3A_1178 : vector<16xi32>
        %mul3A_1180 = arith.constant 16 : i32
        %mul3A_1181 = arith.muli %scan3A_1127, %mul3A_1180 : i32
        %add3A_1182 = arith.constant 4000 : i32
        %add3A_1183 = arith.addi %add3A_1182, %mul3A_1181 : i32
        %swap3A_1184 = arith.index_cast %add3A_1183 : i32 to index
        %swap3A_1185 = tpu.vector_load %arg11[%swap3A_1184] {strides = array<i32>} : memref<12000xi32, #tpu.memory_space<vmem>>, vector<16xi32>,
        %swap3A_1186 = vector.shape_cast %swap3A_1185 : vector<16xi32> to vector<16xi32>
        %swap3A_1187 = vector.shape_cast %add3A_1179 : vector<16xi32> to vector<16xi32>
        tpu.vector_store %arg11[%swap3A_1184], %swap3A_1187 {strides = array<i32>} : memref<12000xi32, #tpu.memory_space<vmem>>, vector<16xi32>,
        %add3A_1188 = arith.constant 2 : i32
        %add3A_1189 = vector.broadcast %add3A_1188 : i32 to vector<16xi32>
        %add3A_1190 = arith.addi %mul3A_1135, %add3A_1189 : vector<16xi32>
        %mul3A_1191 = arith.constant 16 : i32
        %mul3A_1192 = arith.muli %scan3A_1127, %mul3A_1191 : i32
        %add3A_1193 = arith.constant 8000 : i32
        %add3A_1194 = arith.addi %add3A_1193, %mul3A_1192 : i32
        %swap3A_1195 = arith.index_cast %add3A_1194 : i32 to index
        %swap3A_1196 = tpu.vector_load %arg10[%swap3A_1195] {strides = array<i32>} : memref<12000xi32, #tpu.memory_space<vmem>>, vector<16xi32>,
        %swap3A_1197 = vector.shape_cast %swap3A_1196 : vector<16xi32> to vector<16xi32>
        %swap3A_1198 = vector.shape_cast %add3A_1190 : vector<16xi32> to vector<16xi32>
        tpu.vector_store %arg10[%swap3A_1195], %swap3A_1198 {strides = array<i32>} : memref<12000xi32, #tpu.memory_space<vmem>>, vector<16xi32>,
        %add3A_1199 = arith.constant 2 : i32
        %add3A_1200 = vector.broadcast %add3A_1199 : i32 to vector<16xi32>
        %add3A_1201 = arith.addi %mul3A_1143, %add3A_1200 : vector<16xi32>
        %mul3A_1202 = arith.constant 16 : i32
        %mul3A_1203 = arith.muli %scan3A_1127, %mul3A_1202 : i32
        %add3A_1204 = arith.constant 8000 : i32
        %add3A_1205 = arith.addi %add3A_1204, %mul3A_1203 : i32
        %swap3A_1206 = arith.index_cast %add3A_1205 : i32 to index
        %swap3A_1207 = tpu.vector_load %arg11[%swap3A_1206] {strides = array<i32>} : memref<12000xi32, #tpu.memory_space<vmem>>, vector<16xi32>,
        %swap3A_1208 = vector.shape_cast %swap3A_1207 : vector<16xi32> to vector<16xi32>
        %swap3A_1209 = vector.shape_cast %add3A_1201 : vector<16xi32> to vector<16xi32>
        tpu.vector_store %arg11[%swap3A_1206], %swap3A_1209 {strides = array<i32>} : memref<12000xi32, #tpu.memory_space<vmem>>, vector<16xi32>,
        %scan3A_1210 = arith.constant 1 : i32
        %scan3A_1211 = arith.addi %scan3A_1127, %scan3A_1210 : i32
        %mul3A_1212 = arith.constant 16 : i32
        %mul3A_1213 = arith.muli %scan3A_1211, %mul3A_1212 : i32
        %get3A_1214 = arith.index_cast %mul3A_1213 : i32 to index
        %get3A_1215 = tpu.vector_load %arg6[%get3A_1214] {strides = array<i32>} : memref<4000xi32, #tpu.memory_space<vmem>>, vector<16xi32>,
        %get3A_1216 = vector.shape_cast %get3A_1215 : vector<16xi32> to vector<16xi32>
        %mul3A_1217 = arith.constant 3 : i32
        %mul3A_1218 = vector.broadcast %mul3A_1217 : i32 to vector<16xi32>
        %mul3A_1219 = arith.muli %get3A_1216, %mul3A_1218 : vector<16xi32>
        %mul3A_1220 = arith.constant 16 : i32
        %mul3A_1221 = arith.muli %scan3A_1211, %mul3A_1220 : i32
        %get3A_1222 = arith.index_cast %mul3A_1221 : i32 to index
        %get3A_1223 = tpu.vector_load %arg7[%get3A_1222] {strides = array<i32>} : memref<4000xi32, #tpu.memory_space<vmem>>, vector<16xi32>,
        %get3A_1224 = vector.shape_cast %get3A_1223 : vector<16xi32> to vector<16xi32>
        %mul3A_1225 = arith.constant 3 : i32
        %mul3A_1226 = vector.broadcast %mul3A_1225 : i32 to vector<16xi32>
        %mul3A_1227 = arith.muli %get3A_1224, %mul3A_1226 : vector<16xi32>
        %add3A_1228 = arith.constant 0 : i32
        %add3A_1229 = vector.broadcast %add3A_1228 : i32 to vector<16xi32>
        %add3A_1230 = arith.addi %mul3A_1219, %add3A_1229 : vector<16xi32>
        %mul3A_1231 = arith.constant 16 : i32
        %mul3A_1232 = arith.muli %scan3A_1211, %mul3A_1231 : i32
        %add3A_1233 = arith.constant 0 : i32
        %add3A_1234 = arith.addi %add3A_1233, %mul3A_1232 : i32
        %swap3A_1235 = arith.index_cast %add3A_1234 : i32 to index
        %swap3A_1236 = tpu.vector_load %arg10[%swap3A_1235] {strides = array<i32>} : memref<12000xi32, #tpu.memory_space<vmem>>, vector<16xi32>,
        %swap3A_1237 = vector.shape_cast %swap3A_1236 : vector<16xi32> to vector<16xi32>
        %swap3A_1238 = vector.shape_cast %add3A_1230 : vector<16xi32> to vector<16xi32>
        tpu.vector_store %arg10[%swap3A_1235], %swap3A_1238 {strides = array<i32>} : memref<12000xi32, #tpu.memory_space<vmem>>, vector<16xi32>,
        %add3A_1239 = arith.constant 0 : i32
        %add3A_1240 = vector.broadcast %add3A_1239 : i32 to vector<16xi32>
        %add3A_1241 = arith.addi %mul3A_1227, %add3A_1240 : vector<16xi32>
        %mul3A_1242 = arith.constant 16 : i32
        %mul3A_1243 = arith.muli %scan3A_1211, %mul3A_1242 : i32
        %add3A_1244 = arith.constant 0 : i32
        %add3A_1245 = arith.addi %add3A_1244, %mul3A_1243 : i32
        %swap3A_1246 = arith.index_cast %add3A_1245 : i32 to index
        %swap3A_1247 = tpu.vector_load %arg11[%swap3A_1246] {strides = array<i32>} : memref<12000xi32, #tpu.memory_space<vmem>>, vector<16xi32>,
        %swap3A_1248 = vector.shape_cast %swap3A_1247 : vector<16xi32> to vector<16xi32>
        %swap3A_1249 = vector.shape_cast %add3A_1241 : vector<16xi32> to vector<16xi32>
        tpu.vector_store %arg11[%swap3A_1246], %swap3A_1249 {strides = array<i32>} : memref<12000xi32, #tpu.memory_space<vmem>>, vector<16xi32>,
        %add3A_1250 = arith.constant 1 : i32
        %add3A_1251 = vector.broadcast %add3A_1250 : i32 to vector<16xi32>
        %add3A_1252 = arith.addi %mul3A_1219, %add3A_1251 : vector<16xi32>
        %mul3A_1253 = arith.constant 16 : i32
        %mul3A_1254 = arith.muli %scan3A_1211, %mul3A_1253 : i32
        %add3A_1255 = arith.constant 4000 : i32
        %add3A_1256 = arith.addi %add3A_1255, %mul3A_1254 : i32
        %swap3A_1257 = arith.index_cast %add3A_1256 : i32 to index
        %swap3A_1258 = tpu.vector_load %arg10[%swap3A_1257] {strides = array<i32>} : memref<12000xi32, #tpu.memory_space<vmem>>, vector<16xi32>,
        %swap3A_1259 = vector.shape_cast %swap3A_1258 : vector<16xi32> to vector<16xi32>
        %swap3A_1260 = vector.shape_cast %add3A_1252 : vector<16xi32> to vector<16xi32>
        tpu.vector_store %arg10[%swap3A_1257], %swap3A_1260 {strides = array<i32>} : memref<12000xi32, #tpu.memory_space<vmem>>, vector<16xi32>,
        %add3A_1261 = arith.constant 1 : i32
        %add3A_1262 = vector.broadcast %add3A_1261 : i32 to vector<16xi32>
        %add3A_1263 = arith.addi %mul3A_1227, %add3A_1262 : vector<16xi32>
        %mul3A_1264 = arith.constant 16 : i32
        %mul3A_1265 = arith.muli %scan3A_1211, %mul3A_1264 : i32
        %add3A_1266 = arith.constant 4000 : i32
        %add3A_1267 = arith.addi %add3A_1266, %mul3A_1265 : i32
        %swap3A_1268 = arith.index_cast %add3A_1267 : i32 to index
        %swap3A_1269 = tpu.vector_load %arg11[%swap3A_1268] {strides = array<i32>} : memref<12000xi32, #tpu.memory_space<vmem>>, vector<16xi32>,
        %swap3A_1270 = vector.shape_cast %swap3A_1269 : vector<16xi32> to vector<16xi32>
        %swap3A_1271 = vector.shape_cast %add3A_1263 : vector<16xi32> to vector<16xi32>
        tpu.vector_store %arg11[%swap3A_1268], %swap3A_1271 {strides = array<i32>} : memref<12000xi32, #tpu.memory_space<vmem>>, vector<16xi32>,
        %add3A_1272 = arith.constant 2 : i32
        %add3A_1273 = vector.broadcast %add3A_1272 : i32 to vector<16xi32>
        %add3A_1274 = arith.addi %mul3A_1219, %add3A_1273 : vector<16xi32>
        %mul3A_1275 = arith.constant 16 : i32
        %mul3A_1276 = arith.muli %scan3A_1211, %mul3A_1275 : i32
        %add3A_1277 = arith.constant 8000 : i32
        %add3A_1278 = arith.addi %add3A_1277, %mul3A_1276 : i32
        %swap3A_1279 = arith.index_cast %add3A_1278 : i32 to index
        %swap3A_1280 = tpu.vector_load %arg10[%swap3A_1279] {strides = array<i32>} : memref<12000xi32, #tpu.memory_space<vmem>>, vector<16xi32>,
        %swap3A_1281 = vector.shape_cast %swap3A_1280 : vector<16xi32> to vector<16xi32>
        %swap3A_1282 = vector.shape_cast %add3A_1274 : vector<16xi32> to vector<16xi32>
        tpu.vector_store %arg10[%swap3A_1279], %swap3A_1282 {strides = array<i32>} : memref<12000xi32, #tpu.memory_space<vmem>>, vector<16xi32>,
        %add3A_1283 = arith.constant 2 : i32
        %add3A_1284 = vector.broadcast %add3A_1283 : i32 to vector<16xi32>
        %add3A_1285 = arith.addi %mul3A_1227, %add3A_1284 : vector<16xi32>
        %mul3A_1286 = arith.constant 16 : i32
        %mul3A_1287 = arith.muli %scan3A_1211, %mul3A_1286 : i32
        %add3A_1288 = arith.constant 8000 : i32
        %add3A_1289 = arith.addi %add3A_1288, %mul3A_1287 : i32
        %swap3A_1290 = arith.index_cast %add3A_1289 : i32 to index
        %swap3A_1291 = tpu.vector_load %arg11[%swap3A_1290] {strides = array<i32>} : memref<12000xi32, #tpu.memory_space<vmem>>, vector<16xi32>,
        %swap3A_1292 = vector.shape_cast %swap3A_1291 : vector<16xi32> to vector<16xi32>
        %swap3A_1293 = vector.shape_cast %add3A_1285 : vector<16xi32> to vector<16xi32>
        tpu.vector_store %arg11[%swap3A_1290], %swap3A_1293 {strides = array<i32>} : memref<12000xi32, #tpu.memory_space<vmem>>, vector<16xi32>,
        %scan3A_1294 = arith.constant 2 : i32
        %scan3A_1295 = arith.addi %scan3A_1127, %scan3A_1294 : i32
        %mul3A_1296 = arith.constant 16 : i32
        %mul3A_1297 = arith.muli %scan3A_1295, %mul3A_1296 : i32
        %get3A_1298 = arith.index_cast %mul3A_1297 : i32 to index
        %get3A_1299 = tpu.vector_load %arg6[%get3A_1298] {strides = array<i32>} : memref<4000xi32, #tpu.memory_space<vmem>>, vector<16xi32>,
        %get3A_1300 = vector.shape_cast %get3A_1299 : vector<16xi32> to vector<16xi32>
        %mul3A_1301 = arith.constant 3 : i32
        %mul3A_1302 = vector.broadcast %mul3A_1301 : i32 to vector<16xi32>
        %mul3A_1303 = arith.muli %get3A_1300, %mul3A_1302 : vector<16xi32>
        %mul3A_1304 = arith.constant 16 : i32
        %mul3A_1305 = arith.muli %scan3A_1295, %mul3A_1304 : i32
        %get3A_1306 = arith.index_cast %mul3A_1305 : i32 to index
        %get3A_1307 = tpu.vector_load %arg7[%get3A_1306] {strides = array<i32>} : memref<4000xi32, #tpu.memory_space<vmem>>, vector<16xi32>,
        %get3A_1308 = vector.shape_cast %get3A_1307 : vector<16xi32> to vector<16xi32>
        %mul3A_1309 = arith.constant 3 : i32
        %mul3A_1310 = vector.broadcast %mul3A_1309 : i32 to vector<16xi32>
        %mul3A_1311 = arith.muli %get3A_1308, %mul3A_1310 : vector<16xi32>
        %add3A_1312 = arith.constant 0 : i32
        %add3A_1313 = vector.broadcast %add3A_1312 : i32 to vector<16xi32>
        %add3A_1314 = arith.addi %mul3A_1303, %add3A_1313 : vector<16xi32>
        %mul3A_1315 = arith.constant 16 : i32
        %mul3A_1316 = arith.muli %scan3A_1295, %mul3A_1315 : i32
        %add3A_1317 = arith.constant 0 : i32
        %add3A_1318 = arith.addi %add3A_1317, %mul3A_1316 : i32
        %swap3A_1319 = arith.index_cast %add3A_1318 : i32 to index
        %swap3A_1320 = tpu.vector_load %arg10[%swap3A_1319] {strides = array<i32>} : memref<12000xi32, #tpu.memory_space<vmem>>, vector<16xi32>,
        %swap3A_1321 = vector.shape_cast %swap3A_1320 : vector<16xi32> to vector<16xi32>
        %swap3A_1322 = vector.shape_cast %add3A_1314 : vector<16xi32> to vector<16xi32>
        tpu.vector_store %arg10[%swap3A_1319], %swap3A_1322 {strides = array<i32>} : memref<12000xi32, #tpu.memory_space<vmem>>, vector<16xi32>,
        %add3A_1323 = arith.constant 0 : i32
        %add3A_1324 = vector.broadcast %add3A_1323 : i32 to vector<16xi32>
        %add3A_1325 = arith.addi %mul3A_1311, %add3A_1324 : vector<16xi32>
        %mul3A_1326 = arith.constant 16 : i32
        %mul3A_1327 = arith.muli %scan3A_1295, %mul3A_1326 : i32
        %add3A_1328 = arith.constant 0 : i32
        %add3A_1329 = arith.addi %add3A_1328, %mul3A_1327 : i32
        %swap3A_1330 = arith.index_cast %add3A_1329 : i32 to index
        %swap3A_1331 = tpu.vector_load %arg11[%swap3A_1330] {strides = array<i32>} : memref<12000xi32, #tpu.memory_space<vmem>>, vector<16xi32>,
        %swap3A_1332 = vector.shape_cast %swap3A_1331 : vector<16xi32> to vector<16xi32>
        %swap3A_1333 = vector.shape_cast %add3A_1325 : vector<16xi32> to vector<16xi32>
        tpu.vector_store %arg11[%swap3A_1330], %swap3A_1333 {strides = array<i32>} : memref<12000xi32, #tpu.memory_space<vmem>>, vector<16xi32>,
        %add3A_1334 = arith.constant 1 : i32
        %add3A_1335 = vector.broadcast %add3A_1334 : i32 to vector<16xi32>
        %add3A_1336 = arith.addi %mul3A_1303, %add3A_1335 : vector<16xi32>
        %mul3A_1337 = arith.constant 16 : i32
        %mul3A_1338 = arith.muli %scan3A_1295, %mul3A_1337 : i32
        %add3A_1339 = arith.constant 4000 : i32
        %add3A_1340 = arith.addi %add3A_1339, %mul3A_1338 : i32
        %swap3A_1341 = arith.index_cast %add3A_1340 : i32 to index
        %swap3A_1342 = tpu.vector_load %arg10[%swap3A_1341] {strides = array<i32>} : memref<12000xi32, #tpu.memory_space<vmem>>, vector<16xi32>,
        %swap3A_1343 = vector.shape_cast %swap3A_1342 : vector<16xi32> to vector<16xi32>
        %swap3A_1344 = vector.shape_cast %add3A_1336 : vector<16xi32> to vector<16xi32>
        tpu.vector_store %arg10[%swap3A_1341], %swap3A_1344 {strides = array<i32>} : memref<12000xi32, #tpu.memory_space<vmem>>, vector<16xi32>,
        %add3A_1345 = arith.constant 1 : i32
        %add3A_1346 = vector.broadcast %add3A_1345 : i32 to vector<16xi32>
        %add3A_1347 = arith.addi %mul3A_1311, %add3A_1346 : vector<16xi32>
        %mul3A_1348 = arith.constant 16 : i32
        %mul3A_1349 = arith.muli %scan3A_1295, %mul3A_1348 : i32
        %add3A_1350 = arith.constant 4000 : i32
        %add3A_1351 = arith.addi %add3A_1350, %mul3A_1349 : i32
        %swap3A_1352 = arith.index_cast %add3A_1351 : i32 to index
        %swap3A_1353 = tpu.vector_load %arg11[%swap3A_1352] {strides = array<i32>} : memref<12000xi32, #tpu.memory_space<vmem>>, vector<16xi32>,
        %swap3A_1354 = vector.shape_cast %swap3A_1353 : vector<16xi32> to vector<16xi32>
        %swap3A_1355 = vector.shape_cast %add3A_1347 : vector<16xi32> to vector<16xi32>
        tpu.vector_store %arg11[%swap3A_1352], %swap3A_1355 {strides = array<i32>} : memref<12000xi32, #tpu.memory_space<vmem>>, vector<16xi32>,
        %add3A_1356 = arith.constant 2 : i32
        %add3A_1357 = vector.broadcast %add3A_1356 : i32 to vector<16xi32>
        %add3A_1358 = arith.addi %mul3A_1303, %add3A_1357 : vector<16xi32>
        %mul3A_1359 = arith.constant 16 : i32
        %mul3A_1360 = arith.muli %scan3A_1295, %mul3A_1359 : i32
        %add3A_1361 = arith.constant 8000 : i32
        %add3A_1362 = arith.addi %add3A_1361, %mul3A_1360 : i32
        %swap3A_1363 = arith.index_cast %add3A_1362 : i32 to index
        %swap3A_1364 = tpu.vector_load %arg10[%swap3A_1363] {strides = array<i32>} : memref<12000xi32, #tpu.memory_space<vmem>>, vector<16xi32>,
        %swap3A_1365 = vector.shape_cast %swap3A_1364 : vector<16xi32> to vector<16xi32>
        %swap3A_1366 = vector.shape_cast %add3A_1358 : vector<16xi32> to vector<16xi32>
        tpu.vector_store %arg10[%swap3A_1363], %swap3A_1366 {strides = array<i32>} : memref<12000xi32, #tpu.memory_space<vmem>>, vector<16xi32>,
        %add3A_1367 = arith.constant 2 : i32
        %add3A_1368 = vector.broadcast %add3A_1367 : i32 to vector<16xi32>
        %add3A_1369 = arith.addi %mul3A_1311, %add3A_1368 : vector<16xi32>
        %mul3A_1370 = arith.constant 16 : i32
        %mul3A_1371 = arith.muli %scan3A_1295, %mul3A_1370 : i32
        %add3A_1372 = arith.constant 8000 : i32
        %add3A_1373 = arith.addi %add3A_1372, %mul3A_1371 : i32
        %swap3A_1374 = arith.index_cast %add3A_1373 : i32 to index
        %swap3A_1375 = tpu.vector_load %arg11[%swap3A_1374] {strides = array<i32>} : memref<12000xi32, #tpu.memory_space<vmem>>, vector<16xi32>,
        %swap3A_1376 = vector.shape_cast %swap3A_1375 : vector<16xi32> to vector<16xi32>
        %swap3A_1377 = vector.shape_cast %add3A_1369 : vector<16xi32> to vector<16xi32>
        tpu.vector_store %arg11[%swap3A_1374], %swap3A_1377 {strides = array<i32>} : memref<12000xi32, #tpu.memory_space<vmem>>, vector<16xi32>,
        %scan3A_1378 = arith.constant 3 : i32
        %scan3A_1379 = arith.addi %scan3A_1127, %scan3A_1378 : i32
        %mul3A_1380 = arith.constant 16 : i32
        %mul3A_1381 = arith.muli %scan3A_1379, %mul3A_1380 : i32
        %get3A_1382 = arith.index_cast %mul3A_1381 : i32 to index
        %get3A_1383 = tpu.vector_load %arg6[%get3A_1382] {strides = array<i32>} : memref<4000xi32, #tpu.memory_space<vmem>>, vector<16xi32>,
        %get3A_1384 = vector.shape_cast %get3A_1383 : vector<16xi32> to vector<16xi32>
        %mul3A_1385 = arith.constant 3 : i32
        %mul3A_1386 = vector.broadcast %mul3A_1385 : i32 to vector<16xi32>
        %mul3A_1387 = arith.muli %get3A_1384, %mul3A_1386 : vector<16xi32>
        %mul3A_1388 = arith.constant 16 : i32
        %mul3A_1389 = arith.muli %scan3A_1379, %mul3A_1388 : i32
        %get3A_1390 = arith.index_cast %mul3A_1389 : i32 to index
        %get3A_1391 = tpu.vector_load %arg7[%get3A_1390] {strides = array<i32>} : memref<4000xi32, #tpu.memory_space<vmem>>, vector<16xi32>,
        %get3A_1392 = vector.shape_cast %get3A_1391 : vector<16xi32> to vector<16xi32>
        %mul3A_1393 = arith.constant 3 : i32
        %mul3A_1394 = vector.broadcast %mul3A_1393 : i32 to vector<16xi32>
        %mul3A_1395 = arith.muli %get3A_1392, %mul3A_1394 : vector<16xi32>
        %add3A_1396 = arith.constant 0 : i32
        %add3A_1397 = vector.broadcast %add3A_1396 : i32 to vector<16xi32>
        %add3A_1398 = arith.addi %mul3A_1387, %add3A_1397 : vector<16xi32>
        %mul3A_1399 = arith.constant 16 : i32
        %mul3A_1400 = arith.muli %scan3A_1379, %mul3A_1399 : i32
        %add3A_1401 = arith.constant 0 : i32
        %add3A_1402 = arith.addi %add3A_1401, %mul3A_1400 : i32
        %swap3A_1403 = arith.index_cast %add3A_1402 : i32 to index
        %swap3A_1404 = tpu.vector_load %arg10[%swap3A_1403] {strides = array<i32>} : memref<12000xi32, #tpu.memory_space<vmem>>, vector<16xi32>,
        %swap3A_1405 = vector.shape_cast %swap3A_1404 : vector<16xi32> to vector<16xi32>
        %swap3A_1406 = vector.shape_cast %add3A_1398 : vector<16xi32> to vector<16xi32>
        tpu.vector_store %arg10[%swap3A_1403], %swap3A_1406 {strides = array<i32>} : memref<12000xi32, #tpu.memory_space<vmem>>, vector<16xi32>,
        %add3A_1407 = arith.constant 0 : i32
        %add3A_1408 = vector.broadcast %add3A_1407 : i32 to vector<16xi32>
        %add3A_1409 = arith.addi %mul3A_1395, %add3A_1408 : vector<16xi32>
        %mul3A_1410 = arith.constant 16 : i32
        %mul3A_1411 = arith.muli %scan3A_1379, %mul3A_1410 : i32
        %add3A_1412 = arith.constant 0 : i32
        %add3A_1413 = arith.addi %add3A_1412, %mul3A_1411 : i32
        %swap3A_1414 = arith.index_cast %add3A_1413 : i32 to index
        %swap3A_1415 = tpu.vector_load %arg11[%swap3A_1414] {strides = array<i32>} : memref<12000xi32, #tpu.memory_space<vmem>>, vector<16xi32>,
        %swap3A_1416 = vector.shape_cast %swap3A_1415 : vector<16xi32> to vector<16xi32>
        %swap3A_1417 = vector.shape_cast %add3A_1409 : vector<16xi32> to vector<16xi32>
        tpu.vector_store %arg11[%swap3A_1414], %swap3A_1417 {strides = array<i32>} : memref<12000xi32, #tpu.memory_space<vmem>>, vector<16xi32>,
        %add3A_1418 = arith.constant 1 : i32
        %add3A_1419 = vector.broadcast %add3A_1418 : i32 to vector<16xi32>
        %add3A_1420 = arith.addi %mul3A_1387, %add3A_1419 : vector<16xi32>
        %mul3A_1421 = arith.constant 16 : i32
        %mul3A_1422 = arith.muli %scan3A_1379, %mul3A_1421 : i32
        %add3A_1423 = arith.constant 4000 : i32
        %add3A_1424 = arith.addi %add3A_1423, %mul3A_1422 : i32
        %swap3A_1425 = arith.index_cast %add3A_1424 : i32 to index
        %swap3A_1426 = tpu.vector_load %arg10[%swap3A_1425] {strides = array<i32>} : memref<12000xi32, #tpu.memory_space<vmem>>, vector<16xi32>,
        %swap3A_1427 = vector.shape_cast %swap3A_1426 : vector<16xi32> to vector<16xi32>
        %swap3A_1428 = vector.shape_cast %add3A_1420 : vector<16xi32> to vector<16xi32>
        tpu.vector_store %arg10[%swap3A_1425], %swap3A_1428 {strides = array<i32>} : memref<12000xi32, #tpu.memory_space<vmem>>, vector<16xi32>,
        %add3A_1429 = arith.constant 1 : i32
        %add3A_1430 = vector.broadcast %add3A_1429 : i32 to vector<16xi32>
        %add3A_1431 = arith.addi %mul3A_1395, %add3A_1430 : vector<16xi32>
        %mul3A_1432 = arith.constant 16 : i32
        %mul3A_1433 = arith.muli %scan3A_1379, %mul3A_1432 : i32
        %add3A_1434 = arith.constant 4000 : i32
        %add3A_1435 = arith.addi %add3A_1434, %mul3A_1433 : i32
        %swap3A_1436 = arith.index_cast %add3A_1435 : i32 to index
        %swap3A_1437 = tpu.vector_load %arg11[%swap3A_1436] {strides = array<i32>} : memref<12000xi32, #tpu.memory_space<vmem>>, vector<16xi32>,
        %swap3A_1438 = vector.shape_cast %swap3A_1437 : vector<16xi32> to vector<16xi32>
        %swap3A_1439 = vector.shape_cast %add3A_1431 : vector<16xi32> to vector<16xi32>
        tpu.vector_store %arg11[%swap3A_1436], %swap3A_1439 {strides = array<i32>} : memref<12000xi32, #tpu.memory_space<vmem>>, vector<16xi32>,
        %add3A_1440 = arith.constant 2 : i32
        %add3A_1441 = vector.broadcast %add3A_1440 : i32 to vector<16xi32>
        %add3A_1442 = arith.addi %mul3A_1387, %add3A_1441 : vector<16xi32>
        %mul3A_1443 = arith.constant 16 : i32
        %mul3A_1444 = arith.muli %scan3A_1379, %mul3A_1443 : i32
        %add3A_1445 = arith.constant 8000 : i32
        %add3A_1446 = arith.addi %add3A_1445, %mul3A_1444 : i32
        %swap3A_1447 = arith.index_cast %add3A_1446 : i32 to index
        %swap3A_1448 = tpu.vector_load %arg10[%swap3A_1447] {strides = array<i32>} : memref<12000xi32, #tpu.memory_space<vmem>>, vector<16xi32>,
        %swap3A_1449 = vector.shape_cast %swap3A_1448 : vector<16xi32> to vector<16xi32>
        %swap3A_1450 = vector.shape_cast %add3A_1442 : vector<16xi32> to vector<16xi32>
        tpu.vector_store %arg10[%swap3A_1447], %swap3A_1450 {strides = array<i32>} : memref<12000xi32, #tpu.memory_space<vmem>>, vector<16xi32>,
        %add3A_1451 = arith.constant 2 : i32
        %add3A_1452 = vector.broadcast %add3A_1451 : i32 to vector<16xi32>
        %add3A_1453 = arith.addi %mul3A_1395, %add3A_1452 : vector<16xi32>
        %mul3A_1454 = arith.constant 16 : i32
        %mul3A_1455 = arith.muli %scan3A_1379, %mul3A_1454 : i32
        %add3A_1456 = arith.constant 8000 : i32
        %add3A_1457 = arith.addi %add3A_1456, %mul3A_1455 : i32
        %swap3A_1458 = arith.index_cast %add3A_1457 : i32 to index
        %swap3A_1459 = tpu.vector_load %arg11[%swap3A_1458] {strides = array<i32>} : memref<12000xi32, #tpu.memory_space<vmem>>, vector<16xi32>,
        %swap3A_1460 = vector.shape_cast %swap3A_1459 : vector<16xi32> to vector<16xi32>
        %swap3A_1461 = vector.shape_cast %add3A_1453 : vector<16xi32> to vector<16xi32>
        tpu.vector_store %arg11[%swap3A_1458], %swap3A_1461 {strides = array<i32>} : memref<12000xi32, #tpu.memory_space<vmem>>, vector<16xi32>,
      }
      %scan3A_386 = arith.constant 248 : i32
      %scan3A_387 = arith.addi %scan3A_382, %scan3A_386 : i32
      %mul3A_388 = arith.constant 16 : i32
      %mul3A_389 = arith.muli %scan3A_387, %mul3A_388 : i32
      %get3A_390 = arith.index_cast %mul3A_389 : i32 to index
      %get3A_391 = tpu.vector_load %arg6[%get3A_390] {strides = array<i32>} : memref<4000xi32, #tpu.memory_space<vmem>>, vector<16xi32>,
      %get3A_392 = vector.shape_cast %get3A_391 : vector<16xi32> to vector<16xi32>
      %mul3A_393 = arith.constant 3 : i32
      %mul3A_394 = vector.broadcast %mul3A_393 : i32 to vector<16xi32>
      %mul3A_395 = arith.muli %get3A_392, %mul3A_394 : vector<16xi32>
      %mul3A_396 = arith.constant 16 : i32
      %mul3A_397 = arith.muli %scan3A_387, %mul3A_396 : i32
      %get3A_398 = arith.index_cast %mul3A_397 : i32 to index
      %get3A_399 = tpu.vector_load %arg7[%get3A_398] {strides = array<i32>} : memref<4000xi32, #tpu.memory_space<vmem>>, vector<16xi32>,
      %get3A_400 = vector.shape_cast %get3A_399 : vector<16xi32> to vector<16xi32>
      %mul3A_401 = arith.constant 3 : i32
      %mul3A_402 = vector.broadcast %mul3A_401 : i32 to vector<16xi32>
      %mul3A_403 = arith.muli %get3A_400, %mul3A_402 : vector<16xi32>
      %add3A_404 = arith.constant 0 : i32
      %add3A_405 = vector.broadcast %add3A_404 : i32 to vector<16xi32>
      %add3A_406 = arith.addi %mul3A_395, %add3A_405 : vector<16xi32>
      %mul3A_407 = arith.constant 16 : i32
      %mul3A_408 = arith.muli %scan3A_387, %mul3A_407 : i32
      %add3A_409 = arith.constant 0 : i32
      %add3A_410 = arith.addi %add3A_409, %mul3A_408 : i32
      %swap3A_411 = arith.index_cast %add3A_410 : i32 to index
      %swap3A_412 = tpu.vector_load %arg10[%swap3A_411] {strides = array<i32>} : memref<12000xi32, #tpu.memory_space<vmem>>, vector<16xi32>,
      %swap3A_413 = vector.shape_cast %swap3A_412 : vector<16xi32> to vector<16xi32>
      %swap3A_414 = vector.shape_cast %add3A_406 : vector<16xi32> to vector<16xi32>
      tpu.vector_store %arg10[%swap3A_411], %swap3A_414 {strides = array<i32>} : memref<12000xi32, #tpu.memory_space<vmem>>, vector<16xi32>,
      %add3A_415 = arith.constant 0 : i32
      %add3A_416 = vector.broadcast %add3A_415 : i32 to vector<16xi32>
      %add3A_417 = arith.addi %mul3A_403, %add3A_416 : vector<16xi32>
      %mul3A_418 = arith.constant 16 : i32
      %mul3A_419 = arith.muli %scan3A_387, %mul3A_418 : i32
      %add3A_420 = arith.constant 0 : i32
      %add3A_421 = arith.addi %add3A_420, %mul3A_419 : i32
      %swap3A_422 = arith.index_cast %add3A_421 : i32 to index
      %swap3A_423 = tpu.vector_load %arg11[%swap3A_422] {strides = array<i32>} : memref<12000xi32, #tpu.memory_space<vmem>>, vector<16xi32>,
      %swap3A_424 = vector.shape_cast %swap3A_423 : vector<16xi32> to vector<16xi32>
      %swap3A_425 = vector.shape_cast %add3A_417 : vector<16xi32> to vector<16xi32>
      tpu.vector_store %arg11[%swap3A_422], %swap3A_425 {strides = array<i32>} : memref<12000xi32, #tpu.memory_space<vmem>>, vector<16xi32>,
      %add3A_426 = arith.constant 1 : i32
      %add3A_427 = vector.broadcast %add3A_426 : i32 to vector<16xi32>
      %add3A_428 = arith.addi %mul3A_395, %add3A_427 : vector<16xi32>
      %mul3A_429 = arith.constant 16 : i32
      %mul3A_430 = arith.muli %scan3A_387, %mul3A_429 : i32
      %add3A_431 = arith.constant 4000 : i32
      %add3A_432 = arith.addi %add3A_431, %mul3A_430 : i32
      %swap3A_433 = arith.index_cast %add3A_432 : i32 to index
      %swap3A_434 = tpu.vector_load %arg10[%swap3A_433] {strides = array<i32>} : memref<12000xi32, #tpu.memory_space<vmem>>, vector<16xi32>,
      %swap3A_435 = vector.shape_cast %swap3A_434 : vector<16xi32> to vector<16xi32>
      %swap3A_436 = vector.shape_cast %add3A_428 : vector<16xi32> to vector<16xi32>
      tpu.vector_store %arg10[%swap3A_433], %swap3A_436 {strides = array<i32>} : memref<12000xi32, #tpu.memory_space<vmem>>, vector<16xi32>,
      %add3A_437 = arith.constant 1 : i32
      %add3A_438 = vector.broadcast %add3A_437 : i32 to vector<16xi32>
      %add3A_439 = arith.addi %mul3A_403, %add3A_438 : vector<16xi32>
      %mul3A_440 = arith.constant 16 : i32
      %mul3A_441 = arith.muli %scan3A_387, %mul3A_440 : i32
      %add3A_442 = arith.constant 4000 : i32
      %add3A_443 = arith.addi %add3A_442, %mul3A_441 : i32
      %swap3A_444 = arith.index_cast %add3A_443 : i32 to index
      %swap3A_445 = tpu.vector_load %arg11[%swap3A_444] {strides = array<i32>} : memref<12000xi32, #tpu.memory_space<vmem>>, vector<16xi32>,
      %swap3A_446 = vector.shape_cast %swap3A_445 : vector<16xi32> to vector<16xi32>
      %swap3A_447 = vector.shape_cast %add3A_439 : vector<16xi32> to vector<16xi32>
      tpu.vector_store %arg11[%swap3A_444], %swap3A_447 {strides = array<i32>} : memref<12000xi32, #tpu.memory_space<vmem>>, vector<16xi32>,
      %add3A_448 = arith.constant 2 : i32
      %add3A_449 = vector.broadcast %add3A_448 : i32 to vector<16xi32>
      %add3A_450 = arith.addi %mul3A_395, %add3A_449 : vector<16xi32>
      %mul3A_451 = arith.constant 16 : i32
      %mul3A_452 = arith.muli %scan3A_387, %mul3A_451 : i32
      %add3A_453 = arith.constant 8000 : i32
      %add3A_454 = arith.addi %add3A_453, %mul3A_452 : i32
      %swap3A_455 = arith.index_cast %add3A_454 : i32 to index
      %swap3A_456 = tpu.vector_load %arg10[%swap3A_455] {strides = array<i32>} : memref<12000xi32, #tpu.memory_space<vmem>>, vector<16xi32>,
      %swap3A_457 = vector.shape_cast %swap3A_456 : vector<16xi32> to vector<16xi32>
      %swap3A_458 = vector.shape_cast %add3A_450 : vector<16xi32> to vector<16xi32>
      tpu.vector_store %arg10[%swap3A_455], %swap3A_458 {strides = array<i32>} : memref<12000xi32, #tpu.memory_space<vmem>>, vector<16xi32>,
      %add3A_459 = arith.constant 2 : i32
      %add3A_460 = vector.broadcast %add3A_459 : i32 to vector<16xi32>
      %add3A_461 = arith.addi %mul3A_403, %add3A_460 : vector<16xi32>
      %mul3A_462 = arith.constant 16 : i32
      %mul3A_463 = arith.muli %scan3A_387, %mul3A_462 : i32
      %add3A_464 = arith.constant 8000 : i32
      %add3A_465 = arith.addi %add3A_464, %mul3A_463 : i32
      %swap3A_466 = arith.index_cast %add3A_465 : i32 to index
      %swap3A_467 = tpu.vector_load %arg11[%swap3A_466] {strides = array<i32>} : memref<12000xi32, #tpu.memory_space<vmem>>, vector<16xi32>,
      %swap3A_468 = vector.shape_cast %swap3A_467 : vector<16xi32> to vector<16xi32>
      %swap3A_469 = vector.shape_cast %add3A_461 : vector<16xi32> to vector<16xi32>
      tpu.vector_store %arg11[%swap3A_466], %swap3A_469 {strides = array<i32>} : memref<12000xi32, #tpu.memory_space<vmem>>, vector<16xi32>,
      %scan3A_470 = arith.constant 249 : i32
      %scan3A_471 = arith.addi %scan3A_382, %scan3A_470 : i32
      %mul3A_472 = arith.constant 16 : i32
      %mul3A_473 = arith.muli %scan3A_471, %mul3A_472 : i32
      %get3A_474 = arith.index_cast %mul3A_473 : i32 to index
      %get3A_475 = tpu.vector_load %arg6[%get3A_474] {strides = array<i32>} : memref<4000xi32, #tpu.memory_space<vmem>>, vector<16xi32>,
      %get3A_476 = vector.shape_cast %get3A_475 : vector<16xi32> to vector<16xi32>
      %mul3A_477 = arith.constant 3 : i32
      %mul3A_478 = vector.broadcast %mul3A_477 : i32 to vector<16xi32>
      %mul3A_479 = arith.muli %get3A_476, %mul3A_478 : vector<16xi32>
      %mul3A_480 = arith.constant 16 : i32
      %mul3A_481 = arith.muli %scan3A_471, %mul3A_480 : i32
      %get3A_482 = arith.index_cast %mul3A_481 : i32 to index
      %get3A_483 = tpu.vector_load %arg7[%get3A_482] {strides = array<i32>} : memref<4000xi32, #tpu.memory_space<vmem>>, vector<16xi32>,
      %get3A_484 = vector.shape_cast %get3A_483 : vector<16xi32> to vector<16xi32>
      %mul3A_485 = arith.constant 3 : i32
      %mul3A_486 = vector.broadcast %mul3A_485 : i32 to vector<16xi32>
      %mul3A_487 = arith.muli %get3A_484, %mul3A_486 : vector<16xi32>
      %add3A_488 = arith.constant 0 : i32
      %add3A_489 = vector.broadcast %add3A_488 : i32 to vector<16xi32>
      %add3A_490 = arith.addi %mul3A_479, %add3A_489 : vector<16xi32>
      %mul3A_491 = arith.constant 16 : i32
      %mul3A_492 = arith.muli %scan3A_471, %mul3A_491 : i32
      %add3A_493 = arith.constant 0 : i32
      %add3A_494 = arith.addi %add3A_493, %mul3A_492 : i32
      %swap3A_495 = arith.index_cast %add3A_494 : i32 to index
      %swap3A_496 = tpu.vector_load %arg10[%swap3A_495] {strides = array<i32>} : memref<12000xi32, #tpu.memory_space<vmem>>, vector<16xi32>,
      %swap3A_497 = vector.shape_cast %swap3A_496 : vector<16xi32> to vector<16xi32>
      %swap3A_498 = vector.shape_cast %add3A_490 : vector<16xi32> to vector<16xi32>
      tpu.vector_store %arg10[%swap3A_495], %swap3A_498 {strides = array<i32>} : memref<12000xi32, #tpu.memory_space<vmem>>, vector<16xi32>,
      %add3A_499 = arith.constant 0 : i32
      %add3A_500 = vector.broadcast %add3A_499 : i32 to vector<16xi32>
      %add3A_501 = arith.addi %mul3A_487, %add3A_500 : vector<16xi32>
      %mul3A_502 = arith.constant 16 : i32
      %mul3A_503 = arith.muli %scan3A_471, %mul3A_502 : i32
      %add3A_504 = arith.constant 0 : i32
      %add3A_505 = arith.addi %add3A_504, %mul3A_503 : i32
      %swap3A_506 = arith.index_cast %add3A_505 : i32 to index
      %swap3A_507 = tpu.vector_load %arg11[%swap3A_506] {strides = array<i32>} : memref<12000xi32, #tpu.memory_space<vmem>>, vector<16xi32>,
      %swap3A_508 = vector.shape_cast %swap3A_507 : vector<16xi32> to vector<16xi32>
      %swap3A_509 = vector.shape_cast %add3A_501 : vector<16xi32> to vector<16xi32>
      tpu.vector_store %arg11[%swap3A_506], %swap3A_509 {strides = array<i32>} : memref<12000xi32, #tpu.memory_space<vmem>>, vector<16xi32>,
      %add3A_510 = arith.constant 1 : i32
      %add3A_511 = vector.broadcast %add3A_510 : i32 to vector<16xi32>
      %add3A_512 = arith.addi %mul3A_479, %add3A_511 : vector<16xi32>
      %mul3A_513 = arith.constant 16 : i32
      %mul3A_514 = arith.muli %scan3A_471, %mul3A_513 : i32
      %add3A_515 = arith.constant 4000 : i32
      %add3A_516 = arith.addi %add3A_515, %mul3A_514 : i32
      %swap3A_517 = arith.index_cast %add3A_516 : i32 to index
      %swap3A_518 = tpu.vector_load %arg10[%swap3A_517] {strides = array<i32>} : memref<12000xi32, #tpu.memory_space<vmem>>, vector<16xi32>,
      %swap3A_519 = vector.shape_cast %swap3A_518 : vector<16xi32> to vector<16xi32>
      %swap3A_520 = vector.shape_cast %add3A_512 : vector<16xi32> to vector<16xi32>
      tpu.vector_store %arg10[%swap3A_517], %swap3A_520 {strides = array<i32>} : memref<12000xi32, #tpu.memory_space<vmem>>, vector<16xi32>,
      %add3A_521 = arith.constant 1 : i32
      %add3A_522 = vector.broadcast %add3A_521 : i32 to vector<16xi32>
      %add3A_523 = arith.addi %mul3A_487, %add3A_522 : vector<16xi32>
      %mul3A_524 = arith.constant 16 : i32
      %mul3A_525 = arith.muli %scan3A_471, %mul3A_524 : i32
      %add3A_526 = arith.constant 4000 : i32
      %add3A_527 = arith.addi %add3A_526, %mul3A_525 : i32
      %swap3A_528 = arith.index_cast %add3A_527 : i32 to index
      %swap3A_529 = tpu.vector_load %arg11[%swap3A_528] {strides = array<i32>} : memref<12000xi32, #tpu.memory_space<vmem>>, vector<16xi32>,
      %swap3A_530 = vector.shape_cast %swap3A_529 : vector<16xi32> to vector<16xi32>
      %swap3A_531 = vector.shape_cast %add3A_523 : vector<16xi32> to vector<16xi32>
      tpu.vector_store %arg11[%swap3A_528], %swap3A_531 {strides = array<i32>} : memref<12000xi32, #tpu.memory_space<vmem>>, vector<16xi32>,
      %add3A_532 = arith.constant 2 : i32
      %add3A_533 = vector.broadcast %add3A_532 : i32 to vector<16xi32>
      %add3A_534 = arith.addi %mul3A_479, %add3A_533 : vector<16xi32>
      %mul3A_535 = arith.constant 16 : i32
      %mul3A_536 = arith.muli %scan3A_471, %mul3A_535 : i32
      %add3A_537 = arith.constant 8000 : i32
      %add3A_538 = arith.addi %add3A_537, %mul3A_536 : i32
      %swap3A_539 = arith.index_cast %add3A_538 : i32 to index
      %swap3A_540 = tpu.vector_load %arg10[%swap3A_539] {strides = array<i32>} : memref<12000xi32, #tpu.memory_space<vmem>>, vector<16xi32>,
      %swap3A_541 = vector.shape_cast %swap3A_540 : vector<16xi32> to vector<16xi32>
      %swap3A_542 = vector.shape_cast %add3A_534 : vector<16xi32> to vector<16xi32>
      tpu.vector_store %arg10[%swap3A_539], %swap3A_542 {strides = array<i32>} : memref<12000xi32, #tpu.memory_space<vmem>>, vector<16xi32>,
      %add3A_543 = arith.constant 2 : i32
      %add3A_544 = vector.broadcast %add3A_543 : i32 to vector<16xi32>
      %add3A_545 = arith.addi %mul3A_487, %add3A_544 : vector<16xi32>
      %mul3A_546 = arith.constant 16 : i32
      %mul3A_547 = arith.muli %scan3A_471, %mul3A_546 : i32
      %add3A_548 = arith.constant 8000 : i32
      %add3A_549 = arith.addi %add3A_548, %mul3A_547 : i32
      %swap3A_550 = arith.index_cast %add3A_549 : i32 to index
      %swap3A_551 = tpu.vector_load %arg11[%swap3A_550] {strides = array<i32>} : memref<12000xi32, #tpu.memory_space<vmem>>, vector<16xi32>,
      %swap3A_552 = vector.shape_cast %swap3A_551 : vector<16xi32> to vector<16xi32>
      %swap3A_553 = vector.shape_cast %add3A_545 : vector<16xi32> to vector<16xi32>
      tpu.vector_store %arg11[%swap3A_550], %swap3A_553 {strides = array<i32>} : memref<12000xi32, #tpu.memory_space<vmem>>, vector<16xi32>,
      %scan3A_554 = arith.constant 250 : i32
      %dma_start3A_555 = arith.constant 0 : i32
      %dma_start3A_556 = tpu.memref_slice %arg2[%dma_start3A_555] : memref<300000xf32, #tpu.memory_space<hbm>> -> memref<300000xf32, #tpu.memory_space<hbm>>
      tpu.enqueue_indirect_dma source(%dma_start3A_556 : memref<300000xf32, #tpu.memory_space<hbm>>) target(%arg14 : memref<12000xf32, #tpu.memory_space<vmem>>) offsets(%arg10 : memref<12000xi32, #tpu.memory_space<vmem>>) semaphore(%arg20 : memref<!tpu.dma_semaphore, #tpu.memory_space<semaphore_mem>>)
      %dma_start3A_557 = arith.constant 0 : i32
      %dma_start3A_558 = tpu.memref_slice %arg2[%dma_start3A_557] : memref<300000xf32, #tpu.memory_space<hbm>> -> memref<300000xf32, #tpu.memory_space<hbm>>
      tpu.enqueue_indirect_dma source(%dma_start3A_558 : memref<300000xf32, #tpu.memory_space<hbm>>) target(%arg15 : memref<12000xf32, #tpu.memory_space<vmem>>) offsets(%arg11 : memref<12000xi32, #tpu.memory_space<vmem>>) semaphore(%arg21 : memref<!tpu.dma_semaphore, #tpu.memory_space<semaphore_mem>>)
      %dma_wait3A_559 = arith.constant 0 : i32
      %dma_wait3A_560 = tpu.memref_slice %arg2[%dma_wait3A_559] : memref<300000xf32, #tpu.memory_space<hbm>> -> memref<300000xf32, #tpu.memory_space<hbm>>
      tpu.wait_indirect_dma semaphore(%arg18 : memref<!tpu.dma_semaphore, #tpu.memory_space<semaphore_mem>>) src(%dma_wait3A_560 : memref<300000xf32, #tpu.memory_space<hbm>>) dst(%arg12 : memref<12000xf32, #tpu.memory_space<vmem>>)
      %dma_wait3A_561 = arith.constant 0 : i32
      %dma_wait3A_562 = tpu.memref_slice %arg2[%dma_wait3A_561] : memref<300000xf32, #tpu.memory_space<hbm>> -> memref<300000xf32, #tpu.memory_space<hbm>>
      tpu.wait_indirect_dma semaphore(%arg19 : memref<!tpu.dma_semaphore, #tpu.memory_space<semaphore_mem>>) src(%dma_wait3A_562 : memref<300000xf32, #tpu.memory_space<hbm>>) dst(%arg13 : memref<12000xf32, #tpu.memory_space<vmem>>)
      %mul3A_563 = arith.constant 4000 : i32
      %mul3A_564 = arith.muli %mul3A_373, %mul3A_563 : i32
      %add3A_565 = arith.addi %mul3A_2, %mul3A_564 : i32
      %scan3A_566 = arith.constant 0 : i32
      %scan3A_567 = arith.constant 0 : i32
      %scan3A_568 = arith.constant 248 : i32
      %scan3A_569 = arith.addi %scan3A_567, %scan3A_568 : i32
      %scan3A_570 = arith.constant 4 : i32
      scf.for %scan3A_1127 = %scan3A_567 to %scan3A_569 step %scan3A_570  : i32 {
        %mul3A_1128 = arith.constant 16 : i32
        %mul3A_1129 = arith.muli %scan3A_1127, %mul3A_1128 : i32
        %get3A_1130 = arith.index_cast %mul3A_1129 : i32 to index
        %get3A_1131 = tpu.vector_load %arg13[%get3A_1130] {strides = array<i32>} : memref<12000xf32, #tpu.memory_space<vmem>>, vector<16xf32>,
        %get3A_1132 = vector.shape_cast %get3A_1131 : vector<16xf32> to vector<16xf32>
        %get3A_1133 = arith.index_cast %mul3A_1129 : i32 to index
        %get3A_1134 = tpu.vector_load %arg12[%get3A_1133] {strides = array<i32>} : memref<12000xf32, #tpu.memory_space<vmem>>, vector<16xf32>,
        %get3A_1135 = vector.shape_cast %get3A_1134 : vector<16xf32> to vector<16xf32>
        %sub3A_1136 = arith.subf %get3A_1132, %get3A_1135 : vector<16xf32>
        %add3A_1137 = arith.constant 4000 : i32
        %add3A_1138 = arith.addi %add3A_1137, %mul3A_1129 : i32
        %get3A_1139 = arith.index_cast %add3A_1138 : i32 to index
        %get3A_1140 = tpu.vector_load %arg13[%get3A_1139] {strides = array<i32>} : memref<12000xf32, #tpu.memory_space<vmem>>, vector<16xf32>,
        %get3A_1141 = vector.shape_cast %get3A_1140 : vector<16xf32> to vector<16xf32>
        %add3A_1142 = arith.constant 4000 : i32
        %add3A_1143 = arith.addi %add3A_1142, %mul3A_1129 : i32
        %get3A_1144 = arith.index_cast %add3A_1143 : i32 to index
        %get3A_1145 = tpu.vector_load %arg12[%get3A_1144] {strides = array<i32>} : memref<12000xf32, #tpu.memory_space<vmem>>, vector<16xf32>,
        %get3A_1146 = vector.shape_cast %get3A_1145 : vector<16xf32> to vector<16xf32>
        %sub3A_1147 = arith.subf %get3A_1141, %get3A_1146 : vector<16xf32>
        %add3A_1148 = arith.constant 8000 : i32
        %add3A_1149 = arith.addi %add3A_1148, %mul3A_1129 : i32
        %get3A_1150 = arith.index_cast %add3A_1149 : i32 to index
        %get3A_1151 = tpu.vector_load %arg13[%get3A_1150] {strides = array<i32>} : memref<12000xf32, #tpu.memory_space<vmem>>, vector<16xf32>,
        %get3A_1152 = vector.shape_cast %get3A_1151 : vector<16xf32> to vector<16xf32>
        %add3A_1153 = arith.constant 8000 : i32
        %add3A_1154 = arith.addi %add3A_1153, %mul3A_1129 : i32
        %get3A_1155 = arith.index_cast %add3A_1154 : i32 to index
        %get3A_1156 = tpu.vector_load %arg12[%get3A_1155] {strides = array<i32>} : memref<12000xf32, #tpu.memory_space<vmem>>, vector<16xf32>,
        %get3A_1157 = vector.shape_cast %get3A_1156 : vector<16xf32> to vector<16xf32>
        %sub3A_1158 = arith.subf %get3A_1152, %get3A_1157 : vector<16xf32>
        %swap3A_1159 = arith.index_cast %mul3A_1129 : i32 to index
        %swap3A_1160 = tpu.vector_load %arg16[%swap3A_1159] {strides = array<i32>} : memref<12000xf32, #tpu.memory_space<vmem>>, vector<16xf32>,
        %swap3A_1161 = vector.shape_cast %swap3A_1160 : vector<16xf32> to vector<16xf32>
        %swap3A_1162 = vector.shape_cast %sub3A_1136 : vector<16xf32> to vector<16xf32>
        tpu.vector_store %arg16[%swap3A_1159], %swap3A_1162 {strides = array<i32>} : memref<12000xf32, #tpu.memory_space<vmem>>, vector<16xf32>,
        %add3A_1163 = arith.constant 4000 : i32
        %add3A_1164 = arith.addi %add3A_1163, %mul3A_1129 : i32
        %swap3A_1165 = arith.index_cast %add3A_1164 : i32 to index
        %swap3A_1166 = tpu.vector_load %arg16[%swap3A_1165] {strides = array<i32>} : memref<12000xf32, #tpu.memory_space<vmem>>, vector<16xf32>,
        %swap3A_1167 = vector.shape_cast %swap3A_1166 : vector<16xf32> to vector<16xf32>
        %swap3A_1168 = vector.shape_cast %sub3A_1147 : vector<16xf32> to vector<16xf32>
        tpu.vector_store %arg16[%swap3A_1165], %swap3A_1168 {strides = array<i32>} : memref<12000xf32, #tpu.memory_space<vmem>>, vector<16xf32>,
        %add3A_1169 = arith.constant 8000 : i32
        %add3A_1170 = arith.addi %add3A_1169, %mul3A_1129 : i32
        %swap3A_1171 = arith.index_cast %add3A_1170 : i32 to index
        %swap3A_1172 = tpu.vector_load %arg16[%swap3A_1171] {strides = array<i32>} : memref<12000xf32, #tpu.memory_space<vmem>>, vector<16xf32>,
        %swap3A_1173 = vector.shape_cast %swap3A_1172 : vector<16xf32> to vector<16xf32>
        %swap3A_1174 = vector.shape_cast %sub3A_1158 : vector<16xf32> to vector<16xf32>
        tpu.vector_store %arg16[%swap3A_1171], %swap3A_1174 {strides = array<i32>} : memref<12000xf32, #tpu.memory_space<vmem>>, vector<16xf32>,
        %mul3A_1175 = arith.mulf %sub3A_1136, %sub3A_1136 : vector<16xf32>
        %mul3A_1176 = arith.mulf %sub3A_1147, %sub3A_1147 : vector<16xf32>
        %add3A_1177 = arith.addf %mul3A_1175, %mul3A_1176 : vector<16xf32>
        %mul3A_1178 = arith.mulf %sub3A_1158, %sub3A_1158 : vector<16xf32>
        %add3A_1179 = arith.addf %add3A_1177, %mul3A_1178 : vector<16xf32>
        %bitcast_convert_type3A_1180 = tpu.bitcast %add3A_1179 : vector<16xf32> -> vector<16xi32>
        %shift_right_logical3A_1181 = arith.constant 1 : i32
        %shift_right_logical3A_1182 = vector.broadcast %shift_right_logical3A_1181 : i32 to vector<16xi32>
        %shift_right_logical3A_1183 = arith.shrui %bitcast_convert_type3A_1180, %shift_right_logical3A_1182 : vector<16xi32>
        %sub3A_1184 = arith.constant 1597463007 : i32
        %sub3A_1185 = vector.broadcast %sub3A_1184 : i32 to vector<16xi32>
        %sub3A_1186 = arith.subi %sub3A_1185, %shift_right_logical3A_1183 : vector<16xi32>
        %bitcast_convert_type3A_1187 = tpu.bitcast %sub3A_1186 : vector<16xi32> -> vector<16xf32>
        %mul3A_1188 = arith.constant 5.000000e-01 : f32
        %mul3A_1189 = vector.broadcast %mul3A_1188 : f32 to vector<16xf32>
        %mul3A_1190 = arith.mulf %mul3A_1189, %add3A_1179 : vector<16xf32>
        %mul3A_1191 = arith.mulf %mul3A_1190, %bitcast_convert_type3A_1187 : vector<16xf32>
        %mul3A_1192 = arith.mulf %mul3A_1191, %bitcast_convert_type3A_1187 : vector<16xf32>
        %sub3A_1193 = arith.constant 1.500000e+00 : f32
        %sub3A_1194 = vector.broadcast %sub3A_1193 : f32 to vector<16xf32>
        %sub3A_1195 = arith.subf %sub3A_1194, %mul3A_1192 : vector<16xf32>
        %mul3A_1196 = arith.mulf %bitcast_convert_type3A_1187, %sub3A_1195 : vector<16xf32>
        %mul3A_1197 = arith.constant 5.000000e-01 : f32
        %mul3A_1198 = vector.broadcast %mul3A_1197 : f32 to vector<16xf32>
        %mul3A_1199 = arith.mulf %mul3A_1198, %add3A_1179 : vector<16xf32>
        %mul3A_1200 = arith.mulf %mul3A_1199, %mul3A_1196 : vector<16xf32>
        %mul3A_1201 = arith.mulf %mul3A_1200, %mul3A_1196 : vector<16xf32>
        %sub3A_1202 = arith.constant 1.500000e+00 : f32
        %sub3A_1203 = vector.broadcast %sub3A_1202 : f32 to vector<16xf32>
        %sub3A_1204 = arith.subf %sub3A_1203, %mul3A_1201 : vector<16xf32>
        %mul3A_1205 = arith.mulf %mul3A_1196, %sub3A_1204 : vector<16xf32>
        %mul3A_1206 = arith.mulf %add3A_1179, %mul3A_1205 : vector<16xf32>
        %swap3A_1207 = arith.index_cast %mul3A_1129 : i32 to index
        %swap3A_1208 = tpu.vector_load %arg17[%swap3A_1207] {strides = array<i32>} : memref<4000xf32, #tpu.memory_space<vmem>>, vector<16xf32>,
        %swap3A_1209 = vector.shape_cast %swap3A_1208 : vector<16xf32> to vector<16xf32>
        %swap3A_1210 = vector.shape_cast %mul3A_1206 : vector<16xf32> to vector<16xf32>
        tpu.vector_store %arg17[%swap3A_1207], %swap3A_1210 {strides = array<i32>} : memref<4000xf32, #tpu.memory_space<vmem>>, vector<16xf32>,
        %scan3A_1211 = arith.constant 1 : i32
        %scan3A_1212 = arith.addi %scan3A_1127, %scan3A_1211 : i32
        %mul3A_1213 = arith.constant 16 : i32
        %mul3A_1214 = arith.muli %scan3A_1212, %mul3A_1213 : i32
        %get3A_1215 = arith.index_cast %mul3A_1214 : i32 to index
        %get3A_1216 = tpu.vector_load %arg13[%get3A_1215] {strides = array<i32>} : memref<12000xf32, #tpu.memory_space<vmem>>, vector<16xf32>,
        %get3A_1217 = vector.shape_cast %get3A_1216 : vector<16xf32> to vector<16xf32>
        %get3A_1218 = arith.index_cast %mul3A_1214 : i32 to index
        %get3A_1219 = tpu.vector_load %arg12[%get3A_1218] {strides = array<i32>} : memref<12000xf32, #tpu.memory_space<vmem>>, vector<16xf32>,
        %get3A_1220 = vector.shape_cast %get3A_1219 : vector<16xf32> to vector<16xf32>
        %sub3A_1221 = arith.subf %get3A_1217, %get3A_1220 : vector<16xf32>
        %add3A_1222 = arith.constant 4000 : i32
        %add3A_1223 = arith.addi %add3A_1222, %mul3A_1214 : i32
        %get3A_1224 = arith.index_cast %add3A_1223 : i32 to index
        %get3A_1225 = tpu.vector_load %arg13[%get3A_1224] {strides = array<i32>} : memref<12000xf32, #tpu.memory_space<vmem>>, vector<16xf32>,
        %get3A_1226 = vector.shape_cast %get3A_1225 : vector<16xf32> to vector<16xf32>
        %add3A_1227 = arith.constant 4000 : i32
        %add3A_1228 = arith.addi %add3A_1227, %mul3A_1214 : i32
        %get3A_1229 = arith.index_cast %add3A_1228 : i32 to index
        %get3A_1230 = tpu.vector_load %arg12[%get3A_1229] {strides = array<i32>} : memref<12000xf32, #tpu.memory_space<vmem>>, vector<16xf32>,
        %get3A_1231 = vector.shape_cast %get3A_1230 : vector<16xf32> to vector<16xf32>
        %sub3A_1232 = arith.subf %get3A_1226, %get3A_1231 : vector<16xf32>
        %add3A_1233 = arith.constant 8000 : i32
        %add3A_1234 = arith.addi %add3A_1233, %mul3A_1214 : i32
        %get3A_1235 = arith.index_cast %add3A_1234 : i32 to index
        %get3A_1236 = tpu.vector_load %arg13[%get3A_1235] {strides = array<i32>} : memref<12000xf32, #tpu.memory_space<vmem>>, vector<16xf32>,
        %get3A_1237 = vector.shape_cast %get3A_1236 : vector<16xf32> to vector<16xf32>
        %add3A_1238 = arith.constant 8000 : i32
        %add3A_1239 = arith.addi %add3A_1238, %mul3A_1214 : i32
        %get3A_1240 = arith.index_cast %add3A_1239 : i32 to index
        %get3A_1241 = tpu.vector_load %arg12[%get3A_1240] {strides = array<i32>} : memref<12000xf32, #tpu.memory_space<vmem>>, vector<16xf32>,
        %get3A_1242 = vector.shape_cast %get3A_1241 : vector<16xf32> to vector<16xf32>
        %sub3A_1243 = arith.subf %get3A_1237, %get3A_1242 : vector<16xf32>
        %swap3A_1244 = arith.index_cast %mul3A_1214 : i32 to index
        %swap3A_1245 = tpu.vector_load %arg16[%swap3A_1244] {strides = array<i32>} : memref<12000xf32, #tpu.memory_space<vmem>>, vector<16xf32>,
        %swap3A_1246 = vector.shape_cast %swap3A_1245 : vector<16xf32> to vector<16xf32>
        %swap3A_1247 = vector.shape_cast %sub3A_1221 : vector<16xf32> to vector<16xf32>
        tpu.vector_store %arg16[%swap3A_1244], %swap3A_1247 {strides = array<i32>} : memref<12000xf32, #tpu.memory_space<vmem>>, vector<16xf32>,
        %add3A_1248 = arith.constant 4000 : i32
        %add3A_1249 = arith.addi %add3A_1248, %mul3A_1214 : i32
        %swap3A_1250 = arith.index_cast %add3A_1249 : i32 to index
        %swap3A_1251 = tpu.vector_load %arg16[%swap3A_1250] {strides = array<i32>} : memref<12000xf32, #tpu.memory_space<vmem>>, vector<16xf32>,
        %swap3A_1252 = vector.shape_cast %swap3A_1251 : vector<16xf32> to vector<16xf32>
        %swap3A_1253 = vector.shape_cast %sub3A_1232 : vector<16xf32> to vector<16xf32>
        tpu.vector_store %arg16[%swap3A_1250], %swap3A_1253 {strides = array<i32>} : memref<12000xf32, #tpu.memory_space<vmem>>, vector<16xf32>,
        %add3A_1254 = arith.constant 8000 : i32
        %add3A_1255 = arith.addi %add3A_1254, %mul3A_1214 : i32
        %swap3A_1256 = arith.index_cast %add3A_1255 : i32 to index
        %swap3A_1257 = tpu.vector_load %arg16[%swap3A_1256] {strides = array<i32>} : memref<12000xf32, #tpu.memory_space<vmem>>, vector<16xf32>,
        %swap3A_1258 = vector.shape_cast %swap3A_1257 : vector<16xf32> to vector<16xf32>
        %swap3A_1259 = vector.shape_cast %sub3A_1243 : vector<16xf32> to vector<16xf32>
        tpu.vector_store %arg16[%swap3A_1256], %swap3A_1259 {strides = array<i32>} : memref<12000xf32, #tpu.memory_space<vmem>>, vector<16xf32>,
        %mul3A_1260 = arith.mulf %sub3A_1221, %sub3A_1221 : vector<16xf32>
        %mul3A_1261 = arith.mulf %sub3A_1232, %sub3A_1232 : vector<16xf32>
        %add3A_1262 = arith.addf %mul3A_1260, %mul3A_1261 : vector<16xf32>
        %mul3A_1263 = arith.mulf %sub3A_1243, %sub3A_1243 : vector<16xf32>
        %add3A_1264 = arith.addf %add3A_1262, %mul3A_1263 : vector<16xf32>
        %bitcast_convert_type3A_1265 = tpu.bitcast %add3A_1264 : vector<16xf32> -> vector<16xi32>
        %shift_right_logical3A_1266 = arith.constant 1 : i32
        %shift_right_logical3A_1267 = vector.broadcast %shift_right_logical3A_1266 : i32 to vector<16xi32>
        %shift_right_logical3A_1268 = arith.shrui %bitcast_convert_type3A_1265, %shift_right_logical3A_1267 : vector<16xi32>
        %sub3A_1269 = arith.constant 1597463007 : i32
        %sub3A_1270 = vector.broadcast %sub3A_1269 : i32 to vector<16xi32>
        %sub3A_1271 = arith.subi %sub3A_1270, %shift_right_logical3A_1268 : vector<16xi32>
        %bitcast_convert_type3A_1272 = tpu.bitcast %sub3A_1271 : vector<16xi32> -> vector<16xf32>
        %mul3A_1273 = arith.constant 5.000000e-01 : f32
        %mul3A_1274 = vector.broadcast %mul3A_1273 : f32 to vector<16xf32>
        %mul3A_1275 = arith.mulf %mul3A_1274, %add3A_1264 : vector<16xf32>
        %mul3A_1276 = arith.mulf %mul3A_1275, %bitcast_convert_type3A_1272 : vector<16xf32>
        %mul3A_1277 = arith.mulf %mul3A_1276, %bitcast_convert_type3A_1272 : vector<16xf32>
        %sub3A_1278 = arith.constant 1.500000e+00 : f32
        %sub3A_1279 = vector.broadcast %sub3A_1278 : f32 to vector<16xf32>
        %sub3A_1280 = arith.subf %sub3A_1279, %mul3A_1277 : vector<16xf32>
        %mul3A_1281 = arith.mulf %bitcast_convert_type3A_1272, %sub3A_1280 : vector<16xf32>
        %mul3A_1282 = arith.constant 5.000000e-01 : f32
        %mul3A_1283 = vector.broadcast %mul3A_1282 : f32 to vector<16xf32>
        %mul3A_1284 = arith.mulf %mul3A_1283, %add3A_1264 : vector<16xf32>
        %mul3A_1285 = arith.mulf %mul3A_1284, %mul3A_1281 : vector<16xf32>
        %mul3A_1286 = arith.mulf %mul3A_1285, %mul3A_1281 : vector<16xf32>
        %sub3A_1287 = arith.constant 1.500000e+00 : f32
        %sub3A_1288 = vector.broadcast %sub3A_1287 : f32 to vector<16xf32>
        %sub3A_1289 = arith.subf %sub3A_1288, %mul3A_1286 : vector<16xf32>
        %mul3A_1290 = arith.mulf %mul3A_1281, %sub3A_1289 : vector<16xf32>
        %mul3A_1291 = arith.mulf %add3A_1264, %mul3A_1290 : vector<16xf32>
        %swap3A_1292 = arith.index_cast %mul3A_1214 : i32 to index
        %swap3A_1293 = tpu.vector_load %arg17[%swap3A_1292] {strides = array<i32>} : memref<4000xf32, #tpu.memory_space<vmem>>, vector<16xf32>,
        %swap3A_1294 = vector.shape_cast %swap3A_1293 : vector<16xf32> to vector<16xf32>
        %swap3A_1295 = vector.shape_cast %mul3A_1291 : vector<16xf32> to vector<16xf32>
        tpu.vector_store %arg17[%swap3A_1292], %swap3A_1295 {strides = array<i32>} : memref<4000xf32, #tpu.memory_space<vmem>>, vector<16xf32>,
        %scan3A_1296 = arith.constant 2 : i32
        %scan3A_1297 = arith.addi %scan3A_1127, %scan3A_1296 : i32
        %mul3A_1298 = arith.constant 16 : i32
        %mul3A_1299 = arith.muli %scan3A_1297, %mul3A_1298 : i32
        %get3A_1300 = arith.index_cast %mul3A_1299 : i32 to index
        %get3A_1301 = tpu.vector_load %arg13[%get3A_1300] {strides = array<i32>} : memref<12000xf32, #tpu.memory_space<vmem>>, vector<16xf32>,
        %get3A_1302 = vector.shape_cast %get3A_1301 : vector<16xf32> to vector<16xf32>
        %get3A_1303 = arith.index_cast %mul3A_1299 : i32 to index
        %get3A_1304 = tpu.vector_load %arg12[%get3A_1303] {strides = array<i32>} : memref<12000xf32, #tpu.memory_space<vmem>>, vector<16xf32>,
        %get3A_1305 = vector.shape_cast %get3A_1304 : vector<16xf32> to vector<16xf32>
        %sub3A_1306 = arith.subf %get3A_1302, %get3A_1305 : vector<16xf32>
        %add3A_1307 = arith.constant 4000 : i32
        %add3A_1308 = arith.addi %add3A_1307, %mul3A_1299 : i32
        %get3A_1309 = arith.index_cast %add3A_1308 : i32 to index
        %get3A_1310 = tpu.vector_load %arg13[%get3A_1309] {strides = array<i32>} : memref<12000xf32, #tpu.memory_space<vmem>>, vector<16xf32>,
        %get3A_1311 = vector.shape_cast %get3A_1310 : vector<16xf32> to vector<16xf32>
        %add3A_1312 = arith.constant 4000 : i32
        %add3A_1313 = arith.addi %add3A_1312, %mul3A_1299 : i32
        %get3A_1314 = arith.index_cast %add3A_1313 : i32 to index
        %get3A_1315 = tpu.vector_load %arg12[%get3A_1314] {strides = array<i32>} : memref<12000xf32, #tpu.memory_space<vmem>>, vector<16xf32>,
        %get3A_1316 = vector.shape_cast %get3A_1315 : vector<16xf32> to vector<16xf32>
        %sub3A_1317 = arith.subf %get3A_1311, %get3A_1316 : vector<16xf32>
        %add3A_1318 = arith.constant 8000 : i32
        %add3A_1319 = arith.addi %add3A_1318, %mul3A_1299 : i32
        %get3A_1320 = arith.index_cast %add3A_1319 : i32 to index
        %get3A_1321 = tpu.vector_load %arg13[%get3A_1320] {strides = array<i32>} : memref<12000xf32, #tpu.memory_space<vmem>>, vector<16xf32>,
        %get3A_1322 = vector.shape_cast %get3A_1321 : vector<16xf32> to vector<16xf32>
        %add3A_1323 = arith.constant 8000 : i32
        %add3A_1324 = arith.addi %add3A_1323, %mul3A_1299 : i32
        %get3A_1325 = arith.index_cast %add3A_1324 : i32 to index
        %get3A_1326 = tpu.vector_load %arg12[%get3A_1325] {strides = array<i32>} : memref<12000xf32, #tpu.memory_space<vmem>>, vector<16xf32>,
        %get3A_1327 = vector.shape_cast %get3A_1326 : vector<16xf32> to vector<16xf32>
        %sub3A_1328 = arith.subf %get3A_1322, %get3A_1327 : vector<16xf32>
        %swap3A_1329 = arith.index_cast %mul3A_1299 : i32 to index
        %swap3A_1330 = tpu.vector_load %arg16[%swap3A_1329] {strides = array<i32>} : memref<12000xf32, #tpu.memory_space<vmem>>, vector<16xf32>,
        %swap3A_1331 = vector.shape_cast %swap3A_1330 : vector<16xf32> to vector<16xf32>
        %swap3A_1332 = vector.shape_cast %sub3A_1306 : vector<16xf32> to vector<16xf32>
        tpu.vector_store %arg16[%swap3A_1329], %swap3A_1332 {strides = array<i32>} : memref<12000xf32, #tpu.memory_space<vmem>>, vector<16xf32>,
        %add3A_1333 = arith.constant 4000 : i32
        %add3A_1334 = arith.addi %add3A_1333, %mul3A_1299 : i32
        %swap3A_1335 = arith.index_cast %add3A_1334 : i32 to index
        %swap3A_1336 = tpu.vector_load %arg16[%swap3A_1335] {strides = array<i32>} : memref<12000xf32, #tpu.memory_space<vmem>>, vector<16xf32>,
        %swap3A_1337 = vector.shape_cast %swap3A_1336 : vector<16xf32> to vector<16xf32>
        %swap3A_1338 = vector.shape_cast %sub3A_1317 : vector<16xf32> to vector<16xf32>
        tpu.vector_store %arg16[%swap3A_1335], %swap3A_1338 {strides = array<i32>} : memref<12000xf32, #tpu.memory_space<vmem>>, vector<16xf32>,
        %add3A_1339 = arith.constant 8000 : i32
        %add3A_1340 = arith.addi %add3A_1339, %mul3A_1299 : i32
        %swap3A_1341 = arith.index_cast %add3A_1340 : i32 to index
        %swap3A_1342 = tpu.vector_load %arg16[%swap3A_1341] {strides = array<i32>} : memref<12000xf32, #tpu.memory_space<vmem>>, vector<16xf32>,
        %swap3A_1343 = vector.shape_cast %swap3A_1342 : vector<16xf32> to vector<16xf32>
        %swap3A_1344 = vector.shape_cast %sub3A_1328 : vector<16xf32> to vector<16xf32>
        tpu.vector_store %arg16[%swap3A_1341], %swap3A_1344 {strides = array<i32>} : memref<12000xf32, #tpu.memory_space<vmem>>, vector<16xf32>,
        %mul3A_1345 = arith.mulf %sub3A_1306, %sub3A_1306 : vector<16xf32>
        %mul3A_1346 = arith.mulf %sub3A_1317, %sub3A_1317 : vector<16xf32>
        %add3A_1347 = arith.addf %mul3A_1345, %mul3A_1346 : vector<16xf32>
        %mul3A_1348 = arith.mulf %sub3A_1328, %sub3A_1328 : vector<16xf32>
        %add3A_1349 = arith.addf %add3A_1347, %mul3A_1348 : vector<16xf32>
        %bitcast_convert_type3A_1350 = tpu.bitcast %add3A_1349 : vector<16xf32> -> vector<16xi32>
        %shift_right_logical3A_1351 = arith.constant 1 : i32
        %shift_right_logical3A_1352 = vector.broadcast %shift_right_logical3A_1351 : i32 to vector<16xi32>
        %shift_right_logical3A_1353 = arith.shrui %bitcast_convert_type3A_1350, %shift_right_logical3A_1352 : vector<16xi32>
        %sub3A_1354 = arith.constant 1597463007 : i32
        %sub3A_1355 = vector.broadcast %sub3A_1354 : i32 to vector<16xi32>
        %sub3A_1356 = arith.subi %sub3A_1355, %shift_right_logical3A_1353 : vector<16xi32>
        %bitcast_convert_type3A_1357 = tpu.bitcast %sub3A_1356 : vector<16xi32> -> vector<16xf32>
        %mul3A_1358 = arith.constant 5.000000e-01 : f32
        %mul3A_1359 = vector.broadcast %mul3A_1358 : f32 to vector<16xf32>
        %mul3A_1360 = arith.mulf %mul3A_1359, %add3A_1349 : vector<16xf32>
        %mul3A_1361 = arith.mulf %mul3A_1360, %bitcast_convert_type3A_1357 : vector<16xf32>
        %mul3A_1362 = arith.mulf %mul3A_1361, %bitcast_convert_type3A_1357 : vector<16xf32>
        %sub3A_1363 = arith.constant 1.500000e+00 : f32
        %sub3A_1364 = vector.broadcast %sub3A_1363 : f32 to vector<16xf32>
        %sub3A_1365 = arith.subf %sub3A_1364, %mul3A_1362 : vector<16xf32>
        %mul3A_1366 = arith.mulf %bitcast_convert_type3A_1357, %sub3A_1365 : vector<16xf32>
        %mul3A_1367 = arith.constant 5.000000e-01 : f32
        %mul3A_1368 = vector.broadcast %mul3A_1367 : f32 to vector<16xf32>
        %mul3A_1369 = arith.mulf %mul3A_1368, %add3A_1349 : vector<16xf32>
        %mul3A_1370 = arith.mulf %mul3A_1369, %mul3A_1366 : vector<16xf32>
        %mul3A_1371 = arith.mulf %mul3A_1370, %mul3A_1366 : vector<16xf32>
        %sub3A_1372 = arith.constant 1.500000e+00 : f32
        %sub3A_1373 = vector.broadcast %sub3A_1372 : f32 to vector<16xf32>
        %sub3A_1374 = arith.subf %sub3A_1373, %mul3A_1371 : vector<16xf32>
        %mul3A_1375 = arith.mulf %mul3A_1366, %sub3A_1374 : vector<16xf32>
        %mul3A_1376 = arith.mulf %add3A_1349, %mul3A_1375 : vector<16xf32>
        %swap3A_1377 = arith.index_cast %mul3A_1299 : i32 to index
        %swap3A_1378 = tpu.vector_load %arg17[%swap3A_1377] {strides = array<i32>} : memref<4000xf32, #tpu.memory_space<vmem>>, vector<16xf32>,
        %swap3A_1379 = vector.shape_cast %swap3A_1378 : vector<16xf32> to vector<16xf32>
        %swap3A_1380 = vector.shape_cast %mul3A_1376 : vector<16xf32> to vector<16xf32>
        tpu.vector_store %arg17[%swap3A_1377], %swap3A_1380 {strides = array<i32>} : memref<4000xf32, #tpu.memory_space<vmem>>, vector<16xf32>,
        %scan3A_1381 = arith.constant 3 : i32
        %scan3A_1382 = arith.addi %scan3A_1127, %scan3A_1381 : i32
        %mul3A_1383 = arith.constant 16 : i32
        %mul3A_1384 = arith.muli %scan3A_1382, %mul3A_1383 : i32
        %get3A_1385 = arith.index_cast %mul3A_1384 : i32 to index
        %get3A_1386 = tpu.vector_load %arg13[%get3A_1385] {strides = array<i32>} : memref<12000xf32, #tpu.memory_space<vmem>>, vector<16xf32>,
        %get3A_1387 = vector.shape_cast %get3A_1386 : vector<16xf32> to vector<16xf32>
        %get3A_1388 = arith.index_cast %mul3A_1384 : i32 to index
        %get3A_1389 = tpu.vector_load %arg12[%get3A_1388] {strides = array<i32>} : memref<12000xf32, #tpu.memory_space<vmem>>, vector<16xf32>,
        %get3A_1390 = vector.shape_cast %get3A_1389 : vector<16xf32> to vector<16xf32>
        %sub3A_1391 = arith.subf %get3A_1387, %get3A_1390 : vector<16xf32>
        %add3A_1392 = arith.constant 4000 : i32
        %add3A_1393 = arith.addi %add3A_1392, %mul3A_1384 : i32
        %get3A_1394 = arith.index_cast %add3A_1393 : i32 to index
        %get3A_1395 = tpu.vector_load %arg13[%get3A_1394] {strides = array<i32>} : memref<12000xf32, #tpu.memory_space<vmem>>, vector<16xf32>,
        %get3A_1396 = vector.shape_cast %get3A_1395 : vector<16xf32> to vector<16xf32>
        %add3A_1397 = arith.constant 4000 : i32
        %add3A_1398 = arith.addi %add3A_1397, %mul3A_1384 : i32
        %get3A_1399 = arith.index_cast %add3A_1398 : i32 to index
        %get3A_1400 = tpu.vector_load %arg12[%get3A_1399] {strides = array<i32>} : memref<12000xf32, #tpu.memory_space<vmem>>, vector<16xf32>,
        %get3A_1401 = vector.shape_cast %get3A_1400 : vector<16xf32> to vector<16xf32>
        %sub3A_1402 = arith.subf %get3A_1396, %get3A_1401 : vector<16xf32>
        %add3A_1403 = arith.constant 8000 : i32
        %add3A_1404 = arith.addi %add3A_1403, %mul3A_1384 : i32
        %get3A_1405 = arith.index_cast %add3A_1404 : i32 to index
        %get3A_1406 = tpu.vector_load %arg13[%get3A_1405] {strides = array<i32>} : memref<12000xf32, #tpu.memory_space<vmem>>, vector<16xf32>,
        %get3A_1407 = vector.shape_cast %get3A_1406 : vector<16xf32> to vector<16xf32>
        %add3A_1408 = arith.constant 8000 : i32
        %add3A_1409 = arith.addi %add3A_1408, %mul3A_1384 : i32
        %get3A_1410 = arith.index_cast %add3A_1409 : i32 to index
        %get3A_1411 = tpu.vector_load %arg12[%get3A_1410] {strides = array<i32>} : memref<12000xf32, #tpu.memory_space<vmem>>, vector<16xf32>,
        %get3A_1412 = vector.shape_cast %get3A_1411 : vector<16xf32> to vector<16xf32>
        %sub3A_1413 = arith.subf %get3A_1407, %get3A_1412 : vector<16xf32>
        %swap3A_1414 = arith.index_cast %mul3A_1384 : i32 to index
        %swap3A_1415 = tpu.vector_load %arg16[%swap3A_1414] {strides = array<i32>} : memref<12000xf32, #tpu.memory_space<vmem>>, vector<16xf32>,
        %swap3A_1416 = vector.shape_cast %swap3A_1415 : vector<16xf32> to vector<16xf32>
        %swap3A_1417 = vector.shape_cast %sub3A_1391 : vector<16xf32> to vector<16xf32>
        tpu.vector_store %arg16[%swap3A_1414], %swap3A_1417 {strides = array<i32>} : memref<12000xf32, #tpu.memory_space<vmem>>, vector<16xf32>,
        %add3A_1418 = arith.constant 4000 : i32
        %add3A_1419 = arith.addi %add3A_1418, %mul3A_1384 : i32
        %swap3A_1420 = arith.index_cast %add3A_1419 : i32 to index
        %swap3A_1421 = tpu.vector_load %arg16[%swap3A_1420] {strides = array<i32>} : memref<12000xf32, #tpu.memory_space<vmem>>, vector<16xf32>,
        %swap3A_1422 = vector.shape_cast %swap3A_1421 : vector<16xf32> to vector<16xf32>
        %swap3A_1423 = vector.shape_cast %sub3A_1402 : vector<16xf32> to vector<16xf32>
        tpu.vector_store %arg16[%swap3A_1420], %swap3A_1423 {strides = array<i32>} : memref<12000xf32, #tpu.memory_space<vmem>>, vector<16xf32>,
        %add3A_1424 = arith.constant 8000 : i32
        %add3A_1425 = arith.addi %add3A_1424, %mul3A_1384 : i32
        %swap3A_1426 = arith.index_cast %add3A_1425 : i32 to index
        %swap3A_1427 = tpu.vector_load %arg16[%swap3A_1426] {strides = array<i32>} : memref<12000xf32, #tpu.memory_space<vmem>>, vector<16xf32>,
        %swap3A_1428 = vector.shape_cast %swap3A_1427 : vector<16xf32> to vector<16xf32>
        %swap3A_1429 = vector.shape_cast %sub3A_1413 : vector<16xf32> to vector<16xf32>
        tpu.vector_store %arg16[%swap3A_1426], %swap3A_1429 {strides = array<i32>} : memref<12000xf32, #tpu.memory_space<vmem>>, vector<16xf32>,
        %mul3A_1430 = arith.mulf %sub3A_1391, %sub3A_1391 : vector<16xf32>
        %mul3A_1431 = arith.mulf %sub3A_1402, %sub3A_1402 : vector<16xf32>
        %add3A_1432 = arith.addf %mul3A_1430, %mul3A_1431 : vector<16xf32>
        %mul3A_1433 = arith.mulf %sub3A_1413, %sub3A_1413 : vector<16xf32>
        %add3A_1434 = arith.addf %add3A_1432, %mul3A_1433 : vector<16xf32>
        %bitcast_convert_type3A_1435 = tpu.bitcast %add3A_1434 : vector<16xf32> -> vector<16xi32>
        %shift_right_logical3A_1436 = arith.constant 1 : i32
        %shift_right_logical3A_1437 = vector.broadcast %shift_right_logical3A_1436 : i32 to vector<16xi32>
        %shift_right_logical3A_1438 = arith.shrui %bitcast_convert_type3A_1435, %shift_right_logical3A_1437 : vector<16xi32>
        %sub3A_1439 = arith.constant 1597463007 : i32
        %sub3A_1440 = vector.broadcast %sub3A_1439 : i32 to vector<16xi32>
        %sub3A_1441 = arith.subi %sub3A_1440, %shift_right_logical3A_1438 : vector<16xi32>
        %bitcast_convert_type3A_1442 = tpu.bitcast %sub3A_1441 : vector<16xi32> -> vector<16xf32>
        %mul3A_1443 = arith.constant 5.000000e-01 : f32
        %mul3A_1444 = vector.broadcast %mul3A_1443 : f32 to vector<16xf32>
        %mul3A_1445 = arith.mulf %mul3A_1444, %add3A_1434 : vector<16xf32>
        %mul3A_1446 = arith.mulf %mul3A_1445, %bitcast_convert_type3A_1442 : vector<16xf32>
        %mul3A_1447 = arith.mulf %mul3A_1446, %bitcast_convert_type3A_1442 : vector<16xf32>
        %sub3A_1448 = arith.constant 1.500000e+00 : f32
        %sub3A_1449 = vector.broadcast %sub3A_1448 : f32 to vector<16xf32>
        %sub3A_1450 = arith.subf %sub3A_1449, %mul3A_1447 : vector<16xf32>
        %mul3A_1451 = arith.mulf %bitcast_convert_type3A_1442, %sub3A_1450 : vector<16xf32>
        %mul3A_1452 = arith.constant 5.000000e-01 : f32
        %mul3A_1453 = vector.broadcast %mul3A_1452 : f32 to vector<16xf32>
        %mul3A_1454 = arith.mulf %mul3A_1453, %add3A_1434 : vector<16xf32>
        %mul3A_1455 = arith.mulf %mul3A_1454, %mul3A_1451 : vector<16xf32>
        %mul3A_1456 = arith.mulf %mul3A_1455, %mul3A_1451 : vector<16xf32>
        %sub3A_1457 = arith.constant 1.500000e+00 : f32
        %sub3A_1458 = vector.broadcast %sub3A_1457 : f32 to vector<16xf32>
        %sub3A_1459 = arith.subf %sub3A_1458, %mul3A_1456 : vector<16xf32>
        %mul3A_1460 = arith.mulf %mul3A_1451, %sub3A_1459 : vector<16xf32>
        %mul3A_1461 = arith.mulf %add3A_1434, %mul3A_1460 : vector<16xf32>
        %swap3A_1462 = arith.index_cast %mul3A_1384 : i32 to index
        %swap3A_1463 = tpu.vector_load %arg17[%swap3A_1462] {strides = array<i32>} : memref<4000xf32, #tpu.memory_space<vmem>>, vector<16xf32>,
        %swap3A_1464 = vector.shape_cast %swap3A_1463 : vector<16xf32> to vector<16xf32>
        %swap3A_1465 = vector.shape_cast %mul3A_1461 : vector<16xf32> to vector<16xf32>
        tpu.vector_store %arg17[%swap3A_1462], %swap3A_1465 {strides = array<i32>} : memref<4000xf32, #tpu.memory_space<vmem>>, vector<16xf32>,
      }
      %scan3A_571 = arith.constant 248 : i32
      %scan3A_572 = arith.addi %scan3A_567, %scan3A_571 : i32
      %mul3A_573 = arith.constant 16 : i32
      %mul3A_574 = arith.muli %scan3A_572, %mul3A_573 : i32
      %get3A_575 = arith.index_cast %mul3A_574 : i32 to index
      %get3A_576 = tpu.vector_load %arg13[%get3A_575] {strides = array<i32>} : memref<12000xf32, #tpu.memory_space<vmem>>, vector<16xf32>,
      %get3A_577 = vector.shape_cast %get3A_576 : vector<16xf32> to vector<16xf32>
      %get3A_578 = arith.index_cast %mul3A_574 : i32 to index
      %get3A_579 = tpu.vector_load %arg12[%get3A_578] {strides = array<i32>} : memref<12000xf32, #tpu.memory_space<vmem>>, vector<16xf32>,
      %get3A_580 = vector.shape_cast %get3A_579 : vector<16xf32> to vector<16xf32>
      %sub3A_581 = arith.subf %get3A_577, %get3A_580 : vector<16xf32>
      %add3A_582 = arith.constant 4000 : i32
      %add3A_583 = arith.addi %add3A_582, %mul3A_574 : i32
      %get3A_584 = arith.index_cast %add3A_583 : i32 to index
      %get3A_585 = tpu.vector_load %arg13[%get3A_584] {strides = array<i32>} : memref<12000xf32, #tpu.memory_space<vmem>>, vector<16xf32>,
      %get3A_586 = vector.shape_cast %get3A_585 : vector<16xf32> to vector<16xf32>
      %add3A_587 = arith.constant 4000 : i32
      %add3A_588 = arith.addi %add3A_587, %mul3A_574 : i32
      %get3A_589 = arith.index_cast %add3A_588 : i32 to index
      %get3A_590 = tpu.vector_load %arg12[%get3A_589] {strides = array<i32>} : memref<12000xf32, #tpu.memory_space<vmem>>, vector<16xf32>,
      %get3A_591 = vector.shape_cast %get3A_590 : vector<16xf32> to vector<16xf32>
      %sub3A_592 = arith.subf %get3A_586, %get3A_591 : vector<16xf32>
      %add3A_593 = arith.constant 8000 : i32
      %add3A_594 = arith.addi %add3A_593, %mul3A_574 : i32
      %get3A_595 = arith.index_cast %add3A_594 : i32 to index
      %get3A_596 = tpu.vector_load %arg13[%get3A_595] {strides = array<i32>} : memref<12000xf32, #tpu.memory_space<vmem>>, vector<16xf32>,
      %get3A_597 = vector.shape_cast %get3A_596 : vector<16xf32> to vector<16xf32>
      %add3A_598 = arith.constant 8000 : i32
      %add3A_599 = arith.addi %add3A_598, %mul3A_574 : i32
      %get3A_600 = arith.index_cast %add3A_599 : i32 to index
      %get3A_601 = tpu.vector_load %arg12[%get3A_600] {strides = array<i32>} : memref<12000xf32, #tpu.memory_space<vmem>>, vector<16xf32>,
      %get3A_602 = vector.shape_cast %get3A_601 : vector<16xf32> to vector<16xf32>
      %sub3A_603 = arith.subf %get3A_597, %get3A_602 : vector<16xf32>
      %swap3A_604 = arith.index_cast %mul3A_574 : i32 to index
      %swap3A_605 = tpu.vector_load %arg16[%swap3A_604] {strides = array<i32>} : memref<12000xf32, #tpu.memory_space<vmem>>, vector<16xf32>,
      %swap3A_606 = vector.shape_cast %swap3A_605 : vector<16xf32> to vector<16xf32>
      %swap3A_607 = vector.shape_cast %sub3A_581 : vector<16xf32> to vector<16xf32>
      tpu.vector_store %arg16[%swap3A_604], %swap3A_607 {strides = array<i32>} : memref<12000xf32, #tpu.memory_space<vmem>>, vector<16xf32>,
      %add3A_608 = arith.constant 4000 : i32
      %add3A_609 = arith.addi %add3A_608, %mul3A_574 : i32
      %swap3A_610 = arith.index_cast %add3A_609 : i32 to index
      %swap3A_611 = tpu.vector_load %arg16[%swap3A_610] {strides = array<i32>} : memref<12000xf32, #tpu.memory_space<vmem>>, vector<16xf32>,
      %swap3A_612 = vector.shape_cast %swap3A_611 : vector<16xf32> to vector<16xf32>
      %swap3A_613 = vector.shape_cast %sub3A_592 : vector<16xf32> to vector<16xf32>
      tpu.vector_store %arg16[%swap3A_610], %swap3A_613 {strides = array<i32>} : memref<12000xf32, #tpu.memory_space<vmem>>, vector<16xf32>,
      %add3A_614 = arith.constant 8000 : i32
      %add3A_615 = arith.addi %add3A_614, %mul3A_574 : i32
      %swap3A_616 = arith.index_cast %add3A_615 : i32 to index
      %swap3A_617 = tpu.vector_load %arg16[%swap3A_616] {strides = array<i32>} : memref<12000xf32, #tpu.memory_space<vmem>>, vector<16xf32>,
      %swap3A_618 = vector.shape_cast %swap3A_617 : vector<16xf32> to vector<16xf32>
      %swap3A_619 = vector.shape_cast %sub3A_603 : vector<16xf32> to vector<16xf32>
      tpu.vector_store %arg16[%swap3A_616], %swap3A_619 {strides = array<i32>} : memref<12000xf32, #tpu.memory_space<vmem>>, vector<16xf32>,
      %mul3A_620 = arith.mulf %sub3A_581, %sub3A_581 : vector<16xf32>
      %mul3A_621 = arith.mulf %sub3A_592, %sub3A_592 : vector<16xf32>
      %add3A_622 = arith.addf %mul3A_620, %mul3A_621 : vector<16xf32>
      %mul3A_623 = arith.mulf %sub3A_603, %sub3A_603 : vector<16xf32>
      %add3A_624 = arith.addf %add3A_622, %mul3A_623 : vector<16xf32>
      %bitcast_convert_type3A_625 = tpu.bitcast %add3A_624 : vector<16xf32> -> vector<16xi32>
      %shift_right_logical3A_626 = arith.constant 1 : i32
      %shift_right_logical3A_627 = vector.broadcast %shift_right_logical3A_626 : i32 to vector<16xi32>
      %shift_right_logical3A_628 = arith.shrui %bitcast_convert_type3A_625, %shift_right_logical3A_627 : vector<16xi32>
      %sub3A_629 = arith.constant 1597463007 : i32
      %sub3A_630 = vector.broadcast %sub3A_629 : i32 to vector<16xi32>
      %sub3A_631 = arith.subi %sub3A_630, %shift_right_logical3A_628 : vector<16xi32>
      %bitcast_convert_type3A_632 = tpu.bitcast %sub3A_631 : vector<16xi32> -> vector<16xf32>
      %mul3A_633 = arith.constant 5.000000e-01 : f32
      %mul3A_634 = vector.broadcast %mul3A_633 : f32 to vector<16xf32>
      %mul3A_635 = arith.mulf %mul3A_634, %add3A_624 : vector<16xf32>
      %mul3A_636 = arith.mulf %mul3A_635, %bitcast_convert_type3A_632 : vector<16xf32>
      %mul3A_637 = arith.mulf %mul3A_636, %bitcast_convert_type3A_632 : vector<16xf32>
      %sub3A_638 = arith.constant 1.500000e+00 : f32
      %sub3A_639 = vector.broadcast %sub3A_638 : f32 to vector<16xf32>
      %sub3A_640 = arith.subf %sub3A_639, %mul3A_637 : vector<16xf32>
      %mul3A_641 = arith.mulf %bitcast_convert_type3A_632, %sub3A_640 : vector<16xf32>
      %mul3A_642 = arith.constant 5.000000e-01 : f32
      %mul3A_643 = vector.broadcast %mul3A_642 : f32 to vector<16xf32>
      %mul3A_644 = arith.mulf %mul3A_643, %add3A_624 : vector<16xf32>
      %mul3A_645 = arith.mulf %mul3A_644, %mul3A_641 : vector<16xf32>
      %mul3A_646 = arith.mulf %mul3A_645, %mul3A_641 : vector<16xf32>
      %sub3A_647 = arith.constant 1.500000e+00 : f32
      %sub3A_648 = vector.broadcast %sub3A_647 : f32 to vector<16xf32>
      %sub3A_649 = arith.subf %sub3A_648, %mul3A_646 : vector<16xf32>
      %mul3A_650 = arith.mulf %mul3A_641, %sub3A_649 : vector<16xf32>
      %mul3A_651 = arith.mulf %add3A_624, %mul3A_650 : vector<16xf32>
      %swap3A_652 = arith.index_cast %mul3A_574 : i32 to index
      %swap3A_653 = tpu.vector_load %arg17[%swap3A_652] {strides = array<i32>} : memref<4000xf32, #tpu.memory_space<vmem>>, vector<16xf32>,
      %swap3A_654 = vector.shape_cast %swap3A_653 : vector<16xf32> to vector<16xf32>
      %swap3A_655 = vector.shape_cast %mul3A_651 : vector<16xf32> to vector<16xf32>
      tpu.vector_store %arg17[%swap3A_652], %swap3A_655 {strides = array<i32>} : memref<4000xf32, #tpu.memory_space<vmem>>, vector<16xf32>,
      %scan3A_656 = arith.constant 249 : i32
      %scan3A_657 = arith.addi %scan3A_567, %scan3A_656 : i32
      %mul3A_658 = arith.constant 16 : i32
      %mul3A_659 = arith.muli %scan3A_657, %mul3A_658 : i32
      %get3A_660 = arith.index_cast %mul3A_659 : i32 to index
      %get3A_661 = tpu.vector_load %arg13[%get3A_660] {strides = array<i32>} : memref<12000xf32, #tpu.memory_space<vmem>>, vector<16xf32>,
      %get3A_662 = vector.shape_cast %get3A_661 : vector<16xf32> to vector<16xf32>
      %get3A_663 = arith.index_cast %mul3A_659 : i32 to index
      %get3A_664 = tpu.vector_load %arg12[%get3A_663] {strides = array<i32>} : memref<12000xf32, #tpu.memory_space<vmem>>, vector<16xf32>,
      %get3A_665 = vector.shape_cast %get3A_664 : vector<16xf32> to vector<16xf32>
      %sub3A_666 = arith.subf %get3A_662, %get3A_665 : vector<16xf32>
      %add3A_667 = arith.constant 4000 : i32
      %add3A_668 = arith.addi %add3A_667, %mul3A_659 : i32
      %get3A_669 = arith.index_cast %add3A_668 : i32 to index
      %get3A_670 = tpu.vector_load %arg13[%get3A_669] {strides = array<i32>} : memref<12000xf32, #tpu.memory_space<vmem>>, vector<16xf32>,
      %get3A_671 = vector.shape_cast %get3A_670 : vector<16xf32> to vector<16xf32>
      %add3A_672 = arith.constant 4000 : i32
      %add3A_673 = arith.addi %add3A_672, %mul3A_659 : i32
      %get3A_674 = arith.index_cast %add3A_673 : i32 to index
      %get3A_675 = tpu.vector_load %arg12[%get3A_674] {strides = array<i32>} : memref<12000xf32, #tpu.memory_space<vmem>>, vector<16xf32>,
      %get3A_676 = vector.shape_cast %get3A_675 : vector<16xf32> to vector<16xf32>
      %sub3A_677 = arith.subf %get3A_671, %get3A_676 : vector<16xf32>
      %add3A_678 = arith.constant 8000 : i32
      %add3A_679 = arith.addi %add3A_678, %mul3A_659 : i32
      %get3A_680 = arith.index_cast %add3A_679 : i32 to index
      %get3A_681 = tpu.vector_load %arg13[%get3A_680] {strides = array<i32>} : memref<12000xf32, #tpu.memory_space<vmem>>, vector<16xf32>,
      %get3A_682 = vector.shape_cast %get3A_681 : vector<16xf32> to vector<16xf32>
      %add3A_683 = arith.constant 8000 : i32
      %add3A_684 = arith.addi %add3A_683, %mul3A_659 : i32
      %get3A_685 = arith.index_cast %add3A_684 : i32 to index
      %get3A_686 = tpu.vector_load %arg12[%get3A_685] {strides = array<i32>} : memref<12000xf32, #tpu.memory_space<vmem>>, vector<16xf32>,
      %get3A_687 = vector.shape_cast %get3A_686 : vector<16xf32> to vector<16xf32>
      %sub3A_688 = arith.subf %get3A_682, %get3A_687 : vector<16xf32>
      %swap3A_689 = arith.index_cast %mul3A_659 : i32 to index
      %swap3A_690 = tpu.vector_load %arg16[%swap3A_689] {strides = array<i32>} : memref<12000xf32, #tpu.memory_space<vmem>>, vector<16xf32>,
      %swap3A_691 = vector.shape_cast %swap3A_690 : vector<16xf32> to vector<16xf32>
      %swap3A_692 = vector.shape_cast %sub3A_666 : vector<16xf32> to vector<16xf32>
      tpu.vector_store %arg16[%swap3A_689], %swap3A_692 {strides = array<i32>} : memref<12000xf32, #tpu.memory_space<vmem>>, vector<16xf32>,
      %add3A_693 = arith.constant 4000 : i32
      %add3A_694 = arith.addi %add3A_693, %mul3A_659 : i32
      %swap3A_695 = arith.index_cast %add3A_694 : i32 to index
      %swap3A_696 = tpu.vector_load %arg16[%swap3A_695] {strides = array<i32>} : memref<12000xf32, #tpu.memory_space<vmem>>, vector<16xf32>,
      %swap3A_697 = vector.shape_cast %swap3A_696 : vector<16xf32> to vector<16xf32>
      %swap3A_698 = vector.shape_cast %sub3A_677 : vector<16xf32> to vector<16xf32>
      tpu.vector_store %arg16[%swap3A_695], %swap3A_698 {strides = array<i32>} : memref<12000xf32, #tpu.memory_space<vmem>>, vector<16xf32>,
      %add3A_699 = arith.constant 8000 : i32
      %add3A_700 = arith.addi %add3A_699, %mul3A_659 : i32
      %swap3A_701 = arith.index_cast %add3A_700 : i32 to index
      %swap3A_702 = tpu.vector_load %arg16[%swap3A_701] {strides = array<i32>} : memref<12000xf32, #tpu.memory_space<vmem>>, vector<16xf32>,
      %swap3A_703 = vector.shape_cast %swap3A_702 : vector<16xf32> to vector<16xf32>
      %swap3A_704 = vector.shape_cast %sub3A_688 : vector<16xf32> to vector<16xf32>
      tpu.vector_store %arg16[%swap3A_701], %swap3A_704 {strides = array<i32>} : memref<12000xf32, #tpu.memory_space<vmem>>, vector<16xf32>,
      %mul3A_705 = arith.mulf %sub3A_666, %sub3A_666 : vector<16xf32>
      %mul3A_706 = arith.mulf %sub3A_677, %sub3A_677 : vector<16xf32>
      %add3A_707 = arith.addf %mul3A_705, %mul3A_706 : vector<16xf32>
      %mul3A_708 = arith.mulf %sub3A_688, %sub3A_688 : vector<16xf32>
      %add3A_709 = arith.addf %add3A_707, %mul3A_708 : vector<16xf32>
      %bitcast_convert_type3A_710 = tpu.bitcast %add3A_709 : vector<16xf32> -> vector<16xi32>
      %shift_right_logical3A_711 = arith.constant 1 : i32
      %shift_right_logical3A_712 = vector.broadcast %shift_right_logical3A_711 : i32 to vector<16xi32>
      %shift_right_logical3A_713 = arith.shrui %bitcast_convert_type3A_710, %shift_right_logical3A_712 : vector<16xi32>
      %sub3A_714 = arith.constant 1597463007 : i32
      %sub3A_715 = vector.broadcast %sub3A_714 : i32 to vector<16xi32>
      %sub3A_716 = arith.subi %sub3A_715, %shift_right_logical3A_713 : vector<16xi32>
      %bitcast_convert_type3A_717 = tpu.bitcast %sub3A_716 : vector<16xi32> -> vector<16xf32>
      %mul3A_718 = arith.constant 5.000000e-01 : f32
      %mul3A_719 = vector.broadcast %mul3A_718 : f32 to vector<16xf32>
      %mul3A_720 = arith.mulf %mul3A_719, %add3A_709 : vector<16xf32>
      %mul3A_721 = arith.mulf %mul3A_720, %bitcast_convert_type3A_717 : vector<16xf32>
      %mul3A_722 = arith.mulf %mul3A_721, %bitcast_convert_type3A_717 : vector<16xf32>
      %sub3A_723 = arith.constant 1.500000e+00 : f32
      %sub3A_724 = vector.broadcast %sub3A_723 : f32 to vector<16xf32>
      %sub3A_725 = arith.subf %sub3A_724, %mul3A_722 : vector<16xf32>
      %mul3A_726 = arith.mulf %bitcast_convert_type3A_717, %sub3A_725 : vector<16xf32>
      %mul3A_727 = arith.constant 5.000000e-01 : f32
      %mul3A_728 = vector.broadcast %mul3A_727 : f32 to vector<16xf32>
      %mul3A_729 = arith.mulf %mul3A_728, %add3A_709 : vector<16xf32>
      %mul3A_730 = arith.mulf %mul3A_729, %mul3A_726 : vector<16xf32>
      %mul3A_731 = arith.mulf %mul3A_730, %mul3A_726 : vector<16xf32>
      %sub3A_732 = arith.constant 1.500000e+00 : f32
      %sub3A_733 = vector.broadcast %sub3A_732 : f32 to vector<16xf32>
      %sub3A_734 = arith.subf %sub3A_733, %mul3A_731 : vector<16xf32>
      %mul3A_735 = arith.mulf %mul3A_726, %sub3A_734 : vector<16xf32>
      %mul3A_736 = arith.mulf %add3A_709, %mul3A_735 : vector<16xf32>
      %swap3A_737 = arith.index_cast %mul3A_659 : i32 to index
      %swap3A_738 = tpu.vector_load %arg17[%swap3A_737] {strides = array<i32>} : memref<4000xf32, #tpu.memory_space<vmem>>, vector<16xf32>,
      %swap3A_739 = vector.shape_cast %swap3A_738 : vector<16xf32> to vector<16xf32>
      %swap3A_740 = vector.shape_cast %mul3A_736 : vector<16xf32> to vector<16xf32>
      tpu.vector_store %arg17[%swap3A_737], %swap3A_740 {strides = array<i32>} : memref<4000xf32, #tpu.memory_space<vmem>>, vector<16xf32>,
      %scan3A_741 = arith.constant 250 : i32
      %add3A_742 = arith.constant 0 : i32
      %add3A_743 = arith.addi %add3A_742, %add3A_565 : i32
      "tpu.region"() ({
        %run_scoped3A = tpu.sem_alloc : memref<!tpu.dma_semaphore, #tpu.memory_space<semaphore_mem>>
        %dma_start3A_1127 = arith.constant 0 : i32
        %dma_start3A_1128 = tpu.memref_slice %arg16[%dma_start3A_1127] : memref<12000xf32, #tpu.memory_space<vmem>> -> memref<4000xf32, #tpu.memory_space<vmem>>
        %dma_start3A_1129 = tpu.memref_slice %arg4[%add3A_743] : memref<9600000xf32, #tpu.memory_space<hbm>> -> memref<4000xf32, #tpu.memory_space<hbm>>
        %dma_start3A_1130 = tpu.memref_slice %arg4[%add3A_743] : memref<9600000xf32, #tpu.memory_space<hbm>> -> memref<4000xf32, #tpu.memory_space<hbm>>
        %dma_start3A_1131 = arith.constant 0 : i32
        %dma_start3A_1132 = tpu.memref_slice %arg16[%dma_start3A_1131] : memref<12000xf32, #tpu.memory_space<vmem>> -> memref<4000xf32, #tpu.memory_space<vmem>>
        tpu.enqueue_dma source(%dma_start3A_1132 : memref<4000xf32, #tpu.memory_space<vmem>>) target(%dma_start3A_1130 : memref<4000xf32, #tpu.memory_space<hbm>>) target_semaphore(%run_scoped3A : memref<!tpu.dma_semaphore, #tpu.memory_space<semaphore_mem>>)
        %dma_wait3A_1133 = arith.constant 0 : i32
        %dma_wait3A_1134 = tpu.memref_slice %arg16[%dma_wait3A_1133] : memref<12000xf32, #tpu.memory_space<vmem>> -> memref<4000xf32, #tpu.memory_space<vmem>>
        %dma_wait3A_1135 = tpu.memref_slice %arg4[%add3A_743] : memref<9600000xf32, #tpu.memory_space<hbm>> -> memref<4000xf32, #tpu.memory_space<hbm>>
        %dma_wait3A_1136 = tpu.memref_slice %arg4[%add3A_743] : memref<9600000xf32, #tpu.memory_space<hbm>> -> memref<4000xf32, #tpu.memory_space<hbm>>
        %dma_wait3A_1137 = arith.constant 0 : i32
        %dma_wait3A_1138 = tpu.memref_slice %arg16[%dma_wait3A_1137] : memref<12000xf32, #tpu.memory_space<vmem>> -> memref<4000xf32, #tpu.memory_space<vmem>>
        tpu.wait_dma2 semaphore(%run_scoped3A : memref<!tpu.dma_semaphore, #tpu.memory_space<semaphore_mem>>) src(%dma_wait3A_1138 : memref<4000xf32, #tpu.memory_space<vmem>>) dst(%dma_wait3A_1136 : memref<4000xf32, #tpu.memory_space<hbm>>)
        tpu.yield
      }) : () -> ()
      %add3A_744 = arith.constant 3200000 : i32
      %add3A_745 = arith.addi %add3A_744, %add3A_565 : i32
      "tpu.region"() ({
        %run_scoped3A = tpu.sem_alloc : memref<!tpu.dma_semaphore, #tpu.memory_space<semaphore_mem>>
        %dma_start3A_1127 = arith.constant 4000 : i32
        %dma_start3A_1128 = tpu.memref_slice %arg16[%dma_start3A_1127] : memref<12000xf32, #tpu.memory_space<vmem>> -> memref<4000xf32, #tpu.memory_space<vmem>>
        %dma_start3A_1129 = tpu.memref_slice %arg4[%add3A_745] : memref<9600000xf32, #tpu.memory_space<hbm>> -> memref<4000xf32, #tpu.memory_space<hbm>>
        %dma_start3A_1130 = tpu.memref_slice %arg4[%add3A_745] : memref<9600000xf32, #tpu.memory_space<hbm>> -> memref<4000xf32, #tpu.memory_space<hbm>>
        %dma_start3A_1131 = arith.constant 4000 : i32
        %dma_start3A_1132 = tpu.memref_slice %arg16[%dma_start3A_1131] : memref<12000xf32, #tpu.memory_space<vmem>> -> memref<4000xf32, #tpu.memory_space<vmem>>
        tpu.enqueue_dma source(%dma_start3A_1132 : memref<4000xf32, #tpu.memory_space<vmem>>) target(%dma_start3A_1130 : memref<4000xf32, #tpu.memory_space<hbm>>) target_semaphore(%run_scoped3A : memref<!tpu.dma_semaphore, #tpu.memory_space<semaphore_mem>>)
        %dma_wait3A_1133 = arith.constant 4000 : i32
        %dma_wait3A_1134 = tpu.memref_slice %arg16[%dma_wait3A_1133] : memref<12000xf32, #tpu.memory_space<vmem>> -> memref<4000xf32, #tpu.memory_space<vmem>>
        %dma_wait3A_1135 = tpu.memref_slice %arg4[%add3A_745] : memref<9600000xf32, #tpu.memory_space<hbm>> -> memref<4000xf32, #tpu.memory_space<hbm>>
        %dma_wait3A_1136 = tpu.memref_slice %arg4[%add3A_745] : memref<9600000xf32, #tpu.memory_space<hbm>> -> memref<4000xf32, #tpu.memory_space<hbm>>
        %dma_wait3A_1137 = arith.constant 4000 : i32
        %dma_wait3A_1138 = tpu.memref_slice %arg16[%dma_wait3A_1137] : memref<12000xf32, #tpu.memory_space<vmem>> -> memref<4000xf32, #tpu.memory_space<vmem>>
        tpu.wait_dma2 semaphore(%run_scoped3A : memref<!tpu.dma_semaphore, #tpu.memory_space<semaphore_mem>>) src(%dma_wait3A_1138 : memref<4000xf32, #tpu.memory_space<vmem>>) dst(%dma_wait3A_1136 : memref<4000xf32, #tpu.memory_space<hbm>>)
        tpu.yield
      }) : () -> ()
      %add3A_746 = arith.constant 6400000 : i32
      %add3A_747 = arith.addi %add3A_746, %add3A_565 : i32
      "tpu.region"() ({
        %run_scoped3A = tpu.sem_alloc : memref<!tpu.dma_semaphore, #tpu.memory_space<semaphore_mem>>
        %dma_start3A_1127 = arith.constant 8000 : i32
        %dma_start3A_1128 = tpu.memref_slice %arg16[%dma_start3A_1127] : memref<12000xf32, #tpu.memory_space<vmem>> -> memref<4000xf32, #tpu.memory_space<vmem>>
        %dma_start3A_1129 = tpu.memref_slice %arg4[%add3A_747] : memref<9600000xf32, #tpu.memory_space<hbm>> -> memref<4000xf32, #tpu.memory_space<hbm>>
        %dma_start3A_1130 = tpu.memref_slice %arg4[%add3A_747] : memref<9600000xf32, #tpu.memory_space<hbm>> -> memref<4000xf32, #tpu.memory_space<hbm>>
        %dma_start3A_1131 = arith.constant 8000 : i32
        %dma_start3A_1132 = tpu.memref_slice %arg16[%dma_start3A_1131] : memref<12000xf32, #tpu.memory_space<vmem>> -> memref<4000xf32, #tpu.memory_space<vmem>>
        tpu.enqueue_dma source(%dma_start3A_1132 : memref<4000xf32, #tpu.memory_space<vmem>>) target(%dma_start3A_1130 : memref<4000xf32, #tpu.memory_space<hbm>>) target_semaphore(%run_scoped3A : memref<!tpu.dma_semaphore, #tpu.memory_space<semaphore_mem>>)
        %dma_wait3A_1133 = arith.constant 8000 : i32
        %dma_wait3A_1134 = tpu.memref_slice %arg16[%dma_wait3A_1133] : memref<12000xf32, #tpu.memory_space<vmem>> -> memref<4000xf32, #tpu.memory_space<vmem>>
        %dma_wait3A_1135 = tpu.memref_slice %arg4[%add3A_747] : memref<9600000xf32, #tpu.memory_space<hbm>> -> memref<4000xf32, #tpu.memory_space<hbm>>
        %dma_wait3A_1136 = tpu.memref_slice %arg4[%add3A_747] : memref<9600000xf32, #tpu.memory_space<hbm>> -> memref<4000xf32, #tpu.memory_space<hbm>>
        %dma_wait3A_1137 = arith.constant 8000 : i32
        %dma_wait3A_1138 = tpu.memref_slice %arg16[%dma_wait3A_1137] : memref<12000xf32, #tpu.memory_space<vmem>> -> memref<4000xf32, #tpu.memory_space<vmem>>
        tpu.wait_dma2 semaphore(%run_scoped3A : memref<!tpu.dma_semaphore, #tpu.memory_space<semaphore_mem>>) src(%dma_wait3A_1138 : memref<4000xf32, #tpu.memory_space<vmem>>) dst(%dma_wait3A_1136 : memref<4000xf32, #tpu.memory_space<hbm>>)
        tpu.yield
      }) : () -> ()
      "tpu.region"() ({
        %run_scoped3A = tpu.sem_alloc : memref<!tpu.dma_semaphore, #tpu.memory_space<semaphore_mem>>
        %dma_start3A_1127 = tpu.memref_slice %arg5[%add3A_565] : memref<3200000xf32, #tpu.memory_space<hbm>> -> memref<4000xf32, #tpu.memory_space<hbm>>
        %dma_start3A_1128 = tpu.memref_slice %arg5[%add3A_565] : memref<3200000xf32, #tpu.memory_space<hbm>> -> memref<4000xf32, #tpu.memory_space<hbm>>
        tpu.enqueue_dma source(%arg17 : memref<4000xf32, #tpu.memory_space<vmem>>) target(%dma_start3A_1128 : memref<4000xf32, #tpu.memory_space<hbm>>) target_semaphore(%run_scoped3A : memref<!tpu.dma_semaphore, #tpu.memory_space<semaphore_mem>>)
        %dma_wait3A_1129 = tpu.memref_slice %arg5[%add3A_565] : memref<3200000xf32, #tpu.memory_space<hbm>> -> memref<4000xf32, #tpu.memory_space<hbm>>
        %dma_wait3A_1130 = tpu.memref_slice %arg5[%add3A_565] : memref<3200000xf32, #tpu.memory_space<hbm>> -> memref<4000xf32, #tpu.memory_space<hbm>>
        tpu.wait_dma2 semaphore(%run_scoped3A : memref<!tpu.dma_semaphore, #tpu.memory_space<semaphore_mem>>) src(%arg17 : memref<4000xf32, #tpu.memory_space<vmem>>) dst(%dma_wait3A_1130 : memref<4000xf32, #tpu.memory_space<hbm>>)
        tpu.yield
      }) : () -> ()
      %add3A_748 = arith.constant 2 : i32
      %add3A_749 = arith.addi %mul3A_373, %add3A_748 : i32
      %lt3A = arith.constant 25 : i32
      %lt3A_750 = arith.cmpi slt, %add3A_749, %lt3A : i32
      %add3A_751 = arith.constant 2 : i32
      %add3A_752 = arith.addi %mul3A_373, %add3A_751 : i32
      %select_n3A = arith.select %lt3A_750, %add3A_752, %mul3A_373 : i32
      %mul3A_753 = arith.constant 4000 : i32
      %mul3A_754 = arith.muli %select_n3A, %mul3A_753 : i32
      %add3A_755 = arith.addi %mul3A_2, %mul3A_754 : i32
      "tpu.region"() ({
        %run_scoped3A = tpu.sem_alloc : memref<!tpu.dma_semaphore, #tpu.memory_space<semaphore_mem>>
        %dma_start3A_1127 = tpu.memref_slice %arg3[%add3A_755] : memref<6400000xi32, #tpu.memory_space<hbm>> -> memref<4000xi32, #tpu.memory_space<hbm>>
        %dma_start3A_1128 = tpu.memref_slice %arg3[%add3A_755] : memref<6400000xi32, #tpu.memory_space<hbm>> -> memref<4000xi32, #tpu.memory_space<hbm>>
        tpu.enqueue_dma source(%dma_start3A_1128 : memref<4000xi32, #tpu.memory_space<hbm>>) target(%arg6 : memref<4000xi32, #tpu.memory_space<vmem>>) target_semaphore(%run_scoped3A : memref<!tpu.dma_semaphore, #tpu.memory_space<semaphore_mem>>)
        %dma_wait3A_1129 = tpu.memref_slice %arg3[%add3A_755] : memref<6400000xi32, #tpu.memory_space<hbm>> -> memref<4000xi32, #tpu.memory_space<hbm>>
        %dma_wait3A_1130 = tpu.memref_slice %arg3[%add3A_755] : memref<6400000xi32, #tpu.memory_space<hbm>> -> memref<4000xi32, #tpu.memory_space<hbm>>
        tpu.wait_dma2 semaphore(%run_scoped3A : memref<!tpu.dma_semaphore, #tpu.memory_space<semaphore_mem>>) src(%dma_wait3A_1130 : memref<4000xi32, #tpu.memory_space<hbm>>) dst(%arg6 : memref<4000xi32, #tpu.memory_space<vmem>>)
        tpu.yield
      }) : () -> ()
      %add3A_756 = arith.constant 3200000 : i32
      %add3A_757 = arith.addi %add3A_756, %add3A_755 : i32
      "tpu.region"() ({
        %run_scoped3A = tpu.sem_alloc : memref<!tpu.dma_semaphore, #tpu.memory_space<semaphore_mem>>
        %dma_start3A_1127 = tpu.memref_slice %arg3[%add3A_757] : memref<6400000xi32, #tpu.memory_space<hbm>> -> memref<4000xi32, #tpu.memory_space<hbm>>
        %dma_start3A_1128 = tpu.memref_slice %arg3[%add3A_757] : memref<6400000xi32, #tpu.memory_space<hbm>> -> memref<4000xi32, #tpu.memory_space<hbm>>
        tpu.enqueue_dma source(%dma_start3A_1128 : memref<4000xi32, #tpu.memory_space<hbm>>) target(%arg7 : memref<4000xi32, #tpu.memory_space<vmem>>) target_semaphore(%run_scoped3A : memref<!tpu.dma_semaphore, #tpu.memory_space<semaphore_mem>>)
        %dma_wait3A_1129 = tpu.memref_slice %arg3[%add3A_757] : memref<6400000xi32, #tpu.memory_space<hbm>> -> memref<4000xi32, #tpu.memory_space<hbm>>
        %dma_wait3A_1130 = tpu.memref_slice %arg3[%add3A_757] : memref<6400000xi32, #tpu.memory_space<hbm>> -> memref<4000xi32, #tpu.memory_space<hbm>>
        tpu.wait_dma2 semaphore(%run_scoped3A : memref<!tpu.dma_semaphore, #tpu.memory_space<semaphore_mem>>) src(%dma_wait3A_1130 : memref<4000xi32, #tpu.memory_space<hbm>>) dst(%arg7 : memref<4000xi32, #tpu.memory_space<vmem>>)
        tpu.yield
      }) : () -> ()
      %scan3A_758 = arith.constant 0 : i32
      %scan3A_759 = arith.constant 0 : i32
      %scan3A_760 = arith.constant 248 : i32
      %scan3A_761 = arith.addi %scan3A_759, %scan3A_760 : i32
      %scan3A_762 = arith.constant 4 : i32
      scf.for %scan3A_1127 = %scan3A_759 to %scan3A_761 step %scan3A_762  : i32 {
        %mul3A_1128 = arith.constant 16 : i32
        %mul3A_1129 = arith.muli %scan3A_1127, %mul3A_1128 : i32
        %get3A_1130 = arith.index_cast %mul3A_1129 : i32 to index
        %get3A_1131 = tpu.vector_load %arg6[%get3A_1130] {strides = array<i32>} : memref<4000xi32, #tpu.memory_space<vmem>>, vector<16xi32>,
        %get3A_1132 = vector.shape_cast %get3A_1131 : vector<16xi32> to vector<16xi32>
        %mul3A_1133 = arith.constant 3 : i32
        %mul3A_1134 = vector.broadcast %mul3A_1133 : i32 to vector<16xi32>
        %mul3A_1135 = arith.muli %get3A_1132, %mul3A_1134 : vector<16xi32>
        %mul3A_1136 = arith.constant 16 : i32
        %mul3A_1137 = arith.muli %scan3A_1127, %mul3A_1136 : i32
        %get3A_1138 = arith.index_cast %mul3A_1137 : i32 to index
        %get3A_1139 = tpu.vector_load %arg7[%get3A_1138] {strides = array<i32>} : memref<4000xi32, #tpu.memory_space<vmem>>, vector<16xi32>,
        %get3A_1140 = vector.shape_cast %get3A_1139 : vector<16xi32> to vector<16xi32>
        %mul3A_1141 = arith.constant 3 : i32
        %mul3A_1142 = vector.broadcast %mul3A_1141 : i32 to vector<16xi32>
        %mul3A_1143 = arith.muli %get3A_1140, %mul3A_1142 : vector<16xi32>
        %add3A_1144 = arith.constant 0 : i32
        %add3A_1145 = vector.broadcast %add3A_1144 : i32 to vector<16xi32>
        %add3A_1146 = arith.addi %mul3A_1135, %add3A_1145 : vector<16xi32>
        %mul3A_1147 = arith.constant 16 : i32
        %mul3A_1148 = arith.muli %scan3A_1127, %mul3A_1147 : i32
        %add3A_1149 = arith.constant 0 : i32
        %add3A_1150 = arith.addi %add3A_1149, %mul3A_1148 : i32
        %swap3A_1151 = arith.index_cast %add3A_1150 : i32 to index
        %swap3A_1152 = tpu.vector_load %arg8[%swap3A_1151] {strides = array<i32>} : memref<12000xi32, #tpu.memory_space<vmem>>, vector<16xi32>,
        %swap3A_1153 = vector.shape_cast %swap3A_1152 : vector<16xi32> to vector<16xi32>
        %swap3A_1154 = vector.shape_cast %add3A_1146 : vector<16xi32> to vector<16xi32>
        tpu.vector_store %arg8[%swap3A_1151], %swap3A_1154 {strides = array<i32>} : memref<12000xi32, #tpu.memory_space<vmem>>, vector<16xi32>,
        %add3A_1155 = arith.constant 0 : i32
        %add3A_1156 = vector.broadcast %add3A_1155 : i32 to vector<16xi32>
        %add3A_1157 = arith.addi %mul3A_1143, %add3A_1156 : vector<16xi32>
        %mul3A_1158 = arith.constant 16 : i32
        %mul3A_1159 = arith.muli %scan3A_1127, %mul3A_1158 : i32
        %add3A_1160 = arith.constant 0 : i32
        %add3A_1161 = arith.addi %add3A_1160, %mul3A_1159 : i32
        %swap3A_1162 = arith.index_cast %add3A_1161 : i32 to index
        %swap3A_1163 = tpu.vector_load %arg9[%swap3A_1162] {strides = array<i32>} : memref<12000xi32, #tpu.memory_space<vmem>>, vector<16xi32>,
        %swap3A_1164 = vector.shape_cast %swap3A_1163 : vector<16xi32> to vector<16xi32>
        %swap3A_1165 = vector.shape_cast %add3A_1157 : vector<16xi32> to vector<16xi32>
        tpu.vector_store %arg9[%swap3A_1162], %swap3A_1165 {strides = array<i32>} : memref<12000xi32, #tpu.memory_space<vmem>>, vector<16xi32>,
        %add3A_1166 = arith.constant 1 : i32
        %add3A_1167 = vector.broadcast %add3A_1166 : i32 to vector<16xi32>
        %add3A_1168 = arith.addi %mul3A_1135, %add3A_1167 : vector<16xi32>
        %mul3A_1169 = arith.constant 16 : i32
        %mul3A_1170 = arith.muli %scan3A_1127, %mul3A_1169 : i32
        %add3A_1171 = arith.constant 4000 : i32
        %add3A_1172 = arith.addi %add3A_1171, %mul3A_1170 : i32
        %swap3A_1173 = arith.index_cast %add3A_1172 : i32 to index
        %swap3A_1174 = tpu.vector_load %arg8[%swap3A_1173] {strides = array<i32>} : memref<12000xi32, #tpu.memory_space<vmem>>, vector<16xi32>,
        %swap3A_1175 = vector.shape_cast %swap3A_1174 : vector<16xi32> to vector<16xi32>
        %swap3A_1176 = vector.shape_cast %add3A_1168 : vector<16xi32> to vector<16xi32>
        tpu.vector_store %arg8[%swap3A_1173], %swap3A_1176 {strides = array<i32>} : memref<12000xi32, #tpu.memory_space<vmem>>, vector<16xi32>,
        %add3A_1177 = arith.constant 1 : i32
        %add3A_1178 = vector.broadcast %add3A_1177 : i32 to vector<16xi32>
        %add3A_1179 = arith.addi %mul3A_1143, %add3A_1178 : vector<16xi32>
        %mul3A_1180 = arith.constant 16 : i32
        %mul3A_1181 = arith.muli %scan3A_1127, %mul3A_1180 : i32
        %add3A_1182 = arith.constant 4000 : i32
        %add3A_1183 = arith.addi %add3A_1182, %mul3A_1181 : i32
        %swap3A_1184 = arith.index_cast %add3A_1183 : i32 to index
        %swap3A_1185 = tpu.vector_load %arg9[%swap3A_1184] {strides = array<i32>} : memref<12000xi32, #tpu.memory_space<vmem>>, vector<16xi32>,
        %swap3A_1186 = vector.shape_cast %swap3A_1185 : vector<16xi32> to vector<16xi32>
        %swap3A_1187 = vector.shape_cast %add3A_1179 : vector<16xi32> to vector<16xi32>
        tpu.vector_store %arg9[%swap3A_1184], %swap3A_1187 {strides = array<i32>} : memref<12000xi32, #tpu.memory_space<vmem>>, vector<16xi32>,
        %add3A_1188 = arith.constant 2 : i32
        %add3A_1189 = vector.broadcast %add3A_1188 : i32 to vector<16xi32>
        %add3A_1190 = arith.addi %mul3A_1135, %add3A_1189 : vector<16xi32>
        %mul3A_1191 = arith.constant 16 : i32
        %mul3A_1192 = arith.muli %scan3A_1127, %mul3A_1191 : i32
        %add3A_1193 = arith.constant 8000 : i32
        %add3A_1194 = arith.addi %add3A_1193, %mul3A_1192 : i32
        %swap3A_1195 = arith.index_cast %add3A_1194 : i32 to index
        %swap3A_1196 = tpu.vector_load %arg8[%swap3A_1195] {strides = array<i32>} : memref<12000xi32, #tpu.memory_space<vmem>>, vector<16xi32>,
        %swap3A_1197 = vector.shape_cast %swap3A_1196 : vector<16xi32> to vector<16xi32>
        %swap3A_1198 = vector.shape_cast %add3A_1190 : vector<16xi32> to vector<16xi32>
        tpu.vector_store %arg8[%swap3A_1195], %swap3A_1198 {strides = array<i32>} : memref<12000xi32, #tpu.memory_space<vmem>>, vector<16xi32>,
        %add3A_1199 = arith.constant 2 : i32
        %add3A_1200 = vector.broadcast %add3A_1199 : i32 to vector<16xi32>
        %add3A_1201 = arith.addi %mul3A_1143, %add3A_1200 : vector<16xi32>
        %mul3A_1202 = arith.constant 16 : i32
        %mul3A_1203 = arith.muli %scan3A_1127, %mul3A_1202 : i32
        %add3A_1204 = arith.constant 8000 : i32
        %add3A_1205 = arith.addi %add3A_1204, %mul3A_1203 : i32
        %swap3A_1206 = arith.index_cast %add3A_1205 : i32 to index
        %swap3A_1207 = tpu.vector_load %arg9[%swap3A_1206] {strides = array<i32>} : memref<12000xi32, #tpu.memory_space<vmem>>, vector<16xi32>,
        %swap3A_1208 = vector.shape_cast %swap3A_1207 : vector<16xi32> to vector<16xi32>
        %swap3A_1209 = vector.shape_cast %add3A_1201 : vector<16xi32> to vector<16xi32>
        tpu.vector_store %arg9[%swap3A_1206], %swap3A_1209 {strides = array<i32>} : memref<12000xi32, #tpu.memory_space<vmem>>, vector<16xi32>,
        %scan3A_1210 = arith.constant 1 : i32
        %scan3A_1211 = arith.addi %scan3A_1127, %scan3A_1210 : i32
        %mul3A_1212 = arith.constant 16 : i32
        %mul3A_1213 = arith.muli %scan3A_1211, %mul3A_1212 : i32
        %get3A_1214 = arith.index_cast %mul3A_1213 : i32 to index
        %get3A_1215 = tpu.vector_load %arg6[%get3A_1214] {strides = array<i32>} : memref<4000xi32, #tpu.memory_space<vmem>>, vector<16xi32>,
        %get3A_1216 = vector.shape_cast %get3A_1215 : vector<16xi32> to vector<16xi32>
        %mul3A_1217 = arith.constant 3 : i32
        %mul3A_1218 = vector.broadcast %mul3A_1217 : i32 to vector<16xi32>
        %mul3A_1219 = arith.muli %get3A_1216, %mul3A_1218 : vector<16xi32>
        %mul3A_1220 = arith.constant 16 : i32
        %mul3A_1221 = arith.muli %scan3A_1211, %mul3A_1220 : i32
        %get3A_1222 = arith.index_cast %mul3A_1221 : i32 to index
        %get3A_1223 = tpu.vector_load %arg7[%get3A_1222] {strides = array<i32>} : memref<4000xi32, #tpu.memory_space<vmem>>, vector<16xi32>,
        %get3A_1224 = vector.shape_cast %get3A_1223 : vector<16xi32> to vector<16xi32>
        %mul3A_1225 = arith.constant 3 : i32
        %mul3A_1226 = vector.broadcast %mul3A_1225 : i32 to vector<16xi32>
        %mul3A_1227 = arith.muli %get3A_1224, %mul3A_1226 : vector<16xi32>
        %add3A_1228 = arith.constant 0 : i32
        %add3A_1229 = vector.broadcast %add3A_1228 : i32 to vector<16xi32>
        %add3A_1230 = arith.addi %mul3A_1219, %add3A_1229 : vector<16xi32>
        %mul3A_1231 = arith.constant 16 : i32
        %mul3A_1232 = arith.muli %scan3A_1211, %mul3A_1231 : i32
        %add3A_1233 = arith.constant 0 : i32
        %add3A_1234 = arith.addi %add3A_1233, %mul3A_1232 : i32
        %swap3A_1235 = arith.index_cast %add3A_1234 : i32 to index
        %swap3A_1236 = tpu.vector_load %arg8[%swap3A_1235] {strides = array<i32>} : memref<12000xi32, #tpu.memory_space<vmem>>, vector<16xi32>,
        %swap3A_1237 = vector.shape_cast %swap3A_1236 : vector<16xi32> to vector<16xi32>
        %swap3A_1238 = vector.shape_cast %add3A_1230 : vector<16xi32> to vector<16xi32>
        tpu.vector_store %arg8[%swap3A_1235], %swap3A_1238 {strides = array<i32>} : memref<12000xi32, #tpu.memory_space<vmem>>, vector<16xi32>,
        %add3A_1239 = arith.constant 0 : i32
        %add3A_1240 = vector.broadcast %add3A_1239 : i32 to vector<16xi32>
        %add3A_1241 = arith.addi %mul3A_1227, %add3A_1240 : vector<16xi32>
        %mul3A_1242 = arith.constant 16 : i32
        %mul3A_1243 = arith.muli %scan3A_1211, %mul3A_1242 : i32
        %add3A_1244 = arith.constant 0 : i32
        %add3A_1245 = arith.addi %add3A_1244, %mul3A_1243 : i32
        %swap3A_1246 = arith.index_cast %add3A_1245 : i32 to index
        %swap3A_1247 = tpu.vector_load %arg9[%swap3A_1246] {strides = array<i32>} : memref<12000xi32, #tpu.memory_space<vmem>>, vector<16xi32>,
        %swap3A_1248 = vector.shape_cast %swap3A_1247 : vector<16xi32> to vector<16xi32>
        %swap3A_1249 = vector.shape_cast %add3A_1241 : vector<16xi32> to vector<16xi32>
        tpu.vector_store %arg9[%swap3A_1246], %swap3A_1249 {strides = array<i32>} : memref<12000xi32, #tpu.memory_space<vmem>>, vector<16xi32>,
        %add3A_1250 = arith.constant 1 : i32
        %add3A_1251 = vector.broadcast %add3A_1250 : i32 to vector<16xi32>
        %add3A_1252 = arith.addi %mul3A_1219, %add3A_1251 : vector<16xi32>
        %mul3A_1253 = arith.constant 16 : i32
        %mul3A_1254 = arith.muli %scan3A_1211, %mul3A_1253 : i32
        %add3A_1255 = arith.constant 4000 : i32
        %add3A_1256 = arith.addi %add3A_1255, %mul3A_1254 : i32
        %swap3A_1257 = arith.index_cast %add3A_1256 : i32 to index
        %swap3A_1258 = tpu.vector_load %arg8[%swap3A_1257] {strides = array<i32>} : memref<12000xi32, #tpu.memory_space<vmem>>, vector<16xi32>,
        %swap3A_1259 = vector.shape_cast %swap3A_1258 : vector<16xi32> to vector<16xi32>
        %swap3A_1260 = vector.shape_cast %add3A_1252 : vector<16xi32> to vector<16xi32>
        tpu.vector_store %arg8[%swap3A_1257], %swap3A_1260 {strides = array<i32>} : memref<12000xi32, #tpu.memory_space<vmem>>, vector<16xi32>,
        %add3A_1261 = arith.constant 1 : i32
        %add3A_1262 = vector.broadcast %add3A_1261 : i32 to vector<16xi32>
        %add3A_1263 = arith.addi %mul3A_1227, %add3A_1262 : vector<16xi32>
        %mul3A_1264 = arith.constant 16 : i32
        %mul3A_1265 = arith.muli %scan3A_1211, %mul3A_1264 : i32
        %add3A_1266 = arith.constant 4000 : i32
        %add3A_1267 = arith.addi %add3A_1266, %mul3A_1265 : i32
        %swap3A_1268 = arith.index_cast %add3A_1267 : i32 to index
        %swap3A_1269 = tpu.vector_load %arg9[%swap3A_1268] {strides = array<i32>} : memref<12000xi32, #tpu.memory_space<vmem>>, vector<16xi32>,
        %swap3A_1270 = vector.shape_cast %swap3A_1269 : vector<16xi32> to vector<16xi32>
        %swap3A_1271 = vector.shape_cast %add3A_1263 : vector<16xi32> to vector<16xi32>
        tpu.vector_store %arg9[%swap3A_1268], %swap3A_1271 {strides = array<i32>} : memref<12000xi32, #tpu.memory_space<vmem>>, vector<16xi32>,
        %add3A_1272 = arith.constant 2 : i32
        %add3A_1273 = vector.broadcast %add3A_1272 : i32 to vector<16xi32>
        %add3A_1274 = arith.addi %mul3A_1219, %add3A_1273 : vector<16xi32>
        %mul3A_1275 = arith.constant 16 : i32
        %mul3A_1276 = arith.muli %scan3A_1211, %mul3A_1275 : i32
        %add3A_1277 = arith.constant 8000 : i32
        %add3A_1278 = arith.addi %add3A_1277, %mul3A_1276 : i32
        %swap3A_1279 = arith.index_cast %add3A_1278 : i32 to index
        %swap3A_1280 = tpu.vector_load %arg8[%swap3A_1279] {strides = array<i32>} : memref<12000xi32, #tpu.memory_space<vmem>>, vector<16xi32>,
        %swap3A_1281 = vector.shape_cast %swap3A_1280 : vector<16xi32> to vector<16xi32>
        %swap3A_1282 = vector.shape_cast %add3A_1274 : vector<16xi32> to vector<16xi32>
        tpu.vector_store %arg8[%swap3A_1279], %swap3A_1282 {strides = array<i32>} : memref<12000xi32, #tpu.memory_space<vmem>>, vector<16xi32>,
        %add3A_1283 = arith.constant 2 : i32
        %add3A_1284 = vector.broadcast %add3A_1283 : i32 to vector<16xi32>
        %add3A_1285 = arith.addi %mul3A_1227, %add3A_1284 : vector<16xi32>
        %mul3A_1286 = arith.constant 16 : i32
        %mul3A_1287 = arith.muli %scan3A_1211, %mul3A_1286 : i32
        %add3A_1288 = arith.constant 8000 : i32
        %add3A_1289 = arith.addi %add3A_1288, %mul3A_1287 : i32
        %swap3A_1290 = arith.index_cast %add3A_1289 : i32 to index
        %swap3A_1291 = tpu.vector_load %arg9[%swap3A_1290] {strides = array<i32>} : memref<12000xi32, #tpu.memory_space<vmem>>, vector<16xi32>,
        %swap3A_1292 = vector.shape_cast %swap3A_1291 : vector<16xi32> to vector<16xi32>
        %swap3A_1293 = vector.shape_cast %add3A_1285 : vector<16xi32> to vector<16xi32>
        tpu.vector_store %arg9[%swap3A_1290], %swap3A_1293 {strides = array<i32>} : memref<12000xi32, #tpu.memory_space<vmem>>, vector<16xi32>,
        %scan3A_1294 = arith.constant 2 : i32
        %scan3A_1295 = arith.addi %scan3A_1127, %scan3A_1294 : i32
        %mul3A_1296 = arith.constant 16 : i32
        %mul3A_1297 = arith.muli %scan3A_1295, %mul3A_1296 : i32
        %get3A_1298 = arith.index_cast %mul3A_1297 : i32 to index
        %get3A_1299 = tpu.vector_load %arg6[%get3A_1298] {strides = array<i32>} : memref<4000xi32, #tpu.memory_space<vmem>>, vector<16xi32>,
        %get3A_1300 = vector.shape_cast %get3A_1299 : vector<16xi32> to vector<16xi32>
        %mul3A_1301 = arith.constant 3 : i32
        %mul3A_1302 = vector.broadcast %mul3A_1301 : i32 to vector<16xi32>
        %mul3A_1303 = arith.muli %get3A_1300, %mul3A_1302 : vector<16xi32>
        %mul3A_1304 = arith.constant 16 : i32
        %mul3A_1305 = arith.muli %scan3A_1295, %mul3A_1304 : i32
        %get3A_1306 = arith.index_cast %mul3A_1305 : i32 to index
        %get3A_1307 = tpu.vector_load %arg7[%get3A_1306] {strides = array<i32>} : memref<4000xi32, #tpu.memory_space<vmem>>, vector<16xi32>,
        %get3A_1308 = vector.shape_cast %get3A_1307 : vector<16xi32> to vector<16xi32>
        %mul3A_1309 = arith.constant 3 : i32
        %mul3A_1310 = vector.broadcast %mul3A_1309 : i32 to vector<16xi32>
        %mul3A_1311 = arith.muli %get3A_1308, %mul3A_1310 : vector<16xi32>
        %add3A_1312 = arith.constant 0 : i32
        %add3A_1313 = vector.broadcast %add3A_1312 : i32 to vector<16xi32>
        %add3A_1314 = arith.addi %mul3A_1303, %add3A_1313 : vector<16xi32>
        %mul3A_1315 = arith.constant 16 : i32
        %mul3A_1316 = arith.muli %scan3A_1295, %mul3A_1315 : i32
        %add3A_1317 = arith.constant 0 : i32
        %add3A_1318 = arith.addi %add3A_1317, %mul3A_1316 : i32
        %swap3A_1319 = arith.index_cast %add3A_1318 : i32 to index
        %swap3A_1320 = tpu.vector_load %arg8[%swap3A_1319] {strides = array<i32>} : memref<12000xi32, #tpu.memory_space<vmem>>, vector<16xi32>,
        %swap3A_1321 = vector.shape_cast %swap3A_1320 : vector<16xi32> to vector<16xi32>
        %swap3A_1322 = vector.shape_cast %add3A_1314 : vector<16xi32> to vector<16xi32>
        tpu.vector_store %arg8[%swap3A_1319], %swap3A_1322 {strides = array<i32>} : memref<12000xi32, #tpu.memory_space<vmem>>, vector<16xi32>,
        %add3A_1323 = arith.constant 0 : i32
        %add3A_1324 = vector.broadcast %add3A_1323 : i32 to vector<16xi32>
        %add3A_1325 = arith.addi %mul3A_1311, %add3A_1324 : vector<16xi32>
        %mul3A_1326 = arith.constant 16 : i32
        %mul3A_1327 = arith.muli %scan3A_1295, %mul3A_1326 : i32
        %add3A_1328 = arith.constant 0 : i32
        %add3A_1329 = arith.addi %add3A_1328, %mul3A_1327 : i32
        %swap3A_1330 = arith.index_cast %add3A_1329 : i32 to index
        %swap3A_1331 = tpu.vector_load %arg9[%swap3A_1330] {strides = array<i32>} : memref<12000xi32, #tpu.memory_space<vmem>>, vector<16xi32>,
        %swap3A_1332 = vector.shape_cast %swap3A_1331 : vector<16xi32> to vector<16xi32>
        %swap3A_1333 = vector.shape_cast %add3A_1325 : vector<16xi32> to vector<16xi32>
        tpu.vector_store %arg9[%swap3A_1330], %swap3A_1333 {strides = array<i32>} : memref<12000xi32, #tpu.memory_space<vmem>>, vector<16xi32>,
        %add3A_1334 = arith.constant 1 : i32
        %add3A_1335 = vector.broadcast %add3A_1334 : i32 to vector<16xi32>
        %add3A_1336 = arith.addi %mul3A_1303, %add3A_1335 : vector<16xi32>
        %mul3A_1337 = arith.constant 16 : i32
        %mul3A_1338 = arith.muli %scan3A_1295, %mul3A_1337 : i32
        %add3A_1339 = arith.constant 4000 : i32
        %add3A_1340 = arith.addi %add3A_1339, %mul3A_1338 : i32
        %swap3A_1341 = arith.index_cast %add3A_1340 : i32 to index
        %swap3A_1342 = tpu.vector_load %arg8[%swap3A_1341] {strides = array<i32>} : memref<12000xi32, #tpu.memory_space<vmem>>, vector<16xi32>,
        %swap3A_1343 = vector.shape_cast %swap3A_1342 : vector<16xi32> to vector<16xi32>
        %swap3A_1344 = vector.shape_cast %add3A_1336 : vector<16xi32> to vector<16xi32>
        tpu.vector_store %arg8[%swap3A_1341], %swap3A_1344 {strides = array<i32>} : memref<12000xi32, #tpu.memory_space<vmem>>, vector<16xi32>,
        %add3A_1345 = arith.constant 1 : i32
        %add3A_1346 = vector.broadcast %add3A_1345 : i32 to vector<16xi32>
        %add3A_1347 = arith.addi %mul3A_1311, %add3A_1346 : vector<16xi32>
        %mul3A_1348 = arith.constant 16 : i32
        %mul3A_1349 = arith.muli %scan3A_1295, %mul3A_1348 : i32
        %add3A_1350 = arith.constant 4000 : i32
        %add3A_1351 = arith.addi %add3A_1350, %mul3A_1349 : i32
        %swap3A_1352 = arith.index_cast %add3A_1351 : i32 to index
        %swap3A_1353 = tpu.vector_load %arg9[%swap3A_1352] {strides = array<i32>} : memref<12000xi32, #tpu.memory_space<vmem>>, vector<16xi32>,
        %swap3A_1354 = vector.shape_cast %swap3A_1353 : vector<16xi32> to vector<16xi32>
        %swap3A_1355 = vector.shape_cast %add3A_1347 : vector<16xi32> to vector<16xi32>
        tpu.vector_store %arg9[%swap3A_1352], %swap3A_1355 {strides = array<i32>} : memref<12000xi32, #tpu.memory_space<vmem>>, vector<16xi32>,
        %add3A_1356 = arith.constant 2 : i32
        %add3A_1357 = vector.broadcast %add3A_1356 : i32 to vector<16xi32>
        %add3A_1358 = arith.addi %mul3A_1303, %add3A_1357 : vector<16xi32>
        %mul3A_1359 = arith.constant 16 : i32
        %mul3A_1360 = arith.muli %scan3A_1295, %mul3A_1359 : i32
        %add3A_1361 = arith.constant 8000 : i32
        %add3A_1362 = arith.addi %add3A_1361, %mul3A_1360 : i32
        %swap3A_1363 = arith.index_cast %add3A_1362 : i32 to index
        %swap3A_1364 = tpu.vector_load %arg8[%swap3A_1363] {strides = array<i32>} : memref<12000xi32, #tpu.memory_space<vmem>>, vector<16xi32>,
        %swap3A_1365 = vector.shape_cast %swap3A_1364 : vector<16xi32> to vector<16xi32>
        %swap3A_1366 = vector.shape_cast %add3A_1358 : vector<16xi32> to vector<16xi32>
        tpu.vector_store %arg8[%swap3A_1363], %swap3A_1366 {strides = array<i32>} : memref<12000xi32, #tpu.memory_space<vmem>>, vector<16xi32>,
        %add3A_1367 = arith.constant 2 : i32
        %add3A_1368 = vector.broadcast %add3A_1367 : i32 to vector<16xi32>
        %add3A_1369 = arith.addi %mul3A_1311, %add3A_1368 : vector<16xi32>
        %mul3A_1370 = arith.constant 16 : i32
        %mul3A_1371 = arith.muli %scan3A_1295, %mul3A_1370 : i32
        %add3A_1372 = arith.constant 8000 : i32
        %add3A_1373 = arith.addi %add3A_1372, %mul3A_1371 : i32
        %swap3A_1374 = arith.index_cast %add3A_1373 : i32 to index
        %swap3A_1375 = tpu.vector_load %arg9[%swap3A_1374] {strides = array<i32>} : memref<12000xi32, #tpu.memory_space<vmem>>, vector<16xi32>,
        %swap3A_1376 = vector.shape_cast %swap3A_1375 : vector<16xi32> to vector<16xi32>
        %swap3A_1377 = vector.shape_cast %add3A_1369 : vector<16xi32> to vector<16xi32>
        tpu.vector_store %arg9[%swap3A_1374], %swap3A_1377 {strides = array<i32>} : memref<12000xi32, #tpu.memory_space<vmem>>, vector<16xi32>,
        %scan3A_1378 = arith.constant 3 : i32
        %scan3A_1379 = arith.addi %scan3A_1127, %scan3A_1378 : i32
        %mul3A_1380 = arith.constant 16 : i32
        %mul3A_1381 = arith.muli %scan3A_1379, %mul3A_1380 : i32
        %get3A_1382 = arith.index_cast %mul3A_1381 : i32 to index
        %get3A_1383 = tpu.vector_load %arg6[%get3A_1382] {strides = array<i32>} : memref<4000xi32, #tpu.memory_space<vmem>>, vector<16xi32>,
        %get3A_1384 = vector.shape_cast %get3A_1383 : vector<16xi32> to vector<16xi32>
        %mul3A_1385 = arith.constant 3 : i32
        %mul3A_1386 = vector.broadcast %mul3A_1385 : i32 to vector<16xi32>
        %mul3A_1387 = arith.muli %get3A_1384, %mul3A_1386 : vector<16xi32>
        %mul3A_1388 = arith.constant 16 : i32
        %mul3A_1389 = arith.muli %scan3A_1379, %mul3A_1388 : i32
        %get3A_1390 = arith.index_cast %mul3A_1389 : i32 to index
        %get3A_1391 = tpu.vector_load %arg7[%get3A_1390] {strides = array<i32>} : memref<4000xi32, #tpu.memory_space<vmem>>, vector<16xi32>,
        %get3A_1392 = vector.shape_cast %get3A_1391 : vector<16xi32> to vector<16xi32>
        %mul3A_1393 = arith.constant 3 : i32
        %mul3A_1394 = vector.broadcast %mul3A_1393 : i32 to vector<16xi32>
        %mul3A_1395 = arith.muli %get3A_1392, %mul3A_1394 : vector<16xi32>
        %add3A_1396 = arith.constant 0 : i32
        %add3A_1397 = vector.broadcast %add3A_1396 : i32 to vector<16xi32>
        %add3A_1398 = arith.addi %mul3A_1387, %add3A_1397 : vector<16xi32>
        %mul3A_1399 = arith.constant 16 : i32
        %mul3A_1400 = arith.muli %scan3A_1379, %mul3A_1399 : i32
        %add3A_1401 = arith.constant 0 : i32
        %add3A_1402 = arith.addi %add3A_1401, %mul3A_1400 : i32
        %swap3A_1403 = arith.index_cast %add3A_1402 : i32 to index
        %swap3A_1404 = tpu.vector_load %arg8[%swap3A_1403] {strides = array<i32>} : memref<12000xi32, #tpu.memory_space<vmem>>, vector<16xi32>,
        %swap3A_1405 = vector.shape_cast %swap3A_1404 : vector<16xi32> to vector<16xi32>
        %swap3A_1406 = vector.shape_cast %add3A_1398 : vector<16xi32> to vector<16xi32>
        tpu.vector_store %arg8[%swap3A_1403], %swap3A_1406 {strides = array<i32>} : memref<12000xi32, #tpu.memory_space<vmem>>, vector<16xi32>,
        %add3A_1407 = arith.constant 0 : i32
        %add3A_1408 = vector.broadcast %add3A_1407 : i32 to vector<16xi32>
        %add3A_1409 = arith.addi %mul3A_1395, %add3A_1408 : vector<16xi32>
        %mul3A_1410 = arith.constant 16 : i32
        %mul3A_1411 = arith.muli %scan3A_1379, %mul3A_1410 : i32
        %add3A_1412 = arith.constant 0 : i32
        %add3A_1413 = arith.addi %add3A_1412, %mul3A_1411 : i32
        %swap3A_1414 = arith.index_cast %add3A_1413 : i32 to index
        %swap3A_1415 = tpu.vector_load %arg9[%swap3A_1414] {strides = array<i32>} : memref<12000xi32, #tpu.memory_space<vmem>>, vector<16xi32>,
        %swap3A_1416 = vector.shape_cast %swap3A_1415 : vector<16xi32> to vector<16xi32>
        %swap3A_1417 = vector.shape_cast %add3A_1409 : vector<16xi32> to vector<16xi32>
        tpu.vector_store %arg9[%swap3A_1414], %swap3A_1417 {strides = array<i32>} : memref<12000xi32, #tpu.memory_space<vmem>>, vector<16xi32>,
        %add3A_1418 = arith.constant 1 : i32
        %add3A_1419 = vector.broadcast %add3A_1418 : i32 to vector<16xi32>
        %add3A_1420 = arith.addi %mul3A_1387, %add3A_1419 : vector<16xi32>
        %mul3A_1421 = arith.constant 16 : i32
        %mul3A_1422 = arith.muli %scan3A_1379, %mul3A_1421 : i32
        %add3A_1423 = arith.constant 4000 : i32
        %add3A_1424 = arith.addi %add3A_1423, %mul3A_1422 : i32
        %swap3A_1425 = arith.index_cast %add3A_1424 : i32 to index
        %swap3A_1426 = tpu.vector_load %arg8[%swap3A_1425] {strides = array<i32>} : memref<12000xi32, #tpu.memory_space<vmem>>, vector<16xi32>,
        %swap3A_1427 = vector.shape_cast %swap3A_1426 : vector<16xi32> to vector<16xi32>
        %swap3A_1428 = vector.shape_cast %add3A_1420 : vector<16xi32> to vector<16xi32>
        tpu.vector_store %arg8[%swap3A_1425], %swap3A_1428 {strides = array<i32>} : memref<12000xi32, #tpu.memory_space<vmem>>, vector<16xi32>,
        %add3A_1429 = arith.constant 1 : i32
        %add3A_1430 = vector.broadcast %add3A_1429 : i32 to vector<16xi32>
        %add3A_1431 = arith.addi %mul3A_1395, %add3A_1430 : vector<16xi32>
        %mul3A_1432 = arith.constant 16 : i32
        %mul3A_1433 = arith.muli %scan3A_1379, %mul3A_1432 : i32
        %add3A_1434 = arith.constant 4000 : i32
        %add3A_1435 = arith.addi %add3A_1434, %mul3A_1433 : i32
        %swap3A_1436 = arith.index_cast %add3A_1435 : i32 to index
        %swap3A_1437 = tpu.vector_load %arg9[%swap3A_1436] {strides = array<i32>} : memref<12000xi32, #tpu.memory_space<vmem>>, vector<16xi32>,
        %swap3A_1438 = vector.shape_cast %swap3A_1437 : vector<16xi32> to vector<16xi32>
        %swap3A_1439 = vector.shape_cast %add3A_1431 : vector<16xi32> to vector<16xi32>
        tpu.vector_store %arg9[%swap3A_1436], %swap3A_1439 {strides = array<i32>} : memref<12000xi32, #tpu.memory_space<vmem>>, vector<16xi32>,
        %add3A_1440 = arith.constant 2 : i32
        %add3A_1441 = vector.broadcast %add3A_1440 : i32 to vector<16xi32>
        %add3A_1442 = arith.addi %mul3A_1387, %add3A_1441 : vector<16xi32>
        %mul3A_1443 = arith.constant 16 : i32
        %mul3A_1444 = arith.muli %scan3A_1379, %mul3A_1443 : i32
        %add3A_1445 = arith.constant 8000 : i32
        %add3A_1446 = arith.addi %add3A_1445, %mul3A_1444 : i32
        %swap3A_1447 = arith.index_cast %add3A_1446 : i32 to index
        %swap3A_1448 = tpu.vector_load %arg8[%swap3A_1447] {strides = array<i32>} : memref<12000xi32, #tpu.memory_space<vmem>>, vector<16xi32>,
        %swap3A_1449 = vector.shape_cast %swap3A_1448 : vector<16xi32> to vector<16xi32>
        %swap3A_1450 = vector.shape_cast %add3A_1442 : vector<16xi32> to vector<16xi32>
        tpu.vector_store %arg8[%swap3A_1447], %swap3A_1450 {strides = array<i32>} : memref<12000xi32, #tpu.memory_space<vmem>>, vector<16xi32>,
        %add3A_1451 = arith.constant 2 : i32
        %add3A_1452 = vector.broadcast %add3A_1451 : i32 to vector<16xi32>
        %add3A_1453 = arith.addi %mul3A_1395, %add3A_1452 : vector<16xi32>
        %mul3A_1454 = arith.constant 16 : i32
        %mul3A_1455 = arith.muli %scan3A_1379, %mul3A_1454 : i32
        %add3A_1456 = arith.constant 8000 : i32
        %add3A_1457 = arith.addi %add3A_1456, %mul3A_1455 : i32
        %swap3A_1458 = arith.index_cast %add3A_1457 : i32 to index
        %swap3A_1459 = tpu.vector_load %arg9[%swap3A_1458] {strides = array<i32>} : memref<12000xi32, #tpu.memory_space<vmem>>, vector<16xi32>,
        %swap3A_1460 = vector.shape_cast %swap3A_1459 : vector<16xi32> to vector<16xi32>
        %swap3A_1461 = vector.shape_cast %add3A_1453 : vector<16xi32> to vector<16xi32>
        tpu.vector_store %arg9[%swap3A_1458], %swap3A_1461 {strides = array<i32>} : memref<12000xi32, #tpu.memory_space<vmem>>, vector<16xi32>,
      }
      %scan3A_763 = arith.constant 248 : i32
      %scan3A_764 = arith.addi %scan3A_759, %scan3A_763 : i32
      %mul3A_765 = arith.constant 16 : i32
      %mul3A_766 = arith.muli %scan3A_764, %mul3A_765 : i32
      %get3A_767 = arith.index_cast %mul3A_766 : i32 to index
      %get3A_768 = tpu.vector_load %arg6[%get3A_767] {strides = array<i32>} : memref<4000xi32, #tpu.memory_space<vmem>>, vector<16xi32>,
      %get3A_769 = vector.shape_cast %get3A_768 : vector<16xi32> to vector<16xi32>
      %mul3A_770 = arith.constant 3 : i32
      %mul3A_771 = vector.broadcast %mul3A_770 : i32 to vector<16xi32>
      %mul3A_772 = arith.muli %get3A_769, %mul3A_771 : vector<16xi32>
      %mul3A_773 = arith.constant 16 : i32
      %mul3A_774 = arith.muli %scan3A_764, %mul3A_773 : i32
      %get3A_775 = arith.index_cast %mul3A_774 : i32 to index
      %get3A_776 = tpu.vector_load %arg7[%get3A_775] {strides = array<i32>} : memref<4000xi32, #tpu.memory_space<vmem>>, vector<16xi32>,
      %get3A_777 = vector.shape_cast %get3A_776 : vector<16xi32> to vector<16xi32>
      %mul3A_778 = arith.constant 3 : i32
      %mul3A_779 = vector.broadcast %mul3A_778 : i32 to vector<16xi32>
      %mul3A_780 = arith.muli %get3A_777, %mul3A_779 : vector<16xi32>
      %add3A_781 = arith.constant 0 : i32
      %add3A_782 = vector.broadcast %add3A_781 : i32 to vector<16xi32>
      %add3A_783 = arith.addi %mul3A_772, %add3A_782 : vector<16xi32>
      %mul3A_784 = arith.constant 16 : i32
      %mul3A_785 = arith.muli %scan3A_764, %mul3A_784 : i32
      %add3A_786 = arith.constant 0 : i32
      %add3A_787 = arith.addi %add3A_786, %mul3A_785 : i32
      %swap3A_788 = arith.index_cast %add3A_787 : i32 to index
      %swap3A_789 = tpu.vector_load %arg8[%swap3A_788] {strides = array<i32>} : memref<12000xi32, #tpu.memory_space<vmem>>, vector<16xi32>,
      %swap3A_790 = vector.shape_cast %swap3A_789 : vector<16xi32> to vector<16xi32>
      %swap3A_791 = vector.shape_cast %add3A_783 : vector<16xi32> to vector<16xi32>
      tpu.vector_store %arg8[%swap3A_788], %swap3A_791 {strides = array<i32>} : memref<12000xi32, #tpu.memory_space<vmem>>, vector<16xi32>,
      %add3A_792 = arith.constant 0 : i32
      %add3A_793 = vector.broadcast %add3A_792 : i32 to vector<16xi32>
      %add3A_794 = arith.addi %mul3A_780, %add3A_793 : vector<16xi32>
      %mul3A_795 = arith.constant 16 : i32
      %mul3A_796 = arith.muli %scan3A_764, %mul3A_795 : i32
      %add3A_797 = arith.constant 0 : i32
      %add3A_798 = arith.addi %add3A_797, %mul3A_796 : i32
      %swap3A_799 = arith.index_cast %add3A_798 : i32 to index
      %swap3A_800 = tpu.vector_load %arg9[%swap3A_799] {strides = array<i32>} : memref<12000xi32, #tpu.memory_space<vmem>>, vector<16xi32>,
      %swap3A_801 = vector.shape_cast %swap3A_800 : vector<16xi32> to vector<16xi32>
      %swap3A_802 = vector.shape_cast %add3A_794 : vector<16xi32> to vector<16xi32>
      tpu.vector_store %arg9[%swap3A_799], %swap3A_802 {strides = array<i32>} : memref<12000xi32, #tpu.memory_space<vmem>>, vector<16xi32>,
      %add3A_803 = arith.constant 1 : i32
      %add3A_804 = vector.broadcast %add3A_803 : i32 to vector<16xi32>
      %add3A_805 = arith.addi %mul3A_772, %add3A_804 : vector<16xi32>
      %mul3A_806 = arith.constant 16 : i32
      %mul3A_807 = arith.muli %scan3A_764, %mul3A_806 : i32
      %add3A_808 = arith.constant 4000 : i32
      %add3A_809 = arith.addi %add3A_808, %mul3A_807 : i32
      %swap3A_810 = arith.index_cast %add3A_809 : i32 to index
      %swap3A_811 = tpu.vector_load %arg8[%swap3A_810] {strides = array<i32>} : memref<12000xi32, #tpu.memory_space<vmem>>, vector<16xi32>,
      %swap3A_812 = vector.shape_cast %swap3A_811 : vector<16xi32> to vector<16xi32>
      %swap3A_813 = vector.shape_cast %add3A_805 : vector<16xi32> to vector<16xi32>
      tpu.vector_store %arg8[%swap3A_810], %swap3A_813 {strides = array<i32>} : memref<12000xi32, #tpu.memory_space<vmem>>, vector<16xi32>,
      %add3A_814 = arith.constant 1 : i32
      %add3A_815 = vector.broadcast %add3A_814 : i32 to vector<16xi32>
      %add3A_816 = arith.addi %mul3A_780, %add3A_815 : vector<16xi32>
      %mul3A_817 = arith.constant 16 : i32
      %mul3A_818 = arith.muli %scan3A_764, %mul3A_817 : i32
      %add3A_819 = arith.constant 4000 : i32
      %add3A_820 = arith.addi %add3A_819, %mul3A_818 : i32
      %swap3A_821 = arith.index_cast %add3A_820 : i32 to index
      %swap3A_822 = tpu.vector_load %arg9[%swap3A_821] {strides = array<i32>} : memref<12000xi32, #tpu.memory_space<vmem>>, vector<16xi32>,
      %swap3A_823 = vector.shape_cast %swap3A_822 : vector<16xi32> to vector<16xi32>
      %swap3A_824 = vector.shape_cast %add3A_816 : vector<16xi32> to vector<16xi32>
      tpu.vector_store %arg9[%swap3A_821], %swap3A_824 {strides = array<i32>} : memref<12000xi32, #tpu.memory_space<vmem>>, vector<16xi32>,
      %add3A_825 = arith.constant 2 : i32
      %add3A_826 = vector.broadcast %add3A_825 : i32 to vector<16xi32>
      %add3A_827 = arith.addi %mul3A_772, %add3A_826 : vector<16xi32>
      %mul3A_828 = arith.constant 16 : i32
      %mul3A_829 = arith.muli %scan3A_764, %mul3A_828 : i32
      %add3A_830 = arith.constant 8000 : i32
      %add3A_831 = arith.addi %add3A_830, %mul3A_829 : i32
      %swap3A_832 = arith.index_cast %add3A_831 : i32 to index
      %swap3A_833 = tpu.vector_load %arg8[%swap3A_832] {strides = array<i32>} : memref<12000xi32, #tpu.memory_space<vmem>>, vector<16xi32>,
      %swap3A_834 = vector.shape_cast %swap3A_833 : vector<16xi32> to vector<16xi32>
      %swap3A_835 = vector.shape_cast %add3A_827 : vector<16xi32> to vector<16xi32>
      tpu.vector_store %arg8[%swap3A_832], %swap3A_835 {strides = array<i32>} : memref<12000xi32, #tpu.memory_space<vmem>>, vector<16xi32>,
      %add3A_836 = arith.constant 2 : i32
      %add3A_837 = vector.broadcast %add3A_836 : i32 to vector<16xi32>
      %add3A_838 = arith.addi %mul3A_780, %add3A_837 : vector<16xi32>
      %mul3A_839 = arith.constant 16 : i32
      %mul3A_840 = arith.muli %scan3A_764, %mul3A_839 : i32
      %add3A_841 = arith.constant 8000 : i32
      %add3A_842 = arith.addi %add3A_841, %mul3A_840 : i32
      %swap3A_843 = arith.index_cast %add3A_842 : i32 to index
      %swap3A_844 = tpu.vector_load %arg9[%swap3A_843] {strides = array<i32>} : memref<12000xi32, #tpu.memory_space<vmem>>, vector<16xi32>,
      %swap3A_845 = vector.shape_cast %swap3A_844 : vector<16xi32> to vector<16xi32>
      %swap3A_846 = vector.shape_cast %add3A_838 : vector<16xi32> to vector<16xi32>
      tpu.vector_store %arg9[%swap3A_843], %swap3A_846 {strides = array<i32>} : memref<12000xi32, #tpu.memory_space<vmem>>, vector<16xi32>,
      %scan3A_847 = arith.constant 249 : i32
      %scan3A_848 = arith.addi %scan3A_759, %scan3A_847 : i32
      %mul3A_849 = arith.constant 16 : i32
      %mul3A_850 = arith.muli %scan3A_848, %mul3A_849 : i32
      %get3A_851 = arith.index_cast %mul3A_850 : i32 to index
      %get3A_852 = tpu.vector_load %arg6[%get3A_851] {strides = array<i32>} : memref<4000xi32, #tpu.memory_space<vmem>>, vector<16xi32>,
      %get3A_853 = vector.shape_cast %get3A_852 : vector<16xi32> to vector<16xi32>
      %mul3A_854 = arith.constant 3 : i32
      %mul3A_855 = vector.broadcast %mul3A_854 : i32 to vector<16xi32>
      %mul3A_856 = arith.muli %get3A_853, %mul3A_855 : vector<16xi32>
      %mul3A_857 = arith.constant 16 : i32
      %mul3A_858 = arith.muli %scan3A_848, %mul3A_857 : i32
      %get3A_859 = arith.index_cast %mul3A_858 : i32 to index
      %get3A_860 = tpu.vector_load %arg7[%get3A_859] {strides = array<i32>} : memref<4000xi32, #tpu.memory_space<vmem>>, vector<16xi32>,
      %get3A_861 = vector.shape_cast %get3A_860 : vector<16xi32> to vector<16xi32>
      %mul3A_862 = arith.constant 3 : i32
      %mul3A_863 = vector.broadcast %mul3A_862 : i32 to vector<16xi32>
      %mul3A_864 = arith.muli %get3A_861, %mul3A_863 : vector<16xi32>
      %add3A_865 = arith.constant 0 : i32
      %add3A_866 = vector.broadcast %add3A_865 : i32 to vector<16xi32>
      %add3A_867 = arith.addi %mul3A_856, %add3A_866 : vector<16xi32>
      %mul3A_868 = arith.constant 16 : i32
      %mul3A_869 = arith.muli %scan3A_848, %mul3A_868 : i32
      %add3A_870 = arith.constant 0 : i32
      %add3A_871 = arith.addi %add3A_870, %mul3A_869 : i32
      %swap3A_872 = arith.index_cast %add3A_871 : i32 to index
      %swap3A_873 = tpu.vector_load %arg8[%swap3A_872] {strides = array<i32>} : memref<12000xi32, #tpu.memory_space<vmem>>, vector<16xi32>,
      %swap3A_874 = vector.shape_cast %swap3A_873 : vector<16xi32> to vector<16xi32>
      %swap3A_875 = vector.shape_cast %add3A_867 : vector<16xi32> to vector<16xi32>
      tpu.vector_store %arg8[%swap3A_872], %swap3A_875 {strides = array<i32>} : memref<12000xi32, #tpu.memory_space<vmem>>, vector<16xi32>,
      %add3A_876 = arith.constant 0 : i32
      %add3A_877 = vector.broadcast %add3A_876 : i32 to vector<16xi32>
      %add3A_878 = arith.addi %mul3A_864, %add3A_877 : vector<16xi32>
      %mul3A_879 = arith.constant 16 : i32
      %mul3A_880 = arith.muli %scan3A_848, %mul3A_879 : i32
      %add3A_881 = arith.constant 0 : i32
      %add3A_882 = arith.addi %add3A_881, %mul3A_880 : i32
      %swap3A_883 = arith.index_cast %add3A_882 : i32 to index
      %swap3A_884 = tpu.vector_load %arg9[%swap3A_883] {strides = array<i32>} : memref<12000xi32, #tpu.memory_space<vmem>>, vector<16xi32>,
      %swap3A_885 = vector.shape_cast %swap3A_884 : vector<16xi32> to vector<16xi32>
      %swap3A_886 = vector.shape_cast %add3A_878 : vector<16xi32> to vector<16xi32>
      tpu.vector_store %arg9[%swap3A_883], %swap3A_886 {strides = array<i32>} : memref<12000xi32, #tpu.memory_space<vmem>>, vector<16xi32>,
      %add3A_887 = arith.constant 1 : i32
      %add3A_888 = vector.broadcast %add3A_887 : i32 to vector<16xi32>
      %add3A_889 = arith.addi %mul3A_856, %add3A_888 : vector<16xi32>
      %mul3A_890 = arith.constant 16 : i32
      %mul3A_891 = arith.muli %scan3A_848, %mul3A_890 : i32
      %add3A_892 = arith.constant 4000 : i32
      %add3A_893 = arith.addi %add3A_892, %mul3A_891 : i32
      %swap3A_894 = arith.index_cast %add3A_893 : i32 to index
      %swap3A_895 = tpu.vector_load %arg8[%swap3A_894] {strides = array<i32>} : memref<12000xi32, #tpu.memory_space<vmem>>, vector<16xi32>,
      %swap3A_896 = vector.shape_cast %swap3A_895 : vector<16xi32> to vector<16xi32>
      %swap3A_897 = vector.shape_cast %add3A_889 : vector<16xi32> to vector<16xi32>
      tpu.vector_store %arg8[%swap3A_894], %swap3A_897 {strides = array<i32>} : memref<12000xi32, #tpu.memory_space<vmem>>, vector<16xi32>,
      %add3A_898 = arith.constant 1 : i32
      %add3A_899 = vector.broadcast %add3A_898 : i32 to vector<16xi32>
      %add3A_900 = arith.addi %mul3A_864, %add3A_899 : vector<16xi32>
      %mul3A_901 = arith.constant 16 : i32
      %mul3A_902 = arith.muli %scan3A_848, %mul3A_901 : i32
      %add3A_903 = arith.constant 4000 : i32
      %add3A_904 = arith.addi %add3A_903, %mul3A_902 : i32
      %swap3A_905 = arith.index_cast %add3A_904 : i32 to index
      %swap3A_906 = tpu.vector_load %arg9[%swap3A_905] {strides = array<i32>} : memref<12000xi32, #tpu.memory_space<vmem>>, vector<16xi32>,
      %swap3A_907 = vector.shape_cast %swap3A_906 : vector<16xi32> to vector<16xi32>
      %swap3A_908 = vector.shape_cast %add3A_900 : vector<16xi32> to vector<16xi32>
      tpu.vector_store %arg9[%swap3A_905], %swap3A_908 {strides = array<i32>} : memref<12000xi32, #tpu.memory_space<vmem>>, vector<16xi32>,
      %add3A_909 = arith.constant 2 : i32
      %add3A_910 = vector.broadcast %add3A_909 : i32 to vector<16xi32>
      %add3A_911 = arith.addi %mul3A_856, %add3A_910 : vector<16xi32>
      %mul3A_912 = arith.constant 16 : i32
      %mul3A_913 = arith.muli %scan3A_848, %mul3A_912 : i32
      %add3A_914 = arith.constant 8000 : i32
      %add3A_915 = arith.addi %add3A_914, %mul3A_913 : i32
      %swap3A_916 = arith.index_cast %add3A_915 : i32 to index
      %swap3A_917 = tpu.vector_load %arg8[%swap3A_916] {strides = array<i32>} : memref<12000xi32, #tpu.memory_space<vmem>>, vector<16xi32>,
      %swap3A_918 = vector.shape_cast %swap3A_917 : vector<16xi32> to vector<16xi32>
      %swap3A_919 = vector.shape_cast %add3A_911 : vector<16xi32> to vector<16xi32>
      tpu.vector_store %arg8[%swap3A_916], %swap3A_919 {strides = array<i32>} : memref<12000xi32, #tpu.memory_space<vmem>>, vector<16xi32>,
      %add3A_920 = arith.constant 2 : i32
      %add3A_921 = vector.broadcast %add3A_920 : i32 to vector<16xi32>
      %add3A_922 = arith.addi %mul3A_864, %add3A_921 : vector<16xi32>
      %mul3A_923 = arith.constant 16 : i32
      %mul3A_924 = arith.muli %scan3A_848, %mul3A_923 : i32
      %add3A_925 = arith.constant 8000 : i32
      %add3A_926 = arith.addi %add3A_925, %mul3A_924 : i32
      %swap3A_927 = arith.index_cast %add3A_926 : i32 to index
      %swap3A_928 = tpu.vector_load %arg9[%swap3A_927] {strides = array<i32>} : memref<12000xi32, #tpu.memory_space<vmem>>, vector<16xi32>,
      %swap3A_929 = vector.shape_cast %swap3A_928 : vector<16xi32> to vector<16xi32>
      %swap3A_930 = vector.shape_cast %add3A_922 : vector<16xi32> to vector<16xi32>
      tpu.vector_store %arg9[%swap3A_927], %swap3A_930 {strides = array<i32>} : memref<12000xi32, #tpu.memory_space<vmem>>, vector<16xi32>,
      %scan3A_931 = arith.constant 250 : i32
      %dma_start3A_932 = arith.constant 0 : i32
      %dma_start3A_933 = tpu.memref_slice %arg2[%dma_start3A_932] : memref<300000xf32, #tpu.memory_space<hbm>> -> memref<300000xf32, #tpu.memory_space<hbm>>
      tpu.enqueue_indirect_dma source(%dma_start3A_933 : memref<300000xf32, #tpu.memory_space<hbm>>) target(%arg12 : memref<12000xf32, #tpu.memory_space<vmem>>) offsets(%arg8 : memref<12000xi32, #tpu.memory_space<vmem>>) semaphore(%arg18 : memref<!tpu.dma_semaphore, #tpu.memory_space<semaphore_mem>>)
      %dma_start3A_934 = arith.constant 0 : i32
      %dma_start3A_935 = tpu.memref_slice %arg2[%dma_start3A_934] : memref<300000xf32, #tpu.memory_space<hbm>> -> memref<300000xf32, #tpu.memory_space<hbm>>
      tpu.enqueue_indirect_dma source(%dma_start3A_935 : memref<300000xf32, #tpu.memory_space<hbm>>) target(%arg13 : memref<12000xf32, #tpu.memory_space<vmem>>) offsets(%arg9 : memref<12000xi32, #tpu.memory_space<vmem>>) semaphore(%arg19 : memref<!tpu.dma_semaphore, #tpu.memory_space<semaphore_mem>>)
      %dma_wait3A_936 = arith.constant 0 : i32
      %dma_wait3A_937 = tpu.memref_slice %arg2[%dma_wait3A_936] : memref<300000xf32, #tpu.memory_space<hbm>> -> memref<300000xf32, #tpu.memory_space<hbm>>
      tpu.wait_indirect_dma semaphore(%arg20 : memref<!tpu.dma_semaphore, #tpu.memory_space<semaphore_mem>>) src(%dma_wait3A_937 : memref<300000xf32, #tpu.memory_space<hbm>>) dst(%arg14 : memref<12000xf32, #tpu.memory_space<vmem>>)
      %dma_wait3A_938 = arith.constant 0 : i32
      %dma_wait3A_939 = tpu.memref_slice %arg2[%dma_wait3A_938] : memref<300000xf32, #tpu.memory_space<hbm>> -> memref<300000xf32, #tpu.memory_space<hbm>>
      tpu.wait_indirect_dma semaphore(%arg21 : memref<!tpu.dma_semaphore, #tpu.memory_space<semaphore_mem>>) src(%dma_wait3A_939 : memref<300000xf32, #tpu.memory_space<hbm>>) dst(%arg15 : memref<12000xf32, #tpu.memory_space<vmem>>)
      %add3A_940 = arith.constant 1 : i32
      %add3A_941 = arith.addi %mul3A_373, %add3A_940 : i32
      %mul3A_942 = arith.constant 4000 : i32
      %mul3A_943 = arith.muli %add3A_941, %mul3A_942 : i32
      %add3A_944 = arith.addi %mul3A_2, %mul3A_943 : i32
      %scan3A_945 = arith.constant 0 : i32
      %scan3A_946 = arith.constant 0 : i32
      %scan3A_947 = arith.constant 248 : i32
      %scan3A_948 = arith.addi %scan3A_946, %scan3A_947 : i32
      %scan3A_949 = arith.constant 4 : i32
      scf.for %scan3A_1127 = %scan3A_946 to %scan3A_948 step %scan3A_949  : i32 {
        %mul3A_1128 = arith.constant 16 : i32
        %mul3A_1129 = arith.muli %scan3A_1127, %mul3A_1128 : i32
        %get3A_1130 = arith.index_cast %mul3A_1129 : i32 to index
        %get3A_1131 = tpu.vector_load %arg15[%get3A_1130] {strides = array<i32>} : memref<12000xf32, #tpu.memory_space<vmem>>, vector<16xf32>,
        %get3A_1132 = vector.shape_cast %get3A_1131 : vector<16xf32> to vector<16xf32>
        %get3A_1133 = arith.index_cast %mul3A_1129 : i32 to index
        %get3A_1134 = tpu.vector_load %arg14[%get3A_1133] {strides = array<i32>} : memref<12000xf32, #tpu.memory_space<vmem>>, vector<16xf32>,
        %get3A_1135 = vector.shape_cast %get3A_1134 : vector<16xf32> to vector<16xf32>
        %sub3A_1136 = arith.subf %get3A_1132, %get3A_1135 : vector<16xf32>
        %add3A_1137 = arith.constant 4000 : i32
        %add3A_1138 = arith.addi %add3A_1137, %mul3A_1129 : i32
        %get3A_1139 = arith.index_cast %add3A_1138 : i32 to index
        %get3A_1140 = tpu.vector_load %arg15[%get3A_1139] {strides = array<i32>} : memref<12000xf32, #tpu.memory_space<vmem>>, vector<16xf32>,
        %get3A_1141 = vector.shape_cast %get3A_1140 : vector<16xf32> to vector<16xf32>
        %add3A_1142 = arith.constant 4000 : i32
        %add3A_1143 = arith.addi %add3A_1142, %mul3A_1129 : i32
        %get3A_1144 = arith.index_cast %add3A_1143 : i32 to index
        %get3A_1145 = tpu.vector_load %arg14[%get3A_1144] {strides = array<i32>} : memref<12000xf32, #tpu.memory_space<vmem>>, vector<16xf32>,
        %get3A_1146 = vector.shape_cast %get3A_1145 : vector<16xf32> to vector<16xf32>
        %sub3A_1147 = arith.subf %get3A_1141, %get3A_1146 : vector<16xf32>
        %add3A_1148 = arith.constant 8000 : i32
        %add3A_1149 = arith.addi %add3A_1148, %mul3A_1129 : i32
        %get3A_1150 = arith.index_cast %add3A_1149 : i32 to index
        %get3A_1151 = tpu.vector_load %arg15[%get3A_1150] {strides = array<i32>} : memref<12000xf32, #tpu.memory_space<vmem>>, vector<16xf32>,
        %get3A_1152 = vector.shape_cast %get3A_1151 : vector<16xf32> to vector<16xf32>
        %add3A_1153 = arith.constant 8000 : i32
        %add3A_1154 = arith.addi %add3A_1153, %mul3A_1129 : i32
        %get3A_1155 = arith.index_cast %add3A_1154 : i32 to index
        %get3A_1156 = tpu.vector_load %arg14[%get3A_1155] {strides = array<i32>} : memref<12000xf32, #tpu.memory_space<vmem>>, vector<16xf32>,
        %get3A_1157 = vector.shape_cast %get3A_1156 : vector<16xf32> to vector<16xf32>
        %sub3A_1158 = arith.subf %get3A_1152, %get3A_1157 : vector<16xf32>
        %swap3A_1159 = arith.index_cast %mul3A_1129 : i32 to index
        %swap3A_1160 = tpu.vector_load %arg16[%swap3A_1159] {strides = array<i32>} : memref<12000xf32, #tpu.memory_space<vmem>>, vector<16xf32>,
        %swap3A_1161 = vector.shape_cast %swap3A_1160 : vector<16xf32> to vector<16xf32>
        %swap3A_1162 = vector.shape_cast %sub3A_1136 : vector<16xf32> to vector<16xf32>
        tpu.vector_store %arg16[%swap3A_1159], %swap3A_1162 {strides = array<i32>} : memref<12000xf32, #tpu.memory_space<vmem>>, vector<16xf32>,
        %add3A_1163 = arith.constant 4000 : i32
        %add3A_1164 = arith.addi %add3A_1163, %mul3A_1129 : i32
        %swap3A_1165 = arith.index_cast %add3A_1164 : i32 to index
        %swap3A_1166 = tpu.vector_load %arg16[%swap3A_1165] {strides = array<i32>} : memref<12000xf32, #tpu.memory_space<vmem>>, vector<16xf32>,
        %swap3A_1167 = vector.shape_cast %swap3A_1166 : vector<16xf32> to vector<16xf32>
        %swap3A_1168 = vector.shape_cast %sub3A_1147 : vector<16xf32> to vector<16xf32>
        tpu.vector_store %arg16[%swap3A_1165], %swap3A_1168 {strides = array<i32>} : memref<12000xf32, #tpu.memory_space<vmem>>, vector<16xf32>,
        %add3A_1169 = arith.constant 8000 : i32
        %add3A_1170 = arith.addi %add3A_1169, %mul3A_1129 : i32
        %swap3A_1171 = arith.index_cast %add3A_1170 : i32 to index
        %swap3A_1172 = tpu.vector_load %arg16[%swap3A_1171] {strides = array<i32>} : memref<12000xf32, #tpu.memory_space<vmem>>, vector<16xf32>,
        %swap3A_1173 = vector.shape_cast %swap3A_1172 : vector<16xf32> to vector<16xf32>
        %swap3A_1174 = vector.shape_cast %sub3A_1158 : vector<16xf32> to vector<16xf32>
        tpu.vector_store %arg16[%swap3A_1171], %swap3A_1174 {strides = array<i32>} : memref<12000xf32, #tpu.memory_space<vmem>>, vector<16xf32>,
        %mul3A_1175 = arith.mulf %sub3A_1136, %sub3A_1136 : vector<16xf32>
        %mul3A_1176 = arith.mulf %sub3A_1147, %sub3A_1147 : vector<16xf32>
        %add3A_1177 = arith.addf %mul3A_1175, %mul3A_1176 : vector<16xf32>
        %mul3A_1178 = arith.mulf %sub3A_1158, %sub3A_1158 : vector<16xf32>
        %add3A_1179 = arith.addf %add3A_1177, %mul3A_1178 : vector<16xf32>
        %bitcast_convert_type3A_1180 = tpu.bitcast %add3A_1179 : vector<16xf32> -> vector<16xi32>
        %shift_right_logical3A_1181 = arith.constant 1 : i32
        %shift_right_logical3A_1182 = vector.broadcast %shift_right_logical3A_1181 : i32 to vector<16xi32>
        %shift_right_logical3A_1183 = arith.shrui %bitcast_convert_type3A_1180, %shift_right_logical3A_1182 : vector<16xi32>
        %sub3A_1184 = arith.constant 1597463007 : i32
        %sub3A_1185 = vector.broadcast %sub3A_1184 : i32 to vector<16xi32>
        %sub3A_1186 = arith.subi %sub3A_1185, %shift_right_logical3A_1183 : vector<16xi32>
        %bitcast_convert_type3A_1187 = tpu.bitcast %sub3A_1186 : vector<16xi32> -> vector<16xf32>
        %mul3A_1188 = arith.constant 5.000000e-01 : f32
        %mul3A_1189 = vector.broadcast %mul3A_1188 : f32 to vector<16xf32>
        %mul3A_1190 = arith.mulf %mul3A_1189, %add3A_1179 : vector<16xf32>
        %mul3A_1191 = arith.mulf %mul3A_1190, %bitcast_convert_type3A_1187 : vector<16xf32>
        %mul3A_1192 = arith.mulf %mul3A_1191, %bitcast_convert_type3A_1187 : vector<16xf32>
        %sub3A_1193 = arith.constant 1.500000e+00 : f32
        %sub3A_1194 = vector.broadcast %sub3A_1193 : f32 to vector<16xf32>
        %sub3A_1195 = arith.subf %sub3A_1194, %mul3A_1192 : vector<16xf32>
        %mul3A_1196 = arith.mulf %bitcast_convert_type3A_1187, %sub3A_1195 : vector<16xf32>
        %mul3A_1197 = arith.constant 5.000000e-01 : f32
        %mul3A_1198 = vector.broadcast %mul3A_1197 : f32 to vector<16xf32>
        %mul3A_1199 = arith.mulf %mul3A_1198, %add3A_1179 : vector<16xf32>
        %mul3A_1200 = arith.mulf %mul3A_1199, %mul3A_1196 : vector<16xf32>
        %mul3A_1201 = arith.mulf %mul3A_1200, %mul3A_1196 : vector<16xf32>
        %sub3A_1202 = arith.constant 1.500000e+00 : f32
        %sub3A_1203 = vector.broadcast %sub3A_1202 : f32 to vector<16xf32>
        %sub3A_1204 = arith.subf %sub3A_1203, %mul3A_1201 : vector<16xf32>
        %mul3A_1205 = arith.mulf %mul3A_1196, %sub3A_1204 : vector<16xf32>
        %mul3A_1206 = arith.mulf %add3A_1179, %mul3A_1205 : vector<16xf32>
        %swap3A_1207 = arith.index_cast %mul3A_1129 : i32 to index
        %swap3A_1208 = tpu.vector_load %arg17[%swap3A_1207] {strides = array<i32>} : memref<4000xf32, #tpu.memory_space<vmem>>, vector<16xf32>,
        %swap3A_1209 = vector.shape_cast %swap3A_1208 : vector<16xf32> to vector<16xf32>
        %swap3A_1210 = vector.shape_cast %mul3A_1206 : vector<16xf32> to vector<16xf32>
        tpu.vector_store %arg17[%swap3A_1207], %swap3A_1210 {strides = array<i32>} : memref<4000xf32, #tpu.memory_space<vmem>>, vector<16xf32>,
        %scan3A_1211 = arith.constant 1 : i32
        %scan3A_1212 = arith.addi %scan3A_1127, %scan3A_1211 : i32
        %mul3A_1213 = arith.constant 16 : i32
        %mul3A_1214 = arith.muli %scan3A_1212, %mul3A_1213 : i32
        %get3A_1215 = arith.index_cast %mul3A_1214 : i32 to index
        %get3A_1216 = tpu.vector_load %arg15[%get3A_1215] {strides = array<i32>} : memref<12000xf32, #tpu.memory_space<vmem>>, vector<16xf32>,
        %get3A_1217 = vector.shape_cast %get3A_1216 : vector<16xf32> to vector<16xf32>
        %get3A_1218 = arith.index_cast %mul3A_1214 : i32 to index
        %get3A_1219 = tpu.vector_load %arg14[%get3A_1218] {strides = array<i32>} : memref<12000xf32, #tpu.memory_space<vmem>>, vector<16xf32>,
        %get3A_1220 = vector.shape_cast %get3A_1219 : vector<16xf32> to vector<16xf32>
        %sub3A_1221 = arith.subf %get3A_1217, %get3A_1220 : vector<16xf32>
        %add3A_1222 = arith.constant 4000 : i32
        %add3A_1223 = arith.addi %add3A_1222, %mul3A_1214 : i32
        %get3A_1224 = arith.index_cast %add3A_1223 : i32 to index
        %get3A_1225 = tpu.vector_load %arg15[%get3A_1224] {strides = array<i32>} : memref<12000xf32, #tpu.memory_space<vmem>>, vector<16xf32>,
        %get3A_1226 = vector.shape_cast %get3A_1225 : vector<16xf32> to vector<16xf32>
        %add3A_1227 = arith.constant 4000 : i32
        %add3A_1228 = arith.addi %add3A_1227, %mul3A_1214 : i32
        %get3A_1229 = arith.index_cast %add3A_1228 : i32 to index
        %get3A_1230 = tpu.vector_load %arg14[%get3A_1229] {strides = array<i32>} : memref<12000xf32, #tpu.memory_space<vmem>>, vector<16xf32>,
        %get3A_1231 = vector.shape_cast %get3A_1230 : vector<16xf32> to vector<16xf32>
        %sub3A_1232 = arith.subf %get3A_1226, %get3A_1231 : vector<16xf32>
        %add3A_1233 = arith.constant 8000 : i32
        %add3A_1234 = arith.addi %add3A_1233, %mul3A_1214 : i32
        %get3A_1235 = arith.index_cast %add3A_1234 : i32 to index
        %get3A_1236 = tpu.vector_load %arg15[%get3A_1235] {strides = array<i32>} : memref<12000xf32, #tpu.memory_space<vmem>>, vector<16xf32>,
        %get3A_1237 = vector.shape_cast %get3A_1236 : vector<16xf32> to vector<16xf32>
        %add3A_1238 = arith.constant 8000 : i32
        %add3A_1239 = arith.addi %add3A_1238, %mul3A_1214 : i32
        %get3A_1240 = arith.index_cast %add3A_1239 : i32 to index
        %get3A_1241 = tpu.vector_load %arg14[%get3A_1240] {strides = array<i32>} : memref<12000xf32, #tpu.memory_space<vmem>>, vector<16xf32>,
        %get3A_1242 = vector.shape_cast %get3A_1241 : vector<16xf32> to vector<16xf32>
        %sub3A_1243 = arith.subf %get3A_1237, %get3A_1242 : vector<16xf32>
        %swap3A_1244 = arith.index_cast %mul3A_1214 : i32 to index
        %swap3A_1245 = tpu.vector_load %arg16[%swap3A_1244] {strides = array<i32>} : memref<12000xf32, #tpu.memory_space<vmem>>, vector<16xf32>,
        %swap3A_1246 = vector.shape_cast %swap3A_1245 : vector<16xf32> to vector<16xf32>
        %swap3A_1247 = vector.shape_cast %sub3A_1221 : vector<16xf32> to vector<16xf32>
        tpu.vector_store %arg16[%swap3A_1244], %swap3A_1247 {strides = array<i32>} : memref<12000xf32, #tpu.memory_space<vmem>>, vector<16xf32>,
        %add3A_1248 = arith.constant 4000 : i32
        %add3A_1249 = arith.addi %add3A_1248, %mul3A_1214 : i32
        %swap3A_1250 = arith.index_cast %add3A_1249 : i32 to index
        %swap3A_1251 = tpu.vector_load %arg16[%swap3A_1250] {strides = array<i32>} : memref<12000xf32, #tpu.memory_space<vmem>>, vector<16xf32>,
        %swap3A_1252 = vector.shape_cast %swap3A_1251 : vector<16xf32> to vector<16xf32>
        %swap3A_1253 = vector.shape_cast %sub3A_1232 : vector<16xf32> to vector<16xf32>
        tpu.vector_store %arg16[%swap3A_1250], %swap3A_1253 {strides = array<i32>} : memref<12000xf32, #tpu.memory_space<vmem>>, vector<16xf32>,
        %add3A_1254 = arith.constant 8000 : i32
        %add3A_1255 = arith.addi %add3A_1254, %mul3A_1214 : i32
        %swap3A_1256 = arith.index_cast %add3A_1255 : i32 to index
        %swap3A_1257 = tpu.vector_load %arg16[%swap3A_1256] {strides = array<i32>} : memref<12000xf32, #tpu.memory_space<vmem>>, vector<16xf32>,
        %swap3A_1258 = vector.shape_cast %swap3A_1257 : vector<16xf32> to vector<16xf32>
        %swap3A_1259 = vector.shape_cast %sub3A_1243 : vector<16xf32> to vector<16xf32>
        tpu.vector_store %arg16[%swap3A_1256], %swap3A_1259 {strides = array<i32>} : memref<12000xf32, #tpu.memory_space<vmem>>, vector<16xf32>,
        %mul3A_1260 = arith.mulf %sub3A_1221, %sub3A_1221 : vector<16xf32>
        %mul3A_1261 = arith.mulf %sub3A_1232, %sub3A_1232 : vector<16xf32>
        %add3A_1262 = arith.addf %mul3A_1260, %mul3A_1261 : vector<16xf32>
        %mul3A_1263 = arith.mulf %sub3A_1243, %sub3A_1243 : vector<16xf32>
        %add3A_1264 = arith.addf %add3A_1262, %mul3A_1263 : vector<16xf32>
        %bitcast_convert_type3A_1265 = tpu.bitcast %add3A_1264 : vector<16xf32> -> vector<16xi32>
        %shift_right_logical3A_1266 = arith.constant 1 : i32
        %shift_right_logical3A_1267 = vector.broadcast %shift_right_logical3A_1266 : i32 to vector<16xi32>
        %shift_right_logical3A_1268 = arith.shrui %bitcast_convert_type3A_1265, %shift_right_logical3A_1267 : vector<16xi32>
        %sub3A_1269 = arith.constant 1597463007 : i32
        %sub3A_1270 = vector.broadcast %sub3A_1269 : i32 to vector<16xi32>
        %sub3A_1271 = arith.subi %sub3A_1270, %shift_right_logical3A_1268 : vector<16xi32>
        %bitcast_convert_type3A_1272 = tpu.bitcast %sub3A_1271 : vector<16xi32> -> vector<16xf32>
        %mul3A_1273 = arith.constant 5.000000e-01 : f32
        %mul3A_1274 = vector.broadcast %mul3A_1273 : f32 to vector<16xf32>
        %mul3A_1275 = arith.mulf %mul3A_1274, %add3A_1264 : vector<16xf32>
        %mul3A_1276 = arith.mulf %mul3A_1275, %bitcast_convert_type3A_1272 : vector<16xf32>
        %mul3A_1277 = arith.mulf %mul3A_1276, %bitcast_convert_type3A_1272 : vector<16xf32>
        %sub3A_1278 = arith.constant 1.500000e+00 : f32
        %sub3A_1279 = vector.broadcast %sub3A_1278 : f32 to vector<16xf32>
        %sub3A_1280 = arith.subf %sub3A_1279, %mul3A_1277 : vector<16xf32>
        %mul3A_1281 = arith.mulf %bitcast_convert_type3A_1272, %sub3A_1280 : vector<16xf32>
        %mul3A_1282 = arith.constant 5.000000e-01 : f32
        %mul3A_1283 = vector.broadcast %mul3A_1282 : f32 to vector<16xf32>
        %mul3A_1284 = arith.mulf %mul3A_1283, %add3A_1264 : vector<16xf32>
        %mul3A_1285 = arith.mulf %mul3A_1284, %mul3A_1281 : vector<16xf32>
        %mul3A_1286 = arith.mulf %mul3A_1285, %mul3A_1281 : vector<16xf32>
        %sub3A_1287 = arith.constant 1.500000e+00 : f32
        %sub3A_1288 = vector.broadcast %sub3A_1287 : f32 to vector<16xf32>
        %sub3A_1289 = arith.subf %sub3A_1288, %mul3A_1286 : vector<16xf32>
        %mul3A_1290 = arith.mulf %mul3A_1281, %sub3A_1289 : vector<16xf32>
        %mul3A_1291 = arith.mulf %add3A_1264, %mul3A_1290 : vector<16xf32>
        %swap3A_1292 = arith.index_cast %mul3A_1214 : i32 to index
        %swap3A_1293 = tpu.vector_load %arg17[%swap3A_1292] {strides = array<i32>} : memref<4000xf32, #tpu.memory_space<vmem>>, vector<16xf32>,
        %swap3A_1294 = vector.shape_cast %swap3A_1293 : vector<16xf32> to vector<16xf32>
        %swap3A_1295 = vector.shape_cast %mul3A_1291 : vector<16xf32> to vector<16xf32>
        tpu.vector_store %arg17[%swap3A_1292], %swap3A_1295 {strides = array<i32>} : memref<4000xf32, #tpu.memory_space<vmem>>, vector<16xf32>,
        %scan3A_1296 = arith.constant 2 : i32
        %scan3A_1297 = arith.addi %scan3A_1127, %scan3A_1296 : i32
        %mul3A_1298 = arith.constant 16 : i32
        %mul3A_1299 = arith.muli %scan3A_1297, %mul3A_1298 : i32
        %get3A_1300 = arith.index_cast %mul3A_1299 : i32 to index
        %get3A_1301 = tpu.vector_load %arg15[%get3A_1300] {strides = array<i32>} : memref<12000xf32, #tpu.memory_space<vmem>>, vector<16xf32>,
        %get3A_1302 = vector.shape_cast %get3A_1301 : vector<16xf32> to vector<16xf32>
        %get3A_1303 = arith.index_cast %mul3A_1299 : i32 to index
        %get3A_1304 = tpu.vector_load %arg14[%get3A_1303] {strides = array<i32>} : memref<12000xf32, #tpu.memory_space<vmem>>, vector<16xf32>,
        %get3A_1305 = vector.shape_cast %get3A_1304 : vector<16xf32> to vector<16xf32>
        %sub3A_1306 = arith.subf %get3A_1302, %get3A_1305 : vector<16xf32>
        %add3A_1307 = arith.constant 4000 : i32
        %add3A_1308 = arith.addi %add3A_1307, %mul3A_1299 : i32
        %get3A_1309 = arith.index_cast %add3A_1308 : i32 to index
        %get3A_1310 = tpu.vector_load %arg15[%get3A_1309] {strides = array<i32>} : memref<12000xf32, #tpu.memory_space<vmem>>, vector<16xf32>,
        %get3A_1311 = vector.shape_cast %get3A_1310 : vector<16xf32> to vector<16xf32>
        %add3A_1312 = arith.constant 4000 : i32
        %add3A_1313 = arith.addi %add3A_1312, %mul3A_1299 : i32
        %get3A_1314 = arith.index_cast %add3A_1313 : i32 to index
        %get3A_1315 = tpu.vector_load %arg14[%get3A_1314] {strides = array<i32>} : memref<12000xf32, #tpu.memory_space<vmem>>, vector<16xf32>,
        %get3A_1316 = vector.shape_cast %get3A_1315 : vector<16xf32> to vector<16xf32>
        %sub3A_1317 = arith.subf %get3A_1311, %get3A_1316 : vector<16xf32>
        %add3A_1318 = arith.constant 8000 : i32
        %add3A_1319 = arith.addi %add3A_1318, %mul3A_1299 : i32
        %get3A_1320 = arith.index_cast %add3A_1319 : i32 to index
        %get3A_1321 = tpu.vector_load %arg15[%get3A_1320] {strides = array<i32>} : memref<12000xf32, #tpu.memory_space<vmem>>, vector<16xf32>,
        %get3A_1322 = vector.shape_cast %get3A_1321 : vector<16xf32> to vector<16xf32>
        %add3A_1323 = arith.constant 8000 : i32
        %add3A_1324 = arith.addi %add3A_1323, %mul3A_1299 : i32
        %get3A_1325 = arith.index_cast %add3A_1324 : i32 to index
        %get3A_1326 = tpu.vector_load %arg14[%get3A_1325] {strides = array<i32>} : memref<12000xf32, #tpu.memory_space<vmem>>, vector<16xf32>,
        %get3A_1327 = vector.shape_cast %get3A_1326 : vector<16xf32> to vector<16xf32>
        %sub3A_1328 = arith.subf %get3A_1322, %get3A_1327 : vector<16xf32>
        %swap3A_1329 = arith.index_cast %mul3A_1299 : i32 to index
        %swap3A_1330 = tpu.vector_load %arg16[%swap3A_1329] {strides = array<i32>} : memref<12000xf32, #tpu.memory_space<vmem>>, vector<16xf32>,
        %swap3A_1331 = vector.shape_cast %swap3A_1330 : vector<16xf32> to vector<16xf32>
        %swap3A_1332 = vector.shape_cast %sub3A_1306 : vector<16xf32> to vector<16xf32>
        tpu.vector_store %arg16[%swap3A_1329], %swap3A_1332 {strides = array<i32>} : memref<12000xf32, #tpu.memory_space<vmem>>, vector<16xf32>,
        %add3A_1333 = arith.constant 4000 : i32
        %add3A_1334 = arith.addi %add3A_1333, %mul3A_1299 : i32
        %swap3A_1335 = arith.index_cast %add3A_1334 : i32 to index
        %swap3A_1336 = tpu.vector_load %arg16[%swap3A_1335] {strides = array<i32>} : memref<12000xf32, #tpu.memory_space<vmem>>, vector<16xf32>,
        %swap3A_1337 = vector.shape_cast %swap3A_1336 : vector<16xf32> to vector<16xf32>
        %swap3A_1338 = vector.shape_cast %sub3A_1317 : vector<16xf32> to vector<16xf32>
        tpu.vector_store %arg16[%swap3A_1335], %swap3A_1338 {strides = array<i32>} : memref<12000xf32, #tpu.memory_space<vmem>>, vector<16xf32>,
        %add3A_1339 = arith.constant 8000 : i32
        %add3A_1340 = arith.addi %add3A_1339, %mul3A_1299 : i32
        %swap3A_1341 = arith.index_cast %add3A_1340 : i32 to index
        %swap3A_1342 = tpu.vector_load %arg16[%swap3A_1341] {strides = array<i32>} : memref<12000xf32, #tpu.memory_space<vmem>>, vector<16xf32>,
        %swap3A_1343 = vector.shape_cast %swap3A_1342 : vector<16xf32> to vector<16xf32>
        %swap3A_1344 = vector.shape_cast %sub3A_1328 : vector<16xf32> to vector<16xf32>
        tpu.vector_store %arg16[%swap3A_1341], %swap3A_1344 {strides = array<i32>} : memref<12000xf32, #tpu.memory_space<vmem>>, vector<16xf32>,
        %mul3A_1345 = arith.mulf %sub3A_1306, %sub3A_1306 : vector<16xf32>
        %mul3A_1346 = arith.mulf %sub3A_1317, %sub3A_1317 : vector<16xf32>
        %add3A_1347 = arith.addf %mul3A_1345, %mul3A_1346 : vector<16xf32>
        %mul3A_1348 = arith.mulf %sub3A_1328, %sub3A_1328 : vector<16xf32>
        %add3A_1349 = arith.addf %add3A_1347, %mul3A_1348 : vector<16xf32>
        %bitcast_convert_type3A_1350 = tpu.bitcast %add3A_1349 : vector<16xf32> -> vector<16xi32>
        %shift_right_logical3A_1351 = arith.constant 1 : i32
        %shift_right_logical3A_1352 = vector.broadcast %shift_right_logical3A_1351 : i32 to vector<16xi32>
        %shift_right_logical3A_1353 = arith.shrui %bitcast_convert_type3A_1350, %shift_right_logical3A_1352 : vector<16xi32>
        %sub3A_1354 = arith.constant 1597463007 : i32
        %sub3A_1355 = vector.broadcast %sub3A_1354 : i32 to vector<16xi32>
        %sub3A_1356 = arith.subi %sub3A_1355, %shift_right_logical3A_1353 : vector<16xi32>
        %bitcast_convert_type3A_1357 = tpu.bitcast %sub3A_1356 : vector<16xi32> -> vector<16xf32>
        %mul3A_1358 = arith.constant 5.000000e-01 : f32
        %mul3A_1359 = vector.broadcast %mul3A_1358 : f32 to vector<16xf32>
        %mul3A_1360 = arith.mulf %mul3A_1359, %add3A_1349 : vector<16xf32>
        %mul3A_1361 = arith.mulf %mul3A_1360, %bitcast_convert_type3A_1357 : vector<16xf32>
        %mul3A_1362 = arith.mulf %mul3A_1361, %bitcast_convert_type3A_1357 : vector<16xf32>
        %sub3A_1363 = arith.constant 1.500000e+00 : f32
        %sub3A_1364 = vector.broadcast %sub3A_1363 : f32 to vector<16xf32>
        %sub3A_1365 = arith.subf %sub3A_1364, %mul3A_1362 : vector<16xf32>
        %mul3A_1366 = arith.mulf %bitcast_convert_type3A_1357, %sub3A_1365 : vector<16xf32>
        %mul3A_1367 = arith.constant 5.000000e-01 : f32
        %mul3A_1368 = vector.broadcast %mul3A_1367 : f32 to vector<16xf32>
        %mul3A_1369 = arith.mulf %mul3A_1368, %add3A_1349 : vector<16xf32>
        %mul3A_1370 = arith.mulf %mul3A_1369, %mul3A_1366 : vector<16xf32>
        %mul3A_1371 = arith.mulf %mul3A_1370, %mul3A_1366 : vector<16xf32>
        %sub3A_1372 = arith.constant 1.500000e+00 : f32
        %sub3A_1373 = vector.broadcast %sub3A_1372 : f32 to vector<16xf32>
        %sub3A_1374 = arith.subf %sub3A_1373, %mul3A_1371 : vector<16xf32>
        %mul3A_1375 = arith.mulf %mul3A_1366, %sub3A_1374 : vector<16xf32>
        %mul3A_1376 = arith.mulf %add3A_1349, %mul3A_1375 : vector<16xf32>
        %swap3A_1377 = arith.index_cast %mul3A_1299 : i32 to index
        %swap3A_1378 = tpu.vector_load %arg17[%swap3A_1377] {strides = array<i32>} : memref<4000xf32, #tpu.memory_space<vmem>>, vector<16xf32>,
        %swap3A_1379 = vector.shape_cast %swap3A_1378 : vector<16xf32> to vector<16xf32>
        %swap3A_1380 = vector.shape_cast %mul3A_1376 : vector<16xf32> to vector<16xf32>
        tpu.vector_store %arg17[%swap3A_1377], %swap3A_1380 {strides = array<i32>} : memref<4000xf32, #tpu.memory_space<vmem>>, vector<16xf32>,
        %scan3A_1381 = arith.constant 3 : i32
        %scan3A_1382 = arith.addi %scan3A_1127, %scan3A_1381 : i32
        %mul3A_1383 = arith.constant 16 : i32
        %mul3A_1384 = arith.muli %scan3A_1382, %mul3A_1383 : i32
        %get3A_1385 = arith.index_cast %mul3A_1384 : i32 to index
        %get3A_1386 = tpu.vector_load %arg15[%get3A_1385] {strides = array<i32>} : memref<12000xf32, #tpu.memory_space<vmem>>, vector<16xf32>,
        %get3A_1387 = vector.shape_cast %get3A_1386 : vector<16xf32> to vector<16xf32>
        %get3A_1388 = arith.index_cast %mul3A_1384 : i32 to index
        %get3A_1389 = tpu.vector_load %arg14[%get3A_1388] {strides = array<i32>} : memref<12000xf32, #tpu.memory_space<vmem>>, vector<16xf32>,
        %get3A_1390 = vector.shape_cast %get3A_1389 : vector<16xf32> to vector<16xf32>
        %sub3A_1391 = arith.subf %get3A_1387, %get3A_1390 : vector<16xf32>
        %add3A_1392 = arith.constant 4000 : i32
        %add3A_1393 = arith.addi %add3A_1392, %mul3A_1384 : i32
        %get3A_1394 = arith.index_cast %add3A_1393 : i32 to index
        %get3A_1395 = tpu.vector_load %arg15[%get3A_1394] {strides = array<i32>} : memref<12000xf32, #tpu.memory_space<vmem>>, vector<16xf32>,
        %get3A_1396 = vector.shape_cast %get3A_1395 : vector<16xf32> to vector<16xf32>
        %add3A_1397 = arith.constant 4000 : i32
        %add3A_1398 = arith.addi %add3A_1397, %mul3A_1384 : i32
        %get3A_1399 = arith.index_cast %add3A_1398 : i32 to index
        %get3A_1400 = tpu.vector_load %arg14[%get3A_1399] {strides = array<i32>} : memref<12000xf32, #tpu.memory_space<vmem>>, vector<16xf32>,
        %get3A_1401 = vector.shape_cast %get3A_1400 : vector<16xf32> to vector<16xf32>
        %sub3A_1402 = arith.subf %get3A_1396, %get3A_1401 : vector<16xf32>
        %add3A_1403 = arith.constant 8000 : i32
        %add3A_1404 = arith.addi %add3A_1403, %mul3A_1384 : i32
        %get3A_1405 = arith.index_cast %add3A_1404 : i32 to index
        %get3A_1406 = tpu.vector_load %arg15[%get3A_1405] {strides = array<i32>} : memref<12000xf32, #tpu.memory_space<vmem>>, vector<16xf32>,
        %get3A_1407 = vector.shape_cast %get3A_1406 : vector<16xf32> to vector<16xf32>
        %add3A_1408 = arith.constant 8000 : i32
        %add3A_1409 = arith.addi %add3A_1408, %mul3A_1384 : i32
        %get3A_1410 = arith.index_cast %add3A_1409 : i32 to index
        %get3A_1411 = tpu.vector_load %arg14[%get3A_1410] {strides = array<i32>} : memref<12000xf32, #tpu.memory_space<vmem>>, vector<16xf32>,
        %get3A_1412 = vector.shape_cast %get3A_1411 : vector<16xf32> to vector<16xf32>
        %sub3A_1413 = arith.subf %get3A_1407, %get3A_1412 : vector<16xf32>
        %swap3A_1414 = arith.index_cast %mul3A_1384 : i32 to index
        %swap3A_1415 = tpu.vector_load %arg16[%swap3A_1414] {strides = array<i32>} : memref<12000xf32, #tpu.memory_space<vmem>>, vector<16xf32>,
        %swap3A_1416 = vector.shape_cast %swap3A_1415 : vector<16xf32> to vector<16xf32>
        %swap3A_1417 = vector.shape_cast %sub3A_1391 : vector<16xf32> to vector<16xf32>
        tpu.vector_store %arg16[%swap3A_1414], %swap3A_1417 {strides = array<i32>} : memref<12000xf32, #tpu.memory_space<vmem>>, vector<16xf32>,
        %add3A_1418 = arith.constant 4000 : i32
        %add3A_1419 = arith.addi %add3A_1418, %mul3A_1384 : i32
        %swap3A_1420 = arith.index_cast %add3A_1419 : i32 to index
        %swap3A_1421 = tpu.vector_load %arg16[%swap3A_1420] {strides = array<i32>} : memref<12000xf32, #tpu.memory_space<vmem>>, vector<16xf32>,
        %swap3A_1422 = vector.shape_cast %swap3A_1421 : vector<16xf32> to vector<16xf32>
        %swap3A_1423 = vector.shape_cast %sub3A_1402 : vector<16xf32> to vector<16xf32>
        tpu.vector_store %arg16[%swap3A_1420], %swap3A_1423 {strides = array<i32>} : memref<12000xf32, #tpu.memory_space<vmem>>, vector<16xf32>,
        %add3A_1424 = arith.constant 8000 : i32
        %add3A_1425 = arith.addi %add3A_1424, %mul3A_1384 : i32
        %swap3A_1426 = arith.index_cast %add3A_1425 : i32 to index
        %swap3A_1427 = tpu.vector_load %arg16[%swap3A_1426] {strides = array<i32>} : memref<12000xf32, #tpu.memory_space<vmem>>, vector<16xf32>,
        %swap3A_1428 = vector.shape_cast %swap3A_1427 : vector<16xf32> to vector<16xf32>
        %swap3A_1429 = vector.shape_cast %sub3A_1413 : vector<16xf32> to vector<16xf32>
        tpu.vector_store %arg16[%swap3A_1426], %swap3A_1429 {strides = array<i32>} : memref<12000xf32, #tpu.memory_space<vmem>>, vector<16xf32>,
        %mul3A_1430 = arith.mulf %sub3A_1391, %sub3A_1391 : vector<16xf32>
        %mul3A_1431 = arith.mulf %sub3A_1402, %sub3A_1402 : vector<16xf32>
        %add3A_1432 = arith.addf %mul3A_1430, %mul3A_1431 : vector<16xf32>
        %mul3A_1433 = arith.mulf %sub3A_1413, %sub3A_1413 : vector<16xf32>
        %add3A_1434 = arith.addf %add3A_1432, %mul3A_1433 : vector<16xf32>
        %bitcast_convert_type3A_1435 = tpu.bitcast %add3A_1434 : vector<16xf32> -> vector<16xi32>
        %shift_right_logical3A_1436 = arith.constant 1 : i32
        %shift_right_logical3A_1437 = vector.broadcast %shift_right_logical3A_1436 : i32 to vector<16xi32>
        %shift_right_logical3A_1438 = arith.shrui %bitcast_convert_type3A_1435, %shift_right_logical3A_1437 : vector<16xi32>
        %sub3A_1439 = arith.constant 1597463007 : i32
        %sub3A_1440 = vector.broadcast %sub3A_1439 : i32 to vector<16xi32>
        %sub3A_1441 = arith.subi %sub3A_1440, %shift_right_logical3A_1438 : vector<16xi32>
        %bitcast_convert_type3A_1442 = tpu.bitcast %sub3A_1441 : vector<16xi32> -> vector<16xf32>
        %mul3A_1443 = arith.constant 5.000000e-01 : f32
        %mul3A_1444 = vector.broadcast %mul3A_1443 : f32 to vector<16xf32>
        %mul3A_1445 = arith.mulf %mul3A_1444, %add3A_1434 : vector<16xf32>
        %mul3A_1446 = arith.mulf %mul3A_1445, %bitcast_convert_type3A_1442 : vector<16xf32>
        %mul3A_1447 = arith.mulf %mul3A_1446, %bitcast_convert_type3A_1442 : vector<16xf32>
        %sub3A_1448 = arith.constant 1.500000e+00 : f32
        %sub3A_1449 = vector.broadcast %sub3A_1448 : f32 to vector<16xf32>
        %sub3A_1450 = arith.subf %sub3A_1449, %mul3A_1447 : vector<16xf32>
        %mul3A_1451 = arith.mulf %bitcast_convert_type3A_1442, %sub3A_1450 : vector<16xf32>
        %mul3A_1452 = arith.constant 5.000000e-01 : f32
        %mul3A_1453 = vector.broadcast %mul3A_1452 : f32 to vector<16xf32>
        %mul3A_1454 = arith.mulf %mul3A_1453, %add3A_1434 : vector<16xf32>
        %mul3A_1455 = arith.mulf %mul3A_1454, %mul3A_1451 : vector<16xf32>
        %mul3A_1456 = arith.mulf %mul3A_1455, %mul3A_1451 : vector<16xf32>
        %sub3A_1457 = arith.constant 1.500000e+00 : f32
        %sub3A_1458 = vector.broadcast %sub3A_1457 : f32 to vector<16xf32>
        %sub3A_1459 = arith.subf %sub3A_1458, %mul3A_1456 : vector<16xf32>
        %mul3A_1460 = arith.mulf %mul3A_1451, %sub3A_1459 : vector<16xf32>
        %mul3A_1461 = arith.mulf %add3A_1434, %mul3A_1460 : vector<16xf32>
        %swap3A_1462 = arith.index_cast %mul3A_1384 : i32 to index
        %swap3A_1463 = tpu.vector_load %arg17[%swap3A_1462] {strides = array<i32>} : memref<4000xf32, #tpu.memory_space<vmem>>, vector<16xf32>,
        %swap3A_1464 = vector.shape_cast %swap3A_1463 : vector<16xf32> to vector<16xf32>
        %swap3A_1465 = vector.shape_cast %mul3A_1461 : vector<16xf32> to vector<16xf32>
        tpu.vector_store %arg17[%swap3A_1462], %swap3A_1465 {strides = array<i32>} : memref<4000xf32, #tpu.memory_space<vmem>>, vector<16xf32>,
      }
      %scan3A_950 = arith.constant 248 : i32
      %scan3A_951 = arith.addi %scan3A_946, %scan3A_950 : i32
      %mul3A_952 = arith.constant 16 : i32
      %mul3A_953 = arith.muli %scan3A_951, %mul3A_952 : i32
      %get3A_954 = arith.index_cast %mul3A_953 : i32 to index
      %get3A_955 = tpu.vector_load %arg15[%get3A_954] {strides = array<i32>} : memref<12000xf32, #tpu.memory_space<vmem>>, vector<16xf32>,
      %get3A_956 = vector.shape_cast %get3A_955 : vector<16xf32> to vector<16xf32>
      %get3A_957 = arith.index_cast %mul3A_953 : i32 to index
      %get3A_958 = tpu.vector_load %arg14[%get3A_957] {strides = array<i32>} : memref<12000xf32, #tpu.memory_space<vmem>>, vector<16xf32>,
      %get3A_959 = vector.shape_cast %get3A_958 : vector<16xf32> to vector<16xf32>
      %sub3A_960 = arith.subf %get3A_956, %get3A_959 : vector<16xf32>
      %add3A_961 = arith.constant 4000 : i32
      %add3A_962 = arith.addi %add3A_961, %mul3A_953 : i32
      %get3A_963 = arith.index_cast %add3A_962 : i32 to index
      %get3A_964 = tpu.vector_load %arg15[%get3A_963] {strides = array<i32>} : memref<12000xf32, #tpu.memory_space<vmem>>, vector<16xf32>,
      %get3A_965 = vector.shape_cast %get3A_964 : vector<16xf32> to vector<16xf32>
      %add3A_966 = arith.constant 4000 : i32
      %add3A_967 = arith.addi %add3A_966, %mul3A_953 : i32
      %get3A_968 = arith.index_cast %add3A_967 : i32 to index
      %get3A_969 = tpu.vector_load %arg14[%get3A_968] {strides = array<i32>} : memref<12000xf32, #tpu.memory_space<vmem>>, vector<16xf32>,
      %get3A_970 = vector.shape_cast %get3A_969 : vector<16xf32> to vector<16xf32>
      %sub3A_971 = arith.subf %get3A_965, %get3A_970 : vector<16xf32>
      %add3A_972 = arith.constant 8000 : i32
      %add3A_973 = arith.addi %add3A_972, %mul3A_953 : i32
      %get3A_974 = arith.index_cast %add3A_973 : i32 to index
      %get3A_975 = tpu.vector_load %arg15[%get3A_974] {strides = array<i32>} : memref<12000xf32, #tpu.memory_space<vmem>>, vector<16xf32>,
      %get3A_976 = vector.shape_cast %get3A_975 : vector<16xf32> to vector<16xf32>
      %add3A_977 = arith.constant 8000 : i32
      %add3A_978 = arith.addi %add3A_977, %mul3A_953 : i32
      %get3A_979 = arith.index_cast %add3A_978 : i32 to index
      %get3A_980 = tpu.vector_load %arg14[%get3A_979] {strides = array<i32>} : memref<12000xf32, #tpu.memory_space<vmem>>, vector<16xf32>,
      %get3A_981 = vector.shape_cast %get3A_980 : vector<16xf32> to vector<16xf32>
      %sub3A_982 = arith.subf %get3A_976, %get3A_981 : vector<16xf32>
      %swap3A_983 = arith.index_cast %mul3A_953 : i32 to index
      %swap3A_984 = tpu.vector_load %arg16[%swap3A_983] {strides = array<i32>} : memref<12000xf32, #tpu.memory_space<vmem>>, vector<16xf32>,
      %swap3A_985 = vector.shape_cast %swap3A_984 : vector<16xf32> to vector<16xf32>
      %swap3A_986 = vector.shape_cast %sub3A_960 : vector<16xf32> to vector<16xf32>
      tpu.vector_store %arg16[%swap3A_983], %swap3A_986 {strides = array<i32>} : memref<12000xf32, #tpu.memory_space<vmem>>, vector<16xf32>,
      %add3A_987 = arith.constant 4000 : i32
      %add3A_988 = arith.addi %add3A_987, %mul3A_953 : i32
      %swap3A_989 = arith.index_cast %add3A_988 : i32 to index
      %swap3A_990 = tpu.vector_load %arg16[%swap3A_989] {strides = array<i32>} : memref<12000xf32, #tpu.memory_space<vmem>>, vector<16xf32>,
      %swap3A_991 = vector.shape_cast %swap3A_990 : vector<16xf32> to vector<16xf32>
      %swap3A_992 = vector.shape_cast %sub3A_971 : vector<16xf32> to vector<16xf32>
      tpu.vector_store %arg16[%swap3A_989], %swap3A_992 {strides = array<i32>} : memref<12000xf32, #tpu.memory_space<vmem>>, vector<16xf32>,
      %add3A_993 = arith.constant 8000 : i32
      %add3A_994 = arith.addi %add3A_993, %mul3A_953 : i32
      %swap3A_995 = arith.index_cast %add3A_994 : i32 to index
      %swap3A_996 = tpu.vector_load %arg16[%swap3A_995] {strides = array<i32>} : memref<12000xf32, #tpu.memory_space<vmem>>, vector<16xf32>,
      %swap3A_997 = vector.shape_cast %swap3A_996 : vector<16xf32> to vector<16xf32>
      %swap3A_998 = vector.shape_cast %sub3A_982 : vector<16xf32> to vector<16xf32>
      tpu.vector_store %arg16[%swap3A_995], %swap3A_998 {strides = array<i32>} : memref<12000xf32, #tpu.memory_space<vmem>>, vector<16xf32>,
      %mul3A_999 = arith.mulf %sub3A_960, %sub3A_960 : vector<16xf32>
      %mul3A_1000 = arith.mulf %sub3A_971, %sub3A_971 : vector<16xf32>
      %add3A_1001 = arith.addf %mul3A_999, %mul3A_1000 : vector<16xf32>
      %mul3A_1002 = arith.mulf %sub3A_982, %sub3A_982 : vector<16xf32>
      %add3A_1003 = arith.addf %add3A_1001, %mul3A_1002 : vector<16xf32>
      %bitcast_convert_type3A_1004 = tpu.bitcast %add3A_1003 : vector<16xf32> -> vector<16xi32>
      %shift_right_logical3A_1005 = arith.constant 1 : i32
      %shift_right_logical3A_1006 = vector.broadcast %shift_right_logical3A_1005 : i32 to vector<16xi32>
      %shift_right_logical3A_1007 = arith.shrui %bitcast_convert_type3A_1004, %shift_right_logical3A_1006 : vector<16xi32>
      %sub3A_1008 = arith.constant 1597463007 : i32
      %sub3A_1009 = vector.broadcast %sub3A_1008 : i32 to vector<16xi32>
      %sub3A_1010 = arith.subi %sub3A_1009, %shift_right_logical3A_1007 : vector<16xi32>
      %bitcast_convert_type3A_1011 = tpu.bitcast %sub3A_1010 : vector<16xi32> -> vector<16xf32>
      %mul3A_1012 = arith.constant 5.000000e-01 : f32
      %mul3A_1013 = vector.broadcast %mul3A_1012 : f32 to vector<16xf32>
      %mul3A_1014 = arith.mulf %mul3A_1013, %add3A_1003 : vector<16xf32>
      %mul3A_1015 = arith.mulf %mul3A_1014, %bitcast_convert_type3A_1011 : vector<16xf32>
      %mul3A_1016 = arith.mulf %mul3A_1015, %bitcast_convert_type3A_1011 : vector<16xf32>
      %sub3A_1017 = arith.constant 1.500000e+00 : f32
      %sub3A_1018 = vector.broadcast %sub3A_1017 : f32 to vector<16xf32>
      %sub3A_1019 = arith.subf %sub3A_1018, %mul3A_1016 : vector<16xf32>
      %mul3A_1020 = arith.mulf %bitcast_convert_type3A_1011, %sub3A_1019 : vector<16xf32>
      %mul3A_1021 = arith.constant 5.000000e-01 : f32
      %mul3A_1022 = vector.broadcast %mul3A_1021 : f32 to vector<16xf32>
      %mul3A_1023 = arith.mulf %mul3A_1022, %add3A_1003 : vector<16xf32>
      %mul3A_1024 = arith.mulf %mul3A_1023, %mul3A_1020 : vector<16xf32>
      %mul3A_1025 = arith.mulf %mul3A_1024, %mul3A_1020 : vector<16xf32>
      %sub3A_1026 = arith.constant 1.500000e+00 : f32
      %sub3A_1027 = vector.broadcast %sub3A_1026 : f32 to vector<16xf32>
      %sub3A_1028 = arith.subf %sub3A_1027, %mul3A_1025 : vector<16xf32>
      %mul3A_1029 = arith.mulf %mul3A_1020, %sub3A_1028 : vector<16xf32>
      %mul3A_1030 = arith.mulf %add3A_1003, %mul3A_1029 : vector<16xf32>
      %swap3A_1031 = arith.index_cast %mul3A_953 : i32 to index
      %swap3A_1032 = tpu.vector_load %arg17[%swap3A_1031] {strides = array<i32>} : memref<4000xf32, #tpu.memory_space<vmem>>, vector<16xf32>,
      %swap3A_1033 = vector.shape_cast %swap3A_1032 : vector<16xf32> to vector<16xf32>
      %swap3A_1034 = vector.shape_cast %mul3A_1030 : vector<16xf32> to vector<16xf32>
      tpu.vector_store %arg17[%swap3A_1031], %swap3A_1034 {strides = array<i32>} : memref<4000xf32, #tpu.memory_space<vmem>>, vector<16xf32>,
      %scan3A_1035 = arith.constant 249 : i32
      %scan3A_1036 = arith.addi %scan3A_946, %scan3A_1035 : i32
      %mul3A_1037 = arith.constant 16 : i32
      %mul3A_1038 = arith.muli %scan3A_1036, %mul3A_1037 : i32
      %get3A_1039 = arith.index_cast %mul3A_1038 : i32 to index
      %get3A_1040 = tpu.vector_load %arg15[%get3A_1039] {strides = array<i32>} : memref<12000xf32, #tpu.memory_space<vmem>>, vector<16xf32>,
      %get3A_1041 = vector.shape_cast %get3A_1040 : vector<16xf32> to vector<16xf32>
      %get3A_1042 = arith.index_cast %mul3A_1038 : i32 to index
      %get3A_1043 = tpu.vector_load %arg14[%get3A_1042] {strides = array<i32>} : memref<12000xf32, #tpu.memory_space<vmem>>, vector<16xf32>,
      %get3A_1044 = vector.shape_cast %get3A_1043 : vector<16xf32> to vector<16xf32>
      %sub3A_1045 = arith.subf %get3A_1041, %get3A_1044 : vector<16xf32>
      %add3A_1046 = arith.constant 4000 : i32
      %add3A_1047 = arith.addi %add3A_1046, %mul3A_1038 : i32
      %get3A_1048 = arith.index_cast %add3A_1047 : i32 to index
      %get3A_1049 = tpu.vector_load %arg15[%get3A_1048] {strides = array<i32>} : memref<12000xf32, #tpu.memory_space<vmem>>, vector<16xf32>,
      %get3A_1050 = vector.shape_cast %get3A_1049 : vector<16xf32> to vector<16xf32>
      %add3A_1051 = arith.constant 4000 : i32
      %add3A_1052 = arith.addi %add3A_1051, %mul3A_1038 : i32
      %get3A_1053 = arith.index_cast %add3A_1052 : i32 to index
      %get3A_1054 = tpu.vector_load %arg14[%get3A_1053] {strides = array<i32>} : memref<12000xf32, #tpu.memory_space<vmem>>, vector<16xf32>,
      %get3A_1055 = vector.shape_cast %get3A_1054 : vector<16xf32> to vector<16xf32>
      %sub3A_1056 = arith.subf %get3A_1050, %get3A_1055 : vector<16xf32>
      %add3A_1057 = arith.constant 8000 : i32
      %add3A_1058 = arith.addi %add3A_1057, %mul3A_1038 : i32
      %get3A_1059 = arith.index_cast %add3A_1058 : i32 to index
      %get3A_1060 = tpu.vector_load %arg15[%get3A_1059] {strides = array<i32>} : memref<12000xf32, #tpu.memory_space<vmem>>, vector<16xf32>,
      %get3A_1061 = vector.shape_cast %get3A_1060 : vector<16xf32> to vector<16xf32>
      %add3A_1062 = arith.constant 8000 : i32
      %add3A_1063 = arith.addi %add3A_1062, %mul3A_1038 : i32
      %get3A_1064 = arith.index_cast %add3A_1063 : i32 to index
      %get3A_1065 = tpu.vector_load %arg14[%get3A_1064] {strides = array<i32>} : memref<12000xf32, #tpu.memory_space<vmem>>, vector<16xf32>,
      %get3A_1066 = vector.shape_cast %get3A_1065 : vector<16xf32> to vector<16xf32>
      %sub3A_1067 = arith.subf %get3A_1061, %get3A_1066 : vector<16xf32>
      %swap3A_1068 = arith.index_cast %mul3A_1038 : i32 to index
      %swap3A_1069 = tpu.vector_load %arg16[%swap3A_1068] {strides = array<i32>} : memref<12000xf32, #tpu.memory_space<vmem>>, vector<16xf32>,
      %swap3A_1070 = vector.shape_cast %swap3A_1069 : vector<16xf32> to vector<16xf32>
      %swap3A_1071 = vector.shape_cast %sub3A_1045 : vector<16xf32> to vector<16xf32>
      tpu.vector_store %arg16[%swap3A_1068], %swap3A_1071 {strides = array<i32>} : memref<12000xf32, #tpu.memory_space<vmem>>, vector<16xf32>,
      %add3A_1072 = arith.constant 4000 : i32
      %add3A_1073 = arith.addi %add3A_1072, %mul3A_1038 : i32
      %swap3A_1074 = arith.index_cast %add3A_1073 : i32 to index
      %swap3A_1075 = tpu.vector_load %arg16[%swap3A_1074] {strides = array<i32>} : memref<12000xf32, #tpu.memory_space<vmem>>, vector<16xf32>,
      %swap3A_1076 = vector.shape_cast %swap3A_1075 : vector<16xf32> to vector<16xf32>
      %swap3A_1077 = vector.shape_cast %sub3A_1056 : vector<16xf32> to vector<16xf32>
      tpu.vector_store %arg16[%swap3A_1074], %swap3A_1077 {strides = array<i32>} : memref<12000xf32, #tpu.memory_space<vmem>>, vector<16xf32>,
      %add3A_1078 = arith.constant 8000 : i32
      %add3A_1079 = arith.addi %add3A_1078, %mul3A_1038 : i32
      %swap3A_1080 = arith.index_cast %add3A_1079 : i32 to index
      %swap3A_1081 = tpu.vector_load %arg16[%swap3A_1080] {strides = array<i32>} : memref<12000xf32, #tpu.memory_space<vmem>>, vector<16xf32>,
      %swap3A_1082 = vector.shape_cast %swap3A_1081 : vector<16xf32> to vector<16xf32>
      %swap3A_1083 = vector.shape_cast %sub3A_1067 : vector<16xf32> to vector<16xf32>
      tpu.vector_store %arg16[%swap3A_1080], %swap3A_1083 {strides = array<i32>} : memref<12000xf32, #tpu.memory_space<vmem>>, vector<16xf32>,
      %mul3A_1084 = arith.mulf %sub3A_1045, %sub3A_1045 : vector<16xf32>
      %mul3A_1085 = arith.mulf %sub3A_1056, %sub3A_1056 : vector<16xf32>
      %add3A_1086 = arith.addf %mul3A_1084, %mul3A_1085 : vector<16xf32>
      %mul3A_1087 = arith.mulf %sub3A_1067, %sub3A_1067 : vector<16xf32>
      %add3A_1088 = arith.addf %add3A_1086, %mul3A_1087 : vector<16xf32>
      %bitcast_convert_type3A_1089 = tpu.bitcast %add3A_1088 : vector<16xf32> -> vector<16xi32>
      %shift_right_logical3A_1090 = arith.constant 1 : i32
      %shift_right_logical3A_1091 = vector.broadcast %shift_right_logical3A_1090 : i32 to vector<16xi32>
      %shift_right_logical3A_1092 = arith.shrui %bitcast_convert_type3A_1089, %shift_right_logical3A_1091 : vector<16xi32>
      %sub3A_1093 = arith.constant 1597463007 : i32
      %sub3A_1094 = vector.broadcast %sub3A_1093 : i32 to vector<16xi32>
      %sub3A_1095 = arith.subi %sub3A_1094, %shift_right_logical3A_1092 : vector<16xi32>
      %bitcast_convert_type3A_1096 = tpu.bitcast %sub3A_1095 : vector<16xi32> -> vector<16xf32>
      %mul3A_1097 = arith.constant 5.000000e-01 : f32
      %mul3A_1098 = vector.broadcast %mul3A_1097 : f32 to vector<16xf32>
      %mul3A_1099 = arith.mulf %mul3A_1098, %add3A_1088 : vector<16xf32>
      %mul3A_1100 = arith.mulf %mul3A_1099, %bitcast_convert_type3A_1096 : vector<16xf32>
      %mul3A_1101 = arith.mulf %mul3A_1100, %bitcast_convert_type3A_1096 : vector<16xf32>
      %sub3A_1102 = arith.constant 1.500000e+00 : f32
      %sub3A_1103 = vector.broadcast %sub3A_1102 : f32 to vector<16xf32>
      %sub3A_1104 = arith.subf %sub3A_1103, %mul3A_1101 : vector<16xf32>
      %mul3A_1105 = arith.mulf %bitcast_convert_type3A_1096, %sub3A_1104 : vector<16xf32>
      %mul3A_1106 = arith.constant 5.000000e-01 : f32
      %mul3A_1107 = vector.broadcast %mul3A_1106 : f32 to vector<16xf32>
      %mul3A_1108 = arith.mulf %mul3A_1107, %add3A_1088 : vector<16xf32>
      %mul3A_1109 = arith.mulf %mul3A_1108, %mul3A_1105 : vector<16xf32>
      %mul3A_1110 = arith.mulf %mul3A_1109, %mul3A_1105 : vector<16xf32>
      %sub3A_1111 = arith.constant 1.500000e+00 : f32
      %sub3A_1112 = vector.broadcast %sub3A_1111 : f32 to vector<16xf32>
      %sub3A_1113 = arith.subf %sub3A_1112, %mul3A_1110 : vector<16xf32>
      %mul3A_1114 = arith.mulf %mul3A_1105, %sub3A_1113 : vector<16xf32>
      %mul3A_1115 = arith.mulf %add3A_1088, %mul3A_1114 : vector<16xf32>
      %swap3A_1116 = arith.index_cast %mul3A_1038 : i32 to index
      %swap3A_1117 = tpu.vector_load %arg17[%swap3A_1116] {strides = array<i32>} : memref<4000xf32, #tpu.memory_space<vmem>>, vector<16xf32>,
      %swap3A_1118 = vector.shape_cast %swap3A_1117 : vector<16xf32> to vector<16xf32>
      %swap3A_1119 = vector.shape_cast %mul3A_1115 : vector<16xf32> to vector<16xf32>
      tpu.vector_store %arg17[%swap3A_1116], %swap3A_1119 {strides = array<i32>} : memref<4000xf32, #tpu.memory_space<vmem>>, vector<16xf32>,
      %scan3A_1120 = arith.constant 250 : i32
      %add3A_1121 = arith.constant 0 : i32
      %add3A_1122 = arith.addi %add3A_1121, %add3A_944 : i32
      "tpu.region"() ({
        %run_scoped3A = tpu.sem_alloc : memref<!tpu.dma_semaphore, #tpu.memory_space<semaphore_mem>>
        %dma_start3A_1127 = arith.constant 0 : i32
        %dma_start3A_1128 = tpu.memref_slice %arg16[%dma_start3A_1127] : memref<12000xf32, #tpu.memory_space<vmem>> -> memref<4000xf32, #tpu.memory_space<vmem>>
        %dma_start3A_1129 = tpu.memref_slice %arg4[%add3A_1122] : memref<9600000xf32, #tpu.memory_space<hbm>> -> memref<4000xf32, #tpu.memory_space<hbm>>
        %dma_start3A_1130 = tpu.memref_slice %arg4[%add3A_1122] : memref<9600000xf32, #tpu.memory_space<hbm>> -> memref<4000xf32, #tpu.memory_space<hbm>>
        %dma_start3A_1131 = arith.constant 0 : i32
        %dma_start3A_1132 = tpu.memref_slice %arg16[%dma_start3A_1131] : memref<12000xf32, #tpu.memory_space<vmem>> -> memref<4000xf32, #tpu.memory_space<vmem>>
        tpu.enqueue_dma source(%dma_start3A_1132 : memref<4000xf32, #tpu.memory_space<vmem>>) target(%dma_start3A_1130 : memref<4000xf32, #tpu.memory_space<hbm>>) target_semaphore(%run_scoped3A : memref<!tpu.dma_semaphore, #tpu.memory_space<semaphore_mem>>)
        %dma_wait3A_1133 = arith.constant 0 : i32
        %dma_wait3A_1134 = tpu.memref_slice %arg16[%dma_wait3A_1133] : memref<12000xf32, #tpu.memory_space<vmem>> -> memref<4000xf32, #tpu.memory_space<vmem>>
        %dma_wait3A_1135 = tpu.memref_slice %arg4[%add3A_1122] : memref<9600000xf32, #tpu.memory_space<hbm>> -> memref<4000xf32, #tpu.memory_space<hbm>>
        %dma_wait3A_1136 = tpu.memref_slice %arg4[%add3A_1122] : memref<9600000xf32, #tpu.memory_space<hbm>> -> memref<4000xf32, #tpu.memory_space<hbm>>
        %dma_wait3A_1137 = arith.constant 0 : i32
        %dma_wait3A_1138 = tpu.memref_slice %arg16[%dma_wait3A_1137] : memref<12000xf32, #tpu.memory_space<vmem>> -> memref<4000xf32, #tpu.memory_space<vmem>>
        tpu.wait_dma2 semaphore(%run_scoped3A : memref<!tpu.dma_semaphore, #tpu.memory_space<semaphore_mem>>) src(%dma_wait3A_1138 : memref<4000xf32, #tpu.memory_space<vmem>>) dst(%dma_wait3A_1136 : memref<4000xf32, #tpu.memory_space<hbm>>)
        tpu.yield
      }) : () -> ()
      %add3A_1123 = arith.constant 3200000 : i32
      %add3A_1124 = arith.addi %add3A_1123, %add3A_944 : i32
      "tpu.region"() ({
        %run_scoped3A = tpu.sem_alloc : memref<!tpu.dma_semaphore, #tpu.memory_space<semaphore_mem>>
        %dma_start3A_1127 = arith.constant 4000 : i32
        %dma_start3A_1128 = tpu.memref_slice %arg16[%dma_start3A_1127] : memref<12000xf32, #tpu.memory_space<vmem>> -> memref<4000xf32, #tpu.memory_space<vmem>>
        %dma_start3A_1129 = tpu.memref_slice %arg4[%add3A_1124] : memref<9600000xf32, #tpu.memory_space<hbm>> -> memref<4000xf32, #tpu.memory_space<hbm>>
        %dma_start3A_1130 = tpu.memref_slice %arg4[%add3A_1124] : memref<9600000xf32, #tpu.memory_space<hbm>> -> memref<4000xf32, #tpu.memory_space<hbm>>
        %dma_start3A_1131 = arith.constant 4000 : i32
        %dma_start3A_1132 = tpu.memref_slice %arg16[%dma_start3A_1131] : memref<12000xf32, #tpu.memory_space<vmem>> -> memref<4000xf32, #tpu.memory_space<vmem>>
        tpu.enqueue_dma source(%dma_start3A_1132 : memref<4000xf32, #tpu.memory_space<vmem>>) target(%dma_start3A_1130 : memref<4000xf32, #tpu.memory_space<hbm>>) target_semaphore(%run_scoped3A : memref<!tpu.dma_semaphore, #tpu.memory_space<semaphore_mem>>)
        %dma_wait3A_1133 = arith.constant 4000 : i32
        %dma_wait3A_1134 = tpu.memref_slice %arg16[%dma_wait3A_1133] : memref<12000xf32, #tpu.memory_space<vmem>> -> memref<4000xf32, #tpu.memory_space<vmem>>
        %dma_wait3A_1135 = tpu.memref_slice %arg4[%add3A_1124] : memref<9600000xf32, #tpu.memory_space<hbm>> -> memref<4000xf32, #tpu.memory_space<hbm>>
        %dma_wait3A_1136 = tpu.memref_slice %arg4[%add3A_1124] : memref<9600000xf32, #tpu.memory_space<hbm>> -> memref<4000xf32, #tpu.memory_space<hbm>>
        %dma_wait3A_1137 = arith.constant 4000 : i32
        %dma_wait3A_1138 = tpu.memref_slice %arg16[%dma_wait3A_1137] : memref<12000xf32, #tpu.memory_space<vmem>> -> memref<4000xf32, #tpu.memory_space<vmem>>
        tpu.wait_dma2 semaphore(%run_scoped3A : memref<!tpu.dma_semaphore, #tpu.memory_space<semaphore_mem>>) src(%dma_wait3A_1138 : memref<4000xf32, #tpu.memory_space<vmem>>) dst(%dma_wait3A_1136 : memref<4000xf32, #tpu.memory_space<hbm>>)
        tpu.yield
      }) : () -> ()
      %add3A_1125 = arith.constant 6400000 : i32
      %add3A_1126 = arith.addi %add3A_1125, %add3A_944 : i32
      "tpu.region"() ({
        %run_scoped3A = tpu.sem_alloc : memref<!tpu.dma_semaphore, #tpu.memory_space<semaphore_mem>>
        %dma_start3A_1127 = arith.constant 8000 : i32
        %dma_start3A_1128 = tpu.memref_slice %arg16[%dma_start3A_1127] : memref<12000xf32, #tpu.memory_space<vmem>> -> memref<4000xf32, #tpu.memory_space<vmem>>
        %dma_start3A_1129 = tpu.memref_slice %arg4[%add3A_1126] : memref<9600000xf32, #tpu.memory_space<hbm>> -> memref<4000xf32, #tpu.memory_space<hbm>>
        %dma_start3A_1130 = tpu.memref_slice %arg4[%add3A_1126] : memref<9600000xf32, #tpu.memory_space<hbm>> -> memref<4000xf32, #tpu.memory_space<hbm>>
        %dma_start3A_1131 = arith.constant 8000 : i32
        %dma_start3A_1132 = tpu.memref_slice %arg16[%dma_start3A_1131] : memref<12000xf32, #tpu.memory_space<vmem>> -> memref<4000xf32, #tpu.memory_space<vmem>>
        tpu.enqueue_dma source(%dma_start3A_1132 : memref<4000xf32, #tpu.memory_space<vmem>>) target(%dma_start3A_1130 : memref<4000xf32, #tpu.memory_space<hbm>>) target_semaphore(%run_scoped3A : memref<!tpu.dma_semaphore, #tpu.memory_space<semaphore_mem>>)
        %dma_wait3A_1133 = arith.constant 8000 : i32
        %dma_wait3A_1134 = tpu.memref_slice %arg16[%dma_wait3A_1133] : memref<12000xf32, #tpu.memory_space<vmem>> -> memref<4000xf32, #tpu.memory_space<vmem>>
        %dma_wait3A_1135 = tpu.memref_slice %arg4[%add3A_1126] : memref<9600000xf32, #tpu.memory_space<hbm>> -> memref<4000xf32, #tpu.memory_space<hbm>>
        %dma_wait3A_1136 = tpu.memref_slice %arg4[%add3A_1126] : memref<9600000xf32, #tpu.memory_space<hbm>> -> memref<4000xf32, #tpu.memory_space<hbm>>
        %dma_wait3A_1137 = arith.constant 8000 : i32
        %dma_wait3A_1138 = tpu.memref_slice %arg16[%dma_wait3A_1137] : memref<12000xf32, #tpu.memory_space<vmem>> -> memref<4000xf32, #tpu.memory_space<vmem>>
        tpu.wait_dma2 semaphore(%run_scoped3A : memref<!tpu.dma_semaphore, #tpu.memory_space<semaphore_mem>>) src(%dma_wait3A_1138 : memref<4000xf32, #tpu.memory_space<vmem>>) dst(%dma_wait3A_1136 : memref<4000xf32, #tpu.memory_space<hbm>>)
        tpu.yield
      }) : () -> ()
      "tpu.region"() ({
        %run_scoped3A = tpu.sem_alloc : memref<!tpu.dma_semaphore, #tpu.memory_space<semaphore_mem>>
        %dma_start3A_1127 = tpu.memref_slice %arg5[%add3A_944] : memref<3200000xf32, #tpu.memory_space<hbm>> -> memref<4000xf32, #tpu.memory_space<hbm>>
        %dma_start3A_1128 = tpu.memref_slice %arg5[%add3A_944] : memref<3200000xf32, #tpu.memory_space<hbm>> -> memref<4000xf32, #tpu.memory_space<hbm>>
        tpu.enqueue_dma source(%arg17 : memref<4000xf32, #tpu.memory_space<vmem>>) target(%dma_start3A_1128 : memref<4000xf32, #tpu.memory_space<hbm>>) target_semaphore(%run_scoped3A : memref<!tpu.dma_semaphore, #tpu.memory_space<semaphore_mem>>)
        %dma_wait3A_1129 = tpu.memref_slice %arg5[%add3A_944] : memref<3200000xf32, #tpu.memory_space<hbm>> -> memref<4000xf32, #tpu.memory_space<hbm>>
        %dma_wait3A_1130 = tpu.memref_slice %arg5[%add3A_944] : memref<3200000xf32, #tpu.memory_space<hbm>> -> memref<4000xf32, #tpu.memory_space<hbm>>
        tpu.wait_dma2 semaphore(%run_scoped3A : memref<!tpu.dma_semaphore, #tpu.memory_space<semaphore_mem>>) src(%arg17 : memref<4000xf32, #tpu.memory_space<vmem>>) dst(%dma_wait3A_1130 : memref<4000xf32, #tpu.memory_space<hbm>>)
        tpu.yield
      }) : () -> ()
    }
    %scan3A_186 = arith.constant 12 : i32
    %dma_wait3A = arith.constant 0 : i32
    %dma_wait3A_187 = tpu.memref_slice %arg2[%dma_wait3A] : memref<300000xf32, #tpu.memory_space<hbm>> -> memref<300000xf32, #tpu.memory_space<hbm>>
    tpu.wait_indirect_dma semaphore(%arg18 : memref<!tpu.dma_semaphore, #tpu.memory_space<semaphore_mem>>) src(%dma_wait3A_187 : memref<300000xf32, #tpu.memory_space<hbm>>) dst(%arg12 : memref<12000xf32, #tpu.memory_space<vmem>>)
    %dma_wait3A_188 = arith.constant 0 : i32
    %dma_wait3A_189 = tpu.memref_slice %arg2[%dma_wait3A_188] : memref<300000xf32, #tpu.memory_space<hbm>> -> memref<300000xf32, #tpu.memory_space<hbm>>
    tpu.wait_indirect_dma semaphore(%arg19 : memref<!tpu.dma_semaphore, #tpu.memory_space<semaphore_mem>>) src(%dma_wait3A_189 : memref<300000xf32, #tpu.memory_space<hbm>>) dst(%arg13 : memref<12000xf32, #tpu.memory_space<vmem>>)
    %add3A_190 = arith.constant 96000 : i32
    %add3A_191 = arith.addi %mul3A_2, %add3A_190 : i32
    %scan3A_192 = arith.constant 0 : i32
    %scan3A_193 = arith.constant 0 : i32
    %scan3A_194 = arith.constant 248 : i32
    %scan3A_195 = arith.addi %scan3A_193, %scan3A_194 : i32
    %scan3A_196 = arith.constant 4 : i32
    scf.for %scan3A_371 = %scan3A_193 to %scan3A_195 step %scan3A_196  : i32 {
      %mul3A_372 = arith.constant 16 : i32
      %mul3A_373 = arith.muli %scan3A_371, %mul3A_372 : i32
      %get3A_374 = arith.index_cast %mul3A_373 : i32 to index
      %get3A_375 = tpu.vector_load %arg13[%get3A_374] {strides = array<i32>} : memref<12000xf32, #tpu.memory_space<vmem>>, vector<16xf32>,
      %get3A_376 = vector.shape_cast %get3A_375 : vector<16xf32> to vector<16xf32>
      %get3A_377 = arith.index_cast %mul3A_373 : i32 to index
      %get3A_378 = tpu.vector_load %arg12[%get3A_377] {strides = array<i32>} : memref<12000xf32, #tpu.memory_space<vmem>>, vector<16xf32>,
      %get3A_379 = vector.shape_cast %get3A_378 : vector<16xf32> to vector<16xf32>
      %sub3A_380 = arith.subf %get3A_376, %get3A_379 : vector<16xf32>
      %add3A_381 = arith.constant 4000 : i32
      %add3A_382 = arith.addi %add3A_381, %mul3A_373 : i32
      %get3A_383 = arith.index_cast %add3A_382 : i32 to index
      %get3A_384 = tpu.vector_load %arg13[%get3A_383] {strides = array<i32>} : memref<12000xf32, #tpu.memory_space<vmem>>, vector<16xf32>,
      %get3A_385 = vector.shape_cast %get3A_384 : vector<16xf32> to vector<16xf32>
      %add3A_386 = arith.constant 4000 : i32
      %add3A_387 = arith.addi %add3A_386, %mul3A_373 : i32
      %get3A_388 = arith.index_cast %add3A_387 : i32 to index
      %get3A_389 = tpu.vector_load %arg12[%get3A_388] {strides = array<i32>} : memref<12000xf32, #tpu.memory_space<vmem>>, vector<16xf32>,
      %get3A_390 = vector.shape_cast %get3A_389 : vector<16xf32> to vector<16xf32>
      %sub3A_391 = arith.subf %get3A_385, %get3A_390 : vector<16xf32>
      %add3A_392 = arith.constant 8000 : i32
      %add3A_393 = arith.addi %add3A_392, %mul3A_373 : i32
      %get3A_394 = arith.index_cast %add3A_393 : i32 to index
      %get3A_395 = tpu.vector_load %arg13[%get3A_394] {strides = array<i32>} : memref<12000xf32, #tpu.memory_space<vmem>>, vector<16xf32>,
      %get3A_396 = vector.shape_cast %get3A_395 : vector<16xf32> to vector<16xf32>
      %add3A_397 = arith.constant 8000 : i32
      %add3A_398 = arith.addi %add3A_397, %mul3A_373 : i32
      %get3A_399 = arith.index_cast %add3A_398 : i32 to index
      %get3A_400 = tpu.vector_load %arg12[%get3A_399] {strides = array<i32>} : memref<12000xf32, #tpu.memory_space<vmem>>, vector<16xf32>,
      %get3A_401 = vector.shape_cast %get3A_400 : vector<16xf32> to vector<16xf32>
      %sub3A_402 = arith.subf %get3A_396, %get3A_401 : vector<16xf32>
      %swap3A_403 = arith.index_cast %mul3A_373 : i32 to index
      %swap3A_404 = tpu.vector_load %arg16[%swap3A_403] {strides = array<i32>} : memref<12000xf32, #tpu.memory_space<vmem>>, vector<16xf32>,
      %swap3A_405 = vector.shape_cast %swap3A_404 : vector<16xf32> to vector<16xf32>
      %swap3A_406 = vector.shape_cast %sub3A_380 : vector<16xf32> to vector<16xf32>
      tpu.vector_store %arg16[%swap3A_403], %swap3A_406 {strides = array<i32>} : memref<12000xf32, #tpu.memory_space<vmem>>, vector<16xf32>,
      %add3A_407 = arith.constant 4000 : i32
      %add3A_408 = arith.addi %add3A_407, %mul3A_373 : i32
      %swap3A_409 = arith.index_cast %add3A_408 : i32 to index
      %swap3A_410 = tpu.vector_load %arg16[%swap3A_409] {strides = array<i32>} : memref<12000xf32, #tpu.memory_space<vmem>>, vector<16xf32>,
      %swap3A_411 = vector.shape_cast %swap3A_410 : vector<16xf32> to vector<16xf32>
      %swap3A_412 = vector.shape_cast %sub3A_391 : vector<16xf32> to vector<16xf32>
      tpu.vector_store %arg16[%swap3A_409], %swap3A_412 {strides = array<i32>} : memref<12000xf32, #tpu.memory_space<vmem>>, vector<16xf32>,
      %add3A_413 = arith.constant 8000 : i32
      %add3A_414 = arith.addi %add3A_413, %mul3A_373 : i32
      %swap3A_415 = arith.index_cast %add3A_414 : i32 to index
      %swap3A_416 = tpu.vector_load %arg16[%swap3A_415] {strides = array<i32>} : memref<12000xf32, #tpu.memory_space<vmem>>, vector<16xf32>,
      %swap3A_417 = vector.shape_cast %swap3A_416 : vector<16xf32> to vector<16xf32>
      %swap3A_418 = vector.shape_cast %sub3A_402 : vector<16xf32> to vector<16xf32>
      tpu.vector_store %arg16[%swap3A_415], %swap3A_418 {strides = array<i32>} : memref<12000xf32, #tpu.memory_space<vmem>>, vector<16xf32>,
      %mul3A_419 = arith.mulf %sub3A_380, %sub3A_380 : vector<16xf32>
      %mul3A_420 = arith.mulf %sub3A_391, %sub3A_391 : vector<16xf32>
      %add3A_421 = arith.addf %mul3A_419, %mul3A_420 : vector<16xf32>
      %mul3A_422 = arith.mulf %sub3A_402, %sub3A_402 : vector<16xf32>
      %add3A_423 = arith.addf %add3A_421, %mul3A_422 : vector<16xf32>
      %bitcast_convert_type3A_424 = tpu.bitcast %add3A_423 : vector<16xf32> -> vector<16xi32>
      %shift_right_logical3A_425 = arith.constant 1 : i32
      %shift_right_logical3A_426 = vector.broadcast %shift_right_logical3A_425 : i32 to vector<16xi32>
      %shift_right_logical3A_427 = arith.shrui %bitcast_convert_type3A_424, %shift_right_logical3A_426 : vector<16xi32>
      %sub3A_428 = arith.constant 1597463007 : i32
      %sub3A_429 = vector.broadcast %sub3A_428 : i32 to vector<16xi32>
      %sub3A_430 = arith.subi %sub3A_429, %shift_right_logical3A_427 : vector<16xi32>
      %bitcast_convert_type3A_431 = tpu.bitcast %sub3A_430 : vector<16xi32> -> vector<16xf32>
      %mul3A_432 = arith.constant 5.000000e-01 : f32
      %mul3A_433 = vector.broadcast %mul3A_432 : f32 to vector<16xf32>
      %mul3A_434 = arith.mulf %mul3A_433, %add3A_423 : vector<16xf32>
      %mul3A_435 = arith.mulf %mul3A_434, %bitcast_convert_type3A_431 : vector<16xf32>
      %mul3A_436 = arith.mulf %mul3A_435, %bitcast_convert_type3A_431 : vector<16xf32>
      %sub3A_437 = arith.constant 1.500000e+00 : f32
      %sub3A_438 = vector.broadcast %sub3A_437 : f32 to vector<16xf32>
      %sub3A_439 = arith.subf %sub3A_438, %mul3A_436 : vector<16xf32>
      %mul3A_440 = arith.mulf %bitcast_convert_type3A_431, %sub3A_439 : vector<16xf32>
      %mul3A_441 = arith.constant 5.000000e-01 : f32
      %mul3A_442 = vector.broadcast %mul3A_441 : f32 to vector<16xf32>
      %mul3A_443 = arith.mulf %mul3A_442, %add3A_423 : vector<16xf32>
      %mul3A_444 = arith.mulf %mul3A_443, %mul3A_440 : vector<16xf32>
      %mul3A_445 = arith.mulf %mul3A_444, %mul3A_440 : vector<16xf32>
      %sub3A_446 = arith.constant 1.500000e+00 : f32
      %sub3A_447 = vector.broadcast %sub3A_446 : f32 to vector<16xf32>
      %sub3A_448 = arith.subf %sub3A_447, %mul3A_445 : vector<16xf32>
      %mul3A_449 = arith.mulf %mul3A_440, %sub3A_448 : vector<16xf32>
      %mul3A_450 = arith.mulf %add3A_423, %mul3A_449 : vector<16xf32>
      %swap3A_451 = arith.index_cast %mul3A_373 : i32 to index
      %swap3A_452 = tpu.vector_load %arg17[%swap3A_451] {strides = array<i32>} : memref<4000xf32, #tpu.memory_space<vmem>>, vector<16xf32>,
      %swap3A_453 = vector.shape_cast %swap3A_452 : vector<16xf32> to vector<16xf32>
      %swap3A_454 = vector.shape_cast %mul3A_450 : vector<16xf32> to vector<16xf32>
      tpu.vector_store %arg17[%swap3A_451], %swap3A_454 {strides = array<i32>} : memref<4000xf32, #tpu.memory_space<vmem>>, vector<16xf32>,
      %scan3A_455 = arith.constant 1 : i32
      %scan3A_456 = arith.addi %scan3A_371, %scan3A_455 : i32
      %mul3A_457 = arith.constant 16 : i32
      %mul3A_458 = arith.muli %scan3A_456, %mul3A_457 : i32
      %get3A_459 = arith.index_cast %mul3A_458 : i32 to index
      %get3A_460 = tpu.vector_load %arg13[%get3A_459] {strides = array<i32>} : memref<12000xf32, #tpu.memory_space<vmem>>, vector<16xf32>,
      %get3A_461 = vector.shape_cast %get3A_460 : vector<16xf32> to vector<16xf32>
      %get3A_462 = arith.index_cast %mul3A_458 : i32 to index
      %get3A_463 = tpu.vector_load %arg12[%get3A_462] {strides = array<i32>} : memref<12000xf32, #tpu.memory_space<vmem>>, vector<16xf32>,
      %get3A_464 = vector.shape_cast %get3A_463 : vector<16xf32> to vector<16xf32>
      %sub3A_465 = arith.subf %get3A_461, %get3A_464 : vector<16xf32>
      %add3A_466 = arith.constant 4000 : i32
      %add3A_467 = arith.addi %add3A_466, %mul3A_458 : i32
      %get3A_468 = arith.index_cast %add3A_467 : i32 to index
      %get3A_469 = tpu.vector_load %arg13[%get3A_468] {strides = array<i32>} : memref<12000xf32, #tpu.memory_space<vmem>>, vector<16xf32>,
      %get3A_470 = vector.shape_cast %get3A_469 : vector<16xf32> to vector<16xf32>
      %add3A_471 = arith.constant 4000 : i32
      %add3A_472 = arith.addi %add3A_471, %mul3A_458 : i32
      %get3A_473 = arith.index_cast %add3A_472 : i32 to index
      %get3A_474 = tpu.vector_load %arg12[%get3A_473] {strides = array<i32>} : memref<12000xf32, #tpu.memory_space<vmem>>, vector<16xf32>,
      %get3A_475 = vector.shape_cast %get3A_474 : vector<16xf32> to vector<16xf32>
      %sub3A_476 = arith.subf %get3A_470, %get3A_475 : vector<16xf32>
      %add3A_477 = arith.constant 8000 : i32
      %add3A_478 = arith.addi %add3A_477, %mul3A_458 : i32
      %get3A_479 = arith.index_cast %add3A_478 : i32 to index
      %get3A_480 = tpu.vector_load %arg13[%get3A_479] {strides = array<i32>} : memref<12000xf32, #tpu.memory_space<vmem>>, vector<16xf32>,
      %get3A_481 = vector.shape_cast %get3A_480 : vector<16xf32> to vector<16xf32>
      %add3A_482 = arith.constant 8000 : i32
      %add3A_483 = arith.addi %add3A_482, %mul3A_458 : i32
      %get3A_484 = arith.index_cast %add3A_483 : i32 to index
      %get3A_485 = tpu.vector_load %arg12[%get3A_484] {strides = array<i32>} : memref<12000xf32, #tpu.memory_space<vmem>>, vector<16xf32>,
      %get3A_486 = vector.shape_cast %get3A_485 : vector<16xf32> to vector<16xf32>
      %sub3A_487 = arith.subf %get3A_481, %get3A_486 : vector<16xf32>
      %swap3A_488 = arith.index_cast %mul3A_458 : i32 to index
      %swap3A_489 = tpu.vector_load %arg16[%swap3A_488] {strides = array<i32>} : memref<12000xf32, #tpu.memory_space<vmem>>, vector<16xf32>,
      %swap3A_490 = vector.shape_cast %swap3A_489 : vector<16xf32> to vector<16xf32>
      %swap3A_491 = vector.shape_cast %sub3A_465 : vector<16xf32> to vector<16xf32>
      tpu.vector_store %arg16[%swap3A_488], %swap3A_491 {strides = array<i32>} : memref<12000xf32, #tpu.memory_space<vmem>>, vector<16xf32>,
      %add3A_492 = arith.constant 4000 : i32
      %add3A_493 = arith.addi %add3A_492, %mul3A_458 : i32
      %swap3A_494 = arith.index_cast %add3A_493 : i32 to index
      %swap3A_495 = tpu.vector_load %arg16[%swap3A_494] {strides = array<i32>} : memref<12000xf32, #tpu.memory_space<vmem>>, vector<16xf32>,
      %swap3A_496 = vector.shape_cast %swap3A_495 : vector<16xf32> to vector<16xf32>
      %swap3A_497 = vector.shape_cast %sub3A_476 : vector<16xf32> to vector<16xf32>
      tpu.vector_store %arg16[%swap3A_494], %swap3A_497 {strides = array<i32>} : memref<12000xf32, #tpu.memory_space<vmem>>, vector<16xf32>,
      %add3A_498 = arith.constant 8000 : i32
      %add3A_499 = arith.addi %add3A_498, %mul3A_458 : i32
      %swap3A_500 = arith.index_cast %add3A_499 : i32 to index
      %swap3A_501 = tpu.vector_load %arg16[%swap3A_500] {strides = array<i32>} : memref<12000xf32, #tpu.memory_space<vmem>>, vector<16xf32>,
      %swap3A_502 = vector.shape_cast %swap3A_501 : vector<16xf32> to vector<16xf32>
      %swap3A_503 = vector.shape_cast %sub3A_487 : vector<16xf32> to vector<16xf32>
      tpu.vector_store %arg16[%swap3A_500], %swap3A_503 {strides = array<i32>} : memref<12000xf32, #tpu.memory_space<vmem>>, vector<16xf32>,
      %mul3A_504 = arith.mulf %sub3A_465, %sub3A_465 : vector<16xf32>
      %mul3A_505 = arith.mulf %sub3A_476, %sub3A_476 : vector<16xf32>
      %add3A_506 = arith.addf %mul3A_504, %mul3A_505 : vector<16xf32>
      %mul3A_507 = arith.mulf %sub3A_487, %sub3A_487 : vector<16xf32>
      %add3A_508 = arith.addf %add3A_506, %mul3A_507 : vector<16xf32>
      %bitcast_convert_type3A_509 = tpu.bitcast %add3A_508 : vector<16xf32> -> vector<16xi32>
      %shift_right_logical3A_510 = arith.constant 1 : i32
      %shift_right_logical3A_511 = vector.broadcast %shift_right_logical3A_510 : i32 to vector<16xi32>
      %shift_right_logical3A_512 = arith.shrui %bitcast_convert_type3A_509, %shift_right_logical3A_511 : vector<16xi32>
      %sub3A_513 = arith.constant 1597463007 : i32
      %sub3A_514 = vector.broadcast %sub3A_513 : i32 to vector<16xi32>
      %sub3A_515 = arith.subi %sub3A_514, %shift_right_logical3A_512 : vector<16xi32>
      %bitcast_convert_type3A_516 = tpu.bitcast %sub3A_515 : vector<16xi32> -> vector<16xf32>
      %mul3A_517 = arith.constant 5.000000e-01 : f32
      %mul3A_518 = vector.broadcast %mul3A_517 : f32 to vector<16xf32>
      %mul3A_519 = arith.mulf %mul3A_518, %add3A_508 : vector<16xf32>
      %mul3A_520 = arith.mulf %mul3A_519, %bitcast_convert_type3A_516 : vector<16xf32>
      %mul3A_521 = arith.mulf %mul3A_520, %bitcast_convert_type3A_516 : vector<16xf32>
      %sub3A_522 = arith.constant 1.500000e+00 : f32
      %sub3A_523 = vector.broadcast %sub3A_522 : f32 to vector<16xf32>
      %sub3A_524 = arith.subf %sub3A_523, %mul3A_521 : vector<16xf32>
      %mul3A_525 = arith.mulf %bitcast_convert_type3A_516, %sub3A_524 : vector<16xf32>
      %mul3A_526 = arith.constant 5.000000e-01 : f32
      %mul3A_527 = vector.broadcast %mul3A_526 : f32 to vector<16xf32>
      %mul3A_528 = arith.mulf %mul3A_527, %add3A_508 : vector<16xf32>
      %mul3A_529 = arith.mulf %mul3A_528, %mul3A_525 : vector<16xf32>
      %mul3A_530 = arith.mulf %mul3A_529, %mul3A_525 : vector<16xf32>
      %sub3A_531 = arith.constant 1.500000e+00 : f32
      %sub3A_532 = vector.broadcast %sub3A_531 : f32 to vector<16xf32>
      %sub3A_533 = arith.subf %sub3A_532, %mul3A_530 : vector<16xf32>
      %mul3A_534 = arith.mulf %mul3A_525, %sub3A_533 : vector<16xf32>
      %mul3A_535 = arith.mulf %add3A_508, %mul3A_534 : vector<16xf32>
      %swap3A_536 = arith.index_cast %mul3A_458 : i32 to index
      %swap3A_537 = tpu.vector_load %arg17[%swap3A_536] {strides = array<i32>} : memref<4000xf32, #tpu.memory_space<vmem>>, vector<16xf32>,
      %swap3A_538 = vector.shape_cast %swap3A_537 : vector<16xf32> to vector<16xf32>
      %swap3A_539 = vector.shape_cast %mul3A_535 : vector<16xf32> to vector<16xf32>
      tpu.vector_store %arg17[%swap3A_536], %swap3A_539 {strides = array<i32>} : memref<4000xf32, #tpu.memory_space<vmem>>, vector<16xf32>,
      %scan3A_540 = arith.constant 2 : i32
      %scan3A_541 = arith.addi %scan3A_371, %scan3A_540 : i32
      %mul3A_542 = arith.constant 16 : i32
      %mul3A_543 = arith.muli %scan3A_541, %mul3A_542 : i32
      %get3A_544 = arith.index_cast %mul3A_543 : i32 to index
      %get3A_545 = tpu.vector_load %arg13[%get3A_544] {strides = array<i32>} : memref<12000xf32, #tpu.memory_space<vmem>>, vector<16xf32>,
      %get3A_546 = vector.shape_cast %get3A_545 : vector<16xf32> to vector<16xf32>
      %get3A_547 = arith.index_cast %mul3A_543 : i32 to index
      %get3A_548 = tpu.vector_load %arg12[%get3A_547] {strides = array<i32>} : memref<12000xf32, #tpu.memory_space<vmem>>, vector<16xf32>,
      %get3A_549 = vector.shape_cast %get3A_548 : vector<16xf32> to vector<16xf32>
      %sub3A_550 = arith.subf %get3A_546, %get3A_549 : vector<16xf32>
      %add3A_551 = arith.constant 4000 : i32
      %add3A_552 = arith.addi %add3A_551, %mul3A_543 : i32
      %get3A_553 = arith.index_cast %add3A_552 : i32 to index
      %get3A_554 = tpu.vector_load %arg13[%get3A_553] {strides = array<i32>} : memref<12000xf32, #tpu.memory_space<vmem>>, vector<16xf32>,
      %get3A_555 = vector.shape_cast %get3A_554 : vector<16xf32> to vector<16xf32>
      %add3A_556 = arith.constant 4000 : i32
      %add3A_557 = arith.addi %add3A_556, %mul3A_543 : i32
      %get3A_558 = arith.index_cast %add3A_557 : i32 to index
      %get3A_559 = tpu.vector_load %arg12[%get3A_558] {strides = array<i32>} : memref<12000xf32, #tpu.memory_space<vmem>>, vector<16xf32>,
      %get3A_560 = vector.shape_cast %get3A_559 : vector<16xf32> to vector<16xf32>
      %sub3A_561 = arith.subf %get3A_555, %get3A_560 : vector<16xf32>
      %add3A_562 = arith.constant 8000 : i32
      %add3A_563 = arith.addi %add3A_562, %mul3A_543 : i32
      %get3A_564 = arith.index_cast %add3A_563 : i32 to index
      %get3A_565 = tpu.vector_load %arg13[%get3A_564] {strides = array<i32>} : memref<12000xf32, #tpu.memory_space<vmem>>, vector<16xf32>,
      %get3A_566 = vector.shape_cast %get3A_565 : vector<16xf32> to vector<16xf32>
      %add3A_567 = arith.constant 8000 : i32
      %add3A_568 = arith.addi %add3A_567, %mul3A_543 : i32
      %get3A_569 = arith.index_cast %add3A_568 : i32 to index
      %get3A_570 = tpu.vector_load %arg12[%get3A_569] {strides = array<i32>} : memref<12000xf32, #tpu.memory_space<vmem>>, vector<16xf32>,
      %get3A_571 = vector.shape_cast %get3A_570 : vector<16xf32> to vector<16xf32>
      %sub3A_572 = arith.subf %get3A_566, %get3A_571 : vector<16xf32>
      %swap3A_573 = arith.index_cast %mul3A_543 : i32 to index
      %swap3A_574 = tpu.vector_load %arg16[%swap3A_573] {strides = array<i32>} : memref<12000xf32, #tpu.memory_space<vmem>>, vector<16xf32>,
      %swap3A_575 = vector.shape_cast %swap3A_574 : vector<16xf32> to vector<16xf32>
      %swap3A_576 = vector.shape_cast %sub3A_550 : vector<16xf32> to vector<16xf32>
      tpu.vector_store %arg16[%swap3A_573], %swap3A_576 {strides = array<i32>} : memref<12000xf32, #tpu.memory_space<vmem>>, vector<16xf32>,
      %add3A_577 = arith.constant 4000 : i32
      %add3A_578 = arith.addi %add3A_577, %mul3A_543 : i32
      %swap3A_579 = arith.index_cast %add3A_578 : i32 to index
      %swap3A_580 = tpu.vector_load %arg16[%swap3A_579] {strides = array<i32>} : memref<12000xf32, #tpu.memory_space<vmem>>, vector<16xf32>,
      %swap3A_581 = vector.shape_cast %swap3A_580 : vector<16xf32> to vector<16xf32>
      %swap3A_582 = vector.shape_cast %sub3A_561 : vector<16xf32> to vector<16xf32>
      tpu.vector_store %arg16[%swap3A_579], %swap3A_582 {strides = array<i32>} : memref<12000xf32, #tpu.memory_space<vmem>>, vector<16xf32>,
      %add3A_583 = arith.constant 8000 : i32
      %add3A_584 = arith.addi %add3A_583, %mul3A_543 : i32
      %swap3A_585 = arith.index_cast %add3A_584 : i32 to index
      %swap3A_586 = tpu.vector_load %arg16[%swap3A_585] {strides = array<i32>} : memref<12000xf32, #tpu.memory_space<vmem>>, vector<16xf32>,
      %swap3A_587 = vector.shape_cast %swap3A_586 : vector<16xf32> to vector<16xf32>
      %swap3A_588 = vector.shape_cast %sub3A_572 : vector<16xf32> to vector<16xf32>
      tpu.vector_store %arg16[%swap3A_585], %swap3A_588 {strides = array<i32>} : memref<12000xf32, #tpu.memory_space<vmem>>, vector<16xf32>,
      %mul3A_589 = arith.mulf %sub3A_550, %sub3A_550 : vector<16xf32>
      %mul3A_590 = arith.mulf %sub3A_561, %sub3A_561 : vector<16xf32>
      %add3A_591 = arith.addf %mul3A_589, %mul3A_590 : vector<16xf32>
      %mul3A_592 = arith.mulf %sub3A_572, %sub3A_572 : vector<16xf32>
      %add3A_593 = arith.addf %add3A_591, %mul3A_592 : vector<16xf32>
      %bitcast_convert_type3A_594 = tpu.bitcast %add3A_593 : vector<16xf32> -> vector<16xi32>
      %shift_right_logical3A_595 = arith.constant 1 : i32
      %shift_right_logical3A_596 = vector.broadcast %shift_right_logical3A_595 : i32 to vector<16xi32>
      %shift_right_logical3A_597 = arith.shrui %bitcast_convert_type3A_594, %shift_right_logical3A_596 : vector<16xi32>
      %sub3A_598 = arith.constant 1597463007 : i32
      %sub3A_599 = vector.broadcast %sub3A_598 : i32 to vector<16xi32>
      %sub3A_600 = arith.subi %sub3A_599, %shift_right_logical3A_597 : vector<16xi32>
      %bitcast_convert_type3A_601 = tpu.bitcast %sub3A_600 : vector<16xi32> -> vector<16xf32>
      %mul3A_602 = arith.constant 5.000000e-01 : f32
      %mul3A_603 = vector.broadcast %mul3A_602 : f32 to vector<16xf32>
      %mul3A_604 = arith.mulf %mul3A_603, %add3A_593 : vector<16xf32>
      %mul3A_605 = arith.mulf %mul3A_604, %bitcast_convert_type3A_601 : vector<16xf32>
      %mul3A_606 = arith.mulf %mul3A_605, %bitcast_convert_type3A_601 : vector<16xf32>
      %sub3A_607 = arith.constant 1.500000e+00 : f32
      %sub3A_608 = vector.broadcast %sub3A_607 : f32 to vector<16xf32>
      %sub3A_609 = arith.subf %sub3A_608, %mul3A_606 : vector<16xf32>
      %mul3A_610 = arith.mulf %bitcast_convert_type3A_601, %sub3A_609 : vector<16xf32>
      %mul3A_611 = arith.constant 5.000000e-01 : f32
      %mul3A_612 = vector.broadcast %mul3A_611 : f32 to vector<16xf32>
      %mul3A_613 = arith.mulf %mul3A_612, %add3A_593 : vector<16xf32>
      %mul3A_614 = arith.mulf %mul3A_613, %mul3A_610 : vector<16xf32>
      %mul3A_615 = arith.mulf %mul3A_614, %mul3A_610 : vector<16xf32>
      %sub3A_616 = arith.constant 1.500000e+00 : f32
      %sub3A_617 = vector.broadcast %sub3A_616 : f32 to vector<16xf32>
      %sub3A_618 = arith.subf %sub3A_617, %mul3A_615 : vector<16xf32>
      %mul3A_619 = arith.mulf %mul3A_610, %sub3A_618 : vector<16xf32>
      %mul3A_620 = arith.mulf %add3A_593, %mul3A_619 : vector<16xf32>
      %swap3A_621 = arith.index_cast %mul3A_543 : i32 to index
      %swap3A_622 = tpu.vector_load %arg17[%swap3A_621] {strides = array<i32>} : memref<4000xf32, #tpu.memory_space<vmem>>, vector<16xf32>,
      %swap3A_623 = vector.shape_cast %swap3A_622 : vector<16xf32> to vector<16xf32>
      %swap3A_624 = vector.shape_cast %mul3A_620 : vector<16xf32> to vector<16xf32>
      tpu.vector_store %arg17[%swap3A_621], %swap3A_624 {strides = array<i32>} : memref<4000xf32, #tpu.memory_space<vmem>>, vector<16xf32>,
      %scan3A_625 = arith.constant 3 : i32
      %scan3A_626 = arith.addi %scan3A_371, %scan3A_625 : i32
      %mul3A_627 = arith.constant 16 : i32
      %mul3A_628 = arith.muli %scan3A_626, %mul3A_627 : i32
      %get3A_629 = arith.index_cast %mul3A_628 : i32 to index
      %get3A_630 = tpu.vector_load %arg13[%get3A_629] {strides = array<i32>} : memref<12000xf32, #tpu.memory_space<vmem>>, vector<16xf32>,
      %get3A_631 = vector.shape_cast %get3A_630 : vector<16xf32> to vector<16xf32>
      %get3A_632 = arith.index_cast %mul3A_628 : i32 to index
      %get3A_633 = tpu.vector_load %arg12[%get3A_632] {strides = array<i32>} : memref<12000xf32, #tpu.memory_space<vmem>>, vector<16xf32>,
      %get3A_634 = vector.shape_cast %get3A_633 : vector<16xf32> to vector<16xf32>
      %sub3A_635 = arith.subf %get3A_631, %get3A_634 : vector<16xf32>
      %add3A_636 = arith.constant 4000 : i32
      %add3A_637 = arith.addi %add3A_636, %mul3A_628 : i32
      %get3A_638 = arith.index_cast %add3A_637 : i32 to index
      %get3A_639 = tpu.vector_load %arg13[%get3A_638] {strides = array<i32>} : memref<12000xf32, #tpu.memory_space<vmem>>, vector<16xf32>,
      %get3A_640 = vector.shape_cast %get3A_639 : vector<16xf32> to vector<16xf32>
      %add3A_641 = arith.constant 4000 : i32
      %add3A_642 = arith.addi %add3A_641, %mul3A_628 : i32
      %get3A_643 = arith.index_cast %add3A_642 : i32 to index
      %get3A_644 = tpu.vector_load %arg12[%get3A_643] {strides = array<i32>} : memref<12000xf32, #tpu.memory_space<vmem>>, vector<16xf32>,
      %get3A_645 = vector.shape_cast %get3A_644 : vector<16xf32> to vector<16xf32>
      %sub3A_646 = arith.subf %get3A_640, %get3A_645 : vector<16xf32>
      %add3A_647 = arith.constant 8000 : i32
      %add3A_648 = arith.addi %add3A_647, %mul3A_628 : i32
      %get3A_649 = arith.index_cast %add3A_648 : i32 to index
      %get3A_650 = tpu.vector_load %arg13[%get3A_649] {strides = array<i32>} : memref<12000xf32, #tpu.memory_space<vmem>>, vector<16xf32>,
      %get3A_651 = vector.shape_cast %get3A_650 : vector<16xf32> to vector<16xf32>
      %add3A_652 = arith.constant 8000 : i32
      %add3A_653 = arith.addi %add3A_652, %mul3A_628 : i32
      %get3A_654 = arith.index_cast %add3A_653 : i32 to index
      %get3A_655 = tpu.vector_load %arg12[%get3A_654] {strides = array<i32>} : memref<12000xf32, #tpu.memory_space<vmem>>, vector<16xf32>,
      %get3A_656 = vector.shape_cast %get3A_655 : vector<16xf32> to vector<16xf32>
      %sub3A_657 = arith.subf %get3A_651, %get3A_656 : vector<16xf32>
      %swap3A_658 = arith.index_cast %mul3A_628 : i32 to index
      %swap3A_659 = tpu.vector_load %arg16[%swap3A_658] {strides = array<i32>} : memref<12000xf32, #tpu.memory_space<vmem>>, vector<16xf32>,
      %swap3A_660 = vector.shape_cast %swap3A_659 : vector<16xf32> to vector<16xf32>
      %swap3A_661 = vector.shape_cast %sub3A_635 : vector<16xf32> to vector<16xf32>
      tpu.vector_store %arg16[%swap3A_658], %swap3A_661 {strides = array<i32>} : memref<12000xf32, #tpu.memory_space<vmem>>, vector<16xf32>,
      %add3A_662 = arith.constant 4000 : i32
      %add3A_663 = arith.addi %add3A_662, %mul3A_628 : i32
      %swap3A_664 = arith.index_cast %add3A_663 : i32 to index
      %swap3A_665 = tpu.vector_load %arg16[%swap3A_664] {strides = array<i32>} : memref<12000xf32, #tpu.memory_space<vmem>>, vector<16xf32>,
      %swap3A_666 = vector.shape_cast %swap3A_665 : vector<16xf32> to vector<16xf32>
      %swap3A_667 = vector.shape_cast %sub3A_646 : vector<16xf32> to vector<16xf32>
      tpu.vector_store %arg16[%swap3A_664], %swap3A_667 {strides = array<i32>} : memref<12000xf32, #tpu.memory_space<vmem>>, vector<16xf32>,
      %add3A_668 = arith.constant 8000 : i32
      %add3A_669 = arith.addi %add3A_668, %mul3A_628 : i32
      %swap3A_670 = arith.index_cast %add3A_669 : i32 to index
      %swap3A_671 = tpu.vector_load %arg16[%swap3A_670] {strides = array<i32>} : memref<12000xf32, #tpu.memory_space<vmem>>, vector<16xf32>,
      %swap3A_672 = vector.shape_cast %swap3A_671 : vector<16xf32> to vector<16xf32>
      %swap3A_673 = vector.shape_cast %sub3A_657 : vector<16xf32> to vector<16xf32>
      tpu.vector_store %arg16[%swap3A_670], %swap3A_673 {strides = array<i32>} : memref<12000xf32, #tpu.memory_space<vmem>>, vector<16xf32>,
      %mul3A_674 = arith.mulf %sub3A_635, %sub3A_635 : vector<16xf32>
      %mul3A_675 = arith.mulf %sub3A_646, %sub3A_646 : vector<16xf32>
      %add3A_676 = arith.addf %mul3A_674, %mul3A_675 : vector<16xf32>
      %mul3A_677 = arith.mulf %sub3A_657, %sub3A_657 : vector<16xf32>
      %add3A_678 = arith.addf %add3A_676, %mul3A_677 : vector<16xf32>
      %bitcast_convert_type3A_679 = tpu.bitcast %add3A_678 : vector<16xf32> -> vector<16xi32>
      %shift_right_logical3A_680 = arith.constant 1 : i32
      %shift_right_logical3A_681 = vector.broadcast %shift_right_logical3A_680 : i32 to vector<16xi32>
      %shift_right_logical3A_682 = arith.shrui %bitcast_convert_type3A_679, %shift_right_logical3A_681 : vector<16xi32>
      %sub3A_683 = arith.constant 1597463007 : i32
      %sub3A_684 = vector.broadcast %sub3A_683 : i32 to vector<16xi32>
      %sub3A_685 = arith.subi %sub3A_684, %shift_right_logical3A_682 : vector<16xi32>
      %bitcast_convert_type3A_686 = tpu.bitcast %sub3A_685 : vector<16xi32> -> vector<16xf32>
      %mul3A_687 = arith.constant 5.000000e-01 : f32
      %mul3A_688 = vector.broadcast %mul3A_687 : f32 to vector<16xf32>
      %mul3A_689 = arith.mulf %mul3A_688, %add3A_678 : vector<16xf32>
      %mul3A_690 = arith.mulf %mul3A_689, %bitcast_convert_type3A_686 : vector<16xf32>
      %mul3A_691 = arith.mulf %mul3A_690, %bitcast_convert_type3A_686 : vector<16xf32>
      %sub3A_692 = arith.constant 1.500000e+00 : f32
      %sub3A_693 = vector.broadcast %sub3A_692 : f32 to vector<16xf32>
      %sub3A_694 = arith.subf %sub3A_693, %mul3A_691 : vector<16xf32>
      %mul3A_695 = arith.mulf %bitcast_convert_type3A_686, %sub3A_694 : vector<16xf32>
      %mul3A_696 = arith.constant 5.000000e-01 : f32
      %mul3A_697 = vector.broadcast %mul3A_696 : f32 to vector<16xf32>
      %mul3A_698 = arith.mulf %mul3A_697, %add3A_678 : vector<16xf32>
      %mul3A_699 = arith.mulf %mul3A_698, %mul3A_695 : vector<16xf32>
      %mul3A_700 = arith.mulf %mul3A_699, %mul3A_695 : vector<16xf32>
      %sub3A_701 = arith.constant 1.500000e+00 : f32
      %sub3A_702 = vector.broadcast %sub3A_701 : f32 to vector<16xf32>
      %sub3A_703 = arith.subf %sub3A_702, %mul3A_700 : vector<16xf32>
      %mul3A_704 = arith.mulf %mul3A_695, %sub3A_703 : vector<16xf32>
      %mul3A_705 = arith.mulf %add3A_678, %mul3A_704 : vector<16xf32>
      %swap3A_706 = arith.index_cast %mul3A_628 : i32 to index
      %swap3A_707 = tpu.vector_load %arg17[%swap3A_706] {strides = array<i32>} : memref<4000xf32, #tpu.memory_space<vmem>>, vector<16xf32>,
      %swap3A_708 = vector.shape_cast %swap3A_707 : vector<16xf32> to vector<16xf32>
      %swap3A_709 = vector.shape_cast %mul3A_705 : vector<16xf32> to vector<16xf32>
      tpu.vector_store %arg17[%swap3A_706], %swap3A_709 {strides = array<i32>} : memref<4000xf32, #tpu.memory_space<vmem>>, vector<16xf32>,
    }
    %scan3A_197 = arith.constant 248 : i32
    %scan3A_198 = arith.addi %scan3A_193, %scan3A_197 : i32
    %mul3A_199 = arith.constant 16 : i32
    %mul3A_200 = arith.muli %scan3A_198, %mul3A_199 : i32
    %get3A_201 = arith.index_cast %mul3A_200 : i32 to index
    %get3A_202 = tpu.vector_load %arg13[%get3A_201] {strides = array<i32>} : memref<12000xf32, #tpu.memory_space<vmem>>, vector<16xf32>,
    %get3A_203 = vector.shape_cast %get3A_202 : vector<16xf32> to vector<16xf32>
    %get3A_204 = arith.index_cast %mul3A_200 : i32 to index
    %get3A_205 = tpu.vector_load %arg12[%get3A_204] {strides = array<i32>} : memref<12000xf32, #tpu.memory_space<vmem>>, vector<16xf32>,
    %get3A_206 = vector.shape_cast %get3A_205 : vector<16xf32> to vector<16xf32>
    %sub3A = arith.subf %get3A_203, %get3A_206 : vector<16xf32>
    %add3A_207 = arith.constant 4000 : i32
    %add3A_208 = arith.addi %add3A_207, %mul3A_200 : i32
    %get3A_209 = arith.index_cast %add3A_208 : i32 to index
    %get3A_210 = tpu.vector_load %arg13[%get3A_209] {strides = array<i32>} : memref<12000xf32, #tpu.memory_space<vmem>>, vector<16xf32>,
    %get3A_211 = vector.shape_cast %get3A_210 : vector<16xf32> to vector<16xf32>
    %add3A_212 = arith.constant 4000 : i32
    %add3A_213 = arith.addi %add3A_212, %mul3A_200 : i32
    %get3A_214 = arith.index_cast %add3A_213 : i32 to index
    %get3A_215 = tpu.vector_load %arg12[%get3A_214] {strides = array<i32>} : memref<12000xf32, #tpu.memory_space<vmem>>, vector<16xf32>,
    %get3A_216 = vector.shape_cast %get3A_215 : vector<16xf32> to vector<16xf32>
    %sub3A_217 = arith.subf %get3A_211, %get3A_216 : vector<16xf32>
    %add3A_218 = arith.constant 8000 : i32
    %add3A_219 = arith.addi %add3A_218, %mul3A_200 : i32
    %get3A_220 = arith.index_cast %add3A_219 : i32 to index
    %get3A_221 = tpu.vector_load %arg13[%get3A_220] {strides = array<i32>} : memref<12000xf32, #tpu.memory_space<vmem>>, vector<16xf32>,
    %get3A_222 = vector.shape_cast %get3A_221 : vector<16xf32> to vector<16xf32>
    %add3A_223 = arith.constant 8000 : i32
    %add3A_224 = arith.addi %add3A_223, %mul3A_200 : i32
    %get3A_225 = arith.index_cast %add3A_224 : i32 to index
    %get3A_226 = tpu.vector_load %arg12[%get3A_225] {strides = array<i32>} : memref<12000xf32, #tpu.memory_space<vmem>>, vector<16xf32>,
    %get3A_227 = vector.shape_cast %get3A_226 : vector<16xf32> to vector<16xf32>
    %sub3A_228 = arith.subf %get3A_222, %get3A_227 : vector<16xf32>
    %swap3A_229 = arith.index_cast %mul3A_200 : i32 to index
    %swap3A_230 = tpu.vector_load %arg16[%swap3A_229] {strides = array<i32>} : memref<12000xf32, #tpu.memory_space<vmem>>, vector<16xf32>,
    %swap3A_231 = vector.shape_cast %swap3A_230 : vector<16xf32> to vector<16xf32>
    %swap3A_232 = vector.shape_cast %sub3A : vector<16xf32> to vector<16xf32>
    tpu.vector_store %arg16[%swap3A_229], %swap3A_232 {strides = array<i32>} : memref<12000xf32, #tpu.memory_space<vmem>>, vector<16xf32>,
    %add3A_233 = arith.constant 4000 : i32
    %add3A_234 = arith.addi %add3A_233, %mul3A_200 : i32
    %swap3A_235 = arith.index_cast %add3A_234 : i32 to index
    %swap3A_236 = tpu.vector_load %arg16[%swap3A_235] {strides = array<i32>} : memref<12000xf32, #tpu.memory_space<vmem>>, vector<16xf32>,
    %swap3A_237 = vector.shape_cast %swap3A_236 : vector<16xf32> to vector<16xf32>
    %swap3A_238 = vector.shape_cast %sub3A_217 : vector<16xf32> to vector<16xf32>
    tpu.vector_store %arg16[%swap3A_235], %swap3A_238 {strides = array<i32>} : memref<12000xf32, #tpu.memory_space<vmem>>, vector<16xf32>,
    %add3A_239 = arith.constant 8000 : i32
    %add3A_240 = arith.addi %add3A_239, %mul3A_200 : i32
    %swap3A_241 = arith.index_cast %add3A_240 : i32 to index
    %swap3A_242 = tpu.vector_load %arg16[%swap3A_241] {strides = array<i32>} : memref<12000xf32, #tpu.memory_space<vmem>>, vector<16xf32>,
    %swap3A_243 = vector.shape_cast %swap3A_242 : vector<16xf32> to vector<16xf32>
    %swap3A_244 = vector.shape_cast %sub3A_228 : vector<16xf32> to vector<16xf32>
    tpu.vector_store %arg16[%swap3A_241], %swap3A_244 {strides = array<i32>} : memref<12000xf32, #tpu.memory_space<vmem>>, vector<16xf32>,
    %mul3A_245 = arith.mulf %sub3A, %sub3A : vector<16xf32>
    %mul3A_246 = arith.mulf %sub3A_217, %sub3A_217 : vector<16xf32>
    %add3A_247 = arith.addf %mul3A_245, %mul3A_246 : vector<16xf32>
    %mul3A_248 = arith.mulf %sub3A_228, %sub3A_228 : vector<16xf32>
    %add3A_249 = arith.addf %add3A_247, %mul3A_248 : vector<16xf32>
    %bitcast_convert_type3A = tpu.bitcast %add3A_249 : vector<16xf32> -> vector<16xi32>
    %shift_right_logical3A = arith.constant 1 : i32
    %shift_right_logical3A_250 = vector.broadcast %shift_right_logical3A : i32 to vector<16xi32>
    %shift_right_logical3A_251 = arith.shrui %bitcast_convert_type3A, %shift_right_logical3A_250 : vector<16xi32>
    %sub3A_252 = arith.constant 1597463007 : i32
    %sub3A_253 = vector.broadcast %sub3A_252 : i32 to vector<16xi32>
    %sub3A_254 = arith.subi %sub3A_253, %shift_right_logical3A_251 : vector<16xi32>
    %bitcast_convert_type3A_255 = tpu.bitcast %sub3A_254 : vector<16xi32> -> vector<16xf32>
    %mul3A_256 = arith.constant 5.000000e-01 : f32
    %mul3A_257 = vector.broadcast %mul3A_256 : f32 to vector<16xf32>
    %mul3A_258 = arith.mulf %mul3A_257, %add3A_249 : vector<16xf32>
    %mul3A_259 = arith.mulf %mul3A_258, %bitcast_convert_type3A_255 : vector<16xf32>
    %mul3A_260 = arith.mulf %mul3A_259, %bitcast_convert_type3A_255 : vector<16xf32>
    %sub3A_261 = arith.constant 1.500000e+00 : f32
    %sub3A_262 = vector.broadcast %sub3A_261 : f32 to vector<16xf32>
    %sub3A_263 = arith.subf %sub3A_262, %mul3A_260 : vector<16xf32>
    %mul3A_264 = arith.mulf %bitcast_convert_type3A_255, %sub3A_263 : vector<16xf32>
    %mul3A_265 = arith.constant 5.000000e-01 : f32
    %mul3A_266 = vector.broadcast %mul3A_265 : f32 to vector<16xf32>
    %mul3A_267 = arith.mulf %mul3A_266, %add3A_249 : vector<16xf32>
    %mul3A_268 = arith.mulf %mul3A_267, %mul3A_264 : vector<16xf32>
    %mul3A_269 = arith.mulf %mul3A_268, %mul3A_264 : vector<16xf32>
    %sub3A_270 = arith.constant 1.500000e+00 : f32
    %sub3A_271 = vector.broadcast %sub3A_270 : f32 to vector<16xf32>
    %sub3A_272 = arith.subf %sub3A_271, %mul3A_269 : vector<16xf32>
    %mul3A_273 = arith.mulf %mul3A_264, %sub3A_272 : vector<16xf32>
    %mul3A_274 = arith.mulf %add3A_249, %mul3A_273 : vector<16xf32>
    %swap3A_275 = arith.index_cast %mul3A_200 : i32 to index
    %swap3A_276 = tpu.vector_load %arg17[%swap3A_275] {strides = array<i32>} : memref<4000xf32, #tpu.memory_space<vmem>>, vector<16xf32>,
    %swap3A_277 = vector.shape_cast %swap3A_276 : vector<16xf32> to vector<16xf32>
    %swap3A_278 = vector.shape_cast %mul3A_274 : vector<16xf32> to vector<16xf32>
    tpu.vector_store %arg17[%swap3A_275], %swap3A_278 {strides = array<i32>} : memref<4000xf32, #tpu.memory_space<vmem>>, vector<16xf32>,
    %scan3A_279 = arith.constant 249 : i32
    %scan3A_280 = arith.addi %scan3A_193, %scan3A_279 : i32
    %mul3A_281 = arith.constant 16 : i32
    %mul3A_282 = arith.muli %scan3A_280, %mul3A_281 : i32
    %get3A_283 = arith.index_cast %mul3A_282 : i32 to index
    %get3A_284 = tpu.vector_load %arg13[%get3A_283] {strides = array<i32>} : memref<12000xf32, #tpu.memory_space<vmem>>, vector<16xf32>,
    %get3A_285 = vector.shape_cast %get3A_284 : vector<16xf32> to vector<16xf32>
    %get3A_286 = arith.index_cast %mul3A_282 : i32 to index
    %get3A_287 = tpu.vector_load %arg12[%get3A_286] {strides = array<i32>} : memref<12000xf32, #tpu.memory_space<vmem>>, vector<16xf32>,
    %get3A_288 = vector.shape_cast %get3A_287 : vector<16xf32> to vector<16xf32>
    %sub3A_289 = arith.subf %get3A_285, %get3A_288 : vector<16xf32>
    %add3A_290 = arith.constant 4000 : i32
    %add3A_291 = arith.addi %add3A_290, %mul3A_282 : i32
    %get3A_292 = arith.index_cast %add3A_291 : i32 to index
    %get3A_293 = tpu.vector_load %arg13[%get3A_292] {strides = array<i32>} : memref<12000xf32, #tpu.memory_space<vmem>>, vector<16xf32>,
    %get3A_294 = vector.shape_cast %get3A_293 : vector<16xf32> to vector<16xf32>
    %add3A_295 = arith.constant 4000 : i32
    %add3A_296 = arith.addi %add3A_295, %mul3A_282 : i32
    %get3A_297 = arith.index_cast %add3A_296 : i32 to index
    %get3A_298 = tpu.vector_load %arg12[%get3A_297] {strides = array<i32>} : memref<12000xf32, #tpu.memory_space<vmem>>, vector<16xf32>,
    %get3A_299 = vector.shape_cast %get3A_298 : vector<16xf32> to vector<16xf32>
    %sub3A_300 = arith.subf %get3A_294, %get3A_299 : vector<16xf32>
    %add3A_301 = arith.constant 8000 : i32
    %add3A_302 = arith.addi %add3A_301, %mul3A_282 : i32
    %get3A_303 = arith.index_cast %add3A_302 : i32 to index
    %get3A_304 = tpu.vector_load %arg13[%get3A_303] {strides = array<i32>} : memref<12000xf32, #tpu.memory_space<vmem>>, vector<16xf32>,
    %get3A_305 = vector.shape_cast %get3A_304 : vector<16xf32> to vector<16xf32>
    %add3A_306 = arith.constant 8000 : i32
    %add3A_307 = arith.addi %add3A_306, %mul3A_282 : i32
    %get3A_308 = arith.index_cast %add3A_307 : i32 to index
    %get3A_309 = tpu.vector_load %arg12[%get3A_308] {strides = array<i32>} : memref<12000xf32, #tpu.memory_space<vmem>>, vector<16xf32>,
    %get3A_310 = vector.shape_cast %get3A_309 : vector<16xf32> to vector<16xf32>
    %sub3A_311 = arith.subf %get3A_305, %get3A_310 : vector<16xf32>
    %swap3A_312 = arith.index_cast %mul3A_282 : i32 to index
    %swap3A_313 = tpu.vector_load %arg16[%swap3A_312] {strides = array<i32>} : memref<12000xf32, #tpu.memory_space<vmem>>, vector<16xf32>,
    %swap3A_314 = vector.shape_cast %swap3A_313 : vector<16xf32> to vector<16xf32>
    %swap3A_315 = vector.shape_cast %sub3A_289 : vector<16xf32> to vector<16xf32>
    tpu.vector_store %arg16[%swap3A_312], %swap3A_315 {strides = array<i32>} : memref<12000xf32, #tpu.memory_space<vmem>>, vector<16xf32>,
    %add3A_316 = arith.constant 4000 : i32
    %add3A_317 = arith.addi %add3A_316, %mul3A_282 : i32
    %swap3A_318 = arith.index_cast %add3A_317 : i32 to index
    %swap3A_319 = tpu.vector_load %arg16[%swap3A_318] {strides = array<i32>} : memref<12000xf32, #tpu.memory_space<vmem>>, vector<16xf32>,
    %swap3A_320 = vector.shape_cast %swap3A_319 : vector<16xf32> to vector<16xf32>
    %swap3A_321 = vector.shape_cast %sub3A_300 : vector<16xf32> to vector<16xf32>
    tpu.vector_store %arg16[%swap3A_318], %swap3A_321 {strides = array<i32>} : memref<12000xf32, #tpu.memory_space<vmem>>, vector<16xf32>,
    %add3A_322 = arith.constant 8000 : i32
    %add3A_323 = arith.addi %add3A_322, %mul3A_282 : i32
    %swap3A_324 = arith.index_cast %add3A_323 : i32 to index
    %swap3A_325 = tpu.vector_load %arg16[%swap3A_324] {strides = array<i32>} : memref<12000xf32, #tpu.memory_space<vmem>>, vector<16xf32>,
    %swap3A_326 = vector.shape_cast %swap3A_325 : vector<16xf32> to vector<16xf32>
    %swap3A_327 = vector.shape_cast %sub3A_311 : vector<16xf32> to vector<16xf32>
    tpu.vector_store %arg16[%swap3A_324], %swap3A_327 {strides = array<i32>} : memref<12000xf32, #tpu.memory_space<vmem>>, vector<16xf32>,
    %mul3A_328 = arith.mulf %sub3A_289, %sub3A_289 : vector<16xf32>
    %mul3A_329 = arith.mulf %sub3A_300, %sub3A_300 : vector<16xf32>
    %add3A_330 = arith.addf %mul3A_328, %mul3A_329 : vector<16xf32>
    %mul3A_331 = arith.mulf %sub3A_311, %sub3A_311 : vector<16xf32>
    %add3A_332 = arith.addf %add3A_330, %mul3A_331 : vector<16xf32>
    %bitcast_convert_type3A_333 = tpu.bitcast %add3A_332 : vector<16xf32> -> vector<16xi32>
    %shift_right_logical3A_334 = arith.constant 1 : i32
    %shift_right_logical3A_335 = vector.broadcast %shift_right_logical3A_334 : i32 to vector<16xi32>
    %shift_right_logical3A_336 = arith.shrui %bitcast_convert_type3A_333, %shift_right_logical3A_335 : vector<16xi32>
    %sub3A_337 = arith.constant 1597463007 : i32
    %sub3A_338 = vector.broadcast %sub3A_337 : i32 to vector<16xi32>
    %sub3A_339 = arith.subi %sub3A_338, %shift_right_logical3A_336 : vector<16xi32>
    %bitcast_convert_type3A_340 = tpu.bitcast %sub3A_339 : vector<16xi32> -> vector<16xf32>
    %mul3A_341 = arith.constant 5.000000e-01 : f32
    %mul3A_342 = vector.broadcast %mul3A_341 : f32 to vector<16xf32>
    %mul3A_343 = arith.mulf %mul3A_342, %add3A_332 : vector<16xf32>
    %mul3A_344 = arith.mulf %mul3A_343, %bitcast_convert_type3A_340 : vector<16xf32>
    %mul3A_345 = arith.mulf %mul3A_344, %bitcast_convert_type3A_340 : vector<16xf32>
    %sub3A_346 = arith.constant 1.500000e+00 : f32
    %sub3A_347 = vector.broadcast %sub3A_346 : f32 to vector<16xf32>
    %sub3A_348 = arith.subf %sub3A_347, %mul3A_345 : vector<16xf32>
    %mul3A_349 = arith.mulf %bitcast_convert_type3A_340, %sub3A_348 : vector<16xf32>
    %mul3A_350 = arith.constant 5.000000e-01 : f32
    %mul3A_351 = vector.broadcast %mul3A_350 : f32 to vector<16xf32>
    %mul3A_352 = arith.mulf %mul3A_351, %add3A_332 : vector<16xf32>
    %mul3A_353 = arith.mulf %mul3A_352, %mul3A_349 : vector<16xf32>
    %mul3A_354 = arith.mulf %mul3A_353, %mul3A_349 : vector<16xf32>
    %sub3A_355 = arith.constant 1.500000e+00 : f32
    %sub3A_356 = vector.broadcast %sub3A_355 : f32 to vector<16xf32>
    %sub3A_357 = arith.subf %sub3A_356, %mul3A_354 : vector<16xf32>
    %mul3A_358 = arith.mulf %mul3A_349, %sub3A_357 : vector<16xf32>
    %mul3A_359 = arith.mulf %add3A_332, %mul3A_358 : vector<16xf32>
    %swap3A_360 = arith.index_cast %mul3A_282 : i32 to index
    %swap3A_361 = tpu.vector_load %arg17[%swap3A_360] {strides = array<i32>} : memref<4000xf32, #tpu.memory_space<vmem>>, vector<16xf32>,
    %swap3A_362 = vector.shape_cast %swap3A_361 : vector<16xf32> to vector<16xf32>
    %swap3A_363 = vector.shape_cast %mul3A_359 : vector<16xf32> to vector<16xf32>
    tpu.vector_store %arg17[%swap3A_360], %swap3A_363 {strides = array<i32>} : memref<4000xf32, #tpu.memory_space<vmem>>, vector<16xf32>,
    %scan3A_364 = arith.constant 250 : i32
    %add3A_365 = arith.constant 0 : i32
    %add3A_366 = arith.addi %add3A_365, %add3A_191 : i32
    "tpu.region"() ({
      %run_scoped3A = tpu.sem_alloc : memref<!tpu.dma_semaphore, #tpu.memory_space<semaphore_mem>>
      %dma_start3A_371 = arith.constant 0 : i32
      %dma_start3A_372 = tpu.memref_slice %arg16[%dma_start3A_371] : memref<12000xf32, #tpu.memory_space<vmem>> -> memref<4000xf32, #tpu.memory_space<vmem>>
      %dma_start3A_373 = tpu.memref_slice %arg4[%add3A_366] : memref<9600000xf32, #tpu.memory_space<hbm>> -> memref<4000xf32, #tpu.memory_space<hbm>>
      %dma_start3A_374 = tpu.memref_slice %arg4[%add3A_366] : memref<9600000xf32, #tpu.memory_space<hbm>> -> memref<4000xf32, #tpu.memory_space<hbm>>
      %dma_start3A_375 = arith.constant 0 : i32
      %dma_start3A_376 = tpu.memref_slice %arg16[%dma_start3A_375] : memref<12000xf32, #tpu.memory_space<vmem>> -> memref<4000xf32, #tpu.memory_space<vmem>>
      tpu.enqueue_dma source(%dma_start3A_376 : memref<4000xf32, #tpu.memory_space<vmem>>) target(%dma_start3A_374 : memref<4000xf32, #tpu.memory_space<hbm>>) target_semaphore(%run_scoped3A : memref<!tpu.dma_semaphore, #tpu.memory_space<semaphore_mem>>)
      %dma_wait3A_377 = arith.constant 0 : i32
      %dma_wait3A_378 = tpu.memref_slice %arg16[%dma_wait3A_377] : memref<12000xf32, #tpu.memory_space<vmem>> -> memref<4000xf32, #tpu.memory_space<vmem>>
      %dma_wait3A_379 = tpu.memref_slice %arg4[%add3A_366] : memref<9600000xf32, #tpu.memory_space<hbm>> -> memref<4000xf32, #tpu.memory_space<hbm>>
      %dma_wait3A_380 = tpu.memref_slice %arg4[%add3A_366] : memref<9600000xf32, #tpu.memory_space<hbm>> -> memref<4000xf32, #tpu.memory_space<hbm>>
      %dma_wait3A_381 = arith.constant 0 : i32
      %dma_wait3A_382 = tpu.memref_slice %arg16[%dma_wait3A_381] : memref<12000xf32, #tpu.memory_space<vmem>> -> memref<4000xf32, #tpu.memory_space<vmem>>
      tpu.wait_dma2 semaphore(%run_scoped3A : memref<!tpu.dma_semaphore, #tpu.memory_space<semaphore_mem>>) src(%dma_wait3A_382 : memref<4000xf32, #tpu.memory_space<vmem>>) dst(%dma_wait3A_380 : memref<4000xf32, #tpu.memory_space<hbm>>)
      tpu.yield
    }) : () -> ()
    %add3A_367 = arith.constant 3200000 : i32
    %add3A_368 = arith.addi %add3A_367, %add3A_191 : i32
    "tpu.region"() ({
      %run_scoped3A = tpu.sem_alloc : memref<!tpu.dma_semaphore, #tpu.memory_space<semaphore_mem>>
      %dma_start3A_371 = arith.constant 4000 : i32
      %dma_start3A_372 = tpu.memref_slice %arg16[%dma_start3A_371] : memref<12000xf32, #tpu.memory_space<vmem>> -> memref<4000xf32, #tpu.memory_space<vmem>>
      %dma_start3A_373 = tpu.memref_slice %arg4[%add3A_368] : memref<9600000xf32, #tpu.memory_space<hbm>> -> memref<4000xf32, #tpu.memory_space<hbm>>
      %dma_start3A_374 = tpu.memref_slice %arg4[%add3A_368] : memref<9600000xf32, #tpu.memory_space<hbm>> -> memref<4000xf32, #tpu.memory_space<hbm>>
      %dma_start3A_375 = arith.constant 4000 : i32
      %dma_start3A_376 = tpu.memref_slice %arg16[%dma_start3A_375] : memref<12000xf32, #tpu.memory_space<vmem>> -> memref<4000xf32, #tpu.memory_space<vmem>>
      tpu.enqueue_dma source(%dma_start3A_376 : memref<4000xf32, #tpu.memory_space<vmem>>) target(%dma_start3A_374 : memref<4000xf32, #tpu.memory_space<hbm>>) target_semaphore(%run_scoped3A : memref<!tpu.dma_semaphore, #tpu.memory_space<semaphore_mem>>)
      %dma_wait3A_377 = arith.constant 4000 : i32
      %dma_wait3A_378 = tpu.memref_slice %arg16[%dma_wait3A_377] : memref<12000xf32, #tpu.memory_space<vmem>> -> memref<4000xf32, #tpu.memory_space<vmem>>
      %dma_wait3A_379 = tpu.memref_slice %arg4[%add3A_368] : memref<9600000xf32, #tpu.memory_space<hbm>> -> memref<4000xf32, #tpu.memory_space<hbm>>
      %dma_wait3A_380 = tpu.memref_slice %arg4[%add3A_368] : memref<9600000xf32, #tpu.memory_space<hbm>> -> memref<4000xf32, #tpu.memory_space<hbm>>
      %dma_wait3A_381 = arith.constant 4000 : i32
      %dma_wait3A_382 = tpu.memref_slice %arg16[%dma_wait3A_381] : memref<12000xf32, #tpu.memory_space<vmem>> -> memref<4000xf32, #tpu.memory_space<vmem>>
      tpu.wait_dma2 semaphore(%run_scoped3A : memref<!tpu.dma_semaphore, #tpu.memory_space<semaphore_mem>>) src(%dma_wait3A_382 : memref<4000xf32, #tpu.memory_space<vmem>>) dst(%dma_wait3A_380 : memref<4000xf32, #tpu.memory_space<hbm>>)
      tpu.yield
    }) : () -> ()
    %add3A_369 = arith.constant 6400000 : i32
    %add3A_370 = arith.addi %add3A_369, %add3A_191 : i32
    "tpu.region"() ({
      %run_scoped3A = tpu.sem_alloc : memref<!tpu.dma_semaphore, #tpu.memory_space<semaphore_mem>>
      %dma_start3A_371 = arith.constant 8000 : i32
      %dma_start3A_372 = tpu.memref_slice %arg16[%dma_start3A_371] : memref<12000xf32, #tpu.memory_space<vmem>> -> memref<4000xf32, #tpu.memory_space<vmem>>
      %dma_start3A_373 = tpu.memref_slice %arg4[%add3A_370] : memref<9600000xf32, #tpu.memory_space<hbm>> -> memref<4000xf32, #tpu.memory_space<hbm>>
      %dma_start3A_374 = tpu.memref_slice %arg4[%add3A_370] : memref<9600000xf32, #tpu.memory_space<hbm>> -> memref<4000xf32, #tpu.memory_space<hbm>>
      %dma_start3A_375 = arith.constant 8000 : i32
      %dma_start3A_376 = tpu.memref_slice %arg16[%dma_start3A_375] : memref<12000xf32, #tpu.memory_space<vmem>> -> memref<4000xf32, #tpu.memory_space<vmem>>
      tpu.enqueue_dma source(%dma_start3A_376 : memref<4000xf32, #tpu.memory_space<vmem>>) target(%dma_start3A_374 : memref<4000xf32, #tpu.memory_space<hbm>>) target_semaphore(%run_scoped3A : memref<!tpu.dma_semaphore, #tpu.memory_space<semaphore_mem>>)
      %dma_wait3A_377 = arith.constant 8000 : i32
      %dma_wait3A_378 = tpu.memref_slice %arg16[%dma_wait3A_377] : memref<12000xf32, #tpu.memory_space<vmem>> -> memref<4000xf32, #tpu.memory_space<vmem>>
      %dma_wait3A_379 = tpu.memref_slice %arg4[%add3A_370] : memref<9600000xf32, #tpu.memory_space<hbm>> -> memref<4000xf32, #tpu.memory_space<hbm>>
      %dma_wait3A_380 = tpu.memref_slice %arg4[%add3A_370] : memref<9600000xf32, #tpu.memory_space<hbm>> -> memref<4000xf32, #tpu.memory_space<hbm>>
      %dma_wait3A_381 = arith.constant 8000 : i32
      %dma_wait3A_382 = tpu.memref_slice %arg16[%dma_wait3A_381] : memref<12000xf32, #tpu.memory_space<vmem>> -> memref<4000xf32, #tpu.memory_space<vmem>>
      tpu.wait_dma2 semaphore(%run_scoped3A : memref<!tpu.dma_semaphore, #tpu.memory_space<semaphore_mem>>) src(%dma_wait3A_382 : memref<4000xf32, #tpu.memory_space<vmem>>) dst(%dma_wait3A_380 : memref<4000xf32, #tpu.memory_space<hbm>>)
      tpu.yield
    }) : () -> ()
    "tpu.region"() ({
      %run_scoped3A = tpu.sem_alloc : memref<!tpu.dma_semaphore, #tpu.memory_space<semaphore_mem>>
      %dma_start3A_371 = tpu.memref_slice %arg5[%add3A_191] : memref<3200000xf32, #tpu.memory_space<hbm>> -> memref<4000xf32, #tpu.memory_space<hbm>>
      %dma_start3A_372 = tpu.memref_slice %arg5[%add3A_191] : memref<3200000xf32, #tpu.memory_space<hbm>> -> memref<4000xf32, #tpu.memory_space<hbm>>
      tpu.enqueue_dma source(%arg17 : memref<4000xf32, #tpu.memory_space<vmem>>) target(%dma_start3A_372 : memref<4000xf32, #tpu.memory_space<hbm>>) target_semaphore(%run_scoped3A : memref<!tpu.dma_semaphore, #tpu.memory_space<semaphore_mem>>)
      %dma_wait3A_373 = tpu.memref_slice %arg5[%add3A_191] : memref<3200000xf32, #tpu.memory_space<hbm>> -> memref<4000xf32, #tpu.memory_space<hbm>>
      %dma_wait3A_374 = tpu.memref_slice %arg5[%add3A_191] : memref<3200000xf32, #tpu.memory_space<hbm>> -> memref<4000xf32, #tpu.memory_space<hbm>>
      tpu.wait_dma2 semaphore(%run_scoped3A : memref<!tpu.dma_semaphore, #tpu.memory_space<semaphore_mem>>) src(%arg17 : memref<4000xf32, #tpu.memory_space<vmem>>) dst(%dma_wait3A_374 : memref<4000xf32, #tpu.memory_space<hbm>>)
      tpu.yield
    }) : () -> ()
    return
  }
}

</mosaic_0001>

<sc_bundles>
// kernel: kernel.3.cloned.1.call-start
scs
__scs_entry_jumppad:
0x0: {  	(pc) =	sbr.rel $0x88, $3  }
0x1: {  	(tag) =	ssettag $0x0;
	lr =	simm.s32 $0x1  }
0x2: {  	[smem:$0x3F9F] =	sst lr;
	_ =	strace $0xD0000000  }
0x3: {  	_ = 	snop  }
0x4: {  	_ = 	snop  }
0x5: {  	_ = 	snop  }
0x6: {  	_ = 	snop  }
0x7: {  	_ = 	snop  }
__scs_overlays_trampoline_lowered:
0x8: {  	[smem:$0x3FAE] =	sst s0  }
0x9: {  	[smem:$0x3FAF] =	sst s1  }
0xa: {  	[smem:$0x3FB0] =	sst s2  }
0xb: {  	[smem:$0x3FB1] =	sst s3  }
0xc: {  	[smem:$0x3FB2] =	sst s4  }
0xd: {  	[smem:$0x3FB3] =	sst s5  }
0xe: {  	[smem:$0x3FB4] =	sst s6  }
0xf: {  	[smem:$0x3FB5] =	sst s7  }
0x10: {  	[smem:$0x3FB6] =	sst s8  }
0x11: {  	[smem:$0x3FB7] =	sst s9;
	s0 =	simm.s32 @!p0 $0x0  }
0x12: {  	s1 =	sld [smem:$0x3F9D];
	s0 =	simm.s32 @p0 $0x1  }
0x13: {  	[smem:$0x3FB8] =	sst s0;
	s0 =	simm.s32 @!p1 $0x0  }
0x14: {  	s2 =	sld [smem:$0x3F9C];
	s0 =	simm.s32 @p1 $0x1  }
0x15: {  	[smem:$0x3FB9] =	sst s0;
	s0 =	simm.s32 @!p2 $0x0  }
0x16: {  	s3 =	sld [smem:$0x3FDB];
	s0 =	simm.s32 @p2 $0x1  }
0x17: {  	s4 =	simm.s32 $0x1BF5;
	[smem:$0x3FBB] =	sst s0  }
0x18: {  	s0 =	sld [smem:$0x3F9E];
	_ =	swait.ge [sflag:s4], $0x0  }
0x19: {  	s7 =	sld [smem:$0x3F9F]  }
0x1a: {  	s8 =	sadd.s32 $0xFFFFE003, lr  }
0x1b: {  	s9 =	sadd.s32 $0xFFFFFEF7, lr;
	s5 =	simm.s32 $0xFFFFFFFF;
	p2 =	slt.u32 s8, $0xFFFFF086  }
0x1c: {  	p1 =	slt.u32 s9, $0xF7A;
	s5 =	simm.s32 @!p2 $0x0  }
0x1d: {  	s5 =	simm.s32 @p1 $0x1;
	p0 =	seq.s32 s7, s2  }
0x1e: {  	s7 =	smul.u32 @!p0 $0xF7A, s2;
	p2 =	seq.s32 @!p0 s5, $0x0  }
0x1f: {  	s9 =	smul.u32 $0xF7A, s1;
	s8 =	simm.s32 @!p0 $0x1BF5;
	p2 =	por !p2, p0  }
0x20: {  	[sflag:s8] =	ssyncset.s32 @!p0 $0xFFFFF086;
	s6 =	sadd.s32 @!p0 s3, s7;
	s7 =	simm.s32 @!p0 $0x108  }
0x21: {  	s3 =	sadd.s32 s3, s9;
	s6 =	sadd.s32 @!p0 $0x88, s6;
	s7 =	simm.s32 @p2 $0x1082  }
0x22: {  	[simem:s7], [sflag:s8] =	dma.local @!p0 [hbm:s6], $0xF7A  }
0x23: {  	s9 =	sor.u32 $0xD0000000, s2;
	s6 =	simm.s32 $0x108;
	_ =	swait.ge @!p0 [sflag:s8], $0x0  }
0x24: {  	s3 =	sadd.s32 $0x88, s3;
	s6 =	simm.s32 @!p1 $0x1082;
	[sflag:s4] =	ssyncset.s32 $0xFFFFF086  }
0x25: {  	[simem:s6], [sflag:s4] =	dma.local [hbm:s3], $0xF7A  }
0x26: {  	[smem:$0x3F9F] =	sst s1;
	(tag) =	ssettag s2;
	_ =	strace s9  }
0x27: {  	s1 =	sld [smem:$0x3FAF]  }
0x28: {  	s2 =	sld [smem:$0x3FB0]  }
0x29: {  	s4 =	sld [smem:$0x3FB2]  }
0x2a: {  	p0 =	seq.s32 s5, $0x0;
	s5 =	sld [smem:$0x3FB3]  }
0x2b: {  	s6 =	sld [smem:$0x3FB4]  }
0x2c: {  	s7 =	sld [smem:$0x3FB5]  }
0x2d: {  	s3 =	simm.s32 $0x108;
	s8 =	sld [smem:$0x3FB6]  }
0x2e: {  	s3 =	simm.s32 @!p0 $0x1082;
	s9 =	sld [smem:$0x3FB7]  }
0x2f: {  	lr =	sadd.s32 s0, s3;
	s0 =	sld [smem:$0x3FAE]  }
0x30: {  	s3 =	sld [smem:$0x3FB1]  }
0x31: {  	[smem:$0x3FBA] =	sst s10  }
0x32: {  	s10 =	sld [smem:$0x3FB8];
	_ =	sdelay $0x3  }
0x33: {  	p0 =	seq.s32 s10, $0x1;
	s10 =	sld [smem:$0x3FBA];
	_ =	sdelay $0x3  }
0x34: {  	[smem:$0x3FBA] =	sst s10  }
0x35: {  	s10 =	sld [smem:$0x3FB9];
	_ =	sdelay $0x3  }
0x36: {  	p1 =	seq.s32 s10, $0x1;
	s10 =	sld [smem:$0x3FBA];
	_ =	sdelay $0x3  }
0x37: {  	[smem:$0x3FBA] =	sst s10  }
0x38: {  	s10 =	sld [smem:$0x3FBB]  }
0x39: {  	_ = 	snop;
	(pc) =	sbr.ind lr, $3  }
0x3a: {  	_ = 	snop  }
0x3b: {  	_ = 	snop  }
0x3c: {  	p2 =	seq.s32 s10, $0x1;
	s10 =	sld [smem:$0x3FBA]  }
0x3d: {  	_ =	shalt  }
0x3e: {  	_ =	shalt  }
0x3f: {  	_ =	shalt  }
0x40: {  	_ =	shalt  }
0x41: {  	_ =	shalt  }
0x42: {  	_ =	shalt  }
0x43: {  	_ =	shalt  }
0x44: {  	_ =	shalt  }
0x45: {  	_ =	shalt  }
0x46: {  	_ =	shalt  }
0x47: {  	_ =	shalt  }
0x48: {  	_ =	shalt  }
0x49: {  	_ =	shalt  }
0x4a: {  	_ =	shalt  }
0x4b: {  	_ =	shalt  }
0x4c: {  	_ =	shalt  }
0x4d: {  	_ =	shalt  }
0x4e: {  	_ =	shalt  }
0x4f: {  	_ =	shalt  }
0x50: {  	_ =	shalt  }
0x51: {  	_ =	shalt  }
0x52: {  	_ =	shalt  }
0x53: {  	_ =	shalt  }
0x54: {  	_ =	shalt  }
0x55: {  	_ =	shalt  }
0x56: {  	_ =	shalt  }
0x57: {  	_ =	shalt  }
0x58: {  	_ =	shalt  }
0x59: {  	_ =	shalt  }
0x5a: {  	_ =	shalt  }
0x5b: {  	_ =	shalt  }
0x5c: {  	_ =	shalt  }
0x5d: {  	_ =	shalt  }
0x5e: {  	_ =	shalt  }
0x5f: {  	_ =	shalt  }
0x60: {  	_ =	shalt  }
0x61: {  	_ =	shalt  }
0x62: {  	_ =	shalt  }
0x63: {  	_ =	shalt  }
0x64: {  	_ =	shalt  }
0x65: {  	_ =	shalt  }
0x66: {  	_ =	shalt  }
0x67: {  	_ =	shalt  }
0x68: {  	_ =	shalt  }
0x69: {  	_ =	shalt  }
0x6a: {  	_ =	shalt  }
0x6b: {  	_ =	shalt  }
0x6c: {  	_ =	shalt  }
0x6d: {  	_ =	shalt  }
0x6e: {  	_ =	shalt  }
0x6f: {  	_ =	shalt  }
0x70: {  	_ =	shalt  }
0x71: {  	_ =	shalt  }
0x72: {  	_ =	shalt  }
0x73: {  	_ =	shalt  }
0x74: {  	_ =	shalt  }
0x75: {  	_ =	shalt  }
0x76: {  	_ =	shalt  }
0x77: {  	_ =	shalt  }
0x78: {  	_ =	shalt  }
0x79: {  	_ =	shalt  }
0x7a: {  	_ =	shalt  }
0x7b: {  	_ =	shalt  }
0x7c: {  	_ =	shalt  }
0x7d: {  	_ =	shalt  }
0x7e: {  	_ =	shalt  }
0x7f: {  	_ =	shalt  }
0x80: {  	_ =	shalt  }
0x81: {  	_ =	shalt  }
0x82: {  	_ =	shalt  }
0x83: {  	_ =	shalt  }
0x84: {  	_ =	shalt  }
0x85: {  	_ =	shalt  }
0x86: {  	_ =	shalt  }
0x87: {  	_ =	shalt  }
.Lfunc_end0:
.L_simem_size_0:
called_computation_lowered:
.L_overlay_start_0:
0x88: {  	s2 =	sld [smem:$0x3FD9]  }
0x89: {  	s3 =	sld [smem:$0x3FFE];
	_ =	sdelay $0x1  }
0x8a: {  	s1 =	srdreg.scid  }
0x8b: {  	s0 =	sand.u32 $0x1, s1  }
0x8c: {  	s14 =	sshll.u32 s0, $0xA;
	s2 =	sadd.s32 s3, s2  }
0x8d: {  	s2 =	sadd.s32 s2, s14  }
0x8e: {  	[smem:$0x3FC6] =	sst s2  }
0x8f: {  	_ = 	snop  }
0x90: {  	s2 =	sld [smem:$0x3FD0];
	_ =	sdelay $0x2  }
0x91: {  	s15 =	simm.s32 $0xA;
	s4 =	simm.s32 $0x10  }
0x92: {  	[smem:s4], [sflag:s15] =	dma.local [hbm:s2], $0x1  }
0x93: {  	_ =	swait.eq [sflag:s15], $0x1  }
0x94: {  	[sflag:s15] =	ssyncset.done $0x0  }
0x95: {  	s16 =	sld [smem:$0x10];
	[sflag:s15] =	ssyncadd.s32 $0xFFFFFFFF  }
0x96: {  	s17 =	sld [smem:$0x11];
	(tm) =	ssettm $0x1  }
0x97: {  	s18 =	sld [smem:$0x3FFB];
	_ =	sdelay $0x3  }
0x98: {  	_ =	strace s18  }
0x99: {  	s4 =	sld [smem:$0x3FFC];
	_ =	sdelay $0x3  }
0x9a: {  	_ =	strace s4  }
0x9b: {  	s4 =	sld [smem:$0x3FFD];
	_ =	sdelay $0x3  }
0x9c: {  	_ =	strace s4  }
0x9d: {  	_ =	strace $0x8FFFFFFF  }
0x9e: {  	s19 =	sld [smem:$0x3FDB];
	_ =	sdelay $0x1  }
0x9f: {  	s5 =	simm.s32 $_scs_section_size  }
0xa0: {  	s6 =	simm.s32 $_size__tile_overlayer_lowered;
	s7 =	simm.s32 $_tile_overlayer_lowered  }
0xa1: {  	s22 =	simm.s32 $0x1BFF;
	s21 =	sshll.u32 s7, $0x1;
	s4 =	sadd.s32 s5, s19  }
0xa2: {  	s8 =	simm.s32 $0x0;
	s20 =	sshll.u32 s6, $0x1;
	s6 =	sadd.s32 s21, s4  }
0xa3: {  	[timem:s8], [sflag:s22] =	dma.local [hbm:s6], s20  }
0xa4: {  	_ =	swait.ge [sflag:s22], s20  }
0xa5: {  	s5 =	ssub.s32 $0x0, s20;
	[sflag:s22] =	ssyncset.done $0x0  }
0xa6: {  	[sflag:s22] =	ssyncadd.s32 s5;
	_ =	sdelay $0x1  }
0xa7: {  	s23 =	simm.s32 $0x1B8B  }
0xa8: {  	_ =	swait.ge [sflag:s23], $0x1  }
0xa9: {  	[sflag:s23] =	ssyncset.done $0x0  }
0xaa: {  	s25 =	simm.s32 $0x1B8E;
	s24 =	sld [smem:$0x3FFE];
	[sflag:s23] =	ssyncadd.s32 $0xFFFFFFFF  }
0xab: {  	s26 =	simm.s32 $execute0_lowered;
	[smem:$0x3FD2] =	sst s25  }
0xac: {  	s6 =	sshll.u32 s26, $0x1;
	_ =	strace $0x80000046;
	[dreg:$0x1] =	wrdreg $0xFFFFFFFF  }
0xad: {  	s28 =	simm.s32 $_size_execute0_lowered;
	s4 =	sadd.s32 s4, s6;
	[dreg:$0x0] =	wrdreg $0x0  }
0xae: {  	s6 =	sshll.u32 s28, $0x1;
	[dreg:$0x2] =	wrdreg s4  }
0xaf: {  	[dreg:$0x3] =	wrdreg s6  }
0xb0: {  	[dreg:$0x4] =	wrdreg $0xC0  }
0xb1: {  	_ =	task [dreg:s8], $0x5FFFF  }
0xb2: {  	[dreg:$0x1] =	wrdreg $0xFFFFFFFF  }
0xb3: {  	[dreg:$0x0] =	wrdreg $0x60  }
0xb4: {  	[dreg:$0x2] =	wrdreg s24  }
0xb5: {  	[dreg:$0x3] =	wrdreg s17  }
0xb6: {  	[dreg:$0x4] =	wrdreg s16  }
0xb7: {  	[dreg:$0x5] =	wrdreg $0x9  }
0xb8: {  	_ =	task.clear_ibuf [dreg:s8], $0x6FFFF;
	_ =	strace $0x90000046  }
0xb9: {  	s29 =	simm.s32 $0x9;
	_ =	strace $0x80000048  }
0xba: {  	_ =	swait.ge [sflag:s29], $0x1  }
0xbb: {  	[sflag:s29] =	ssyncadd.s32 $0xFFFFFFFF  }
0xbc: {  	_ =	strace $0x90000048  }
0xbd: {  	_ =	sfence  }
0xbe: {  	s30 =	sld [smem:$0x0];
	_ =	sdelay $0x2  }
0xbf: {  	s31 =	sshll.u32 s1, $0xD;
	s1 =	sshrl.u32 s1, $0x2  }
0xc0: {  	s3 =	sand.u32 $0x4000, s31;
	s1 =	sadd.s32 s1, s30  }
0xc1: {  	s0 =	sor.u32 s3, s0;
	s1 =	sshll.u32 s1, $0x11  }
0xc2: {  	s0 =	sor.u32 s1, s0  }
0xc3: {  	s0 =	sadd.s32 $0x8F2B, s0  }
0xc4: {  	[sflag:s0] =	ssyncadd.remote.s32 $0x1  }
0xc5: {  	_ =	sfence.sel $0xFFFF  }
0xc6: {  	[dreg:$0x0] =	wrdreg $0xFFFFFFFF;
	(pc) =	sbr.abs _section_cstart, $3  }
0xc7: {  	[dreg:$0x1] =	wrdreg $0xFFFFFFFF  }
0xc8: {  	_ =	task.clear_ibuf [dreg:s8], $0x2FFFF;
	_ =	strace $0x9FFFFFFF  }
0xc9: {  	(tm) =	ssettm $0x7FFFFFFF  }
tec
execute0_lowered:
.L_overlay_start_1:
0x0: {  	(tag) =	ssettag $0x1  }
0x1: {  	s0 =	rddreg [dreg:$0x0]  }
0x2: {  	s2 =	rddreg [dreg:$0x1];
	s1 =	srdreg.scid  }
0x3: {  	s4 =	stileid.u32;
	s3 =	rddreg [dreg:$0x2]  }
0x4: {  	s17 =	simm.s32 $0x5;
	s18 =	simm.s32 $0xFA0;
	s19 =	simm.s32 $0x2EE0  }
0x5: {  	s22 =	simm.s32 $0x4E20;
	s29 =	simm.s32 $0x1;
	s30 =	simm.s32 $0x2  }
0x6: {  	s31 =	simm.s32 $0x19640;
	s12 =	simm.s32 $0x3;
	s13 =	simm.s32 $0x4  }
0x7: {  	s14 =	simm.s32 $0x0;
	s1 =	sand.u32 $0x1, s1;
	s5 =	sshll.u32 s4, $0x1  }
0x8: {  	s4 =	simm.s32 $0x0;
	s5 =	sor.u32 s1, s5;
	s1 =	ssub.s32 $0x2, s1  }
0x9: {  	s6 =	sadd.s32 $0xC00, s0;
	s5 =	smul.u32 $0x186A0, s5;
	s8 =	sshrl.u32 s1, $0x1  }
0xa: {  	s7 =	sadd.s32 $0xC4200, s0;
	[smem:$0x7FF] =	sst s4;
	s23 =	ssub.s32 s1, s8  }
0xb: {  	_ =	strace $0x80000047;
	s9 =	sshrl.u32 s5, $0x3;
	s0 =	smax.u32 s23, $0x1  }
0xc: {  	s10 =	sadd.s32 $0xFA0, s5;
	s24 =	sadd.s32 s6, s9;
	[dreg:$0xa] =	wrdreg s0  }
0xd: {  	s25 =	sadd.s32 $0x2EE0, s9;
	[dreg:$0x4] =	wrdreg s24;
	s1 =	sadd.s32 $0x61A80, s24  }
0xe: {  	s28 =	sadd.s32 s2, s9;
	s26 =	sadd.s32 s2, s25;
	[dreg:$0x5] =	wrdreg s1  }
0xf: {  	s11 =	sadd.s32 $0x1F40, s5;
	s9 =	sadd.s32 $0x64960, s28;
	[dreg:$0x6] =	wrdreg s26  }
0x10: {  	s23 =	simm.s32 $0x109A0;
	s8 =	sadd.s32 $0xC63E0, s28;
	[dreg:$0x7] =	wrdreg s9  }
0x11: {  	s0 =	simm.s32 $0x1B580;
	[dreg:$0x8] =	wrdreg s8;
	s1 =	sadd.s32 s3, s25  }
0x12: {  	s9 =	simm.s32 $0x1C520;
	[dreg:$0x9] =	wrdreg s1;
	s1 =	simm.s32 $0x1A5E0  }
.LBB2_1:
0x13: {  	[dreg:$0xb] =	wrdreg s14  }
0x14: {  	s8 =	rddreg [dreg:$0x4]  }
0x15: {  	[tilespmem:s4], [sflag:$0x5] =	stream.linear.gather [hbm4b:s8+s4], $0xFA0, $0x38;
	[tilespmem:$0x1D4C0] =	vst v63  }
0x16: {  	_ =	swait.ge [sflag:s17], $0xFA0  }
0x17: {  	[sflag:s17] =	ssyncset.done $0x0  }
0x18: {  	s28 =	rddreg [dreg:$0x5];
	[sflag:s17] =	ssyncadd.s32 $0xFFFFF060  }
0x19: {  	[tilespmem:s18], [sflag:$0x5] =	stream.linear.gather [hbm4b:s28+s4], $0xFA0, $0x38;
	[tilespmem:$0x1D4C0] =	vst v63  }
0x1a: {  	_ =	swait.ge [sflag:s17], $0xFA0  }
0x1b: {  	[sflag:s17] =	ssyncset.done $0x0  }
0x1c: {  	s8 =	simm.s32 $0x20;
	[sflag:s17] =	ssyncadd.s32 $0xFFFFF060  }
0x1d: {  	s14 =	simm.s32 $0xFC0;
	v0 =	vld [tilespmem:s8+$0xFFFFFFE0]  }
0x1e: {  	v1 =	vld [tilespmem:s14+$0xFFFFFFE0];
	_ =	sdelay $0x3  }
0x1f: {  	v0 =	vmul.u32 $0x3, v0  }
0x20: {  	s20 =	simm.s32 $0x2F00;
	v1 =	vmul.u32 $0x3, v1  }
0x21: {  	s15 =	simm.s32 $0x5DE0;
	[tilespmem:s20+$0xFFFFF040] =	vst v0  }
0x22: {  	v2 =	vadd.s32 $0x1, v0;
	[tilespmem:s15+$0xFFFFF040] =	vst v1  }
0x23: {  	[tilespmem:s20+$0xFFFFFFE0] =	vst v2;
	v2 =	vadd.s32 $0x1, v1  }
0x24: {  	v0 =	vadd.s32 $0x2, v0;
	[tilespmem:s15+$0xFFFFFFE0] =	vst v2  }
0x25: {  	[tilespmem:s20+$0xF80] =	vst v0;
	v0 =	vadd.s32 $0x2, v1  }
0x26: {  	[tilespmem:s15+$0xF80] =	vst v0  }
0x27: {  	v0 =	vld [tilespmem:s8+$0xFFFFFFF0]  }
0x28: {  	v1 =	vld [tilespmem:s14+$0xFFFFFFF0];
	_ =	sdelay $0x3  }
0x29: {  	v0 =	vmul.u32 $0x3, v0  }
0x2a: {  	v1 =	vmul.u32 $0x3, v1  }
0x2b: {  	[tilespmem:s20+$0xFFFFF050] =	vst v0  }
0x2c: {  	v2 =	vadd.s32 $0x1, v0;
	[tilespmem:s15+$0xFFFFF050] =	vst v1  }
0x2d: {  	[tilespmem:s20+$0xFFFFFFF0] =	vst v2;
	v2 =	vadd.s32 $0x1, v1  }
0x2e: {  	v0 =	vadd.s32 $0x2, v0;
	[tilespmem:s15+$0xFFFFFFF0] =	vst v2  }
0x2f: {  	[tilespmem:s20+$0xF90] =	vst v0;
	v0 =	vadd.s32 $0x2, v1  }
0x30: {  	[tilespmem:s15+$0xF90] =	vst v0  }
0x31: {  	v0 =	vld [tilespmem:s8+$0x0]  }
0x32: {  	v1 =	vld [tilespmem:s14+$0x0];
	_ =	sdelay $0x3  }
0x33: {  	v0 =	vmul.u32 $0x3, v0  }
0x34: {  	v1 =	vmul.u32 $0x3, v1  }
0x35: {  	[tilespmem:s20+$0xFFFFF060] =	vst v0  }
0x36: {  	v2 =	vadd.s32 $0x1, v0;
	[tilespmem:s15+$0xFFFFF060] =	vst v1  }
0x37: {  	[tilespmem:s20+$0x0] =	vst v2;
	v2 =	vadd.s32 $0x1, v1  }
0x38: {  	v0 =	vadd.s32 $0x2, v0;
	[tilespmem:s15+$0x0] =	vst v2  }
0x39: {  	[tilespmem:s20+$0xFA0] =	vst v0;
	v0 =	vadd.s32 $0x2, v1  }
0x3a: {  	[tilespmem:s15+$0xFA0] =	vst v0  }
0x3b: {  	v0 =	vld [tilespmem:s8+$0x10]  }
0x3c: {  	v1 =	vld [tilespmem:s14+$0x10];
	_ =	sdelay $0x3  }
0x3d: {  	v0 =	vmul.u32 $0x3, v0  }
0x3e: {  	v1 =	vmul.u32 $0x3, v1  }
0x3f: {  	[tilespmem:s20+$0xFFFFF070] =	vst v0  }
0x40: {  	v2 =	vadd.s32 $0x1, v0;
	[tilespmem:s15+$0xFFFFF070] =	vst v1  }
0x41: {  	[tilespmem:s20+$0x10] =	vst v2;
	v2 =	vadd.s32 $0x1, v1  }
0x42: {  	v0 =	vadd.s32 $0x2, v0;
	[tilespmem:s15+$0x10] =	vst v2  }
0x43: {  	s16 =	simm.s32 $0x0;
	s21 =	simm.s32 $0x2F40;
	[tilespmem:s20+$0xFB0] =	vst v0;
	v0 =	vadd.s32 $0x2, v1;
	s20 =	simm.s32 $0x5E20  }
.LBB2_2:
0x44: {  	s16 =	sadd.s32 $0x4, s16;
	[tilespmem:s15+$0xFB0] =	vst v0;
	s8 =	sadd.s32 $0x40, s8;
	s14 =	sadd.s32 $0x40, s14  }
0x45: {  	s15 =	smov.u32 s20;
	v0 =	vld [tilespmem:s8+$0xFFFFFFE0];
	p0 =	slt.u32 s16, $0xF4  }
0x46: {  	v1 =	vld [tilespmem:s14+$0xFFFFFFE0];
	_ =	sdelay $0x3  }
0x47: {  	v0 =	vmul.u32 $0x3, v0  }
0x48: {  	v1 =	vmul.u32 $0x3, v1  }
0x49: {  	[tilespmem:s21+$0xFFFFF040] =	vst v0  }
0x4a: {  	v2 =	vadd.s32 $0x1, v0;
	[tilespmem:s20+$0xFFFFF040] =	vst v1  }
0x4b: {  	[tilespmem:s21+$0xFFFFFFE0] =	vst v2;
	v2 =	vadd.s32 $0x1, v1  }
0x4c: {  	v0 =	vadd.s32 $0x2, v0;
	[tilespmem:s20+$0xFFFFFFE0] =	vst v2  }
0x4d: {  	[tilespmem:s21+$0xF80] =	vst v0;
	v0 =	vadd.s32 $0x2, v1  }
0x4e: {  	[tilespmem:s20+$0xF80] =	vst v0  }
0x4f: {  	v0 =	vld [tilespmem:s8+$0xFFFFFFF0]  }
0x50: {  	v1 =	vld [tilespmem:s14+$0xFFFFFFF0];
	_ =	sdelay $0x3  }
0x51: {  	v0 =	vmul.u32 $0x3, v0  }
0x52: {  	v1 =	vmul.u32 $0x3, v1  }
0x53: {  	[tilespmem:s21+$0xFFFFF050] =	vst v0  }
0x54: {  	v2 =	vadd.s32 $0x1, v0;
	[tilespmem:s20+$0xFFFFF050] =	vst v1  }
0x55: {  	[tilespmem:s21+$0xFFFFFFF0] =	vst v2;
	v2 =	vadd.s32 $0x1, v1  }
0x56: {  	v0 =	vadd.s32 $0x2, v0;
	[tilespmem:s20+$0xFFFFFFF0] =	vst v2  }
0x57: {  	[tilespmem:s21+$0xF90] =	vst v0;
	v0 =	vadd.s32 $0x2, v1  }
0x58: {  	[tilespmem:s20+$0xF90] =	vst v0  }
0x59: {  	v0 =	vld [tilespmem:s8+$0x0]  }
0x5a: {  	v1 =	vld [tilespmem:s14+$0x0];
	_ =	sdelay $0x3  }
0x5b: {  	v0 =	vmul.u32 $0x3, v0  }
0x5c: {  	v1 =	vmul.u32 $0x3, v1  }
0x5d: {  	[tilespmem:s21+$0xFFFFF060] =	vst v0  }
0x5e: {  	v2 =	vadd.s32 $0x1, v0;
	[tilespmem:s20+$0xFFFFF060] =	vst v1  }
0x5f: {  	[tilespmem:s21+$0x0] =	vst v2;
	v2 =	vadd.s32 $0x1, v1  }
0x60: {  	v0 =	vadd.s32 $0x2, v0;
	[tilespmem:s20+$0x0] =	vst v2  }
0x61: {  	[tilespmem:s21+$0xFA0] =	vst v0;
	v0 =	vadd.s32 $0x2, v1  }
0x62: {  	[tilespmem:s20+$0xFA0] =	vst v0  }
0x63: {  	v0 =	vld [tilespmem:s8+$0x10]  }
0x64: {  	v1 =	vld [tilespmem:s14+$0x10];
	_ =	sdelay $0x3  }
0x65: {  	v0 =	vmul.u32 $0x3, v0  }
0x66: {  	v1 =	vmul.u32 $0x3, v1  }
.Ltmp0:
0x67: {  	[tilespmem:s21+$0xFFFFF070] =	vst v0;
	(pc) =	sbr.rel @p0 .LBB2_2-.Ltmp0, $4  }
0x68: {  	v2 =	vadd.s32 $0x1, v0;
	[tilespmem:s20+$0xFFFFF070] =	vst v1  }
0x69: {  	[tilespmem:s21+$0x10] =	vst v2;
	v2 =	vadd.s32 $0x1, v1  }
0x6a: {  	v0 =	vadd.s32 $0x2, v0;
	[tilespmem:s20+$0x10] =	vst v2  }
0x6b: {  	s20 =	sadd.s32 $0x40, s20;
	[tilespmem:s21+$0xFB0] =	vst v0;
	v0 =	vadd.s32 $0x2, v1;
	s21 =	sadd.s32 $0x40, s21  }
0x6c: {  	[tilespmem:s15+$0xFB0] =	vst v0  }
0x6d: {  	v0 =	vld [tilespmem:$0xF80]  }
0x6e: {  	v1 =	vld [tilespmem:$0x1F20]  }
0x6f: {  	v3 =	vld [tilespmem:$0xF90]  }
0x70: {  	v4 =	vld [tilespmem:$0x1F30];
	_ =	sdelay $0x1  }
0x71: {  	v0 =	vmul.u32 $0x3, v0  }
0x72: {  	v1 =	vmul.u32 $0x3, v1  }
0x73: {  	v60 =	vmul.u32 $0x3, v3;
	[tilespmem:$0x2EC0] =	vst v0  }
0x74: {  	v61 =	vmul.u32 $0x3, v4;
	[tilespmem:$0x5DA0] =	vst v1  }
0x75: {  	[tilespmem:$0x2ED0] =	vst v60  }
0x76: {  	v2 =	vadd.s32 $0x1, v0;
	[tilespmem:$0x5DB0] =	vst v61  }
0x77: {  	v58 =	vadd.s32 $0x1, v1;
	[tilespmem:$0x3E60] =	vst v2  }
0x78: {  	v0 =	vadd.s32 $0x2, v0;
	[tilespmem:$0x6D40] =	vst v58  }
0x79: {  	v59 =	vadd.s32 $0x2, v1;
	[tilespmem:$0x4E00] =	vst v0  }
0x7a: {  	v62 =	vadd.s32 $0x1, v60;
	[tilespmem:$0x7CE0] =	vst v59  }
0x7b: {  	v63 =	vadd.s32 $0x1, v61;
	[tilespmem:$0x3E70] =	vst v62  }
0x7c: {  	v1 =	vadd.s32 $0x2, v60;
	[tilespmem:$0x6D50] =	vst v63  }
0x7d: {  	[tilespmem:$0x4E10] =	vst v1;
	v0 =	vadd.s32 $0x2, v61  }
0x7e: {  	s8 =	simm.s32 $0x1F40;
	s14 =	simm.s32 $0xDAC0;
	[tilespmem:$0x7CF0] =	vst v0  }
0x7f: {  	[tilespmem:s14], [sflag:$0x1] =	stream.indirect.gather [hbm4b:s7+s19], $0x1, s8, s19, $0xb8;
	[tilespmem:$0x1D4C0] =	vst v63  }
0x80: {  	s15 =	simm.s32 $0x0  }
0x81: {  	[tilespmem:s23], [sflag:$0x2] =	stream.indirect.gather [hbm4b:s7+s19], $0x1, s22, s19, $0xb8;
	[tilespmem:$0x1D4C0] =	vst v63  }
.LBB2_4:
0x82: {  	s14 =	smul.u32 $0x1F40, s15;
	_ =	sdelay $0x1  }
0x83: {  	s8 =	sadd.s32 s14, s10  }
0x84: {  	s16 =	sshrl.u32 s8, $0x3  }
0x85: {  	s8 =	sadd.s32 s6, s16  }
0x86: {  	[tilespmem:s4], [sflag:$0x5] =	stream.linear.gather [hbm4b:s8+s4], $0xFA0, $0x38;
	[tilespmem:$0x1D4C0] =	vst v63  }
0x87: {  	_ =	swait.ge [sflag:s17], $0xFA0  }
0x88: {  	s8 =	sadd.s32 $0x61A80, s16;
	[sflag:s17] =	ssyncset.done $0x0  }
0x89: {  	s20 =	sadd.s32 s6, s8;
	[sflag:s17] =	ssyncadd.s32 $0xFFFFF060  }
0x8a: {  	[tilespmem:s18], [sflag:$0x5] =	stream.linear.gather [hbm4b:s20+s4], $0xFA0, $0x38;
	[tilespmem:$0x1D4C0] =	vst v63  }
0x8b: {  	_ =	swait.ge [sflag:s17], $0xFA0  }
0x8c: {  	[sflag:s17] =	ssyncset.done $0x0  }
0x8d: {  	s20 =	simm.s32 $0x20;
	[sflag:s17] =	ssyncadd.s32 $0xFFFFF060  }
0x8e: {  	s21 =	simm.s32 $0xFC0;
	v0 =	vld [tilespmem:s20+$0xFFFFFFE0]  }
0x8f: {  	v1 =	vld [tilespmem:s21+$0xFFFFFFE0];
	_ =	sdelay $0x3  }
0x90: {  	v0 =	vmul.u32 $0x3, v0  }
0x91: {  	s26 =	simm.s32 $0x8CC0;
	v1 =	vmul.u32 $0x3, v1  }
0x92: {  	s24 =	simm.s32 $0xBBA0;
	[tilespmem:s26+$0xFFFFF040] =	vst v0  }
0x93: {  	v2 =	vadd.s32 $0x1, v0;
	[tilespmem:s24+$0xFFFFF040] =	vst v1  }
0x94: {  	[tilespmem:s26+$0xFFFFFFE0] =	vst v2;
	v2 =	vadd.s32 $0x1, v1  }
0x95: {  	v0 =	vadd.s32 $0x2, v0;
	[tilespmem:s24+$0xFFFFFFE0] =	vst v2  }
0x96: {  	[tilespmem:s26+$0xF80] =	vst v0;
	v0 =	vadd.s32 $0x2, v1  }
0x97: {  	[tilespmem:s24+$0xF80] =	vst v0  }
0x98: {  	v0 =	vld [tilespmem:s20+$0xFFFFFFF0]  }
0x99: {  	v1 =	vld [tilespmem:s21+$0xFFFFFFF0];
	_ =	sdelay $0x3  }
0x9a: {  	v0 =	vmul.u32 $0x3, v0  }
0x9b: {  	v1 =	vmul.u32 $0x3, v1  }
0x9c: {  	[tilespmem:s26+$0xFFFFF050] =	vst v0  }
0x9d: {  	v2 =	vadd.s32 $0x1, v0;
	[tilespmem:s24+$0xFFFFF050] =	vst v1  }
0x9e: {  	[tilespmem:s26+$0xFFFFFFF0] =	vst v2;
	v2 =	vadd.s32 $0x1, v1  }
0x9f: {  	v0 =	vadd.s32 $0x2, v0;
	[tilespmem:s24+$0xFFFFFFF0] =	vst v2  }
0xa0: {  	[tilespmem:s26+$0xF90] =	vst v0;
	v0 =	vadd.s32 $0x2, v1  }
0xa1: {  	[tilespmem:s24+$0xF90] =	vst v0  }
0xa2: {  	v0 =	vld [tilespmem:s20+$0x0]  }
0xa3: {  	v1 =	vld [tilespmem:s21+$0x0];
	_ =	sdelay $0x3  }
0xa4: {  	v0 =	vmul.u32 $0x3, v0  }
0xa5: {  	v1 =	vmul.u32 $0x3, v1  }
0xa6: {  	[tilespmem:s26+$0xFFFFF060] =	vst v0  }
0xa7: {  	v2 =	vadd.s32 $0x1, v0;
	[tilespmem:s24+$0xFFFFF060] =	vst v1  }
0xa8: {  	[tilespmem:s26+$0x0] =	vst v2;
	v2 =	vadd.s32 $0x1, v1  }
0xa9: {  	v0 =	vadd.s32 $0x2, v0;
	[tilespmem:s24+$0x0] =	vst v2  }
0xaa: {  	[tilespmem:s26+$0xFA0] =	vst v0;
	v0 =	vadd.s32 $0x2, v1  }
0xab: {  	[tilespmem:s24+$0xFA0] =	vst v0  }
0xac: {  	v0 =	vld [tilespmem:s20+$0x10]  }
0xad: {  	v1 =	vld [tilespmem:s21+$0x10];
	_ =	sdelay $0x3  }
0xae: {  	v0 =	vmul.u32 $0x3, v0  }
0xaf: {  	v1 =	vmul.u32 $0x3, v1  }
0xb0: {  	[tilespmem:s26+$0xFFFFF070] =	vst v0  }
0xb1: {  	v2 =	vadd.s32 $0x1, v0;
	[tilespmem:s24+$0xFFFFF070] =	vst v1  }
0xb2: {  	[tilespmem:s26+$0x10] =	vst v2;
	v2 =	vadd.s32 $0x1, v1  }
0xb3: {  	v0 =	vadd.s32 $0x2, v0;
	[tilespmem:s24+$0x10] =	vst v2  }
0xb4: {  	s25 =	simm.s32 $0x0;
	s28 =	simm.s32 $0x8D00;
	[tilespmem:s26+$0xFB0] =	vst v0;
	v0 =	vadd.s32 $0x2, v1;
	s26 =	simm.s32 $0xBBE0  }
.LBB2_5:
0xb5: {  	s25 =	sadd.s32 $0x4, s25;
	[tilespmem:s24+$0xFB0] =	vst v0;
	s20 =	sadd.s32 $0x40, s20;
	s21 =	sadd.s32 $0x40, s21  }
0xb6: {  	s24 =	smov.u32 s26;
	v0 =	vld [tilespmem:s20+$0xFFFFFFE0];
	p0 =	slt.u32 s25, $0xF4  }
0xb7: {  	v1 =	vld [tilespmem:s21+$0xFFFFFFE0];
	_ =	sdelay $0x3  }
0xb8: {  	v0 =	vmul.u32 $0x3, v0  }
0xb9: {  	v1 =	vmul.u32 $0x3, v1  }
0xba: {  	[tilespmem:s28+$0xFFFFF040] =	vst v0  }
0xbb: {  	v2 =	vadd.s32 $0x1, v0;
	[tilespmem:s26+$0xFFFFF040] =	vst v1  }
0xbc: {  	[tilespmem:s28+$0xFFFFFFE0] =	vst v2;
	v2 =	vadd.s32 $0x1, v1  }
0xbd: {  	v0 =	vadd.s32 $0x2, v0;
	[tilespmem:s26+$0xFFFFFFE0] =	vst v2  }
0xbe: {  	[tilespmem:s28+$0xF80] =	vst v0;
	v0 =	vadd.s32 $0x2, v1  }
0xbf: {  	[tilespmem:s26+$0xF80] =	vst v0  }
0xc0: {  	v0 =	vld [tilespmem:s20+$0xFFFFFFF0]  }
0xc1: {  	v1 =	vld [tilespmem:s21+$0xFFFFFFF0];
	_ =	sdelay $0x3  }
0xc2: {  	v0 =	vmul.u32 $0x3, v0  }
0xc3: {  	v1 =	vmul.u32 $0x3, v1  }
0xc4: {  	[tilespmem:s28+$0xFFFFF050] =	vst v0  }
0xc5: {  	v2 =	vadd.s32 $0x1, v0;
	[tilespmem:s26+$0xFFFFF050] =	vst v1  }
0xc6: {  	[tilespmem:s28+$0xFFFFFFF0] =	vst v2;
	v2 =	vadd.s32 $0x1, v1  }
0xc7: {  	v0 =	vadd.s32 $0x2, v0;
	[tilespmem:s26+$0xFFFFFFF0] =	vst v2  }
0xc8: {  	[tilespmem:s28+$0xF90] =	vst v0;
	v0 =	vadd.s32 $0x2, v1  }
0xc9: {  	[tilespmem:s26+$0xF90] =	vst v0  }
0xca: {  	v0 =	vld [tilespmem:s20+$0x0]  }
0xcb: {  	v1 =	vld [tilespmem:s21+$0x0];
	_ =	sdelay $0x3  }
0xcc: {  	v0 =	vmul.u32 $0x3, v0  }
0xcd: {  	v1 =	vmul.u32 $0x3, v1  }
0xce: {  	[tilespmem:s28+$0xFFFFF060] =	vst v0  }
0xcf: {  	v2 =	vadd.s32 $0x1, v0;
	[tilespmem:s26+$0xFFFFF060] =	vst v1  }
0xd0: {  	[tilespmem:s28+$0x0] =	vst v2;
	v2 =	vadd.s32 $0x1, v1  }
0xd1: {  	v0 =	vadd.s32 $0x2, v0;
	[tilespmem:s26+$0x0] =	vst v2  }
0xd2: {  	[tilespmem:s28+$0xFA0] =	vst v0;
	v0 =	vadd.s32 $0x2, v1  }
0xd3: {  	[tilespmem:s26+$0xFA0] =	vst v0  }
0xd4: {  	v0 =	vld [tilespmem:s20+$0x10]  }
0xd5: {  	v1 =	vld [tilespmem:s21+$0x10];
	_ =	sdelay $0x3  }
0xd6: {  	v0 =	vmul.u32 $0x3, v0  }
0xd7: {  	v1 =	vmul.u32 $0x3, v1  }
.Ltmp1:
0xd8: {  	[tilespmem:s28+$0xFFFFF070] =	vst v0;
	(pc) =	sbr.rel @p0 .LBB2_5-.Ltmp1, $4  }
0xd9: {  	v2 =	vadd.s32 $0x1, v0;
	[tilespmem:s26+$0xFFFFF070] =	vst v1  }
0xda: {  	[tilespmem:s28+$0x10] =	vst v2;
	v2 =	vadd.s32 $0x1, v1  }
0xdb: {  	v0 =	vadd.s32 $0x2, v0;
	[tilespmem:s26+$0x10] =	vst v2  }
0xdc: {  	s26 =	sadd.s32 $0x40, s26;
	[tilespmem:s28+$0xFB0] =	vst v0;
	v0 =	vadd.s32 $0x2, v1;
	s28 =	sadd.s32 $0x40, s28  }
0xdd: {  	[tilespmem:s24+$0xFB0] =	vst v0  }
0xde: {  	v0 =	vld [tilespmem:$0xF80]  }
0xdf: {  	v1 =	vld [tilespmem:$0x1F20];
	_ =	sdelay $0x3  }
0xe0: {  	v0 =	vmul.u32 $0x3, v0  }
0xe1: {  	v2 =	vld [tilespmem:$0xF90];
	v1 =	vmul.u32 $0x3, v1  }
0xe2: {  	v3 =	vld [tilespmem:$0x1F30];
	[tilespmem:$0x8C80] =	vst v0  }
0xe3: {  	[tilespmem:$0xBB60] =	vst v1;
	v4 =	vadd.s32 $0x1, v0  }
0xe4: {  	v44 =	vadd.s32 $0x1, v1;
	[tilespmem:$0x9C20] =	vst v4  }
0xe5: {  	v0 =	vadd.s32 $0x2, v0;
	[tilespmem:$0xCB00] =	vst v44  }
0xe6: {  	[tilespmem:$0xABC0] =	vst v0;
	v0 =	vadd.s32 $0x2, v1;
	v1 =	vmul.u32 $0x3, v2  }
0xe7: {  	[tilespmem:$0xDAA0] =	vst v0;
	v0 =	vmul.u32 $0x3, v3  }
0xe8: {  	[tilespmem:$0x8C90] =	vst v1  }
0xe9: {  	v2 =	vadd.s32 $0x1, v1;
	[tilespmem:$0xBB70] =	vst v0  }
0xea: {  	v1 =	vadd.s32 $0x2, v1;
	[tilespmem:$0x9C30] =	vst v2  }
0xeb: {  	v2 =	vadd.s32 $0x1, v0;
	[tilespmem:$0xABD0] =	vst v1  }
0xec: {  	v0 =	vadd.s32 $0x2, v0;
	[tilespmem:$0xCB10] =	vst v2  }
0xed: {  	s20 =	simm.s32 $0x7D00;
	s21 =	simm.s32 $0x13880;
	[tilespmem:$0xDAB0] =	vst v0  }
0xee: {  	[tilespmem:s21], [sflag:$0x3] =	stream.indirect.gather [hbm4b:s7+s19], $0x1, s20, s19, $0xb8;
	[tilespmem:$0x1D4C0] =	vst v63  }
0xef: {  	s25 =	simm.s32 $0xABE0;
	s26 =	simm.s32 $0x16760  }
0xf0: {  	[tilespmem:s26], [sflag:$0x4] =	stream.indirect.gather [hbm4b:s7+s19], $0x1, s25, s19, $0xb8;
	[tilespmem:$0x1D4C0] =	vst v63  }
0xf1: {  	_ =	swait.ge [sflag:s29], $0x2EE0  }
0xf2: {  	[sflag:s29] =	ssyncset.done $0x0  }
0xf3: {  	[sflag:s29] =	ssyncadd.s32 $0xFFFFD120  }
0xf4: {  	_ =	swait.ge [sflag:s30], $0x2EE0  }
0xf5: {  	[sflag:s30] =	ssyncset.done $0x0  }
0xf6: {  	s21 =	simm.s32 $0x11960;
	[sflag:s30] =	ssyncadd.s32 $0xFFFFD120  }
0xf7: {  	s24 =	simm.s32 $0xEA80;
	v0 =	vld [tilespmem:s21+$0xFFFFF040]  }
0xf8: {  	v1 =	vld [tilespmem:s24+$0xFFFFFFE0]  }
0xf9: {  	v2 =	vld [tilespmem:s21+$0xFFFFFFE0]  }
0xfa: {  	v3 =	vld [tilespmem:s24+$0xFFFFF040]  }
0xfb: {  	v45 =	vld [tilespmem:s24+$0xF80]  }
0xfc: {  	v5 =	vld [tilespmem:s21+$0xF80];
	_ =	sdelay $0x2  }
0xfd: {  	v1 =	vsub.f32 v2, v1;
	v0 =	vsub.f32 v0, v3;
	_ =	sdelay $0x1  }
0xfe: {  	v2 =	vsub.f32 v5, v45;
	v3 =	vmul.f32 v0, v0;
	v46 =	vmul.f32 v1, v1;
	_ =	sdelay $0x1  }
0xff: {  	v47 =	vmul.f32 v2, v2;
	v3 =	vadd.f32 v46, v3;
	_ =	sdelay $0x1  }
0x100: {  	v3 =	vadd.f32 v47, v3;
	_ =	sdelay $0x1  }
0x101: {  	v4 =	vshrl.u32 v3, $0x1;
	v48 =	vmul.f32 $5.000000000e-01, v3  }
0x102: {  	v4 =	vsub.s32 $0x5F3759DF, v4  }
0x103: {  	v6 =	vmul.f32 v4, v48;
	_ =	sdelay $0x1  }
0x104: {  	v6 =	vmul.f32 v4, v6;
	_ =	sdelay $0x1  }
0x105: {  	v6 =	vsub.f32 $1.500000000e+00, v6;
	_ =	sdelay $0x1  }
0x106: {  	v4 =	vmul.f32 v4, v6;
	_ =	sdelay $0x1  }
0x107: {  	v5 =	vmul.f32 v4, v48;
	_ =	sdelay $0x1  }
0x108: {  	v5 =	vmul.f32 v5, v4;
	_ =	sdelay $0x1  }
0x109: {  	v5 =	vsub.f32 $1.500000000e+00, v5;
	_ =	sdelay $0x1  }
0x10a: {  	s26 =	simm.s32 $0x1A600;
	v4 =	vmul.f32 v5, v4  }
0x10b: {  	[tilespmem:s26+$0xFFFFFFE0] =	vst v1  }
0x10c: {  	[tilespmem:s26+$0xFFFFF040] =	vst v0;
	v0 =	vmul.f32 v4, v3  }
0x10d: {  	s25 =	simm.s32 $0x1C540;
	[tilespmem:s26+$0xF80] =	vst v2  }
0x10e: {  	[tilespmem:s25+$0xFFFFFFE0] =	vst v0  }
0x10f: {  	v0 =	vld [tilespmem:s24+$0xFFFFFFF0]  }
0x110: {  	v1 =	vld [tilespmem:s21+$0xFFFFF050]  }
0x111: {  	v2 =	vld [tilespmem:s21+$0xFFFFFFF0]  }
0x112: {  	v3 =	vld [tilespmem:s24+$0xFFFFF050]  }
0x113: {  	v49 =	vld [tilespmem:s24+$0xF90]  }
0x114: {  	v50 =	vld [tilespmem:s21+$0xF90];
	_ =	sdelay $0x2  }
0x115: {  	v0 =	vsub.f32 v2, v0;
	v1 =	vsub.f32 v1, v3;
	_ =	sdelay $0x1  }
0x116: {  	v3 =	vsub.f32 v50, v49;
	v2 =	vmul.f32 v0, v0;
	v51 =	vmul.f32 v1, v1;
	_ =	sdelay $0x1  }
0x117: {  	v52 =	vmul.f32 v3, v3;
	v2 =	vadd.f32 v2, v51;
	_ =	sdelay $0x1  }
0x118: {  	v2 =	vadd.f32 v52, v2;
	_ =	sdelay $0x1  }
0x119: {  	v4 =	vshrl.u32 v2, $0x1;
	v53 =	vmul.f32 $5.000000000e-01, v2  }
0x11a: {  	v4 =	vsub.s32 $0x5F3759DF, v4  }
0x11b: {  	v54 =	vmul.f32 v4, v53;
	_ =	sdelay $0x1  }
0x11c: {  	v6 =	vmul.f32 v4, v54;
	_ =	sdelay $0x1  }
0x11d: {  	v6 =	vsub.f32 $1.500000000e+00, v6;
	_ =	sdelay $0x1  }
0x11e: {  	v4 =	vmul.f32 v4, v6;
	_ =	sdelay $0x1  }
0x11f: {  	v5 =	vmul.f32 v4, v53;
	_ =	sdelay $0x1  }
0x120: {  	v5 =	vmul.f32 v5, v4;
	_ =	sdelay $0x1  }
0x121: {  	v5 =	vsub.f32 $1.500000000e+00, v5;
	_ =	sdelay $0x1  }
0x122: {  	v4 =	vmul.f32 v5, v4  }
0x123: {  	[tilespmem:s26+$0xFFFFFFF0] =	vst v0  }
0x124: {  	[tilespmem:s26+$0xFFFFF050] =	vst v1;
	v0 =	vmul.f32 v4, v2  }
0x125: {  	[tilespmem:s26+$0xF90] =	vst v3  }
0x126: {  	[tilespmem:s25+$0xFFFFFFF0] =	vst v0  }
0x127: {  	v0 =	vld [tilespmem:s21+$0xFFFFF060]  }
0x128: {  	v1 =	vld [tilespmem:s24+$0xFFFFF060]  }
0x129: {  	v2 =	vld [tilespmem:s24+$0x0]  }
0x12a: {  	v3 =	vld [tilespmem:s21+$0x0]  }
0x12b: {  	v55 =	vld [tilespmem:s24+$0xFA0]  }
0x12c: {  	v56 =	vld [tilespmem:s21+$0xFA0];
	_ =	sdelay $0x2  }
0x12d: {  	v0 =	vsub.f32 v0, v1;
	v1 =	vsub.f32 v3, v2;
	_ =	sdelay $0x1  }
0x12e: {  	v3 =	vsub.f32 v56, v55;
	v2 =	vmul.f32 v0, v0;
	v57 =	vmul.f32 v1, v1;
	_ =	sdelay $0x1  }
0x12f: {  	v58 =	vmul.f32 v3, v3;
	v2 =	vadd.f32 v57, v2;
	_ =	sdelay $0x1  }
0x130: {  	v2 =	vadd.f32 v58, v2;
	_ =	sdelay $0x1  }
0x131: {  	v4 =	vshrl.u32 v2, $0x1;
	v59 =	vmul.f32 $5.000000000e-01, v2  }
0x132: {  	v4 =	vsub.s32 $0x5F3759DF, v4  }
0x133: {  	v60 =	vmul.f32 v4, v59;
	_ =	sdelay $0x1  }
0x134: {  	v6 =	vmul.f32 v4, v60;
	_ =	sdelay $0x1  }
0x135: {  	v6 =	vsub.f32 $1.500000000e+00, v6;
	_ =	sdelay $0x1  }
0x136: {  	v4 =	vmul.f32 v4, v6;
	_ =	sdelay $0x1  }
0x137: {  	v5 =	vmul.f32 v4, v59;
	_ =	sdelay $0x1  }
0x138: {  	v5 =	vmul.f32 v5, v4;
	_ =	sdelay $0x1  }
0x139: {  	v5 =	vsub.f32 $1.500000000e+00, v5;
	_ =	sdelay $0x1  }
0x13a: {  	v4 =	vmul.f32 v5, v4  }
0x13b: {  	[tilespmem:s26+$0xFFFFF060] =	vst v0  }
0x13c: {  	[tilespmem:s26+$0x0] =	vst v1;
	v0 =	vmul.f32 v4, v2  }
0x13d: {  	[tilespmem:s26+$0xFA0] =	vst v3  }
0x13e: {  	[tilespmem:s25+$0x0] =	vst v0  }
0x13f: {  	v0 =	vld [tilespmem:s21+$0xFFFFF070]  }
0x140: {  	v1 =	vld [tilespmem:s24+$0x10]  }
0x141: {  	v2 =	vld [tilespmem:s24+$0xFFFFF070]  }
0x142: {  	v3 =	vld [tilespmem:s21+$0x10]  }
0x143: {  	v61 =	vld [tilespmem:s21+$0xFB0]  }
0x144: {  	v62 =	vld [tilespmem:s24+$0xFB0];
	_ =	sdelay $0x2  }
0x145: {  	v2 =	vsub.f32 v0, v2;
	v3 =	vsub.f32 v3, v1;
	_ =	sdelay $0x1  }
0x146: {  	v4 =	vsub.f32 v61, v62;
	v0 =	vmul.f32 v2, v2;
	v1 =	vmul.f32 v3, v3;
	_ =	sdelay $0x1  }
0x147: {  	v5 =	vmul.f32 v4, v4;
	v0 =	vadd.f32 v1, v0;
	_ =	sdelay $0x1  }
0x148: {  	v0 =	vadd.f32 v5, v0;
	_ =	sdelay $0x1  }
0x149: {  	v5 =	vshrl.u32 v0, $0x1;
	v1 =	vmul.f32 $5.000000000e-01, v0  }
0x14a: {  	v5 =	vsub.s32 $0x5F3759DF, v5  }
0x14b: {  	v63 =	vmul.f32 v5, v1;
	_ =	sdelay $0x1  }
0x14c: {  	v6 =	vmul.f32 v5, v63;
	_ =	sdelay $0x1  }
0x14d: {  	[tilespmem:s26+$0xFFFFF070] =	vst v2;
	v2 =	vsub.f32 $1.500000000e+00, v6  }
0x14e: {  	[tilespmem:s26+$0x10] =	vst v3  }
0x14f: {  	s28 =	simm.s32 $0x0;
	s20 =	simm.s32 $0x119A0;
	s21 =	simm.s32 $0x1C580;
	[tilespmem:s26+$0xFB0] =	vst v4;
	v2 =	vmul.f32 v5, v2  }
.LBB2_7:
0x150: {  	s28 =	sadd.s32 $0x4, s28;
	s26 =	sadd.s32 $0x40, s26;
	s24 =	sadd.s32 $0x40, s24  }
0x151: {  	p0 =	slt.u32 s28, $0xF4;
	v1 =	vmul.f32 v2, v1;
	_ =	sdelay $0x1  }
0x152: {  	v1 =	vmul.f32 v1, v2;
	_ =	sdelay $0x1  }
0x153: {  	v1 =	vsub.f32 $1.500000000e+00, v1;
	_ =	sdelay $0x1  }
0x154: {  	v1 =	vmul.f32 v1, v2;
	_ =	sdelay $0x1  }
0x155: {  	v0 =	vmul.f32 v1, v0;
	_ =	sdelay $0x1  }
0x156: {  	[tilespmem:s25+$0x10] =	vst v0;
	s25 =	smov.u32 s21  }
0x157: {  	v0 =	vld [tilespmem:s20+$0xFFFFF040]  }
0x158: {  	v1 =	vld [tilespmem:s24+$0xFFFFFFE0]  }
0x159: {  	v2 =	vld [tilespmem:s20+$0xFFFFFFE0]  }
0x15a: {  	v3 =	vld [tilespmem:s24+$0xFFFFF040]  }
0x15b: {  	v4 =	vld [tilespmem:s24+$0xF80]  }
0x15c: {  	v5 =	vld [tilespmem:s20+$0xF80];
	_ =	sdelay $0x1  }
0x15d: {  	v1 =	vsub.f32 v2, v1  }
0x15e: {  	v0 =	vsub.f32 v0, v3;
	_ =	sdelay $0x1  }
0x15f: {  	v2 =	vsub.f32 v5, v4;
	v3 =	vmul.f32 v0, v0;
	v4 =	vmul.f32 v1, v1;
	_ =	sdelay $0x1  }
0x160: {  	v3 =	vadd.f32 v4, v3;
	v4 =	vmul.f32 v2, v2;
	_ =	sdelay $0x1  }
0x161: {  	v3 =	vadd.f32 v4, v3;
	_ =	sdelay $0x1  }
0x162: {  	v4 =	vshrl.u32 v3, $0x1;
	v5 =	vmul.f32 $5.000000000e-01, v3  }
0x163: {  	v4 =	vsub.s32 $0x5F3759DF, v4  }
0x164: {  	v6 =	vmul.f32 v4, v5;
	_ =	sdelay $0x1  }
0x165: {  	v6 =	vmul.f32 v4, v6;
	_ =	sdelay $0x1  }
0x166: {  	v6 =	vsub.f32 $1.500000000e+00, v6;
	_ =	sdelay $0x1  }
0x167: {  	v4 =	vmul.f32 v4, v6;
	_ =	sdelay $0x1  }
0x168: {  	v5 =	vmul.f32 v4, v5;
	_ =	sdelay $0x1  }
0x169: {  	v5 =	vmul.f32 v5, v4;
	_ =	sdelay $0x1  }
0x16a: {  	v5 =	vsub.f32 $1.500000000e+00, v5;
	_ =	sdelay $0x1  }
0x16b: {  	v4 =	vmul.f32 v5, v4  }
0x16c: {  	[tilespmem:s26+$0xFFFFFFE0] =	vst v1  }
0x16d: {  	[tilespmem:s26+$0xFFFFF040] =	vst v0;
	v0 =	vmul.f32 v4, v3  }
0x16e: {  	[tilespmem:s26+$0xF80] =	vst v2  }
0x16f: {  	[tilespmem:s21+$0xFFFFFFE0] =	vst v0  }
0x170: {  	v0 =	vld [tilespmem:s24+$0xFFFFFFF0]  }
0x171: {  	v1 =	vld [tilespmem:s20+$0xFFFFF050]  }
0x172: {  	v2 =	vld [tilespmem:s20+$0xFFFFFFF0]  }
0x173: {  	v3 =	vld [tilespmem:s24+$0xFFFFF050]  }
0x174: {  	v4 =	vld [tilespmem:s24+$0xF90]  }
0x175: {  	v5 =	vld [tilespmem:s20+$0xF90];
	_ =	sdelay $0x1  }
0x176: {  	v0 =	vsub.f32 v2, v0  }
0x177: {  	v1 =	vsub.f32 v1, v3  }
0x178: {  	v2 =	vmul.f32 v0, v0  }
0x179: {  	v3 =	vsub.f32 v5, v4;
	v4 =	vmul.f32 v1, v1;
	_ =	sdelay $0x1  }
0x17a: {  	v2 =	vadd.f32 v2, v4;
	v4 =	vmul.f32 v3, v3;
	_ =	sdelay $0x1  }
0x17b: {  	v2 =	vadd.f32 v4, v2;
	_ =	sdelay $0x1  }
0x17c: {  	v4 =	vshrl.u32 v2, $0x1;
	v5 =	vmul.f32 $5.000000000e-01, v2  }
0x17d: {  	v4 =	vsub.s32 $0x5F3759DF, v4  }
0x17e: {  	v6 =	vmul.f32 v4, v5;
	_ =	sdelay $0x1  }
0x17f: {  	v6 =	vmul.f32 v4, v6;
	_ =	sdelay $0x1  }
0x180: {  	v6 =	vsub.f32 $1.500000000e+00, v6;
	_ =	sdelay $0x1  }
0x181: {  	v4 =	vmul.f32 v4, v6;
	_ =	sdelay $0x1  }
0x182: {  	v5 =	vmul.f32 v4, v5;
	_ =	sdelay $0x1  }
0x183: {  	v5 =	vmul.f32 v5, v4;
	_ =	sdelay $0x1  }
0x184: {  	v5 =	vsub.f32 $1.500000000e+00, v5;
	_ =	sdelay $0x1  }
0x185: {  	v4 =	vmul.f32 v5, v4  }
0x186: {  	[tilespmem:s26+$0xFFFFFFF0] =	vst v0  }
0x187: {  	[tilespmem:s26+$0xFFFFF050] =	vst v1;
	v0 =	vmul.f32 v4, v2  }
0x188: {  	[tilespmem:s26+$0xF90] =	vst v3  }
0x189: {  	[tilespmem:s21+$0xFFFFFFF0] =	vst v0  }
0x18a: {  	v0 =	vld [tilespmem:s20+$0xFFFFF060]  }
0x18b: {  	v1 =	vld [tilespmem:s24+$0xFFFFF060]  }
0x18c: {  	v2 =	vld [tilespmem:s24+$0x0]  }
0x18d: {  	v3 =	vld [tilespmem:s20+$0x0]  }
0x18e: {  	v4 =	vld [tilespmem:s24+$0xFA0]  }
0x18f: {  	v5 =	vld [tilespmem:s20+$0xFA0]  }
0x190: {  	v0 =	vsub.f32 v0, v1;
	_ =	sdelay $0x1  }
0x191: {  	v1 =	vsub.f32 v3, v2;
	[tilespmem:s26+$0xFFFFF060] =	vst v0;
	v0 =	vmul.f32 v0, v0;
	_ =	sdelay $0x1  }
0x192: {  	v2 =	vsub.f32 v5, v4;
	[tilespmem:s26+$0x0] =	vst v1;
	v1 =	vmul.f32 v1, v1;
	_ =	sdelay $0x1  }
0x193: {  	[tilespmem:s26+$0xFA0] =	vst v2;
	v0 =	vadd.f32 v1, v0;
	v1 =	vmul.f32 v2, v2;
	_ =	sdelay $0x1  }
0x194: {  	v0 =	vadd.f32 v1, v0;
	_ =	sdelay $0x1  }
0x195: {  	v1 =	vshrl.u32 v0, $0x1;
	v2 =	vmul.f32 $5.000000000e-01, v0  }
0x196: {  	v1 =	vsub.s32 $0x5F3759DF, v1  }
0x197: {  	v3 =	vmul.f32 v1, v2;
	_ =	sdelay $0x1  }
0x198: {  	v3 =	vmul.f32 v1, v3;
	_ =	sdelay $0x1  }
0x199: {  	v3 =	vsub.f32 $1.500000000e+00, v3;
	_ =	sdelay $0x1  }
0x19a: {  	v1 =	vmul.f32 v1, v3;
	_ =	sdelay $0x1  }
0x19b: {  	v2 =	vmul.f32 v1, v2;
	_ =	sdelay $0x1  }
0x19c: {  	v2 =	vmul.f32 v2, v1;
	_ =	sdelay $0x1  }
0x19d: {  	v2 =	vsub.f32 $1.500000000e+00, v2;
	_ =	sdelay $0x1  }
0x19e: {  	v1 =	vmul.f32 v2, v1;
	_ =	sdelay $0x1  }
0x19f: {  	v0 =	vmul.f32 v1, v0;
	_ =	sdelay $0x1  }
0x1a0: {  	[tilespmem:s21+$0x0] =	vst v0  }
0x1a1: {  	v0 =	vld [tilespmem:s20+$0xFB0]  }
0x1a2: {  	v1 =	vld [tilespmem:s20+$0xFFFFF070]  }
0x1a3: {  	v2 =	vld [tilespmem:s24+$0xFB0]  }
0x1a4: {  	v3 =	vld [tilespmem:s24+$0x10]  }
0x1a5: {  	v4 =	vld [tilespmem:s24+$0xFFFFF070]  }
0x1a6: {  	v5 =	vld [tilespmem:s20+$0x10];
	_ =	sdelay $0x3  }
0x1a7: {  	v0 =	vsub.f32 v0, v2;
	v1 =	vsub.f32 v1, v4  }
0x1a8: {  	v2 =	vsub.f32 v5, v3  }
0x1a9: {  	v3 =	vmul.f32 v0, v0;
	[tilespmem:s26+$0xFFFFF070] =	vst v1;
	v1 =	vmul.f32 v1, v1  }
0x1aa: {  	[tilespmem:s26+$0x10] =	vst v2;
	v2 =	vmul.f32 v2, v2  }
0x1ab: {  	[tilespmem:s26+$0xFB0] =	vst v0  }
0x1ac: {  	v0 =	vadd.f32 v2, v1;
	_ =	sdelay $0x1  }
0x1ad: {  	v0 =	vadd.f32 v3, v0;
	_ =	sdelay $0x1  }
0x1ae: {  	v2 =	vshrl.u32 v0, $0x1;
	v1 =	vmul.f32 $5.000000000e-01, v0  }
0x1af: {  	v2 =	vsub.s32 $0x5F3759DF, v2  }
0x1b0: {  	v3 =	vmul.f32 v2, v1;
	_ =	sdelay $0x1  }
.Ltmp2:
0x1b1: {  	v3 =	vmul.f32 v2, v3;
	(pc) =	sbr.rel @p0 .LBB2_7-.Ltmp2, $3  }
0x1b2: {  	_ = 	snop  }
0x1b3: {  	v3 =	vsub.f32 $1.500000000e+00, v3;
	_ =	sdelay $0x1  }
0x1b4: {  	s21 =	sadd.s32 $0x40, s21;
	s20 =	sadd.s32 $0x40, s20;
	v2 =	vmul.f32 v2, v3  }
0x1b5: {  	_ = 	snop  }
0x1b6: {  	v1 =	vmul.f32 v2, v1;
	_ =	sdelay $0x1  }
0x1b7: {  	v1 =	vmul.f32 v1, v2;
	_ =	sdelay $0x1  }
0x1b8: {  	v1 =	vsub.f32 $1.500000000e+00, v1;
	_ =	sdelay $0x1  }
0x1b9: {  	v1 =	vmul.f32 v1, v2;
	_ =	sdelay $0x1  }
0x1ba: {  	v0 =	vmul.f32 v1, v0;
	_ =	sdelay $0x1  }
0x1bb: {  	[tilespmem:s25+$0x10] =	vst v0  }
0x1bc: {  	v0 =	vld [tilespmem:$0x11920]  }
0x1bd: {  	v1 =	vld [tilespmem:$0xEA40]  }
0x1be: {  	v2 =	vld [tilespmem:$0x128C0]  }
0x1bf: {  	v3 =	vld [tilespmem:$0xF9E0]  }
0x1c0: {  	v4 =	vld [tilespmem:$0x13860]  }
0x1c1: {  	v5 =	vld [tilespmem:$0x10980]  }
0x1c2: {  	v6 =	vld [tilespmem:$0x11930]  }
0x1c3: {  	v7 =	vld [tilespmem:$0xEA50]  }
0x1c4: {  	v8 =	vld [tilespmem:$0x128D0]  }
0x1c5: {  	v10 =	vld [tilespmem:$0x10990]  }
0x1c6: {  	v0 =	vsub.f32 v0, v1;
	v1 =	vsub.f32 v2, v3;
	v2 =	vld [tilespmem:$0xF9F0]  }
0x1c7: {  	v3 =	vld [tilespmem:$0x13870];
	_ =	sdelay $0x1  }
0x1c8: {  	v4 =	vsub.f32 v4, v5;
	v56 =	vmul.f32 v0, v0;
	v9 =	vmul.f32 v1, v1  }
0x1c9: {  	v6 =	vsub.f32 v6, v7  }
0x1ca: {  	v57 =	vmul.f32 v4, v4;
	v5 =	vadd.f32 v9, v56;
	v2 =	vsub.f32 v8, v2  }
0x1cb: {  	v3 =	vsub.f32 v3, v10  }
0x1cc: {  	v7 =	vmul.f32 v6, v6;
	v5 =	vadd.f32 v57, v5;
	v8 =	vmul.f32 v2, v2  }
0x1cd: {  	v59 =	vmul.f32 v3, v3  }
0x1ce: {  	v9 =	vshrl.u32 v5, $0x1;
	v58 =	vmul.f32 $5.000000000e-01, v5;
	v7 =	vadd.f32 v8, v7  }
0x1cf: {  	v9 =	vsub.s32 $0x5F3759DF, v9  }
0x1d0: {  	v11 =	vmul.f32 v9, v58;
	v7 =	vadd.f32 v59, v7;
	_ =	sdelay $0x1  }
0x1d1: {  	v60 =	vmul.f32 v9, v11;
	v61 =	vshrl.u32 v7, $0x1;
	v12 =	vmul.f32 $5.000000000e-01, v7  }
0x1d2: {  	v11 =	vsub.s32 $0x5F3759DF, v61  }
0x1d3: {  	v8 =	vsub.f32 $1.500000000e+00, v60;
	v13 =	vmul.f32 v11, v12;
	_ =	sdelay $0x1  }
0x1d4: {  	v8 =	vmul.f32 v9, v8;
	v62 =	vmul.f32 v11, v13;
	_ =	sdelay $0x1  }
0x1d5: {  	v10 =	vmul.f32 v8, v58;
	v9 =	vsub.f32 $1.500000000e+00, v62;
	_ =	sdelay $0x1  }
0x1d6: {  	v10 =	vmul.f32 v10, v8;
	v9 =	vmul.f32 v11, v9;
	_ =	sdelay $0x1  }
0x1d7: {  	v10 =	vsub.f32 $1.500000000e+00, v10;
	v11 =	vmul.f32 v9, v12;
	_ =	sdelay $0x1  }
0x1d8: {  	v8 =	vmul.f32 v10, v8;
	v63 =	vmul.f32 v11, v9  }
0x1d9: {  	[tilespmem:$0x1A5C0] =	vst v0  }
0x1da: {  	[tilespmem:$0x1B560] =	vst v1;
	v0 =	vmul.f32 v8, v5;
	v1 =	vsub.f32 $1.500000000e+00, v63  }
0x1db: {  	[tilespmem:$0x1C500] =	vst v4  }
0x1dc: {  	[tilespmem:$0x1D4A0] =	vst v0;
	v0 =	vmul.f32 v1, v9  }
0x1dd: {  	[tilespmem:$0x1A5D0] =	vst v6  }
0x1de: {  	s20 =	sadd.s32 s5, s14;
	[tilespmem:$0x1B570] =	vst v2;
	v0 =	vmul.f32 v0, v7  }
0x1df: {  	s20 =	sshrl.u32 s20, $0x3;
	[tilespmem:$0x1C510] =	vst v3  }
0x1e0: {  	s21 =	sadd.s32 s2, s20;
	[tilespmem:$0x1D4B0] =	vst v0  }
0x1e1: {  	[hbm4b:s21+s4] =	stream.linear.scatter [tilespmem:s31], [sflag:$0x5], $0xFA0, $0x38;
	[tilespmem:$0x1D4C0] =	vst v63  }
0x1e2: {  	_ =	swait.ge [sflag:s17], $0xFA0  }
0x1e3: {  	[sflag:s17] =	ssyncset.done $0x0  }
0x1e4: {  	s24 =	sadd.s32 $0x61A80, s21;
	[sflag:s17] =	ssyncadd.s32 $0xFFFFF060  }
0x1e5: {  	[hbm4b:s24+s4] =	stream.linear.scatter [tilespmem:s1], [sflag:$0x5], $0xFA0, $0x38;
	[tilespmem:$0x1D4C0] =	vst v63  }
0x1e6: {  	_ =	swait.ge [sflag:s17], $0xFA0  }
0x1e7: {  	[sflag:s17] =	ssyncset.done $0x0  }
0x1e8: {  	s21 =	sadd.s32 $0xC3500, s21;
	[sflag:s17] =	ssyncadd.s32 $0xFFFFF060  }
0x1e9: {  	[hbm4b:s21+s4] =	stream.linear.scatter [tilespmem:s0], [sflag:$0x5], $0xFA0, $0x38;
	[tilespmem:$0x1D4C0] =	vst v63  }
0x1ea: {  	_ =	swait.ge [sflag:s17], $0xFA0  }
0x1eb: {  	[sflag:s17] =	ssyncset.done $0x0  }
0x1ec: {  	s20 =	sadd.s32 s3, s20;
	[sflag:s17] =	ssyncadd.s32 $0xFFFFF060  }
0x1ed: {  	[hbm4b:s20+s4] =	stream.linear.scatter [tilespmem:s9], [sflag:$0x5], $0xFA0, $0x38;
	[tilespmem:$0x1D4C0] =	vst v63  }
0x1ee: {  	s26 =	sadd.s32 s14, s11;
	_ =	swait.ge [sflag:s17], $0xFA0  }
0x1ef: {  	s14 =	sshrl.u32 s26, $0x3;
	[sflag:s17] =	ssyncset.done $0x0  }
0x1f0: {  	s14 =	sadd.s32 s6, s14;
	[sflag:s17] =	ssyncadd.s32 $0xFFFFF060  }
0x1f1: {  	[tilespmem:s4], [sflag:$0x5] =	stream.linear.gather [hbm4b:s14+s4], $0xFA0, $0x38;
	[tilespmem:$0x1D4C0] =	vst v63  }
0x1f2: {  	_ =	swait.ge [sflag:s17], $0xFA0  }
0x1f3: {  	[sflag:s17] =	ssyncset.done $0x0  }
0x1f4: {  	s14 =	sadd.s32 $0x61A80, s14;
	[sflag:s17] =	ssyncadd.s32 $0xFFFFF060  }
0x1f5: {  	[tilespmem:s18], [sflag:$0x5] =	stream.linear.gather [hbm4b:s14+s4], $0xFA0, $0x38;
	[tilespmem:$0x1D4C0] =	vst v63  }
0x1f6: {  	_ =	swait.ge [sflag:s17], $0xFA0  }
0x1f7: {  	[sflag:s17] =	ssyncset.done $0x0  }
0x1f8: {  	s14 =	simm.s32 $0x20;
	[sflag:s17] =	ssyncadd.s32 $0xFFFFF060  }
0x1f9: {  	s20 =	simm.s32 $0xFC0;
	v0 =	vld [tilespmem:s14+$0xFFFFFFE0]  }
0x1fa: {  	v1 =	vld [tilespmem:s20+$0xFFFFFFE0];
	_ =	sdelay $0x3  }
0x1fb: {  	v0 =	vmul.u32 $0x3, v0  }
0x1fc: {  	s28 =	simm.s32 $0x2F00;
	v1 =	vmul.u32 $0x3, v1  }
0x1fd: {  	s21 =	simm.s32 $0x5DE0;
	[tilespmem:s28+$0xFFFFF040] =	vst v0  }
0x1fe: {  	v2 =	vadd.s32 $0x1, v0;
	[tilespmem:s21+$0xFFFFF040] =	vst v1  }
0x1ff: {  	[tilespmem:s28+$0xFFFFFFE0] =	vst v2;
	v2 =	vadd.s32 $0x1, v1  }
0x200: {  	v0 =	vadd.s32 $0x2, v0;
	[tilespmem:s21+$0xFFFFFFE0] =	vst v2  }
0x201: {  	[tilespmem:s28+$0xF80] =	vst v0;
	v0 =	vadd.s32 $0x2, v1  }
0x202: {  	[tilespmem:s21+$0xF80] =	vst v0  }
0x203: {  	v0 =	vld [tilespmem:s14+$0xFFFFFFF0]  }
0x204: {  	v1 =	vld [tilespmem:s20+$0xFFFFFFF0];
	_ =	sdelay $0x3  }
0x205: {  	v0 =	vmul.u32 $0x3, v0  }
0x206: {  	v1 =	vmul.u32 $0x3, v1  }
0x207: {  	[tilespmem:s28+$0xFFFFF050] =	vst v0  }
0x208: {  	v2 =	vadd.s32 $0x1, v0;
	[tilespmem:s21+$0xFFFFF050] =	vst v1  }
0x209: {  	[tilespmem:s28+$0xFFFFFFF0] =	vst v2;
	v2 =	vadd.s32 $0x1, v1  }
0x20a: {  	v0 =	vadd.s32 $0x2, v0;
	[tilespmem:s21+$0xFFFFFFF0] =	vst v2  }
0x20b: {  	[tilespmem:s28+$0xF90] =	vst v0;
	v0 =	vadd.s32 $0x2, v1  }
0x20c: {  	[tilespmem:s21+$0xF90] =	vst v0  }
0x20d: {  	v0 =	vld [tilespmem:s14+$0x0]  }
0x20e: {  	v1 =	vld [tilespmem:s20+$0x0];
	_ =	sdelay $0x3  }
0x20f: {  	v0 =	vmul.u32 $0x3, v0  }
0x210: {  	v1 =	vmul.u32 $0x3, v1  }
0x211: {  	[tilespmem:s28+$0xFFFFF060] =	vst v0  }
0x212: {  	v2 =	vadd.s32 $0x1, v0;
	[tilespmem:s21+$0xFFFFF060] =	vst v1  }
0x213: {  	[tilespmem:s28+$0x0] =	vst v2;
	v2 =	vadd.s32 $0x1, v1  }
0x214: {  	v0 =	vadd.s32 $0x2, v0;
	[tilespmem:s21+$0x0] =	vst v2  }
0x215: {  	[tilespmem:s28+$0xFA0] =	vst v0;
	v0 =	vadd.s32 $0x2, v1  }
0x216: {  	[tilespmem:s21+$0xFA0] =	vst v0  }
0x217: {  	v0 =	vld [tilespmem:s14+$0x10]  }
0x218: {  	v1 =	vld [tilespmem:s20+$0x10];
	_ =	sdelay $0x3  }
0x219: {  	v0 =	vmul.u32 $0x3, v0  }
0x21a: {  	v1 =	vmul.u32 $0x3, v1  }
0x21b: {  	[tilespmem:s28+$0xFFFFF070] =	vst v0  }
0x21c: {  	v2 =	vadd.s32 $0x1, v0;
	[tilespmem:s21+$0xFFFFF070] =	vst v1  }
0x21d: {  	[tilespmem:s28+$0x10] =	vst v2;
	v2 =	vadd.s32 $0x1, v1  }
0x21e: {  	v0 =	vadd.s32 $0x2, v0;
	[tilespmem:s21+$0x10] =	vst v2  }
0x21f: {  	s26 =	simm.s32 $0x2F40;
	s25 =	simm.s32 $0x5E20;
	s24 =	simm.s32 $0x0;
	[tilespmem:s28+$0xFB0] =	vst v0;
	v0 =	vadd.s32 $0x2, v1  }
.LBB2_9:
0x220: {  	s24 =	sadd.s32 $0x4, s24;
	[tilespmem:s21+$0xFB0] =	vst v0;
	s14 =	sadd.s32 $0x40, s14;
	s20 =	sadd.s32 $0x40, s20  }
0x221: {  	s21 =	smov.u32 s25;
	v0 =	vld [tilespmem:s14+$0xFFFFFFE0];
	p0 =	slt.u32 s24, $0xF4  }
0x222: {  	v1 =	vld [tilespmem:s20+$0xFFFFFFE0];
	_ =	sdelay $0x3  }
0x223: {  	v0 =	vmul.u32 $0x3, v0  }
0x224: {  	v1 =	vmul.u32 $0x3, v1  }
0x225: {  	[tilespmem:s26+$0xFFFFF040] =	vst v0  }
0x226: {  	v2 =	vadd.s32 $0x1, v0;
	[tilespmem:s25+$0xFFFFF040] =	vst v1  }
0x227: {  	[tilespmem:s26+$0xFFFFFFE0] =	vst v2;
	v2 =	vadd.s32 $0x1, v1  }
0x228: {  	v0 =	vadd.s32 $0x2, v0;
	[tilespmem:s25+$0xFFFFFFE0] =	vst v2  }
0x229: {  	[tilespmem:s26+$0xF80] =	vst v0;
	v0 =	vadd.s32 $0x2, v1  }
0x22a: {  	[tilespmem:s25+$0xF80] =	vst v0  }
0x22b: {  	v0 =	vld [tilespmem:s14+$0xFFFFFFF0]  }
0x22c: {  	v1 =	vld [tilespmem:s20+$0xFFFFFFF0];
	_ =	sdelay $0x3  }
0x22d: {  	v0 =	vmul.u32 $0x3, v0  }
0x22e: {  	v1 =	vmul.u32 $0x3, v1  }
0x22f: {  	[tilespmem:s26+$0xFFFFF050] =	vst v0  }
0x230: {  	v2 =	vadd.s32 $0x1, v0;
	[tilespmem:s25+$0xFFFFF050] =	vst v1  }
0x231: {  	[tilespmem:s26+$0xFFFFFFF0] =	vst v2;
	v2 =	vadd.s32 $0x1, v1  }
0x232: {  	v0 =	vadd.s32 $0x2, v0;
	[tilespmem:s25+$0xFFFFFFF0] =	vst v2  }
0x233: {  	[tilespmem:s26+$0xF90] =	vst v0;
	v0 =	vadd.s32 $0x2, v1  }
0x234: {  	[tilespmem:s25+$0xF90] =	vst v0  }
0x235: {  	v0 =	vld [tilespmem:s14+$0x0]  }
0x236: {  	v1 =	vld [tilespmem:s20+$0x0];
	_ =	sdelay $0x3  }
0x237: {  	v0 =	vmul.u32 $0x3, v0  }
0x238: {  	v1 =	vmul.u32 $0x3, v1  }
0x239: {  	[tilespmem:s26+$0xFFFFF060] =	vst v0  }
0x23a: {  	v2 =	vadd.s32 $0x1, v0;
	[tilespmem:s25+$0xFFFFF060] =	vst v1  }
0x23b: {  	[tilespmem:s26+$0x0] =	vst v2;
	v2 =	vadd.s32 $0x1, v1  }
0x23c: {  	v0 =	vadd.s32 $0x2, v0;
	[tilespmem:s25+$0x0] =	vst v2  }
0x23d: {  	[tilespmem:s26+$0xFA0] =	vst v0;
	v0 =	vadd.s32 $0x2, v1  }
0x23e: {  	[tilespmem:s25+$0xFA0] =	vst v0  }
0x23f: {  	v0 =	vld [tilespmem:s14+$0x10]  }
0x240: {  	v1 =	vld [tilespmem:s20+$0x10];
	_ =	sdelay $0x3  }
0x241: {  	v0 =	vmul.u32 $0x3, v0  }
0x242: {  	v1 =	vmul.u32 $0x3, v1  }
.Ltmp3:
0x243: {  	[tilespmem:s26+$0xFFFFF070] =	vst v0;
	(pc) =	sbr.rel @p0 .LBB2_9-.Ltmp3, $4  }
0x244: {  	v2 =	vadd.s32 $0x1, v0;
	[tilespmem:s25+$0xFFFFF070] =	vst v1  }
0x245: {  	[tilespmem:s26+$0x10] =	vst v2;
	v2 =	vadd.s32 $0x1, v1  }
0x246: {  	v0 =	vadd.s32 $0x2, v0;
	[tilespmem:s25+$0x10] =	vst v2  }
0x247: {  	s25 =	sadd.s32 $0x40, s25;
	[tilespmem:s26+$0xFB0] =	vst v0;
	v0 =	vadd.s32 $0x2, v1;
	s26 =	sadd.s32 $0x40, s26  }
0x248: {  	[tilespmem:s21+$0xFB0] =	vst v0  }
0x249: {  	v0 =	vld [tilespmem:$0xF80]  }
0x24a: {  	v1 =	vld [tilespmem:$0x1F20];
	_ =	sdelay $0x3  }
0x24b: {  	v0 =	vmul.u32 $0x3, v0  }
0x24c: {  	v2 =	vld [tilespmem:$0xF90];
	v1 =	vmul.u32 $0x3, v1  }
0x24d: {  	v3 =	vld [tilespmem:$0x1F30];
	[tilespmem:$0x2EC0] =	vst v0  }
0x24e: {  	[tilespmem:$0x5DA0] =	vst v1;
	v4 =	vadd.s32 $0x1, v0  }
0x24f: {  	v44 =	vadd.s32 $0x1, v1;
	[tilespmem:$0x3E60] =	vst v4  }
0x250: {  	v0 =	vadd.s32 $0x2, v0;
	[tilespmem:$0x6D40] =	vst v44  }
0x251: {  	[tilespmem:$0x4E00] =	vst v0;
	v0 =	vadd.s32 $0x2, v1;
	v1 =	vmul.u32 $0x3, v2  }
0x252: {  	[tilespmem:$0x7CE0] =	vst v0;
	v0 =	vmul.u32 $0x3, v3  }
0x253: {  	[tilespmem:$0x2ED0] =	vst v1  }
0x254: {  	v2 =	vadd.s32 $0x1, v1;
	[tilespmem:$0x5DB0] =	vst v0  }
0x255: {  	v1 =	vadd.s32 $0x2, v1;
	[tilespmem:$0x3E70] =	vst v2  }
0x256: {  	v2 =	vadd.s32 $0x1, v0;
	[tilespmem:$0x4E10] =	vst v1  }
0x257: {  	v0 =	vadd.s32 $0x2, v0;
	[tilespmem:$0x6D50] =	vst v2  }
0x258: {  	s14 =	simm.s32 $0x1F40;
	s20 =	simm.s32 $0xDAC0;
	[tilespmem:$0x7CF0] =	vst v0  }
0x259: {  	[tilespmem:s20], [sflag:$0x1] =	stream.indirect.gather [hbm4b:s7+s19], $0x1, s14, s19, $0xb8;
	[tilespmem:$0x1D4C0] =	vst v63  }
0x25a: {  	_ = 	snop  }
0x25b: {  	[tilespmem:s23], [sflag:$0x2] =	stream.indirect.gather [hbm4b:s7+s19], $0x1, s22, s19, $0xb8;
	[tilespmem:$0x1D4C0] =	vst v63  }
0x25c: {  	_ =	swait.ge [sflag:s12], $0x2EE0  }
0x25d: {  	[sflag:s12] =	ssyncset.done $0x0  }
0x25e: {  	[sflag:s12] =	ssyncadd.s32 $0xFFFFD120  }
0x25f: {  	_ =	swait.ge [sflag:s13], $0x2EE0  }
0x260: {  	[sflag:s13] =	ssyncset.done $0x0  }
0x261: {  	s28 =	simm.s32 $0x17720;
	[sflag:s13] =	ssyncadd.s32 $0xFFFFD120  }
0x262: {  	s14 =	simm.s32 $0x14840;
	v0 =	vld [tilespmem:s28+$0xFFFFF040]  }
0x263: {  	v1 =	vld [tilespmem:s14+$0xFFFFFFE0]  }
0x264: {  	v2 =	vld [tilespmem:s28+$0xFFFFFFE0]  }
0x265: {  	v3 =	vld [tilespmem:s14+$0xFFFFF040]  }
0x266: {  	v45 =	vld [tilespmem:s14+$0xF80]  }
0x267: {  	v5 =	vld [tilespmem:s28+$0xF80];
	_ =	sdelay $0x2  }
0x268: {  	v1 =	vsub.f32 v2, v1;
	v0 =	vsub.f32 v0, v3;
	_ =	sdelay $0x1  }
0x269: {  	v2 =	vsub.f32 v5, v45;
	v3 =	vmul.f32 v0, v0;
	v46 =	vmul.f32 v1, v1;
	_ =	sdelay $0x1  }
0x26a: {  	v47 =	vmul.f32 v2, v2;
	v3 =	vadd.f32 v46, v3;
	_ =	sdelay $0x1  }
0x26b: {  	v3 =	vadd.f32 v47, v3;
	_ =	sdelay $0x1  }
0x26c: {  	v4 =	vshrl.u32 v3, $0x1;
	v48 =	vmul.f32 $5.000000000e-01, v3  }
0x26d: {  	v4 =	vsub.s32 $0x5F3759DF, v4  }
0x26e: {  	v6 =	vmul.f32 v4, v48;
	_ =	sdelay $0x1  }
0x26f: {  	v6 =	vmul.f32 v4, v6;
	_ =	sdelay $0x1  }
0x270: {  	v6 =	vsub.f32 $1.500000000e+00, v6;
	_ =	sdelay $0x1  }
0x271: {  	v4 =	vmul.f32 v4, v6;
	_ =	sdelay $0x1  }
0x272: {  	v5 =	vmul.f32 v4, v48;
	_ =	sdelay $0x1  }
0x273: {  	v5 =	vmul.f32 v5, v4;
	_ =	sdelay $0x1  }
0x274: {  	v5 =	vsub.f32 $1.500000000e+00, v5;
	_ =	sdelay $0x1  }
0x275: {  	s25 =	simm.s32 $0x1A600;
	v4 =	vmul.f32 v5, v4  }
0x276: {  	[tilespmem:s25+$0xFFFFFFE0] =	vst v1  }
0x277: {  	[tilespmem:s25+$0xFFFFF040] =	vst v0;
	v0 =	vmul.f32 v4, v3  }
0x278: {  	s24 =	simm.s32 $0x1C540;
	[tilespmem:s25+$0xF80] =	vst v2  }
0x279: {  	[tilespmem:s24+$0xFFFFFFE0] =	vst v0  }
0x27a: {  	v0 =	vld [tilespmem:s14+$0xFFFFFFF0]  }
0x27b: {  	v1 =	vld [tilespmem:s28+$0xFFFFF050]  }
0x27c: {  	v2 =	vld [tilespmem:s28+$0xFFFFFFF0]  }
0x27d: {  	v3 =	vld [tilespmem:s14+$0xFFFFF050]  }
0x27e: {  	v49 =	vld [tilespmem:s14+$0xF90]  }
0x27f: {  	v50 =	vld [tilespmem:s28+$0xF90];
	_ =	sdelay $0x2  }
0x280: {  	v0 =	vsub.f32 v2, v0;
	v1 =	vsub.f32 v1, v3;
	_ =	sdelay $0x1  }
0x281: {  	v3 =	vsub.f32 v50, v49;
	v2 =	vmul.f32 v0, v0;
	v51 =	vmul.f32 v1, v1;
	_ =	sdelay $0x1  }
0x282: {  	v52 =	vmul.f32 v3, v3;
	v2 =	vadd.f32 v2, v51;
	_ =	sdelay $0x1  }
0x283: {  	v2 =	vadd.f32 v52, v2;
	_ =	sdelay $0x1  }
0x284: {  	v4 =	vshrl.u32 v2, $0x1;
	v53 =	vmul.f32 $5.000000000e-01, v2  }
0x285: {  	v4 =	vsub.s32 $0x5F3759DF, v4  }
0x286: {  	v54 =	vmul.f32 v4, v53;
	_ =	sdelay $0x1  }
0x287: {  	v6 =	vmul.f32 v4, v54;
	_ =	sdelay $0x1  }
0x288: {  	v6 =	vsub.f32 $1.500000000e+00, v6;
	_ =	sdelay $0x1  }
0x289: {  	v4 =	vmul.f32 v4, v6;
	_ =	sdelay $0x1  }
0x28a: {  	v5 =	vmul.f32 v4, v53;
	_ =	sdelay $0x1  }
0x28b: {  	v5 =	vmul.f32 v5, v4;
	_ =	sdelay $0x1  }
0x28c: {  	v5 =	vsub.f32 $1.500000000e+00, v5;
	_ =	sdelay $0x1  }
0x28d: {  	v4 =	vmul.f32 v5, v4  }
0x28e: {  	[tilespmem:s25+$0xFFFFFFF0] =	vst v0  }
0x28f: {  	[tilespmem:s25+$0xFFFFF050] =	vst v1;
	v0 =	vmul.f32 v4, v2  }
0x290: {  	[tilespmem:s25+$0xF90] =	vst v3  }
0x291: {  	[tilespmem:s24+$0xFFFFFFF0] =	vst v0  }
0x292: {  	v0 =	vld [tilespmem:s28+$0xFFFFF060]  }
0x293: {  	v1 =	vld [tilespmem:s14+$0xFFFFF060]  }
0x294: {  	v2 =	vld [tilespmem:s14+$0x0]  }
0x295: {  	v3 =	vld [tilespmem:s28+$0x0]  }
0x296: {  	v55 =	vld [tilespmem:s14+$0xFA0]  }
0x297: {  	v56 =	vld [tilespmem:s28+$0xFA0];
	_ =	sdelay $0x2  }
0x298: {  	v0 =	vsub.f32 v0, v1;
	v1 =	vsub.f32 v3, v2;
	_ =	sdelay $0x1  }
0x299: {  	v3 =	vsub.f32 v56, v55;
	v2 =	vmul.f32 v0, v0;
	v57 =	vmul.f32 v1, v1;
	_ =	sdelay $0x1  }
0x29a: {  	v58 =	vmul.f32 v3, v3;
	v2 =	vadd.f32 v57, v2;
	_ =	sdelay $0x1  }
0x29b: {  	v2 =	vadd.f32 v58, v2;
	_ =	sdelay $0x1  }
0x29c: {  	v4 =	vshrl.u32 v2, $0x1;
	v59 =	vmul.f32 $5.000000000e-01, v2  }
0x29d: {  	v4 =	vsub.s32 $0x5F3759DF, v4  }
0x29e: {  	v60 =	vmul.f32 v4, v59;
	_ =	sdelay $0x1  }
0x29f: {  	v6 =	vmul.f32 v4, v60;
	_ =	sdelay $0x1  }
0x2a0: {  	v6 =	vsub.f32 $1.500000000e+00, v6;
	_ =	sdelay $0x1  }
0x2a1: {  	v4 =	vmul.f32 v4, v6;
	_ =	sdelay $0x1  }
0x2a2: {  	v5 =	vmul.f32 v4, v59;
	_ =	sdelay $0x1  }
0x2a3: {  	v5 =	vmul.f32 v5, v4;
	_ =	sdelay $0x1  }
0x2a4: {  	v5 =	vsub.f32 $1.500000000e+00, v5;
	_ =	sdelay $0x1  }
0x2a5: {  	v4 =	vmul.f32 v5, v4  }
0x2a6: {  	[tilespmem:s25+$0xFFFFF060] =	vst v0  }
0x2a7: {  	[tilespmem:s25+$0x0] =	vst v1;
	v0 =	vmul.f32 v4, v2  }
0x2a8: {  	[tilespmem:s25+$0xFA0] =	vst v3  }
0x2a9: {  	[tilespmem:s24+$0x0] =	vst v0  }
0x2aa: {  	v0 =	vld [tilespmem:s28+$0xFFFFF070]  }
0x2ab: {  	v1 =	vld [tilespmem:s14+$0x10]  }
0x2ac: {  	v2 =	vld [tilespmem:s14+$0xFFFFF070]  }
0x2ad: {  	v3 =	vld [tilespmem:s28+$0x10]  }
0x2ae: {  	v61 =	vld [tilespmem:s28+$0xFB0]  }
0x2af: {  	v62 =	vld [tilespmem:s14+$0xFB0];
	_ =	sdelay $0x2  }
0x2b0: {  	v2 =	vsub.f32 v0, v2;
	v3 =	vsub.f32 v3, v1;
	_ =	sdelay $0x1  }
0x2b1: {  	v4 =	vsub.f32 v61, v62;
	v0 =	vmul.f32 v2, v2;
	v1 =	vmul.f32 v3, v3;
	_ =	sdelay $0x1  }
0x2b2: {  	v5 =	vmul.f32 v4, v4;
	v0 =	vadd.f32 v1, v0;
	_ =	sdelay $0x1  }
0x2b3: {  	v0 =	vadd.f32 v5, v0;
	_ =	sdelay $0x1  }
0x2b4: {  	v5 =	vshrl.u32 v0, $0x1;
	v1 =	vmul.f32 $5.000000000e-01, v0  }
0x2b5: {  	v5 =	vsub.s32 $0x5F3759DF, v5  }
0x2b6: {  	v63 =	vmul.f32 v5, v1;
	_ =	sdelay $0x1  }
0x2b7: {  	v6 =	vmul.f32 v5, v63;
	_ =	sdelay $0x1  }
0x2b8: {  	[tilespmem:s25+$0xFFFFF070] =	vst v2;
	v2 =	vsub.f32 $1.500000000e+00, v6  }
0x2b9: {  	[tilespmem:s25+$0x10] =	vst v3  }
0x2ba: {  	s26 =	simm.s32 $0x0;
	s21 =	simm.s32 $0x1C580;
	s20 =	simm.s32 $0x17760;
	[tilespmem:s25+$0xFB0] =	vst v4;
	v2 =	vmul.f32 v5, v2  }
.LBB2_11:
0x2bb: {  	s26 =	sadd.s32 $0x4, s26;
	s25 =	sadd.s32 $0x40, s25;
	s14 =	sadd.s32 $0x40, s14  }
0x2bc: {  	p0 =	slt.u32 s26, $0xF4;
	v1 =	vmul.f32 v2, v1;
	_ =	sdelay $0x1  }
0x2bd: {  	v1 =	vmul.f32 v1, v2;
	_ =	sdelay $0x1  }
0x2be: {  	v1 =	vsub.f32 $1.500000000e+00, v1;
	_ =	sdelay $0x1  }
0x2bf: {  	v1 =	vmul.f32 v1, v2;
	_ =	sdelay $0x1  }
0x2c0: {  	v0 =	vmul.f32 v1, v0;
	_ =	sdelay $0x1  }
0x2c1: {  	[tilespmem:s24+$0x10] =	vst v0;
	s24 =	smov.u32 s21  }
0x2c2: {  	v0 =	vld [tilespmem:s20+$0xFFFFF040]  }
0x2c3: {  	v1 =	vld [tilespmem:s14+$0xFFFFFFE0]  }
0x2c4: {  	v2 =	vld [tilespmem:s20+$0xFFFFFFE0]  }
0x2c5: {  	v3 =	vld [tilespmem:s14+$0xFFFFF040]  }
0x2c6: {  	v4 =	vld [tilespmem:s14+$0xF80]  }
0x2c7: {  	v5 =	vld [tilespmem:s20+$0xF80];
	_ =	sdelay $0x1  }
0x2c8: {  	v1 =	vsub.f32 v2, v1  }
0x2c9: {  	v0 =	vsub.f32 v0, v3;
	_ =	sdelay $0x1  }
0x2ca: {  	v2 =	vsub.f32 v5, v4;
	v3 =	vmul.f32 v0, v0;
	v4 =	vmul.f32 v1, v1;
	_ =	sdelay $0x1  }
0x2cb: {  	v3 =	vadd.f32 v4, v3;
	v4 =	vmul.f32 v2, v2;
	_ =	sdelay $0x1  }
0x2cc: {  	v3 =	vadd.f32 v4, v3;
	_ =	sdelay $0x1  }
0x2cd: {  	v4 =	vshrl.u32 v3, $0x1;
	v5 =	vmul.f32 $5.000000000e-01, v3  }
0x2ce: {  	v4 =	vsub.s32 $0x5F3759DF, v4  }
0x2cf: {  	v6 =	vmul.f32 v4, v5;
	_ =	sdelay $0x1  }
0x2d0: {  	v6 =	vmul.f32 v4, v6;
	_ =	sdelay $0x1  }
0x2d1: {  	v6 =	vsub.f32 $1.500000000e+00, v6;
	_ =	sdelay $0x1  }
0x2d2: {  	v4 =	vmul.f32 v4, v6;
	_ =	sdelay $0x1  }
0x2d3: {  	v5 =	vmul.f32 v4, v5;
	_ =	sdelay $0x1  }
0x2d4: {  	v5 =	vmul.f32 v5, v4;
	_ =	sdelay $0x1  }
0x2d5: {  	v5 =	vsub.f32 $1.500000000e+00, v5;
	_ =	sdelay $0x1  }
0x2d6: {  	v4 =	vmul.f32 v5, v4  }
0x2d7: {  	[tilespmem:s25+$0xFFFFFFE0] =	vst v1  }
0x2d8: {  	[tilespmem:s25+$0xFFFFF040] =	vst v0;
	v0 =	vmul.f32 v4, v3  }
0x2d9: {  	[tilespmem:s25+$0xF80] =	vst v2  }
0x2da: {  	[tilespmem:s21+$0xFFFFFFE0] =	vst v0  }
0x2db: {  	v0 =	vld [tilespmem:s14+$0xFFFFFFF0]  }
0x2dc: {  	v1 =	vld [tilespmem:s20+$0xFFFFF050]  }
0x2dd: {  	v2 =	vld [tilespmem:s20+$0xFFFFFFF0]  }
0x2de: {  	v3 =	vld [tilespmem:s14+$0xFFFFF050]  }
0x2df: {  	v4 =	vld [tilespmem:s14+$0xF90]  }
0x2e0: {  	v5 =	vld [tilespmem:s20+$0xF90];
	_ =	sdelay $0x1  }
0x2e1: {  	v0 =	vsub.f32 v2, v0  }
0x2e2: {  	v1 =	vsub.f32 v1, v3  }
0x2e3: {  	v2 =	vmul.f32 v0, v0  }
0x2e4: {  	v3 =	vsub.f32 v5, v4;
	v4 =	vmul.f32 v1, v1;
	_ =	sdelay $0x1  }
0x2e5: {  	v2 =	vadd.f32 v2, v4;
	v4 =	vmul.f32 v3, v3;
	_ =	sdelay $0x1  }
0x2e6: {  	v2 =	vadd.f32 v4, v2;
	_ =	sdelay $0x1  }
0x2e7: {  	v4 =	vshrl.u32 v2, $0x1;
	v5 =	vmul.f32 $5.000000000e-01, v2  }
0x2e8: {  	v4 =	vsub.s32 $0x5F3759DF, v4  }
0x2e9: {  	v6 =	vmul.f32 v4, v5;
	_ =	sdelay $0x1  }
0x2ea: {  	v6 =	vmul.f32 v4, v6;
	_ =	sdelay $0x1  }
0x2eb: {  	v6 =	vsub.f32 $1.500000000e+00, v6;
	_ =	sdelay $0x1  }
0x2ec: {  	v4 =	vmul.f32 v4, v6;
	_ =	sdelay $0x1  }
0x2ed: {  	v5 =	vmul.f32 v4, v5;
	_ =	sdelay $0x1  }
0x2ee: {  	v5 =	vmul.f32 v5, v4;
	_ =	sdelay $0x1  }
0x2ef: {  	v5 =	vsub.f32 $1.500000000e+00, v5;
	_ =	sdelay $0x1  }
0x2f0: {  	v4 =	vmul.f32 v5, v4  }
0x2f1: {  	[tilespmem:s25+$0xFFFFFFF0] =	vst v0  }
0x2f2: {  	[tilespmem:s25+$0xFFFFF050] =	vst v1;
	v0 =	vmul.f32 v4, v2  }
0x2f3: {  	[tilespmem:s25+$0xF90] =	vst v3  }
0x2f4: {  	[tilespmem:s21+$0xFFFFFFF0] =	vst v0  }
0x2f5: {  	v0 =	vld [tilespmem:s20+$0xFFFFF060]  }
0x2f6: {  	v1 =	vld [tilespmem:s14+$0xFFFFF060]  }
0x2f7: {  	v2 =	vld [tilespmem:s14+$0x0]  }
0x2f8: {  	v3 =	vld [tilespmem:s20+$0x0]  }
0x2f9: {  	v4 =	vld [tilespmem:s14+$0xFA0]  }
0x2fa: {  	v5 =	vld [tilespmem:s20+$0xFA0]  }
0x2fb: {  	v0 =	vsub.f32 v0, v1;
	_ =	sdelay $0x1  }
0x2fc: {  	v1 =	vsub.f32 v3, v2;
	[tilespmem:s25+$0xFFFFF060] =	vst v0;
	v0 =	vmul.f32 v0, v0;
	_ =	sdelay $0x1  }
0x2fd: {  	v2 =	vsub.f32 v5, v4;
	[tilespmem:s25+$0x0] =	vst v1;
	v1 =	vmul.f32 v1, v1;
	_ =	sdelay $0x1  }
0x2fe: {  	[tilespmem:s25+$0xFA0] =	vst v2;
	v0 =	vadd.f32 v1, v0;
	v1 =	vmul.f32 v2, v2;
	_ =	sdelay $0x1  }
0x2ff: {  	v0 =	vadd.f32 v1, v0;
	_ =	sdelay $0x1  }
0x300: {  	v1 =	vshrl.u32 v0, $0x1;
	v2 =	vmul.f32 $5.000000000e-01, v0  }
0x301: {  	v1 =	vsub.s32 $0x5F3759DF, v1  }
0x302: {  	v3 =	vmul.f32 v1, v2;
	_ =	sdelay $0x1  }
0x303: {  	v3 =	vmul.f32 v1, v3;
	_ =	sdelay $0x1  }
0x304: {  	v3 =	vsub.f32 $1.500000000e+00, v3;
	_ =	sdelay $0x1  }
0x305: {  	v1 =	vmul.f32 v1, v3;
	_ =	sdelay $0x1  }
0x306: {  	v2 =	vmul.f32 v1, v2;
	_ =	sdelay $0x1  }
0x307: {  	v2 =	vmul.f32 v2, v1;
	_ =	sdelay $0x1  }
0x308: {  	v2 =	vsub.f32 $1.500000000e+00, v2;
	_ =	sdelay $0x1  }
0x309: {  	v1 =	vmul.f32 v2, v1;
	_ =	sdelay $0x1  }
0x30a: {  	v0 =	vmul.f32 v1, v0;
	_ =	sdelay $0x1  }
0x30b: {  	[tilespmem:s21+$0x0] =	vst v0  }
0x30c: {  	v0 =	vld [tilespmem:s20+$0xFB0]  }
0x30d: {  	v1 =	vld [tilespmem:s20+$0xFFFFF070]  }
0x30e: {  	v2 =	vld [tilespmem:s14+$0xFB0]  }
0x30f: {  	v3 =	vld [tilespmem:s14+$0x10]  }
0x310: {  	v4 =	vld [tilespmem:s14+$0xFFFFF070]  }
0x311: {  	v5 =	vld [tilespmem:s20+$0x10];
	_ =	sdelay $0x3  }
0x312: {  	v0 =	vsub.f32 v0, v2;
	v1 =	vsub.f32 v1, v4  }
0x313: {  	v2 =	vsub.f32 v5, v3  }
0x314: {  	v3 =	vmul.f32 v0, v0;
	[tilespmem:s25+$0xFFFFF070] =	vst v1;
	v1 =	vmul.f32 v1, v1  }
0x315: {  	[tilespmem:s25+$0x10] =	vst v2;
	v2 =	vmul.f32 v2, v2  }
0x316: {  	[tilespmem:s25+$0xFB0] =	vst v0  }
0x317: {  	v0 =	vadd.f32 v2, v1;
	_ =	sdelay $0x1  }
0x318: {  	v0 =	vadd.f32 v3, v0;
	_ =	sdelay $0x1  }
0x319: {  	v2 =	vshrl.u32 v0, $0x1;
	v1 =	vmul.f32 $5.000000000e-01, v0  }
0x31a: {  	v2 =	vsub.s32 $0x5F3759DF, v2  }
0x31b: {  	v3 =	vmul.f32 v2, v1;
	_ =	sdelay $0x1  }
.Ltmp4:
0x31c: {  	v3 =	vmul.f32 v2, v3;
	(pc) =	sbr.rel @p0 .LBB2_11-.Ltmp4, $3  }
0x31d: {  	_ = 	snop  }
0x31e: {  	v3 =	vsub.f32 $1.500000000e+00, v3;
	_ =	sdelay $0x1  }
0x31f: {  	s21 =	sadd.s32 $0x40, s21;
	s20 =	sadd.s32 $0x40, s20;
	v2 =	vmul.f32 v2, v3  }
0x320: {  	_ = 	snop  }
0x321: {  	v1 =	vmul.f32 v2, v1;
	_ =	sdelay $0x1  }
0x322: {  	v1 =	vmul.f32 v1, v2;
	_ =	sdelay $0x1  }
0x323: {  	v1 =	vsub.f32 $1.500000000e+00, v1;
	_ =	sdelay $0x1  }
0x324: {  	v1 =	vmul.f32 v1, v2;
	_ =	sdelay $0x1  }
0x325: {  	v0 =	vmul.f32 v1, v0;
	_ =	sdelay $0x1  }
0x326: {  	[tilespmem:s24+$0x10] =	vst v0  }
0x327: {  	v0 =	vld [tilespmem:$0x176E0]  }
0x328: {  	v48 =	vld [tilespmem:$0x14800]  }
0x329: {  	v49 =	vld [tilespmem:$0x18680]  }
0x32a: {  	v3 =	vld [tilespmem:$0x157A0]  }
0x32b: {  	v4 =	vld [tilespmem:$0x19620]  }
0x32c: {  	v5 =	vld [tilespmem:$0x16740]  }
0x32d: {  	v6 =	vld [tilespmem:$0x176F0]  }
0x32e: {  	v7 =	vld [tilespmem:$0x14810]  }
0x32f: {  	v8 =	vld [tilespmem:$0x18690]  }
0x330: {  	v51 =	vld [tilespmem:$0x157B0]  }
0x331: {  	v52 =	vld [tilespmem:$0x19630]  }
0x332: {  	v10 =	vld [tilespmem:$0x16750];
	v0 =	vsub.f32 v0, v48;
	v50 =	vsub.f32 v49, v3;
	_ =	sdelay $0x1  }
0x333: {  	v4 =	vsub.f32 v4, v5;
	v53 =	vmul.f32 v0, v0;
	v9 =	vmul.f32 v50, v50  }
0x334: {  	v6 =	vsub.f32 v6, v7;
	v2 =	vsub.f32 v8, v51  }
0x335: {  	v54 =	vmul.f32 v4, v4;
	v5 =	vadd.f32 v9, v53  }
0x336: {  	v3 =	vsub.f32 v52, v10;
	v7 =	vmul.f32 v6, v6;
	v8 =	vmul.f32 v2, v2  }
0x337: {  	v5 =	vadd.f32 v54, v5  }
0x338: {  	v56 =	vmul.f32 v3, v3;
	v7 =	vadd.f32 v8, v7  }
0x339: {  	v9 =	vshrl.u32 v5, $0x1;
	v55 =	vmul.f32 $5.000000000e-01, v5  }
0x33a: {  	v7 =	vadd.f32 v56, v7;
	v9 =	vsub.s32 $0x5F3759DF, v9  }
0x33b: {  	v11 =	vmul.f32 v9, v55  }
0x33c: {  	v58 =	vshrl.u32 v7, $0x1;
	v12 =	vmul.f32 $5.000000000e-01, v7  }
0x33d: {  	v57 =	vmul.f32 v9, v11;
	v11 =	vsub.s32 $0x5F3759DF, v58  }
0x33e: {  	v13 =	vmul.f32 v11, v12;
	_ =	sdelay $0x1  }
0x33f: {  	v8 =	vsub.f32 $1.500000000e+00, v57;
	v59 =	vmul.f32 v11, v13;
	_ =	sdelay $0x1  }
0x340: {  	v8 =	vmul.f32 v9, v8;
	v9 =	vsub.f32 $1.500000000e+00, v59;
	_ =	sdelay $0x1  }
0x341: {  	v9 =	vmul.f32 v11, v9  }
0x342: {  	v10 =	vmul.f32 v8, v55  }
0x343: {  	v11 =	vmul.f32 v9, v12  }
0x344: {  	v10 =	vmul.f32 v10, v8  }
0x345: {  	v60 =	vmul.f32 v11, v9  }
0x346: {  	[tilespmem:$0x1A5C0] =	vst v0;
	v10 =	vsub.f32 $1.500000000e+00, v10  }
0x347: {  	[tilespmem:$0x1B560] =	vst v50;
	v62 =	vsub.f32 $1.500000000e+00, v60  }
0x348: {  	[tilespmem:$0x1C500] =	vst v4;
	v8 =	vmul.f32 v10, v8  }
0x349: {  	[tilespmem:$0x1A5D0] =	vst v6;
	v63 =	vmul.f32 v62, v9  }
0x34a: {  	[tilespmem:$0x1B570] =	vst v2;
	v61 =	vmul.f32 v8, v5  }
0x34b: {  	[tilespmem:$0x1C510] =	vst v3;
	v0 =	vmul.f32 v63, v7  }
0x34c: {  	[tilespmem:$0x1D4A0] =	vst v61  }
0x34d: {  	s14 =	sadd.s32 s2, s16;
	[tilespmem:$0x1D4B0] =	vst v0  }
0x34e: {  	[hbm4b:s14+s4] =	stream.linear.scatter [tilespmem:s31], [sflag:$0x5], $0xFA0, $0x38;
	[tilespmem:$0x1D4C0] =	vst v63  }
0x34f: {  	_ =	swait.ge [sflag:s17], $0xFA0  }
0x350: {  	[sflag:s17] =	ssyncset.done $0x0  }
0x351: {  	s8 =	sadd.s32 s2, s8;
	[sflag:s17] =	ssyncadd.s32 $0xFFFFF060  }
0x352: {  	[hbm4b:s8+s4] =	stream.linear.scatter [tilespmem:s1], [sflag:$0x5], $0xFA0, $0x38;
	[tilespmem:$0x1D4C0] =	vst v63  }
0x353: {  	_ =	swait.ge [sflag:s17], $0xFA0  }
0x354: {  	[sflag:s17] =	ssyncset.done $0x0  }
0x355: {  	s26 =	sadd.s32 $0xC3500, s14;
	[sflag:s17] =	ssyncadd.s32 $0xFFFFF060  }
0x356: {  	[hbm4b:s26+s4] =	stream.linear.scatter [tilespmem:s0], [sflag:$0x5], $0xFA0, $0x38;
	[tilespmem:$0x1D4C0] =	vst v63  }
0x357: {  	s15 =	sadd.s32 $0x1, s15;
	_ =	swait.ge [sflag:s17], $0xFA0  }
0x358: {  	p0 =	sne.s32 s15, $0xC;
	[sflag:s17] =	ssyncset.done $0x0  }
.Ltmp5:
0x359: {  	s28 =	sadd.s32 s3, s16;
	[sflag:s17] =	ssyncadd.s32 $0xFFFFF060;
	(pc) =	sbr.rel @p0 .LBB2_4-.Ltmp5, $4  }
0x35a: {  	[hbm4b:s28+s4] =	stream.linear.scatter [tilespmem:s9], [sflag:$0x5], $0xFA0, $0x38;
	[tilespmem:$0x1D4C0] =	vst v63  }
0x35b: {  	_ =	swait.ge [sflag:s17], $0xFA0  }
0x35c: {  	[sflag:s17] =	ssyncset.done $0x0  }
0x35d: {  	[sflag:s17] =	ssyncadd.s32 $0xFFFFF060  }
0x35e: {  	_ =	swait.ge [sflag:s29], $0x2EE0  }
0x35f: {  	[sflag:s29] =	ssyncset.done $0x0  }
0x360: {  	[sflag:s29] =	ssyncadd.s32 $0xFFFFD120  }
0x361: {  	_ =	swait.ge [sflag:s30], $0x2EE0  }
0x362: {  	[sflag:s30] =	ssyncset.done $0x0  }
0x363: {  	s16 =	simm.s32 $0x11960;
	[sflag:s30] =	ssyncadd.s32 $0xFFFFD120  }
0x364: {  	s8 =	simm.s32 $0xEA80;
	v0 =	vld [tilespmem:s16+$0xFFFFF040]  }
0x365: {  	v1 =	vld [tilespmem:s8+$0xFFFFFFE0]  }
0x366: {  	v2 =	vld [tilespmem:s16+$0xFFFFFFE0]  }
0x367: {  	v3 =	vld [tilespmem:s8+$0xFFFFF040]  }
0x368: {  	v4 =	vld [tilespmem:s8+$0xF80]  }
0x369: {  	v5 =	vld [tilespmem:s16+$0xF80];
	_ =	sdelay $0x2  }
0x36a: {  	v1 =	vsub.f32 v2, v1;
	v0 =	vsub.f32 v0, v3;
	_ =	sdelay $0x1  }
0x36b: {  	v2 =	vsub.f32 v5, v4;
	v3 =	vmul.f32 v0, v0;
	v46 =	vmul.f32 v1, v1;
	_ =	sdelay $0x1  }
0x36c: {  	v47 =	vmul.f32 v2, v2;
	v3 =	vadd.f32 v46, v3;
	_ =	sdelay $0x1  }
0x36d: {  	v3 =	vadd.f32 v47, v3;
	_ =	sdelay $0x1  }
0x36e: {  	v4 =	vshrl.u32 v3, $0x1;
	v48 =	vmul.f32 $5.000000000e-01, v3  }
0x36f: {  	v4 =	vsub.s32 $0x5F3759DF, v4  }
0x370: {  	v6 =	vmul.f32 v4, v48;
	_ =	sdelay $0x1  }
0x371: {  	v6 =	vmul.f32 v4, v6;
	_ =	sdelay $0x1  }
0x372: {  	v6 =	vsub.f32 $1.500000000e+00, v6;
	_ =	sdelay $0x1  }
0x373: {  	v4 =	vmul.f32 v4, v6;
	_ =	sdelay $0x1  }
0x374: {  	v5 =	vmul.f32 v4, v48;
	_ =	sdelay $0x1  }
0x375: {  	v5 =	vmul.f32 v5, v4;
	_ =	sdelay $0x1  }
0x376: {  	v5 =	vsub.f32 $1.500000000e+00, v5;
	_ =	sdelay $0x1  }
0x377: {  	s15 =	simm.s32 $0x1A600;
	v4 =	vmul.f32 v5, v4  }
0x378: {  	[tilespmem:s15+$0xFFFFFFE0] =	vst v1  }
0x379: {  	[tilespmem:s15+$0xFFFFF040] =	vst v0;
	v0 =	vmul.f32 v4, v3  }
0x37a: {  	s14 =	simm.s32 $0x1C540;
	[tilespmem:s15+$0xF80] =	vst v2  }
0x37b: {  	[tilespmem:s14+$0xFFFFFFE0] =	vst v0  }
0x37c: {  	v0 =	vld [tilespmem:s8+$0xFFFFFFF0]  }
0x37d: {  	v1 =	vld [tilespmem:s16+$0xFFFFF050]  }
0x37e: {  	v2 =	vld [tilespmem:s16+$0xFFFFFFF0]  }
0x37f: {  	v3 =	vld [tilespmem:s8+$0xFFFFF050]  }
0x380: {  	v49 =	vld [tilespmem:s8+$0xF90]  }
0x381: {  	v50 =	vld [tilespmem:s16+$0xF90];
	_ =	sdelay $0x2  }
0x382: {  	v0 =	vsub.f32 v2, v0;
	v1 =	vsub.f32 v1, v3;
	_ =	sdelay $0x1  }
0x383: {  	v3 =	vsub.f32 v50, v49;
	v2 =	vmul.f32 v0, v0;
	v51 =	vmul.f32 v1, v1;
	_ =	sdelay $0x1  }
0x384: {  	v52 =	vmul.f32 v3, v3;
	v2 =	vadd.f32 v2, v51;
	_ =	sdelay $0x1  }
0x385: {  	v2 =	vadd.f32 v52, v2;
	_ =	sdelay $0x1  }
0x386: {  	v4 =	vshrl.u32 v2, $0x1;
	v53 =	vmul.f32 $5.000000000e-01, v2  }
0x387: {  	v4 =	vsub.s32 $0x5F3759DF, v4  }
0x388: {  	v54 =	vmul.f32 v4, v53;
	_ =	sdelay $0x1  }
0x389: {  	v6 =	vmul.f32 v4, v54;
	_ =	sdelay $0x1  }
0x38a: {  	v6 =	vsub.f32 $1.500000000e+00, v6;
	_ =	sdelay $0x1  }
0x38b: {  	v4 =	vmul.f32 v4, v6;
	_ =	sdelay $0x1  }
0x38c: {  	v5 =	vmul.f32 v4, v53;
	_ =	sdelay $0x1  }
0x38d: {  	v5 =	vmul.f32 v5, v4;
	_ =	sdelay $0x1  }
0x38e: {  	v5 =	vsub.f32 $1.500000000e+00, v5;
	_ =	sdelay $0x1  }
0x38f: {  	v4 =	vmul.f32 v5, v4  }
0x390: {  	[tilespmem:s15+$0xFFFFFFF0] =	vst v0  }
0x391: {  	[tilespmem:s15+$0xFFFFF050] =	vst v1;
	v0 =	vmul.f32 v4, v2  }
0x392: {  	[tilespmem:s15+$0xF90] =	vst v3  }
0x393: {  	[tilespmem:s14+$0xFFFFFFF0] =	vst v0  }
0x394: {  	v0 =	vld [tilespmem:s16+$0xFFFFF060]  }
0x395: {  	v1 =	vld [tilespmem:s8+$0xFFFFF060]  }
0x396: {  	v2 =	vld [tilespmem:s8+$0x0]  }
0x397: {  	v3 =	vld [tilespmem:s16+$0x0]  }
0x398: {  	v55 =	vld [tilespmem:s8+$0xFA0]  }
0x399: {  	v56 =	vld [tilespmem:s16+$0xFA0];
	_ =	sdelay $0x2  }
0x39a: {  	v0 =	vsub.f32 v0, v1;
	v1 =	vsub.f32 v3, v2;
	_ =	sdelay $0x1  }
0x39b: {  	v3 =	vsub.f32 v56, v55;
	v2 =	vmul.f32 v0, v0;
	v57 =	vmul.f32 v1, v1;
	_ =	sdelay $0x1  }
0x39c: {  	v58 =	vmul.f32 v3, v3;
	v2 =	vadd.f32 v57, v2;
	_ =	sdelay $0x1  }
0x39d: {  	v2 =	vadd.f32 v58, v2;
	_ =	sdelay $0x1  }
0x39e: {  	v4 =	vshrl.u32 v2, $0x1;
	v59 =	vmul.f32 $5.000000000e-01, v2  }
0x39f: {  	v4 =	vsub.s32 $0x5F3759DF, v4  }
0x3a0: {  	v60 =	vmul.f32 v4, v59;
	_ =	sdelay $0x1  }
0x3a1: {  	v6 =	vmul.f32 v4, v60;
	_ =	sdelay $0x1  }
0x3a2: {  	v6 =	vsub.f32 $1.500000000e+00, v6;
	_ =	sdelay $0x1  }
0x3a3: {  	v4 =	vmul.f32 v4, v6;
	_ =	sdelay $0x1  }
0x3a4: {  	v5 =	vmul.f32 v4, v59;
	_ =	sdelay $0x1  }
0x3a5: {  	v5 =	vmul.f32 v5, v4;
	_ =	sdelay $0x1  }
0x3a6: {  	v5 =	vsub.f32 $1.500000000e+00, v5;
	_ =	sdelay $0x1  }
0x3a7: {  	v4 =	vmul.f32 v5, v4  }
0x3a8: {  	[tilespmem:s15+$0xFFFFF060] =	vst v0  }
0x3a9: {  	[tilespmem:s15+$0x0] =	vst v1;
	v0 =	vmul.f32 v4, v2  }
0x3aa: {  	[tilespmem:s15+$0xFA0] =	vst v3  }
0x3ab: {  	[tilespmem:s14+$0x0] =	vst v0  }
0x3ac: {  	v0 =	vld [tilespmem:s16+$0xFFFFF070]  }
0x3ad: {  	v1 =	vld [tilespmem:s8+$0x10]  }
0x3ae: {  	v2 =	vld [tilespmem:s8+$0xFFFFF070]  }
0x3af: {  	v3 =	vld [tilespmem:s16+$0x10]  }
0x3b0: {  	v61 =	vld [tilespmem:s16+$0xFB0]  }
0x3b1: {  	v62 =	vld [tilespmem:s8+$0xFB0];
	_ =	sdelay $0x2  }
0x3b2: {  	v2 =	vsub.f32 v0, v2;
	v3 =	vsub.f32 v3, v1;
	_ =	sdelay $0x1  }
0x3b3: {  	v4 =	vsub.f32 v61, v62;
	v0 =	vmul.f32 v2, v2;
	v1 =	vmul.f32 v3, v3;
	_ =	sdelay $0x1  }
0x3b4: {  	v5 =	vmul.f32 v4, v4;
	v0 =	vadd.f32 v1, v0;
	_ =	sdelay $0x1  }
0x3b5: {  	v0 =	vadd.f32 v5, v0;
	_ =	sdelay $0x1  }
0x3b6: {  	v5 =	vshrl.u32 v0, $0x1;
	v1 =	vmul.f32 $5.000000000e-01, v0  }
0x3b7: {  	v5 =	vsub.s32 $0x5F3759DF, v5  }
0x3b8: {  	v63 =	vmul.f32 v5, v1;
	_ =	sdelay $0x1  }
0x3b9: {  	v6 =	vmul.f32 v5, v63;
	_ =	sdelay $0x1  }
0x3ba: {  	[tilespmem:s15+$0xFFFFF070] =	vst v2;
	v2 =	vsub.f32 $1.500000000e+00, v6  }
0x3bb: {  	[tilespmem:s15+$0x10] =	vst v3  }
0x3bc: {  	s20 =	simm.s32 $0x119A0;
	s21 =	simm.s32 $0x1C580;
	s16 =	simm.s32 $0x0;
	[tilespmem:s15+$0xFB0] =	vst v4;
	v2 =	vmul.f32 v5, v2  }
.LBB2_14:
0x3bd: {  	s16 =	sadd.s32 $0x4, s16;
	s15 =	sadd.s32 $0x40, s15;
	s8 =	sadd.s32 $0x40, s8  }
0x3be: {  	p0 =	slt.u32 s16, $0xF4;
	v1 =	vmul.f32 v2, v1;
	_ =	sdelay $0x1  }
0x3bf: {  	v1 =	vmul.f32 v1, v2;
	_ =	sdelay $0x1  }
0x3c0: {  	v1 =	vsub.f32 $1.500000000e+00, v1;
	_ =	sdelay $0x1  }
0x3c1: {  	v1 =	vmul.f32 v1, v2;
	_ =	sdelay $0x1  }
0x3c2: {  	v0 =	vmul.f32 v1, v0;
	_ =	sdelay $0x1  }
0x3c3: {  	[tilespmem:s14+$0x10] =	vst v0;
	s14 =	smov.u32 s21  }
0x3c4: {  	v0 =	vld [tilespmem:s20+$0xFFFFF040]  }
0x3c5: {  	v1 =	vld [tilespmem:s8+$0xFFFFFFE0]  }
0x3c6: {  	v2 =	vld [tilespmem:s20+$0xFFFFFFE0]  }
0x3c7: {  	v3 =	vld [tilespmem:s8+$0xFFFFF040]  }
0x3c8: {  	v4 =	vld [tilespmem:s8+$0xF80]  }
0x3c9: {  	v5 =	vld [tilespmem:s20+$0xF80];
	_ =	sdelay $0x1  }
0x3ca: {  	v1 =	vsub.f32 v2, v1  }
0x3cb: {  	v0 =	vsub.f32 v0, v3;
	_ =	sdelay $0x1  }
0x3cc: {  	v2 =	vsub.f32 v5, v4;
	v3 =	vmul.f32 v0, v0;
	v4 =	vmul.f32 v1, v1;
	_ =	sdelay $0x1  }
0x3cd: {  	v3 =	vadd.f32 v4, v3;
	v4 =	vmul.f32 v2, v2;
	_ =	sdelay $0x1  }
0x3ce: {  	v3 =	vadd.f32 v4, v3;
	_ =	sdelay $0x1  }
0x3cf: {  	v4 =	vshrl.u32 v3, $0x1;
	v5 =	vmul.f32 $5.000000000e-01, v3  }
0x3d0: {  	v4 =	vsub.s32 $0x5F3759DF, v4  }
0x3d1: {  	v6 =	vmul.f32 v4, v5;
	_ =	sdelay $0x1  }
0x3d2: {  	v6 =	vmul.f32 v4, v6;
	_ =	sdelay $0x1  }
0x3d3: {  	v6 =	vsub.f32 $1.500000000e+00, v6;
	_ =	sdelay $0x1  }
0x3d4: {  	v4 =	vmul.f32 v4, v6;
	_ =	sdelay $0x1  }
0x3d5: {  	v5 =	vmul.f32 v4, v5;
	_ =	sdelay $0x1  }
0x3d6: {  	v5 =	vmul.f32 v5, v4;
	_ =	sdelay $0x1  }
0x3d7: {  	v5 =	vsub.f32 $1.500000000e+00, v5;
	_ =	sdelay $0x1  }
0x3d8: {  	v4 =	vmul.f32 v5, v4  }
0x3d9: {  	[tilespmem:s15+$0xFFFFFFE0] =	vst v1  }
0x3da: {  	[tilespmem:s15+$0xFFFFF040] =	vst v0;
	v0 =	vmul.f32 v4, v3  }
0x3db: {  	[tilespmem:s15+$0xF80] =	vst v2  }
0x3dc: {  	[tilespmem:s21+$0xFFFFFFE0] =	vst v0  }
0x3dd: {  	v0 =	vld [tilespmem:s8+$0xFFFFFFF0]  }
0x3de: {  	v1 =	vld [tilespmem:s20+$0xFFFFF050]  }
0x3df: {  	v2 =	vld [tilespmem:s20+$0xFFFFFFF0]  }
0x3e0: {  	v3 =	vld [tilespmem:s8+$0xFFFFF050]  }
0x3e1: {  	v4 =	vld [tilespmem:s8+$0xF90]  }
0x3e2: {  	v5 =	vld [tilespmem:s20+$0xF90];
	_ =	sdelay $0x1  }
0x3e3: {  	v0 =	vsub.f32 v2, v0  }
0x3e4: {  	v1 =	vsub.f32 v1, v3  }
0x3e5: {  	v2 =	vmul.f32 v0, v0  }
0x3e6: {  	v3 =	vsub.f32 v5, v4;
	v4 =	vmul.f32 v1, v1;
	_ =	sdelay $0x1  }
0x3e7: {  	v2 =	vadd.f32 v2, v4;
	v4 =	vmul.f32 v3, v3;
	_ =	sdelay $0x1  }
0x3e8: {  	v2 =	vadd.f32 v4, v2;
	_ =	sdelay $0x1  }
0x3e9: {  	v4 =	vshrl.u32 v2, $0x1;
	v5 =	vmul.f32 $5.000000000e-01, v2  }
0x3ea: {  	v4 =	vsub.s32 $0x5F3759DF, v4  }
0x3eb: {  	v6 =	vmul.f32 v4, v5;
	_ =	sdelay $0x1  }
0x3ec: {  	v6 =	vmul.f32 v4, v6;
	_ =	sdelay $0x1  }
0x3ed: {  	v6 =	vsub.f32 $1.500000000e+00, v6;
	_ =	sdelay $0x1  }
0x3ee: {  	v4 =	vmul.f32 v4, v6;
	_ =	sdelay $0x1  }
0x3ef: {  	v5 =	vmul.f32 v4, v5;
	_ =	sdelay $0x1  }
0x3f0: {  	v5 =	vmul.f32 v5, v4;
	_ =	sdelay $0x1  }
0x3f1: {  	v5 =	vsub.f32 $1.500000000e+00, v5;
	_ =	sdelay $0x1  }
0x3f2: {  	v4 =	vmul.f32 v5, v4  }
0x3f3: {  	[tilespmem:s15+$0xFFFFFFF0] =	vst v0  }
0x3f4: {  	[tilespmem:s15+$0xFFFFF050] =	vst v1;
	v0 =	vmul.f32 v4, v2  }
0x3f5: {  	[tilespmem:s15+$0xF90] =	vst v3  }
0x3f6: {  	[tilespmem:s21+$0xFFFFFFF0] =	vst v0  }
0x3f7: {  	v0 =	vld [tilespmem:s20+$0xFFFFF060]  }
0x3f8: {  	v1 =	vld [tilespmem:s8+$0xFFFFF060]  }
0x3f9: {  	v2 =	vld [tilespmem:s8+$0x0]  }
0x3fa: {  	v3 =	vld [tilespmem:s20+$0x0]  }
0x3fb: {  	v4 =	vld [tilespmem:s8+$0xFA0]  }
0x3fc: {  	v5 =	vld [tilespmem:s20+$0xFA0]  }
0x3fd: {  	v0 =	vsub.f32 v0, v1;
	_ =	sdelay $0x1  }
0x3fe: {  	v1 =	vsub.f32 v3, v2;
	[tilespmem:s15+$0xFFFFF060] =	vst v0;
	v0 =	vmul.f32 v0, v0;
	_ =	sdelay $0x1  }
0x3ff: {  	v2 =	vsub.f32 v5, v4;
	[tilespmem:s15+$0x0] =	vst v1;
	v1 =	vmul.f32 v1, v1;
	_ =	sdelay $0x1  }
0x400: {  	[tilespmem:s15+$0xFA0] =	vst v2;
	v0 =	vadd.f32 v1, v0;
	v1 =	vmul.f32 v2, v2;
	_ =	sdelay $0x1  }
0x401: {  	v0 =	vadd.f32 v1, v0;
	_ =	sdelay $0x1  }
0x402: {  	v1 =	vshrl.u32 v0, $0x1;
	v2 =	vmul.f32 $5.000000000e-01, v0  }
0x403: {  	v1 =	vsub.s32 $0x5F3759DF, v1  }
0x404: {  	v3 =	vmul.f32 v1, v2;
	_ =	sdelay $0x1  }
0x405: {  	v3 =	vmul.f32 v1, v3;
	_ =	sdelay $0x1  }
0x406: {  	v3 =	vsub.f32 $1.500000000e+00, v3;
	_ =	sdelay $0x1  }
0x407: {  	v1 =	vmul.f32 v1, v3;
	_ =	sdelay $0x1  }
0x408: {  	v2 =	vmul.f32 v1, v2;
	_ =	sdelay $0x1  }
0x409: {  	v2 =	vmul.f32 v2, v1;
	_ =	sdelay $0x1  }
0x40a: {  	v2 =	vsub.f32 $1.500000000e+00, v2;
	_ =	sdelay $0x1  }
0x40b: {  	v1 =	vmul.f32 v2, v1;
	_ =	sdelay $0x1  }
0x40c: {  	v0 =	vmul.f32 v1, v0;
	_ =	sdelay $0x1  }
0x40d: {  	[tilespmem:s21+$0x0] =	vst v0  }
0x40e: {  	v0 =	vld [tilespmem:s20+$0xFB0]  }
0x40f: {  	v1 =	vld [tilespmem:s20+$0xFFFFF070]  }
0x410: {  	v2 =	vld [tilespmem:s8+$0xFB0]  }
0x411: {  	v3 =	vld [tilespmem:s8+$0x10]  }
0x412: {  	v4 =	vld [tilespmem:s8+$0xFFFFF070]  }
0x413: {  	v5 =	vld [tilespmem:s20+$0x10];
	_ =	sdelay $0x3  }
0x414: {  	v0 =	vsub.f32 v0, v2;
	v1 =	vsub.f32 v1, v4  }
0x415: {  	v2 =	vsub.f32 v5, v3  }
0x416: {  	v3 =	vmul.f32 v0, v0;
	[tilespmem:s15+$0xFFFFF070] =	vst v1;
	v1 =	vmul.f32 v1, v1  }
0x417: {  	[tilespmem:s15+$0x10] =	vst v2;
	v2 =	vmul.f32 v2, v2  }
0x418: {  	[tilespmem:s15+$0xFB0] =	vst v0  }
0x419: {  	v0 =	vadd.f32 v2, v1;
	_ =	sdelay $0x1  }
0x41a: {  	v0 =	vadd.f32 v3, v0;
	_ =	sdelay $0x1  }
0x41b: {  	v2 =	vshrl.u32 v0, $0x1;
	v1 =	vmul.f32 $5.000000000e-01, v0  }
0x41c: {  	v2 =	vsub.s32 $0x5F3759DF, v2  }
0x41d: {  	v3 =	vmul.f32 v2, v1;
	_ =	sdelay $0x1  }
.Ltmp6:
0x41e: {  	v3 =	vmul.f32 v2, v3;
	(pc) =	sbr.rel @p0 .LBB2_14-.Ltmp6, $3  }
0x41f: {  	_ = 	snop  }
0x420: {  	v3 =	vsub.f32 $1.500000000e+00, v3;
	_ =	sdelay $0x1  }
0x421: {  	s21 =	sadd.s32 $0x40, s21;
	s20 =	sadd.s32 $0x40, s20;
	v2 =	vmul.f32 v2, v3  }
0x422: {  	_ = 	snop  }
0x423: {  	v1 =	vmul.f32 v2, v1;
	_ =	sdelay $0x1  }
0x424: {  	v1 =	vmul.f32 v1, v2;
	_ =	sdelay $0x1  }
0x425: {  	v1 =	vsub.f32 $1.500000000e+00, v1;
	_ =	sdelay $0x1  }
0x426: {  	v1 =	vmul.f32 v1, v2;
	_ =	sdelay $0x1  }
0x427: {  	v0 =	vmul.f32 v1, v0;
	_ =	sdelay $0x1  }
0x428: {  	[tilespmem:s14+$0x10] =	vst v0  }
0x429: {  	v0 =	vld [tilespmem:$0x11920]  }
0x42a: {  	v48 =	vld [tilespmem:$0xEA40]  }
0x42b: {  	v49 =	vld [tilespmem:$0x128C0]  }
0x42c: {  	v3 =	vld [tilespmem:$0xF9E0]  }
0x42d: {  	v4 =	vld [tilespmem:$0x13860]  }
0x42e: {  	v5 =	vld [tilespmem:$0x10980]  }
0x42f: {  	v6 =	vld [tilespmem:$0x11930]  }
0x430: {  	v7 =	vld [tilespmem:$0xEA50]  }
0x431: {  	v8 =	vld [tilespmem:$0x128D0]  }
0x432: {  	v51 =	vld [tilespmem:$0xF9F0]  }
0x433: {  	v52 =	vld [tilespmem:$0x13870]  }
0x434: {  	v10 =	vld [tilespmem:$0x10990];
	v0 =	vsub.f32 v0, v48;
	v50 =	vsub.f32 v49, v3;
	_ =	sdelay $0x1  }
0x435: {  	v4 =	vsub.f32 v4, v5;
	v53 =	vmul.f32 v0, v0;
	v9 =	vmul.f32 v50, v50  }
0x436: {  	v6 =	vsub.f32 v6, v7;
	v2 =	vsub.f32 v8, v51  }
0x437: {  	v54 =	vmul.f32 v4, v4;
	v5 =	vadd.f32 v9, v53  }
0x438: {  	v3 =	vsub.f32 v52, v10;
	v7 =	vmul.f32 v6, v6;
	v8 =	vmul.f32 v2, v2  }
0x439: {  	v5 =	vadd.f32 v54, v5  }
0x43a: {  	v56 =	vmul.f32 v3, v3;
	v7 =	vadd.f32 v8, v7  }
0x43b: {  	v9 =	vshrl.u32 v5, $0x1;
	v55 =	vmul.f32 $5.000000000e-01, v5  }
0x43c: {  	v7 =	vadd.f32 v56, v7;
	v9 =	vsub.s32 $0x5F3759DF, v9  }
0x43d: {  	v11 =	vmul.f32 v9, v55  }
0x43e: {  	v58 =	vshrl.u32 v7, $0x1;
	v12 =	vmul.f32 $5.000000000e-01, v7  }
0x43f: {  	v57 =	vmul.f32 v9, v11;
	v11 =	vsub.s32 $0x5F3759DF, v58  }
0x440: {  	v13 =	vmul.f32 v11, v12;
	_ =	sdelay $0x1  }
0x441: {  	v8 =	vsub.f32 $1.500000000e+00, v57;
	v59 =	vmul.f32 v11, v13;
	_ =	sdelay $0x1  }
0x442: {  	v8 =	vmul.f32 v9, v8;
	v9 =	vsub.f32 $1.500000000e+00, v59;
	_ =	sdelay $0x1  }
0x443: {  	v9 =	vmul.f32 v11, v9  }
0x444: {  	v10 =	vmul.f32 v8, v55  }
0x445: {  	v11 =	vmul.f32 v9, v12  }
0x446: {  	v10 =	vmul.f32 v10, v8  }
0x447: {  	v60 =	vmul.f32 v11, v9  }
0x448: {  	[tilespmem:$0x1A5C0] =	vst v0;
	v10 =	vsub.f32 $1.500000000e+00, v10  }
0x449: {  	[tilespmem:$0x1B560] =	vst v50;
	v62 =	vsub.f32 $1.500000000e+00, v60  }
0x44a: {  	[tilespmem:$0x1C500] =	vst v4;
	v8 =	vmul.f32 v10, v8  }
0x44b: {  	[tilespmem:$0x1A5D0] =	vst v6;
	v63 =	vmul.f32 v62, v9  }
0x44c: {  	[tilespmem:$0x1B570] =	vst v2;
	v61 =	vmul.f32 v8, v5  }
0x44d: {  	[tilespmem:$0x1C510] =	vst v3;
	v0 =	vmul.f32 v63, v7  }
0x44e: {  	[tilespmem:$0x1D4A0] =	vst v61  }
0x44f: {  	s8 =	rddreg [dreg:$0x6];
	[tilespmem:$0x1D4B0] =	vst v0  }
0x450: {  	[hbm4b:s8+s4] =	stream.linear.scatter [tilespmem:s31], [sflag:$0x5], $0xFA0, $0x38;
	[tilespmem:$0x1D4C0] =	vst v63  }
0x451: {  	_ =	swait.ge [sflag:s17], $0xFA0  }
0x452: {  	[sflag:s17] =	ssyncset.done $0x0  }
0x453: {  	s21 =	rddreg [dreg:$0x7];
	[sflag:s17] =	ssyncadd.s32 $0xFFFFF060  }
0x454: {  	[hbm4b:s21+s4] =	stream.linear.scatter [tilespmem:s1], [sflag:$0x5], $0xFA0, $0x38;
	[tilespmem:$0x1D4C0] =	vst v63  }
0x455: {  	_ =	swait.ge [sflag:s17], $0xFA0  }
0x456: {  	[sflag:s17] =	ssyncset.done $0x0  }
0x457: {  	s24 =	rddreg [dreg:$0x8];
	[sflag:s17] =	ssyncadd.s32 $0xFFFFF060  }
0x458: {  	[hbm4b:s24+s4] =	stream.linear.scatter [tilespmem:s0], [sflag:$0x5], $0xFA0, $0x38;
	[tilespmem:$0x1D4C0] =	vst v63  }
0x459: {  	_ =	swait.ge [sflag:s17], $0xFA0  }
0x45a: {  	[sflag:s17] =	ssyncset.done $0x0  }
0x45b: {  	s25 =	rddreg [dreg:$0x9];
	[sflag:s17] =	ssyncadd.s32 $0xFFFFF060  }
0x45c: {  	[hbm4b:s25+s4] =	stream.linear.scatter [tilespmem:s9], [sflag:$0x5], $0xFA0, $0x38;
	[tilespmem:$0x1D4C0] =	vst v63  }
0x45d: {  	_ =	swait.ge [sflag:s17], $0xFA0  }
0x45e: {  	s26 =	rddreg [dreg:$0xb]  }
0x45f: {  	s28 =	rddreg [dreg:$0xa];
	s14 =	sadd.s32 $0x1, s26  }
0x460: {  	p0 =	sne.s32 s14, s28  }
.Ltmp7:
0x461: {  	_ = 	snop;
	(pc) =	sbr.rel @p0 .LBB2_1-.Ltmp7, $3  }
0x462: {  	_ =	sdelay $0x1  }
0x463: {  	[sflag:s17] =	ssyncset.done $0x0  }
0x464: {  	[sflag:s17] =	ssyncadd.s32 $0xFFFFF060  }
0x465: {  	_ =	sfence.sel $0x180000  }
0x466: {  	[bflag:$0x0] =	sbarrier.arrive $0xFFFF  }
0x467: {  	_ =	strace $0x90000047  }
0x468: {  	s0 =	stileid.u32;
	[bflag:$0x2] =	sbarrier.arrive $0xFFFF  }
0x469: {  	p0 =	sne.s32 s0, $0x0;
	s0 =	rddreg [dreg:$0x3]  }
0x46a: {  	s0 =	sadd.s32 @!p0 $0x100000, s0  }
0x46b: {  	[sflag:s0] =	ssyncadd.tile.s32 @!p0 $0x1;
	_ =	shalt  }
.Lfunc_end2:
_tile_overlayer_lowered:
.L_overlay_start_2:
0x46c: {  	(tag) =	ssettag $0x2  }
0x46d: {  	s0 =	rddreg [dreg:$0x0];
	s2 =	stileid.u32  }
0x46e: {  	s1 =	rddreg [dreg:$0x1];
	p0 =	sne.s32 s2, $0x0  }
0x46f: {  	s3 =	rddreg [dreg:$0x2];
	[bflag:$0x3] =	sbarrier.arrive $0xFFFF;
	s2 =	simm.s32 @!p0 $0x1C05  }
0x470: {  	[timem:s3], [sflag:s2] =	dma.local @!p0 [hbm:s0], s1  }
0x471: {  	s0 =	simm.s32 @!p0 $0x5  }
0x472: {  	_ =	swait.ge @!p0 [sflag:s0], s1  }
0x473: {  	s1 =	ssub.s32 @!p0 $0x0, s1;
	[sflag:s0] =	ssyncset.done @!p0 $0x0  }
0x474: {  	[sflag:s0] =	ssyncadd.s32 @!p0 s1  }
0x475: {  	[bflag:$0x3] =	sbarrier.arrive $0xFFFF  }
0x476: {  	_ =	shalt  }

</sc_bundles>
